<compile_context>
chip_gen: v7x
topology: tpu7x:2x2x1
jax: 0.10.2.dev20260603
libtpu: 0.0.44.dev20260713+nightly
codegen_flags: <defaults>
</compile_context>

<pallas_src>
import jax
import jax.numpy as jnp
from jax import lax
from jax.experimental import pallas as pl
from jax.experimental.pallas import tpu as pltpu
from jax.experimental.pallas import tpu_sc as plsc

B = 16384
D_NUM = 13
N_CAT = 26
D_TOKEN = 32
N_TOK = D_NUM + N_CAT
TOTAL_CAT = 2600000

NC = 2
NS = 16
NW = NC * NS
ROWS_W = B // NW
CB = 16
NCHUNK = ROWS_W // CB
NPAIR = NCHUNK // 2
IDX_CHUNK = CB * N_CAT
NVEC_IDX = IDX_CHUNK // 16
OFFS_TILE = 208
OUT_CHUNK = CB * N_TOK * D_TOKEN


def _body(table, xcat, xnum, weight, bias, offs, out,
          xcat0, xcat1, idx0, idx1, rows0, rows1, xnum0, xnum1,
          out0, out1, w_v, b_v, offs_v, gsem0, gsem1, osem0, osem1):
  cid = lax.axis_index("c")
  sid = lax.axis_index("s")
  wid = sid * NC + cid

  bufs = ((xcat0, idx0, rows0, xnum0, out0, gsem0, osem0),
          (xcat1, idx1, rows1, xnum1, out1, gsem1, osem1))

  pltpu.sync_copy(weight, w_v)
  pltpu.sync_copy(bias, b_v)
  pltpu.sync_copy(offs, offs_v)

  def stage_and_fire(i, buf):
    xcat_v, idx_v, rows_v, xnum_v, _, gsem, _ = buf
    base = pl.multiple_of(wid * ROWS_W + i * CB, CB)
    pltpu.sync_copy(xcat.at[pl.ds(base * N_CAT, IDX_CHUNK)], xcat_v)
    pltpu.sync_copy(xnum.at[pl.ds(base * 16, CB * 16)], xnum_v)
    for v in range(NVEC_IDX):
      vec = (xcat_v[pl.ds(v * 16, 16)]
             + offs_v[pl.ds((v % (OFFS_TILE // 16)) * 16, 16)])
      idx_v[pl.ds(v * 16, 16)] = vec
    pltpu.async_copy(table.at[idx_v], rows_v, gsem)

  def process(i, buf, not_first_use):
    _, _, rows_v, xnum_v, out_v, gsem, osem = buf
    base = pl.multiple_of(wid * ROWS_W + i * CB, CB)
    pltpu.make_async_copy(
        table.at[pl.ds(0, IDX_CHUNK)], rows_v, gsem).wait()

    @pl.when(not_first_use)
    def _():
      pltpu.make_async_copy(
          out_v, out.at[pl.ds(0, OUT_CHUNK)], osem).wait()

    def row_body(r, carry):
      for c in range(N_CAT):
        for h in range(2):
          out_v[pl.ds((r * N_TOK + D_NUM + c) * D_TOKEN + h * 16, 16)] = (
              rows_v[r * N_CAT + c, pl.ds(h * 16, 16)]
              + b_v[D_NUM + c, pl.ds(h * 16, 16)])
      row_vec = xnum_v[pl.ds(r * 16, 16)]
      for j in range(D_NUM):
        xs = jnp.broadcast_to(row_vec[j], (16,))
        for h in range(2):
          out_v[pl.ds((r * N_TOK + j) * D_TOKEN + h * 16, 16)] = (
              w_v[j, pl.ds(h * 16, 16)] * xs + b_v[j, pl.ds(h * 16, 16)])
      return carry

    lax.fori_loop(0, CB, row_body, 0)
    pltpu.async_copy(out_v, out.at[pl.ds(base * N_TOK * D_TOKEN, OUT_CHUNK)],
                     osem)

  stage_and_fire(0, bufs[0])

  def pair_body(i2, carry):
    i = i2 * 2
    stage_and_fire(i + 1, bufs[1])
    process(i, bufs[0], i2 >= 1)

    @pl.when(i2 < NPAIR - 1)
    def _():
      stage_and_fire(i + 2, bufs[0])
    process(i + 1, bufs[1], i2 >= 1)
    return carry

  lax.fori_loop(0, NPAIR, pair_body, 0)

  pltpu.make_async_copy(out0, out.at[pl.ds(0, OUT_CHUNK)], osem0).wait()
  pltpu.make_async_copy(out1, out.at[pl.ds(0, OUT_CHUNK)], osem1).wait()


@jax.jit
def _tokenizer(table, xcat_flat, xnum_flat, weight, bias, offs_tiled):
  mesh = plsc.VectorSubcoreMesh(core_axis_name="c", subcore_axis_name="s")
  out = pl.kernel(
      _body,
      out_type=jax.ShapeDtypeStruct((B * N_TOK * D_TOKEN,), jnp.float32),
      mesh=mesh,
      scratch_types=[
          pltpu.VMEM((IDX_CHUNK,), jnp.int32),
          pltpu.VMEM((IDX_CHUNK,), jnp.int32),
          pltpu.VMEM((IDX_CHUNK,), jnp.int32),
          pltpu.VMEM((IDX_CHUNK,), jnp.int32),
          pltpu.VMEM((IDX_CHUNK, D_TOKEN), jnp.float32),
          pltpu.VMEM((IDX_CHUNK, D_TOKEN), jnp.float32),
          pltpu.VMEM((CB * 16,), jnp.float32),
          pltpu.VMEM((CB * 16,), jnp.float32),
          pltpu.VMEM((OUT_CHUNK,), jnp.float32),
          pltpu.VMEM((OUT_CHUNK,), jnp.float32),
          pltpu.VMEM((D_NUM, D_TOKEN), jnp.float32),
          pltpu.VMEM((N_TOK, D_TOKEN), jnp.float32),
          pltpu.VMEM((OFFS_TILE,), jnp.int32),
          pltpu.SemaphoreType.DMA,
          pltpu.SemaphoreType.DMA,
          pltpu.SemaphoreType.DMA,
          pltpu.SemaphoreType.DMA,
      ],
      compiler_params=pltpu.CompilerParams(use_tc_tiling_on_sc=False),
  )(table, xcat_flat, xnum_flat, weight, bias, offs_tiled)
  return out.reshape(B, N_TOK, D_TOKEN)


def kernel(x_num, x_cat, weight, bias, category_embeddings, category_offsets):
  xcat_flat = x_cat.reshape(-1)
  xnum_flat = jnp.pad(x_num, ((0, 0), (0, 16 - D_NUM))).reshape(-1)
  offs_tiled = jnp.tile(category_offsets, OFFS_TILE // N_CAT)
  return _tokenizer(category_embeddings, xcat_flat, xnum_flat,
                    weight, bias, offs_tiled)

# --- scband reference (transcript-rebuilt; emitter-appended) ---
"""Pipeline reference for scband-tokenizer-26749056319942 (READ-ONLY COPY).

The authoritative reference and input builder live on the scoring server;
editing this copy changes nothing except your own understanding.
"""

import jax, jax.numpy as jnp
import numpy as np

B = 16384
D_NUM = 13
CATS = [100000] * 26
D_TOKEN = 32
D_BIAS = D_NUM + len(CATS)
TOTAL_CAT = sum(CATS)


def setup_inputs(seed: int = 0) -> dict:
    key = jax.random.key(seed)
    k0, k1, k2, k3, k4 = jax.random.split(key, 5)
    x_num = jax.random.normal(k0, (B, D_NUM), dtype=jnp.float32)
    x_cat = jax.random.randint(k1, (B, len(CATS)), 0, min(CATS), dtype=jnp.int32)
    category_offsets = jnp.asarray(
        np.concatenate([[0], np.cumsum(CATS[:-1])]), dtype=jnp.int32
    )
    bound = 1.0 / np.sqrt(D_TOKEN)
    category_embeddings = jax.random.uniform(
        k2, (TOTAL_CAT, D_TOKEN), minval=-bound, maxval=bound, dtype=jnp.float32
    )
    weight = jax.random.uniform(
        k3, (D_NUM, D_TOKEN), minval=-bound, maxval=bound, dtype=jnp.float32
    )
    bias = jax.random.uniform(
        k4, (D_BIAS, D_TOKEN), minval=-bound, maxval=bound, dtype=jnp.float32
    )
    return {
        "x_num": x_num,
        "x_cat": x_cat,
        "weight": weight,
        "bias": bias,
        "category_embeddings": category_embeddings,
        "category_offsets": category_offsets,
    }


def reference(x_num, x_cat, weight, bias, category_embeddings, category_offsets):
    # numerical tokens: [B, D_NUM, D_TOKEN]
    x = weight[None, :, :] * x_num[:, :, None]
    # categorical tokens via offset embedding lookup: [B, n_cat, D_TOKEN]
    idx = x_cat + category_offsets[None, :]
    emb = jnp.take(category_embeddings, idx, axis=0)
    x = jnp.concatenate([x, emb], axis=1)
    x = x + bias[None, :, :]
    return x

if __name__ == "__main__":
    import jax
    _d = setup_inputs()
    print(jax.jit(kernel)(*tuple(_d.values())))

</pallas_src>

<mosaic_0001>
#map = affine_map<(d0, d1) -> (0, 0)>
#map1 = affine_map<(d0, d1) -> (0)>
module attributes {stable_mosaic.version = 14 : i64} {
  func.func @_body(%arg0: i32, %arg1: i32, %arg2: memref<2600000x32xf32, #tpu.memory_space<hbm>>, %arg3: memref<425984xi32, #tpu.memory_space<hbm>>, %arg4: memref<262144xf32, #tpu.memory_space<hbm>>, %arg5: memref<13x32xf32, #tpu.memory_space<hbm>>, %arg6: memref<39x32xf32, #tpu.memory_space<hbm>>, %arg7: memref<208xi32, #tpu.memory_space<hbm>>, %arg8: memref<20447232xf32, #tpu.memory_space<hbm>>, %arg9: memref<416xi32, #tpu.memory_space<vmem>>, %arg10: memref<416xi32, #tpu.memory_space<vmem>>, %arg11: memref<416xi32, #tpu.memory_space<vmem>>, %arg12: memref<416xi32, #tpu.memory_space<vmem>>, %arg13: memref<416x32xf32, #tpu.memory_space<vmem>>, %arg14: memref<416x32xf32, #tpu.memory_space<vmem>>, %arg15: memref<256xf32, #tpu.memory_space<vmem>>, %arg16: memref<256xf32, #tpu.memory_space<vmem>>, %arg17: memref<19968xf32, #tpu.memory_space<vmem>>, %arg18: memref<19968xf32, #tpu.memory_space<vmem>>, %arg19: memref<13x32xf32, #tpu.memory_space<vmem>>, %arg20: memref<39x32xf32, #tpu.memory_space<vmem>>, %arg21: memref<208xi32, #tpu.memory_space<vmem>>, %arg22: memref<!tpu.dma_semaphore, #tpu.memory_space<semaphore_mem>>, %arg23: memref<!tpu.dma_semaphore, #tpu.memory_space<semaphore_mem>>, %arg24: memref<!tpu.dma_semaphore, #tpu.memory_space<semaphore_mem>>, %arg25: memref<!tpu.dma_semaphore, #tpu.memory_space<semaphore_mem>>) attributes {dimension_semantics = [#tpu.dimension_semantics<core_parallel>, #tpu.dimension_semantics<subcore_parallel>], iteration_bounds = array<i64: 2, 16>, scalar_prefetch = 0 : i64, scratch_operands = 17 : i64, tpu.core_type = #tpu.core_type<sc_vector_subcore>, window_params = [{transform_indices = #map}, {transform_indices = #map1}, {transform_indices = #map1}, {transform_indices = #map}, {transform_indices = #map}, {transform_indices = #map1}, {transform_indices = #map1}]} {
    %mul3A = arith.constant 2 : i32
    %mul3A_0 = arith.muli %arg1, %mul3A : i32
    %add3A = arith.addi %mul3A_0, %arg0 : i32
    "tpu.region"() ({
      %run_scoped3A = tpu.sem_alloc : memref<!tpu.dma_semaphore, #tpu.memory_space<semaphore_mem>>
      tpu.enqueue_dma source(%arg5 : memref<13x32xf32, #tpu.memory_space<hbm>>) target(%arg19 : memref<13x32xf32, #tpu.memory_space<vmem>>) target_semaphore(%run_scoped3A : memref<!tpu.dma_semaphore, #tpu.memory_space<semaphore_mem>>)
      tpu.wait_dma2 semaphore(%run_scoped3A : memref<!tpu.dma_semaphore, #tpu.memory_space<semaphore_mem>>) src(%arg5 : memref<13x32xf32, #tpu.memory_space<hbm>>) dst(%arg19 : memref<13x32xf32, #tpu.memory_space<vmem>>)
      tpu.yield
    }) : () -> ()
    "tpu.region"() ({
      %run_scoped3A = tpu.sem_alloc : memref<!tpu.dma_semaphore, #tpu.memory_space<semaphore_mem>>
      tpu.enqueue_dma source(%arg6 : memref<39x32xf32, #tpu.memory_space<hbm>>) target(%arg20 : memref<39x32xf32, #tpu.memory_space<vmem>>) target_semaphore(%run_scoped3A : memref<!tpu.dma_semaphore, #tpu.memory_space<semaphore_mem>>)
      tpu.wait_dma2 semaphore(%run_scoped3A : memref<!tpu.dma_semaphore, #tpu.memory_space<semaphore_mem>>) src(%arg6 : memref<39x32xf32, #tpu.memory_space<hbm>>) dst(%arg20 : memref<39x32xf32, #tpu.memory_space<vmem>>)
      tpu.yield
    }) : () -> ()
    "tpu.region"() ({
      %run_scoped3A = tpu.sem_alloc : memref<!tpu.dma_semaphore, #tpu.memory_space<semaphore_mem>>
      tpu.enqueue_dma source(%arg7 : memref<208xi32, #tpu.memory_space<hbm>>) target(%arg21 : memref<208xi32, #tpu.memory_space<vmem>>) target_semaphore(%run_scoped3A : memref<!tpu.dma_semaphore, #tpu.memory_space<semaphore_mem>>)
      tpu.wait_dma2 semaphore(%run_scoped3A : memref<!tpu.dma_semaphore, #tpu.memory_space<semaphore_mem>>) src(%arg7 : memref<208xi32, #tpu.memory_space<hbm>>) dst(%arg21 : memref<208xi32, #tpu.memory_space<vmem>>)
      tpu.yield
    }) : () -> ()
    %mul3A_1 = arith.constant 512 : i32
    %mul3A_2 = arith.muli %add3A, %mul3A_1 : i32
    %add3A_3 = arith.constant 0 : i32
    %add3A_4 = arith.addi %mul3A_2, %add3A_3 : i32
    %multiple_of3A = tpu.assume_multiple %add3A_4, 16 : i32
    %mul3A_5 = arith.constant 26 : i32
    %mul3A_6 = arith.muli %multiple_of3A, %mul3A_5 : i32
    "tpu.region"() ({
      %run_scoped3A = tpu.sem_alloc : memref<!tpu.dma_semaphore, #tpu.memory_space<semaphore_mem>>
      %dma_start3A_307 = tpu.memref_slice %arg3[%mul3A_6] : memref<425984xi32, #tpu.memory_space<hbm>> -> memref<416xi32, #tpu.memory_space<hbm>>
      %dma_start3A_308 = tpu.memref_slice %arg3[%mul3A_6] : memref<425984xi32, #tpu.memory_space<hbm>> -> memref<416xi32, #tpu.memory_space<hbm>>
      tpu.enqueue_dma source(%dma_start3A_308 : memref<416xi32, #tpu.memory_space<hbm>>) target(%arg9 : memref<416xi32, #tpu.memory_space<vmem>>) target_semaphore(%run_scoped3A : memref<!tpu.dma_semaphore, #tpu.memory_space<semaphore_mem>>)
      %dma_wait3A_309 = tpu.memref_slice %arg3[%mul3A_6] : memref<425984xi32, #tpu.memory_space<hbm>> -> memref<416xi32, #tpu.memory_space<hbm>>
      %dma_wait3A_310 = tpu.memref_slice %arg3[%mul3A_6] : memref<425984xi32, #tpu.memory_space<hbm>> -> memref<416xi32, #tpu.memory_space<hbm>>
      tpu.wait_dma2 semaphore(%run_scoped3A : memref<!tpu.dma_semaphore, #tpu.memory_space<semaphore_mem>>) src(%dma_wait3A_310 : memref<416xi32, #tpu.memory_space<hbm>>) dst(%arg9 : memref<416xi32, #tpu.memory_space<vmem>>)
      tpu.yield
    }) : () -> ()
    %mul3A_7 = arith.constant 16 : i32
    %mul3A_8 = arith.muli %multiple_of3A, %mul3A_7 : i32
    "tpu.region"() ({
      %run_scoped3A = tpu.sem_alloc : memref<!tpu.dma_semaphore, #tpu.memory_space<semaphore_mem>>
      %dma_start3A_307 = tpu.memref_slice %arg4[%mul3A_8] : memref<262144xf32, #tpu.memory_space<hbm>> -> memref<256xf32, #tpu.memory_space<hbm>>
      %dma_start3A_308 = tpu.memref_slice %arg4[%mul3A_8] : memref<262144xf32, #tpu.memory_space<hbm>> -> memref<256xf32, #tpu.memory_space<hbm>>
      tpu.enqueue_dma source(%dma_start3A_308 : memref<256xf32, #tpu.memory_space<hbm>>) target(%arg15 : memref<256xf32, #tpu.memory_space<vmem>>) target_semaphore(%run_scoped3A : memref<!tpu.dma_semaphore, #tpu.memory_space<semaphore_mem>>)
      %dma_wait3A_309 = tpu.memref_slice %arg4[%mul3A_8] : memref<262144xf32, #tpu.memory_space<hbm>> -> memref<256xf32, #tpu.memory_space<hbm>>
      %dma_wait3A_310 = tpu.memref_slice %arg4[%mul3A_8] : memref<262144xf32, #tpu.memory_space<hbm>> -> memref<256xf32, #tpu.memory_space<hbm>>
      tpu.wait_dma2 semaphore(%run_scoped3A : memref<!tpu.dma_semaphore, #tpu.memory_space<semaphore_mem>>) src(%dma_wait3A_310 : memref<256xf32, #tpu.memory_space<hbm>>) dst(%arg15 : memref<256xf32, #tpu.memory_space<vmem>>)
      tpu.yield
    }) : () -> ()
    %get3A = arith.constant 0 : index
    %get3A_9 = tpu.vector_load %arg9[%get3A] {strides = array<i32>} : memref<416xi32, #tpu.memory_space<vmem>>, vector<16xi32>,
    %get3A_10 = vector.shape_cast %get3A_9 : vector<16xi32> to vector<16xi32>
    %get3A_11 = arith.constant 0 : index
    %get3A_12 = tpu.vector_load %arg21[%get3A_11] {strides = array<i32>} : memref<208xi32, #tpu.memory_space<vmem>>, vector<16xi32>,
    %get3A_13 = vector.shape_cast %get3A_12 : vector<16xi32> to vector<16xi32>
    %add3A_14 = arith.addi %get3A_10, %get3A_13 : vector<16xi32>
    %swap3A = arith.constant 0 : index
    %swap3A_15 = tpu.vector_load %arg11[%swap3A] {strides = array<i32>} : memref<416xi32, #tpu.memory_space<vmem>>, vector<16xi32>,
    %swap3A_16 = vector.shape_cast %swap3A_15 : vector<16xi32> to vector<16xi32>
    %swap3A_17 = vector.shape_cast %add3A_14 : vector<16xi32> to vector<16xi32>
    tpu.vector_store %arg11[%swap3A], %swap3A_17 {strides = array<i32>} : memref<416xi32, #tpu.memory_space<vmem>>, vector<16xi32>,
    %get3A_18 = arith.constant 16 : index
    %get3A_19 = tpu.vector_load %arg9[%get3A_18] {strides = array<i32>} : memref<416xi32, #tpu.memory_space<vmem>>, vector<16xi32>,
    %get3A_20 = vector.shape_cast %get3A_19 : vector<16xi32> to vector<16xi32>
    %get3A_21 = arith.constant 16 : index
    %get3A_22 = tpu.vector_load %arg21[%get3A_21] {strides = array<i32>} : memref<208xi32, #tpu.memory_space<vmem>>, vector<16xi32>,
    %get3A_23 = vector.shape_cast %get3A_22 : vector<16xi32> to vector<16xi32>
    %add3A_24 = arith.addi %get3A_20, %get3A_23 : vector<16xi32>
    %swap3A_25 = arith.constant 16 : index
    %swap3A_26 = tpu.vector_load %arg11[%swap3A_25] {strides = array<i32>} : memref<416xi32, #tpu.memory_space<vmem>>, vector<16xi32>,
    %swap3A_27 = vector.shape_cast %swap3A_26 : vector<16xi32> to vector<16xi32>
    %swap3A_28 = vector.shape_cast %add3A_24 : vector<16xi32> to vector<16xi32>
    tpu.vector_store %arg11[%swap3A_25], %swap3A_28 {strides = array<i32>} : memref<416xi32, #tpu.memory_space<vmem>>, vector<16xi32>,
    %get3A_29 = arith.constant 32 : index
    %get3A_30 = tpu.vector_load %arg9[%get3A_29] {strides = array<i32>} : memref<416xi32, #tpu.memory_space<vmem>>, vector<16xi32>,
    %get3A_31 = vector.shape_cast %get3A_30 : vector<16xi32> to vector<16xi32>
    %get3A_32 = arith.constant 32 : index
    %get3A_33 = tpu.vector_load %arg21[%get3A_32] {strides = array<i32>} : memref<208xi32, #tpu.memory_space<vmem>>, vector<16xi32>,
    %get3A_34 = vector.shape_cast %get3A_33 : vector<16xi32> to vector<16xi32>
    %add3A_35 = arith.addi %get3A_31, %get3A_34 : vector<16xi32>
    %swap3A_36 = arith.constant 32 : index
    %swap3A_37 = tpu.vector_load %arg11[%swap3A_36] {strides = array<i32>} : memref<416xi32, #tpu.memory_space<vmem>>, vector<16xi32>,
    %swap3A_38 = vector.shape_cast %swap3A_37 : vector<16xi32> to vector<16xi32>
    %swap3A_39 = vector.shape_cast %add3A_35 : vector<16xi32> to vector<16xi32>
    tpu.vector_store %arg11[%swap3A_36], %swap3A_39 {strides = array<i32>} : memref<416xi32, #tpu.memory_space<vmem>>, vector<16xi32>,
    %get3A_40 = arith.constant 48 : index
    %get3A_41 = tpu.vector_load %arg9[%get3A_40] {strides = array<i32>} : memref<416xi32, #tpu.memory_space<vmem>>, vector<16xi32>,
    %get3A_42 = vector.shape_cast %get3A_41 : vector<16xi32> to vector<16xi32>
    %get3A_43 = arith.constant 48 : index
    %get3A_44 = tpu.vector_load %arg21[%get3A_43] {strides = array<i32>} : memref<208xi32, #tpu.memory_space<vmem>>, vector<16xi32>,
    %get3A_45 = vector.shape_cast %get3A_44 : vector<16xi32> to vector<16xi32>
    %add3A_46 = arith.addi %get3A_42, %get3A_45 : vector<16xi32>
    %swap3A_47 = arith.constant 48 : index
    %swap3A_48 = tpu.vector_load %arg11[%swap3A_47] {strides = array<i32>} : memref<416xi32, #tpu.memory_space<vmem>>, vector<16xi32>,
    %swap3A_49 = vector.shape_cast %swap3A_48 : vector<16xi32> to vector<16xi32>
    %swap3A_50 = vector.shape_cast %add3A_46 : vector<16xi32> to vector<16xi32>
    tpu.vector_store %arg11[%swap3A_47], %swap3A_50 {strides = array<i32>} : memref<416xi32, #tpu.memory_space<vmem>>, vector<16xi32>,
    %get3A_51 = arith.constant 64 : index
    %get3A_52 = tpu.vector_load %arg9[%get3A_51] {strides = array<i32>} : memref<416xi32, #tpu.memory_space<vmem>>, vector<16xi32>,
    %get3A_53 = vector.shape_cast %get3A_52 : vector<16xi32> to vector<16xi32>
    %get3A_54 = arith.constant 64 : index
    %get3A_55 = tpu.vector_load %arg21[%get3A_54] {strides = array<i32>} : memref<208xi32, #tpu.memory_space<vmem>>, vector<16xi32>,
    %get3A_56 = vector.shape_cast %get3A_55 : vector<16xi32> to vector<16xi32>
    %add3A_57 = arith.addi %get3A_53, %get3A_56 : vector<16xi32>
    %swap3A_58 = arith.constant 64 : index
    %swap3A_59 = tpu.vector_load %arg11[%swap3A_58] {strides = array<i32>} : memref<416xi32, #tpu.memory_space<vmem>>, vector<16xi32>,
    %swap3A_60 = vector.shape_cast %swap3A_59 : vector<16xi32> to vector<16xi32>
    %swap3A_61 = vector.shape_cast %add3A_57 : vector<16xi32> to vector<16xi32>
    tpu.vector_store %arg11[%swap3A_58], %swap3A_61 {strides = array<i32>} : memref<416xi32, #tpu.memory_space<vmem>>, vector<16xi32>,
    %get3A_62 = arith.constant 80 : index
    %get3A_63 = tpu.vector_load %arg9[%get3A_62] {strides = array<i32>} : memref<416xi32, #tpu.memory_space<vmem>>, vector<16xi32>,
    %get3A_64 = vector.shape_cast %get3A_63 : vector<16xi32> to vector<16xi32>
    %get3A_65 = arith.constant 80 : index
    %get3A_66 = tpu.vector_load %arg21[%get3A_65] {strides = array<i32>} : memref<208xi32, #tpu.memory_space<vmem>>, vector<16xi32>,
    %get3A_67 = vector.shape_cast %get3A_66 : vector<16xi32> to vector<16xi32>
    %add3A_68 = arith.addi %get3A_64, %get3A_67 : vector<16xi32>
    %swap3A_69 = arith.constant 80 : index
    %swap3A_70 = tpu.vector_load %arg11[%swap3A_69] {strides = array<i32>} : memref<416xi32, #tpu.memory_space<vmem>>, vector<16xi32>,
    %swap3A_71 = vector.shape_cast %swap3A_70 : vector<16xi32> to vector<16xi32>
    %swap3A_72 = vector.shape_cast %add3A_68 : vector<16xi32> to vector<16xi32>
    tpu.vector_store %arg11[%swap3A_69], %swap3A_72 {strides = array<i32>} : memref<416xi32, #tpu.memory_space<vmem>>, vector<16xi32>,
    %get3A_73 = arith.constant 96 : index
    %get3A_74 = tpu.vector_load %arg9[%get3A_73] {strides = array<i32>} : memref<416xi32, #tpu.memory_space<vmem>>, vector<16xi32>,
    %get3A_75 = vector.shape_cast %get3A_74 : vector<16xi32> to vector<16xi32>
    %get3A_76 = arith.constant 96 : index
    %get3A_77 = tpu.vector_load %arg21[%get3A_76] {strides = array<i32>} : memref<208xi32, #tpu.memory_space<vmem>>, vector<16xi32>,
    %get3A_78 = vector.shape_cast %get3A_77 : vector<16xi32> to vector<16xi32>
    %add3A_79 = arith.addi %get3A_75, %get3A_78 : vector<16xi32>
    %swap3A_80 = arith.constant 96 : index
    %swap3A_81 = tpu.vector_load %arg11[%swap3A_80] {strides = array<i32>} : memref<416xi32, #tpu.memory_space<vmem>>, vector<16xi32>,
    %swap3A_82 = vector.shape_cast %swap3A_81 : vector<16xi32> to vector<16xi32>
    %swap3A_83 = vector.shape_cast %add3A_79 : vector<16xi32> to vector<16xi32>
    tpu.vector_store %arg11[%swap3A_80], %swap3A_83 {strides = array<i32>} : memref<416xi32, #tpu.memory_space<vmem>>, vector<16xi32>,
    %get3A_84 = arith.constant 112 : index
    %get3A_85 = tpu.vector_load %arg9[%get3A_84] {strides = array<i32>} : memref<416xi32, #tpu.memory_space<vmem>>, vector<16xi32>,
    %get3A_86 = vector.shape_cast %get3A_85 : vector<16xi32> to vector<16xi32>
    %get3A_87 = arith.constant 112 : index
    %get3A_88 = tpu.vector_load %arg21[%get3A_87] {strides = array<i32>} : memref<208xi32, #tpu.memory_space<vmem>>, vector<16xi32>,
    %get3A_89 = vector.shape_cast %get3A_88 : vector<16xi32> to vector<16xi32>
    %add3A_90 = arith.addi %get3A_86, %get3A_89 : vector<16xi32>
    %swap3A_91 = arith.constant 112 : index
    %swap3A_92 = tpu.vector_load %arg11[%swap3A_91] {strides = array<i32>} : memref<416xi32, #tpu.memory_space<vmem>>, vector<16xi32>,
    %swap3A_93 = vector.shape_cast %swap3A_92 : vector<16xi32> to vector<16xi32>
    %swap3A_94 = vector.shape_cast %add3A_90 : vector<16xi32> to vector<16xi32>
    tpu.vector_store %arg11[%swap3A_91], %swap3A_94 {strides = array<i32>} : memref<416xi32, #tpu.memory_space<vmem>>, vector<16xi32>,
    %get3A_95 = arith.constant 128 : index
    %get3A_96 = tpu.vector_load %arg9[%get3A_95] {strides = array<i32>} : memref<416xi32, #tpu.memory_space<vmem>>, vector<16xi32>,
    %get3A_97 = vector.shape_cast %get3A_96 : vector<16xi32> to vector<16xi32>
    %get3A_98 = arith.constant 128 : index
    %get3A_99 = tpu.vector_load %arg21[%get3A_98] {strides = array<i32>} : memref<208xi32, #tpu.memory_space<vmem>>, vector<16xi32>,
    %get3A_100 = vector.shape_cast %get3A_99 : vector<16xi32> to vector<16xi32>
    %add3A_101 = arith.addi %get3A_97, %get3A_100 : vector<16xi32>
    %swap3A_102 = arith.constant 128 : index
    %swap3A_103 = tpu.vector_load %arg11[%swap3A_102] {strides = array<i32>} : memref<416xi32, #tpu.memory_space<vmem>>, vector<16xi32>,
    %swap3A_104 = vector.shape_cast %swap3A_103 : vector<16xi32> to vector<16xi32>
    %swap3A_105 = vector.shape_cast %add3A_101 : vector<16xi32> to vector<16xi32>
    tpu.vector_store %arg11[%swap3A_102], %swap3A_105 {strides = array<i32>} : memref<416xi32, #tpu.memory_space<vmem>>, vector<16xi32>,
    %get3A_106 = arith.constant 144 : index
    %get3A_107 = tpu.vector_load %arg9[%get3A_106] {strides = array<i32>} : memref<416xi32, #tpu.memory_space<vmem>>, vector<16xi32>,
    %get3A_108 = vector.shape_cast %get3A_107 : vector<16xi32> to vector<16xi32>
    %get3A_109 = arith.constant 144 : index
    %get3A_110 = tpu.vector_load %arg21[%get3A_109] {strides = array<i32>} : memref<208xi32, #tpu.memory_space<vmem>>, vector<16xi32>,
    %get3A_111 = vector.shape_cast %get3A_110 : vector<16xi32> to vector<16xi32>
    %add3A_112 = arith.addi %get3A_108, %get3A_111 : vector<16xi32>
    %swap3A_113 = arith.constant 144 : index
    %swap3A_114 = tpu.vector_load %arg11[%swap3A_113] {strides = array<i32>} : memref<416xi32, #tpu.memory_space<vmem>>, vector<16xi32>,
    %swap3A_115 = vector.shape_cast %swap3A_114 : vector<16xi32> to vector<16xi32>
    %swap3A_116 = vector.shape_cast %add3A_112 : vector<16xi32> to vector<16xi32>
    tpu.vector_store %arg11[%swap3A_113], %swap3A_116 {strides = array<i32>} : memref<416xi32, #tpu.memory_space<vmem>>, vector<16xi32>,
    %get3A_117 = arith.constant 160 : index
    %get3A_118 = tpu.vector_load %arg9[%get3A_117] {strides = array<i32>} : memref<416xi32, #tpu.memory_space<vmem>>, vector<16xi32>,
    %get3A_119 = vector.shape_cast %get3A_118 : vector<16xi32> to vector<16xi32>
    %get3A_120 = arith.constant 160 : index
    %get3A_121 = tpu.vector_load %arg21[%get3A_120] {strides = array<i32>} : memref<208xi32, #tpu.memory_space<vmem>>, vector<16xi32>,
    %get3A_122 = vector.shape_cast %get3A_121 : vector<16xi32> to vector<16xi32>
    %add3A_123 = arith.addi %get3A_119, %get3A_122 : vector<16xi32>
    %swap3A_124 = arith.constant 160 : index
    %swap3A_125 = tpu.vector_load %arg11[%swap3A_124] {strides = array<i32>} : memref<416xi32, #tpu.memory_space<vmem>>, vector<16xi32>,
    %swap3A_126 = vector.shape_cast %swap3A_125 : vector<16xi32> to vector<16xi32>
    %swap3A_127 = vector.shape_cast %add3A_123 : vector<16xi32> to vector<16xi32>
    tpu.vector_store %arg11[%swap3A_124], %swap3A_127 {strides = array<i32>} : memref<416xi32, #tpu.memory_space<vmem>>, vector<16xi32>,
    %get3A_128 = arith.constant 176 : index
    %get3A_129 = tpu.vector_load %arg9[%get3A_128] {strides = array<i32>} : memref<416xi32, #tpu.memory_space<vmem>>, vector<16xi32>,
    %get3A_130 = vector.shape_cast %get3A_129 : vector<16xi32> to vector<16xi32>
    %get3A_131 = arith.constant 176 : index
    %get3A_132 = tpu.vector_load %arg21[%get3A_131] {strides = array<i32>} : memref<208xi32, #tpu.memory_space<vmem>>, vector<16xi32>,
    %get3A_133 = vector.shape_cast %get3A_132 : vector<16xi32> to vector<16xi32>
    %add3A_134 = arith.addi %get3A_130, %get3A_133 : vector<16xi32>
    %swap3A_135 = arith.constant 176 : index
    %swap3A_136 = tpu.vector_load %arg11[%swap3A_135] {strides = array<i32>} : memref<416xi32, #tpu.memory_space<vmem>>, vector<16xi32>,
    %swap3A_137 = vector.shape_cast %swap3A_136 : vector<16xi32> to vector<16xi32>
    %swap3A_138 = vector.shape_cast %add3A_134 : vector<16xi32> to vector<16xi32>
    tpu.vector_store %arg11[%swap3A_135], %swap3A_138 {strides = array<i32>} : memref<416xi32, #tpu.memory_space<vmem>>, vector<16xi32>,
    %get3A_139 = arith.constant 192 : index
    %get3A_140 = tpu.vector_load %arg9[%get3A_139] {strides = array<i32>} : memref<416xi32, #tpu.memory_space<vmem>>, vector<16xi32>,
    %get3A_141 = vector.shape_cast %get3A_140 : vector<16xi32> to vector<16xi32>
    %get3A_142 = arith.constant 192 : index
    %get3A_143 = tpu.vector_load %arg21[%get3A_142] {strides = array<i32>} : memref<208xi32, #tpu.memory_space<vmem>>, vector<16xi32>,
    %get3A_144 = vector.shape_cast %get3A_143 : vector<16xi32> to vector<16xi32>
    %add3A_145 = arith.addi %get3A_141, %get3A_144 : vector<16xi32>
    %swap3A_146 = arith.constant 192 : index
    %swap3A_147 = tpu.vector_load %arg11[%swap3A_146] {strides = array<i32>} : memref<416xi32, #tpu.memory_space<vmem>>, vector<16xi32>,
    %swap3A_148 = vector.shape_cast %swap3A_147 : vector<16xi32> to vector<16xi32>
    %swap3A_149 = vector.shape_cast %add3A_145 : vector<16xi32> to vector<16xi32>
    tpu.vector_store %arg11[%swap3A_146], %swap3A_149 {strides = array<i32>} : memref<416xi32, #tpu.memory_space<vmem>>, vector<16xi32>,
    %get3A_150 = arith.constant 208 : index
    %get3A_151 = tpu.vector_load %arg9[%get3A_150] {strides = array<i32>} : memref<416xi32, #tpu.memory_space<vmem>>, vector<16xi32>,
    %get3A_152 = vector.shape_cast %get3A_151 : vector<16xi32> to vector<16xi32>
    %get3A_153 = arith.constant 0 : index
    %get3A_154 = tpu.vector_load %arg21[%get3A_153] {strides = array<i32>} : memref<208xi32, #tpu.memory_space<vmem>>, vector<16xi32>,
    %get3A_155 = vector.shape_cast %get3A_154 : vector<16xi32> to vector<16xi32>
    %add3A_156 = arith.addi %get3A_152, %get3A_155 : vector<16xi32>
    %swap3A_157 = arith.constant 208 : index
    %swap3A_158 = tpu.vector_load %arg11[%swap3A_157] {strides = array<i32>} : memref<416xi32, #tpu.memory_space<vmem>>, vector<16xi32>,
    %swap3A_159 = vector.shape_cast %swap3A_158 : vector<16xi32> to vector<16xi32>
    %swap3A_160 = vector.shape_cast %add3A_156 : vector<16xi32> to vector<16xi32>
    tpu.vector_store %arg11[%swap3A_157], %swap3A_160 {strides = array<i32>} : memref<416xi32, #tpu.memory_space<vmem>>, vector<16xi32>,
    %get3A_161 = arith.constant 224 : index
    %get3A_162 = tpu.vector_load %arg9[%get3A_161] {strides = array<i32>} : memref<416xi32, #tpu.memory_space<vmem>>, vector<16xi32>,
    %get3A_163 = vector.shape_cast %get3A_162 : vector<16xi32> to vector<16xi32>
    %get3A_164 = arith.constant 16 : index
    %get3A_165 = tpu.vector_load %arg21[%get3A_164] {strides = array<i32>} : memref<208xi32, #tpu.memory_space<vmem>>, vector<16xi32>,
    %get3A_166 = vector.shape_cast %get3A_165 : vector<16xi32> to vector<16xi32>
    %add3A_167 = arith.addi %get3A_163, %get3A_166 : vector<16xi32>
    %swap3A_168 = arith.constant 224 : index
    %swap3A_169 = tpu.vector_load %arg11[%swap3A_168] {strides = array<i32>} : memref<416xi32, #tpu.memory_space<vmem>>, vector<16xi32>,
    %swap3A_170 = vector.shape_cast %swap3A_169 : vector<16xi32> to vector<16xi32>
    %swap3A_171 = vector.shape_cast %add3A_167 : vector<16xi32> to vector<16xi32>
    tpu.vector_store %arg11[%swap3A_168], %swap3A_171 {strides = array<i32>} : memref<416xi32, #tpu.memory_space<vmem>>, vector<16xi32>,
    %get3A_172 = arith.constant 240 : index
    %get3A_173 = tpu.vector_load %arg9[%get3A_172] {strides = array<i32>} : memref<416xi32, #tpu.memory_space<vmem>>, vector<16xi32>,
    %get3A_174 = vector.shape_cast %get3A_173 : vector<16xi32> to vector<16xi32>
    %get3A_175 = arith.constant 32 : index
    %get3A_176 = tpu.vector_load %arg21[%get3A_175] {strides = array<i32>} : memref<208xi32, #tpu.memory_space<vmem>>, vector<16xi32>,
    %get3A_177 = vector.shape_cast %get3A_176 : vector<16xi32> to vector<16xi32>
    %add3A_178 = arith.addi %get3A_174, %get3A_177 : vector<16xi32>
    %swap3A_179 = arith.constant 240 : index
    %swap3A_180 = tpu.vector_load %arg11[%swap3A_179] {strides = array<i32>} : memref<416xi32, #tpu.memory_space<vmem>>, vector<16xi32>,
    %swap3A_181 = vector.shape_cast %swap3A_180 : vector<16xi32> to vector<16xi32>
    %swap3A_182 = vector.shape_cast %add3A_178 : vector<16xi32> to vector<16xi32>
    tpu.vector_store %arg11[%swap3A_179], %swap3A_182 {strides = array<i32>} : memref<416xi32, #tpu.memory_space<vmem>>, vector<16xi32>,
    %get3A_183 = arith.constant 256 : index
    %get3A_184 = tpu.vector_load %arg9[%get3A_183] {strides = array<i32>} : memref<416xi32, #tpu.memory_space<vmem>>, vector<16xi32>,
    %get3A_185 = vector.shape_cast %get3A_184 : vector<16xi32> to vector<16xi32>
    %get3A_186 = arith.constant 48 : index
    %get3A_187 = tpu.vector_load %arg21[%get3A_186] {strides = array<i32>} : memref<208xi32, #tpu.memory_space<vmem>>, vector<16xi32>,
    %get3A_188 = vector.shape_cast %get3A_187 : vector<16xi32> to vector<16xi32>
    %add3A_189 = arith.addi %get3A_185, %get3A_188 : vector<16xi32>
    %swap3A_190 = arith.constant 256 : index
    %swap3A_191 = tpu.vector_load %arg11[%swap3A_190] {strides = array<i32>} : memref<416xi32, #tpu.memory_space<vmem>>, vector<16xi32>,
    %swap3A_192 = vector.shape_cast %swap3A_191 : vector<16xi32> to vector<16xi32>
    %swap3A_193 = vector.shape_cast %add3A_189 : vector<16xi32> to vector<16xi32>
    tpu.vector_store %arg11[%swap3A_190], %swap3A_193 {strides = array<i32>} : memref<416xi32, #tpu.memory_space<vmem>>, vector<16xi32>,
    %get3A_194 = arith.constant 272 : index
    %get3A_195 = tpu.vector_load %arg9[%get3A_194] {strides = array<i32>} : memref<416xi32, #tpu.memory_space<vmem>>, vector<16xi32>,
    %get3A_196 = vector.shape_cast %get3A_195 : vector<16xi32> to vector<16xi32>
    %get3A_197 = arith.constant 64 : index
    %get3A_198 = tpu.vector_load %arg21[%get3A_197] {strides = array<i32>} : memref<208xi32, #tpu.memory_space<vmem>>, vector<16xi32>,
    %get3A_199 = vector.shape_cast %get3A_198 : vector<16xi32> to vector<16xi32>
    %add3A_200 = arith.addi %get3A_196, %get3A_199 : vector<16xi32>
    %swap3A_201 = arith.constant 272 : index
    %swap3A_202 = tpu.vector_load %arg11[%swap3A_201] {strides = array<i32>} : memref<416xi32, #tpu.memory_space<vmem>>, vector<16xi32>,
    %swap3A_203 = vector.shape_cast %swap3A_202 : vector<16xi32> to vector<16xi32>
    %swap3A_204 = vector.shape_cast %add3A_200 : vector<16xi32> to vector<16xi32>
    tpu.vector_store %arg11[%swap3A_201], %swap3A_204 {strides = array<i32>} : memref<416xi32, #tpu.memory_space<vmem>>, vector<16xi32>,
    %get3A_205 = arith.constant 288 : index
    %get3A_206 = tpu.vector_load %arg9[%get3A_205] {strides = array<i32>} : memref<416xi32, #tpu.memory_space<vmem>>, vector<16xi32>,
    %get3A_207 = vector.shape_cast %get3A_206 : vector<16xi32> to vector<16xi32>
    %get3A_208 = arith.constant 80 : index
    %get3A_209 = tpu.vector_load %arg21[%get3A_208] {strides = array<i32>} : memref<208xi32, #tpu.memory_space<vmem>>, vector<16xi32>,
    %get3A_210 = vector.shape_cast %get3A_209 : vector<16xi32> to vector<16xi32>
    %add3A_211 = arith.addi %get3A_207, %get3A_210 : vector<16xi32>
    %swap3A_212 = arith.constant 288 : index
    %swap3A_213 = tpu.vector_load %arg11[%swap3A_212] {strides = array<i32>} : memref<416xi32, #tpu.memory_space<vmem>>, vector<16xi32>,
    %swap3A_214 = vector.shape_cast %swap3A_213 : vector<16xi32> to vector<16xi32>
    %swap3A_215 = vector.shape_cast %add3A_211 : vector<16xi32> to vector<16xi32>
    tpu.vector_store %arg11[%swap3A_212], %swap3A_215 {strides = array<i32>} : memref<416xi32, #tpu.memory_space<vmem>>, vector<16xi32>,
    %get3A_216 = arith.constant 304 : index
    %get3A_217 = tpu.vector_load %arg9[%get3A_216] {strides = array<i32>} : memref<416xi32, #tpu.memory_space<vmem>>, vector<16xi32>,
    %get3A_218 = vector.shape_cast %get3A_217 : vector<16xi32> to vector<16xi32>
    %get3A_219 = arith.constant 96 : index
    %get3A_220 = tpu.vector_load %arg21[%get3A_219] {strides = array<i32>} : memref<208xi32, #tpu.memory_space<vmem>>, vector<16xi32>,
    %get3A_221 = vector.shape_cast %get3A_220 : vector<16xi32> to vector<16xi32>
    %add3A_222 = arith.addi %get3A_218, %get3A_221 : vector<16xi32>
    %swap3A_223 = arith.constant 304 : index
    %swap3A_224 = tpu.vector_load %arg11[%swap3A_223] {strides = array<i32>} : memref<416xi32, #tpu.memory_space<vmem>>, vector<16xi32>,
    %swap3A_225 = vector.shape_cast %swap3A_224 : vector<16xi32> to vector<16xi32>
    %swap3A_226 = vector.shape_cast %add3A_222 : vector<16xi32> to vector<16xi32>
    tpu.vector_store %arg11[%swap3A_223], %swap3A_226 {strides = array<i32>} : memref<416xi32, #tpu.memory_space<vmem>>, vector<16xi32>,
    %get3A_227 = arith.constant 320 : index
    %get3A_228 = tpu.vector_load %arg9[%get3A_227] {strides = array<i32>} : memref<416xi32, #tpu.memory_space<vmem>>, vector<16xi32>,
    %get3A_229 = vector.shape_cast %get3A_228 : vector<16xi32> to vector<16xi32>
    %get3A_230 = arith.constant 112 : index
    %get3A_231 = tpu.vector_load %arg21[%get3A_230] {strides = array<i32>} : memref<208xi32, #tpu.memory_space<vmem>>, vector<16xi32>,
    %get3A_232 = vector.shape_cast %get3A_231 : vector<16xi32> to vector<16xi32>
    %add3A_233 = arith.addi %get3A_229, %get3A_232 : vector<16xi32>
    %swap3A_234 = arith.constant 320 : index
    %swap3A_235 = tpu.vector_load %arg11[%swap3A_234] {strides = array<i32>} : memref<416xi32, #tpu.memory_space<vmem>>, vector<16xi32>,
    %swap3A_236 = vector.shape_cast %swap3A_235 : vector<16xi32> to vector<16xi32>
    %swap3A_237 = vector.shape_cast %add3A_233 : vector<16xi32> to vector<16xi32>
    tpu.vector_store %arg11[%swap3A_234], %swap3A_237 {strides = array<i32>} : memref<416xi32, #tpu.memory_space<vmem>>, vector<16xi32>,
    %get3A_238 = arith.constant 336 : index
    %get3A_239 = tpu.vector_load %arg9[%get3A_238] {strides = array<i32>} : memref<416xi32, #tpu.memory_space<vmem>>, vector<16xi32>,
    %get3A_240 = vector.shape_cast %get3A_239 : vector<16xi32> to vector<16xi32>
    %get3A_241 = arith.constant 128 : index
    %get3A_242 = tpu.vector_load %arg21[%get3A_241] {strides = array<i32>} : memref<208xi32, #tpu.memory_space<vmem>>, vector<16xi32>,
    %get3A_243 = vector.shape_cast %get3A_242 : vector<16xi32> to vector<16xi32>
    %add3A_244 = arith.addi %get3A_240, %get3A_243 : vector<16xi32>
    %swap3A_245 = arith.constant 336 : index
    %swap3A_246 = tpu.vector_load %arg11[%swap3A_245] {strides = array<i32>} : memref<416xi32, #tpu.memory_space<vmem>>, vector<16xi32>,
    %swap3A_247 = vector.shape_cast %swap3A_246 : vector<16xi32> to vector<16xi32>
    %swap3A_248 = vector.shape_cast %add3A_244 : vector<16xi32> to vector<16xi32>
    tpu.vector_store %arg11[%swap3A_245], %swap3A_248 {strides = array<i32>} : memref<416xi32, #tpu.memory_space<vmem>>, vector<16xi32>,
    %get3A_249 = arith.constant 352 : index
    %get3A_250 = tpu.vector_load %arg9[%get3A_249] {strides = array<i32>} : memref<416xi32, #tpu.memory_space<vmem>>, vector<16xi32>,
    %get3A_251 = vector.shape_cast %get3A_250 : vector<16xi32> to vector<16xi32>
    %get3A_252 = arith.constant 144 : index
    %get3A_253 = tpu.vector_load %arg21[%get3A_252] {strides = array<i32>} : memref<208xi32, #tpu.memory_space<vmem>>, vector<16xi32>,
    %get3A_254 = vector.shape_cast %get3A_253 : vector<16xi32> to vector<16xi32>
    %add3A_255 = arith.addi %get3A_251, %get3A_254 : vector<16xi32>
    %swap3A_256 = arith.constant 352 : index
    %swap3A_257 = tpu.vector_load %arg11[%swap3A_256] {strides = array<i32>} : memref<416xi32, #tpu.memory_space<vmem>>, vector<16xi32>,
    %swap3A_258 = vector.shape_cast %swap3A_257 : vector<16xi32> to vector<16xi32>
    %swap3A_259 = vector.shape_cast %add3A_255 : vector<16xi32> to vector<16xi32>
    tpu.vector_store %arg11[%swap3A_256], %swap3A_259 {strides = array<i32>} : memref<416xi32, #tpu.memory_space<vmem>>, vector<16xi32>,
    %get3A_260 = arith.constant 368 : index
    %get3A_261 = tpu.vector_load %arg9[%get3A_260] {strides = array<i32>} : memref<416xi32, #tpu.memory_space<vmem>>, vector<16xi32>,
    %get3A_262 = vector.shape_cast %get3A_261 : vector<16xi32> to vector<16xi32>
    %get3A_263 = arith.constant 160 : index
    %get3A_264 = tpu.vector_load %arg21[%get3A_263] {strides = array<i32>} : memref<208xi32, #tpu.memory_space<vmem>>, vector<16xi32>,
    %get3A_265 = vector.shape_cast %get3A_264 : vector<16xi32> to vector<16xi32>
    %add3A_266 = arith.addi %get3A_262, %get3A_265 : vector<16xi32>
    %swap3A_267 = arith.constant 368 : index
    %swap3A_268 = tpu.vector_load %arg11[%swap3A_267] {strides = array<i32>} : memref<416xi32, #tpu.memory_space<vmem>>, vector<16xi32>,
    %swap3A_269 = vector.shape_cast %swap3A_268 : vector<16xi32> to vector<16xi32>
    %swap3A_270 = vector.shape_cast %add3A_266 : vector<16xi32> to vector<16xi32>
    tpu.vector_store %arg11[%swap3A_267], %swap3A_270 {strides = array<i32>} : memref<416xi32, #tpu.memory_space<vmem>>, vector<16xi32>,
    %get3A_271 = arith.constant 384 : index
    %get3A_272 = tpu.vector_load %arg9[%get3A_271] {strides = array<i32>} : memref<416xi32, #tpu.memory_space<vmem>>, vector<16xi32>,
    %get3A_273 = vector.shape_cast %get3A_272 : vector<16xi32> to vector<16xi32>
    %get3A_274 = arith.constant 176 : index
    %get3A_275 = tpu.vector_load %arg21[%get3A_274] {strides = array<i32>} : memref<208xi32, #tpu.memory_space<vmem>>, vector<16xi32>,
    %get3A_276 = vector.shape_cast %get3A_275 : vector<16xi32> to vector<16xi32>
    %add3A_277 = arith.addi %get3A_273, %get3A_276 : vector<16xi32>
    %swap3A_278 = arith.constant 384 : index
    %swap3A_279 = tpu.vector_load %arg11[%swap3A_278] {strides = array<i32>} : memref<416xi32, #tpu.memory_space<vmem>>, vector<16xi32>,
    %swap3A_280 = vector.shape_cast %swap3A_279 : vector<16xi32> to vector<16xi32>
    %swap3A_281 = vector.shape_cast %add3A_277 : vector<16xi32> to vector<16xi32>
    tpu.vector_store %arg11[%swap3A_278], %swap3A_281 {strides = array<i32>} : memref<416xi32, #tpu.memory_space<vmem>>, vector<16xi32>,
    %get3A_282 = arith.constant 400 : index
    %get3A_283 = tpu.vector_load %arg9[%get3A_282] {strides = array<i32>} : memref<416xi32, #tpu.memory_space<vmem>>, vector<16xi32>,
    %get3A_284 = vector.shape_cast %get3A_283 : vector<16xi32> to vector<16xi32>
    %get3A_285 = arith.constant 192 : index
    %get3A_286 = tpu.vector_load %arg21[%get3A_285] {strides = array<i32>} : memref<208xi32, #tpu.memory_space<vmem>>, vector<16xi32>,
    %get3A_287 = vector.shape_cast %get3A_286 : vector<16xi32> to vector<16xi32>
    %add3A_288 = arith.addi %get3A_284, %get3A_287 : vector<16xi32>
    %swap3A_289 = arith.constant 400 : index
    %swap3A_290 = tpu.vector_load %arg11[%swap3A_289] {strides = array<i32>} : memref<416xi32, #tpu.memory_space<vmem>>, vector<16xi32>,
    %swap3A_291 = vector.shape_cast %swap3A_290 : vector<16xi32> to vector<16xi32>
    %swap3A_292 = vector.shape_cast %add3A_288 : vector<16xi32> to vector<16xi32>
    tpu.vector_store %arg11[%swap3A_289], %swap3A_292 {strides = array<i32>} : memref<416xi32, #tpu.memory_space<vmem>>, vector<16xi32>,
    %dma_start3A = arith.constant 0 : i32
    %dma_start3A_293 = arith.constant 0 : i32
    %dma_start3A_294 = tpu.memref_slice %arg2[%dma_start3A, %dma_start3A_293] : memref<2600000x32xf32, #tpu.memory_space<hbm>> -> memref<2600000x32xf32, #tpu.memory_space<hbm>>
    tpu.enqueue_indirect_dma source(%dma_start3A_294 : memref<2600000x32xf32, #tpu.memory_space<hbm>>) target(%arg13 : memref<416x32xf32, #tpu.memory_space<vmem>>) offsets(%arg11 : memref<416xi32, #tpu.memory_space<vmem>>) semaphore(%arg22 : memref<!tpu.dma_semaphore, #tpu.memory_space<semaphore_mem>>)
    %scan3A = arith.constant 0 : i32
    %scan3A_295 = arith.constant 0 : i32
    %scan3A_296 = arith.constant 16 : i32
    %scan3A_297 = arith.addi %scan3A_295, %scan3A_296 : i32
    %scan3A_298 = arith.constant 1 : i32
    scf.for %scan3A_307 = %scan3A_295 to %scan3A_297 step %scan3A_298  : i32 {
      %mul3A_308 = arith.constant 2 : i32
      %mul3A_309 = arith.muli %scan3A_307, %mul3A_308 : i32
      %add3A_310 = arith.constant 1 : i32
      %add3A_311 = arith.addi %mul3A_309, %add3A_310 : i32
      %mul3A_312 = arith.constant 512 : i32
      %mul3A_313 = arith.muli %add3A, %mul3A_312 : i32
      %mul3A_314 = arith.constant 16 : i32
      %mul3A_315 = arith.muli %add3A_311, %mul3A_314 : i32
      %add3A_316 = arith.addi %mul3A_313, %mul3A_315 : i32
      %multiple_of3A_317 = tpu.assume_multiple %add3A_316, 16 : i32
      %mul3A_318 = arith.constant 26 : i32
      %mul3A_319 = arith.muli %multiple_of3A_317, %mul3A_318 : i32
      "tpu.region"() ({
        %run_scoped3A = tpu.sem_alloc : memref<!tpu.dma_semaphore, #tpu.memory_space<semaphore_mem>>
        %dma_start3A_672 = tpu.memref_slice %arg3[%mul3A_319] : memref<425984xi32, #tpu.memory_space<hbm>> -> memref<416xi32, #tpu.memory_space<hbm>>
        %dma_start3A_673 = tpu.memref_slice %arg3[%mul3A_319] : memref<425984xi32, #tpu.memory_space<hbm>> -> memref<416xi32, #tpu.memory_space<hbm>>
        tpu.enqueue_dma source(%dma_start3A_673 : memref<416xi32, #tpu.memory_space<hbm>>) target(%arg10 : memref<416xi32, #tpu.memory_space<vmem>>) target_semaphore(%run_scoped3A : memref<!tpu.dma_semaphore, #tpu.memory_space<semaphore_mem>>)
        %dma_wait3A_674 = tpu.memref_slice %arg3[%mul3A_319] : memref<425984xi32, #tpu.memory_space<hbm>> -> memref<416xi32, #tpu.memory_space<hbm>>
        %dma_wait3A_675 = tpu.memref_slice %arg3[%mul3A_319] : memref<425984xi32, #tpu.memory_space<hbm>> -> memref<416xi32, #tpu.memory_space<hbm>>
        tpu.wait_dma2 semaphore(%run_scoped3A : memref<!tpu.dma_semaphore, #tpu.memory_space<semaphore_mem>>) src(%dma_wait3A_675 : memref<416xi32, #tpu.memory_space<hbm>>) dst(%arg10 : memref<416xi32, #tpu.memory_space<vmem>>)
        tpu.yield
      }) : () -> ()
      %mul3A_320 = arith.constant 16 : i32
      %mul3A_321 = arith.muli %multiple_of3A_317, %mul3A_320 : i32
      "tpu.region"() ({
        %run_scoped3A = tpu.sem_alloc : memref<!tpu.dma_semaphore, #tpu.memory_space<semaphore_mem>>
        %dma_start3A_672 = tpu.memref_slice %arg4[%mul3A_321] : memref<262144xf32, #tpu.memory_space<hbm>> -> memref<256xf32, #tpu.memory_space<hbm>>
        %dma_start3A_673 = tpu.memref_slice %arg4[%mul3A_321] : memref<262144xf32, #tpu.memory_space<hbm>> -> memref<256xf32, #tpu.memory_space<hbm>>
        tpu.enqueue_dma source(%dma_start3A_673 : memref<256xf32, #tpu.memory_space<hbm>>) target(%arg16 : memref<256xf32, #tpu.memory_space<vmem>>) target_semaphore(%run_scoped3A : memref<!tpu.dma_semaphore, #tpu.memory_space<semaphore_mem>>)
        %dma_wait3A_674 = tpu.memref_slice %arg4[%mul3A_321] : memref<262144xf32, #tpu.memory_space<hbm>> -> memref<256xf32, #tpu.memory_space<hbm>>
        %dma_wait3A_675 = tpu.memref_slice %arg4[%mul3A_321] : memref<262144xf32, #tpu.memory_space<hbm>> -> memref<256xf32, #tpu.memory_space<hbm>>
        tpu.wait_dma2 semaphore(%run_scoped3A : memref<!tpu.dma_semaphore, #tpu.memory_space<semaphore_mem>>) src(%dma_wait3A_675 : memref<256xf32, #tpu.memory_space<hbm>>) dst(%arg16 : memref<256xf32, #tpu.memory_space<vmem>>)
        tpu.yield
      }) : () -> ()
      %get3A_322 = arith.constant 0 : index
      %get3A_323 = tpu.vector_load %arg10[%get3A_322] {strides = array<i32>} : memref<416xi32, #tpu.memory_space<vmem>>, vector<16xi32>,
      %get3A_324 = vector.shape_cast %get3A_323 : vector<16xi32> to vector<16xi32>
      %get3A_325 = arith.constant 0 : index
      %get3A_326 = tpu.vector_load %arg21[%get3A_325] {strides = array<i32>} : memref<208xi32, #tpu.memory_space<vmem>>, vector<16xi32>,
      %get3A_327 = vector.shape_cast %get3A_326 : vector<16xi32> to vector<16xi32>
      %add3A_328 = arith.addi %get3A_324, %get3A_327 : vector<16xi32>
      %swap3A_329 = arith.constant 0 : index
      %swap3A_330 = tpu.vector_load %arg12[%swap3A_329] {strides = array<i32>} : memref<416xi32, #tpu.memory_space<vmem>>, vector<16xi32>,
      %swap3A_331 = vector.shape_cast %swap3A_330 : vector<16xi32> to vector<16xi32>
      %swap3A_332 = vector.shape_cast %add3A_328 : vector<16xi32> to vector<16xi32>
      tpu.vector_store %arg12[%swap3A_329], %swap3A_332 {strides = array<i32>} : memref<416xi32, #tpu.memory_space<vmem>>, vector<16xi32>,
      %get3A_333 = arith.constant 16 : index
      %get3A_334 = tpu.vector_load %arg10[%get3A_333] {strides = array<i32>} : memref<416xi32, #tpu.memory_space<vmem>>, vector<16xi32>,
      %get3A_335 = vector.shape_cast %get3A_334 : vector<16xi32> to vector<16xi32>
      %get3A_336 = arith.constant 16 : index
      %get3A_337 = tpu.vector_load %arg21[%get3A_336] {strides = array<i32>} : memref<208xi32, #tpu.memory_space<vmem>>, vector<16xi32>,
      %get3A_338 = vector.shape_cast %get3A_337 : vector<16xi32> to vector<16xi32>
      %add3A_339 = arith.addi %get3A_335, %get3A_338 : vector<16xi32>
      %swap3A_340 = arith.constant 16 : index
      %swap3A_341 = tpu.vector_load %arg12[%swap3A_340] {strides = array<i32>} : memref<416xi32, #tpu.memory_space<vmem>>, vector<16xi32>,
      %swap3A_342 = vector.shape_cast %swap3A_341 : vector<16xi32> to vector<16xi32>
      %swap3A_343 = vector.shape_cast %add3A_339 : vector<16xi32> to vector<16xi32>
      tpu.vector_store %arg12[%swap3A_340], %swap3A_343 {strides = array<i32>} : memref<416xi32, #tpu.memory_space<vmem>>, vector<16xi32>,
      %get3A_344 = arith.constant 32 : index
      %get3A_345 = tpu.vector_load %arg10[%get3A_344] {strides = array<i32>} : memref<416xi32, #tpu.memory_space<vmem>>, vector<16xi32>,
      %get3A_346 = vector.shape_cast %get3A_345 : vector<16xi32> to vector<16xi32>
      %get3A_347 = arith.constant 32 : index
      %get3A_348 = tpu.vector_load %arg21[%get3A_347] {strides = array<i32>} : memref<208xi32, #tpu.memory_space<vmem>>, vector<16xi32>,
      %get3A_349 = vector.shape_cast %get3A_348 : vector<16xi32> to vector<16xi32>
      %add3A_350 = arith.addi %get3A_346, %get3A_349 : vector<16xi32>
      %swap3A_351 = arith.constant 32 : index
      %swap3A_352 = tpu.vector_load %arg12[%swap3A_351] {strides = array<i32>} : memref<416xi32, #tpu.memory_space<vmem>>, vector<16xi32>,
      %swap3A_353 = vector.shape_cast %swap3A_352 : vector<16xi32> to vector<16xi32>
      %swap3A_354 = vector.shape_cast %add3A_350 : vector<16xi32> to vector<16xi32>
      tpu.vector_store %arg12[%swap3A_351], %swap3A_354 {strides = array<i32>} : memref<416xi32, #tpu.memory_space<vmem>>, vector<16xi32>,
      %get3A_355 = arith.constant 48 : index
      %get3A_356 = tpu.vector_load %arg10[%get3A_355] {strides = array<i32>} : memref<416xi32, #tpu.memory_space<vmem>>, vector<16xi32>,
      %get3A_357 = vector.shape_cast %get3A_356 : vector<16xi32> to vector<16xi32>
      %get3A_358 = arith.constant 48 : index
      %get3A_359 = tpu.vector_load %arg21[%get3A_358] {strides = array<i32>} : memref<208xi32, #tpu.memory_space<vmem>>, vector<16xi32>,
      %get3A_360 = vector.shape_cast %get3A_359 : vector<16xi32> to vector<16xi32>
      %add3A_361 = arith.addi %get3A_357, %get3A_360 : vector<16xi32>
      %swap3A_362 = arith.constant 48 : index
      %swap3A_363 = tpu.vector_load %arg12[%swap3A_362] {strides = array<i32>} : memref<416xi32, #tpu.memory_space<vmem>>, vector<16xi32>,
      %swap3A_364 = vector.shape_cast %swap3A_363 : vector<16xi32> to vector<16xi32>
      %swap3A_365 = vector.shape_cast %add3A_361 : vector<16xi32> to vector<16xi32>
      tpu.vector_store %arg12[%swap3A_362], %swap3A_365 {strides = array<i32>} : memref<416xi32, #tpu.memory_space<vmem>>, vector<16xi32>,
      %get3A_366 = arith.constant 64 : index
      %get3A_367 = tpu.vector_load %arg10[%get3A_366] {strides = array<i32>} : memref<416xi32, #tpu.memory_space<vmem>>, vector<16xi32>,
      %get3A_368 = vector.shape_cast %get3A_367 : vector<16xi32> to vector<16xi32>
      %get3A_369 = arith.constant 64 : index
      %get3A_370 = tpu.vector_load %arg21[%get3A_369] {strides = array<i32>} : memref<208xi32, #tpu.memory_space<vmem>>, vector<16xi32>,
      %get3A_371 = vector.shape_cast %get3A_370 : vector<16xi32> to vector<16xi32>
      %add3A_372 = arith.addi %get3A_368, %get3A_371 : vector<16xi32>
      %swap3A_373 = arith.constant 64 : index
      %swap3A_374 = tpu.vector_load %arg12[%swap3A_373] {strides = array<i32>} : memref<416xi32, #tpu.memory_space<vmem>>, vector<16xi32>,
      %swap3A_375 = vector.shape_cast %swap3A_374 : vector<16xi32> to vector<16xi32>
      %swap3A_376 = vector.shape_cast %add3A_372 : vector<16xi32> to vector<16xi32>
      tpu.vector_store %arg12[%swap3A_373], %swap3A_376 {strides = array<i32>} : memref<416xi32, #tpu.memory_space<vmem>>, vector<16xi32>,
      %get3A_377 = arith.constant 80 : index
      %get3A_378 = tpu.vector_load %arg10[%get3A_377] {strides = array<i32>} : memref<416xi32, #tpu.memory_space<vmem>>, vector<16xi32>,
      %get3A_379 = vector.shape_cast %get3A_378 : vector<16xi32> to vector<16xi32>
      %get3A_380 = arith.constant 80 : index
      %get3A_381 = tpu.vector_load %arg21[%get3A_380] {strides = array<i32>} : memref<208xi32, #tpu.memory_space<vmem>>, vector<16xi32>,
      %get3A_382 = vector.shape_cast %get3A_381 : vector<16xi32> to vector<16xi32>
      %add3A_383 = arith.addi %get3A_379, %get3A_382 : vector<16xi32>
      %swap3A_384 = arith.constant 80 : index
      %swap3A_385 = tpu.vector_load %arg12[%swap3A_384] {strides = array<i32>} : memref<416xi32, #tpu.memory_space<vmem>>, vector<16xi32>,
      %swap3A_386 = vector.shape_cast %swap3A_385 : vector<16xi32> to vector<16xi32>
      %swap3A_387 = vector.shape_cast %add3A_383 : vector<16xi32> to vector<16xi32>
      tpu.vector_store %arg12[%swap3A_384], %swap3A_387 {strides = array<i32>} : memref<416xi32, #tpu.memory_space<vmem>>, vector<16xi32>,
      %get3A_388 = arith.constant 96 : index
      %get3A_389 = tpu.vector_load %arg10[%get3A_388] {strides = array<i32>} : memref<416xi32, #tpu.memory_space<vmem>>, vector<16xi32>,
      %get3A_390 = vector.shape_cast %get3A_389 : vector<16xi32> to vector<16xi32>
      %get3A_391 = arith.constant 96 : index
      %get3A_392 = tpu.vector_load %arg21[%get3A_391] {strides = array<i32>} : memref<208xi32, #tpu.memory_space<vmem>>, vector<16xi32>,
      %get3A_393 = vector.shape_cast %get3A_392 : vector<16xi32> to vector<16xi32>
      %add3A_394 = arith.addi %get3A_390, %get3A_393 : vector<16xi32>
      %swap3A_395 = arith.constant 96 : index
      %swap3A_396 = tpu.vector_load %arg12[%swap3A_395] {strides = array<i32>} : memref<416xi32, #tpu.memory_space<vmem>>, vector<16xi32>,
      %swap3A_397 = vector.shape_cast %swap3A_396 : vector<16xi32> to vector<16xi32>
      %swap3A_398 = vector.shape_cast %add3A_394 : vector<16xi32> to vector<16xi32>
      tpu.vector_store %arg12[%swap3A_395], %swap3A_398 {strides = array<i32>} : memref<416xi32, #tpu.memory_space<vmem>>, vector<16xi32>,
      %get3A_399 = arith.constant 112 : index
      %get3A_400 = tpu.vector_load %arg10[%get3A_399] {strides = array<i32>} : memref<416xi32, #tpu.memory_space<vmem>>, vector<16xi32>,
      %get3A_401 = vector.shape_cast %get3A_400 : vector<16xi32> to vector<16xi32>
      %get3A_402 = arith.constant 112 : index
      %get3A_403 = tpu.vector_load %arg21[%get3A_402] {strides = array<i32>} : memref<208xi32, #tpu.memory_space<vmem>>, vector<16xi32>,
      %get3A_404 = vector.shape_cast %get3A_403 : vector<16xi32> to vector<16xi32>
      %add3A_405 = arith.addi %get3A_401, %get3A_404 : vector<16xi32>
      %swap3A_406 = arith.constant 112 : index
      %swap3A_407 = tpu.vector_load %arg12[%swap3A_406] {strides = array<i32>} : memref<416xi32, #tpu.memory_space<vmem>>, vector<16xi32>,
      %swap3A_408 = vector.shape_cast %swap3A_407 : vector<16xi32> to vector<16xi32>
      %swap3A_409 = vector.shape_cast %add3A_405 : vector<16xi32> to vector<16xi32>
      tpu.vector_store %arg12[%swap3A_406], %swap3A_409 {strides = array<i32>} : memref<416xi32, #tpu.memory_space<vmem>>, vector<16xi32>,
      %get3A_410 = arith.constant 128 : index
      %get3A_411 = tpu.vector_load %arg10[%get3A_410] {strides = array<i32>} : memref<416xi32, #tpu.memory_space<vmem>>, vector<16xi32>,
      %get3A_412 = vector.shape_cast %get3A_411 : vector<16xi32> to vector<16xi32>
      %get3A_413 = arith.constant 128 : index
      %get3A_414 = tpu.vector_load %arg21[%get3A_413] {strides = array<i32>} : memref<208xi32, #tpu.memory_space<vmem>>, vector<16xi32>,
      %get3A_415 = vector.shape_cast %get3A_414 : vector<16xi32> to vector<16xi32>
      %add3A_416 = arith.addi %get3A_412, %get3A_415 : vector<16xi32>
      %swap3A_417 = arith.constant 128 : index
      %swap3A_418 = tpu.vector_load %arg12[%swap3A_417] {strides = array<i32>} : memref<416xi32, #tpu.memory_space<vmem>>, vector<16xi32>,
      %swap3A_419 = vector.shape_cast %swap3A_418 : vector<16xi32> to vector<16xi32>
      %swap3A_420 = vector.shape_cast %add3A_416 : vector<16xi32> to vector<16xi32>
      tpu.vector_store %arg12[%swap3A_417], %swap3A_420 {strides = array<i32>} : memref<416xi32, #tpu.memory_space<vmem>>, vector<16xi32>,
      %get3A_421 = arith.constant 144 : index
      %get3A_422 = tpu.vector_load %arg10[%get3A_421] {strides = array<i32>} : memref<416xi32, #tpu.memory_space<vmem>>, vector<16xi32>,
      %get3A_423 = vector.shape_cast %get3A_422 : vector<16xi32> to vector<16xi32>
      %get3A_424 = arith.constant 144 : index
      %get3A_425 = tpu.vector_load %arg21[%get3A_424] {strides = array<i32>} : memref<208xi32, #tpu.memory_space<vmem>>, vector<16xi32>,
      %get3A_426 = vector.shape_cast %get3A_425 : vector<16xi32> to vector<16xi32>
      %add3A_427 = arith.addi %get3A_423, %get3A_426 : vector<16xi32>
      %swap3A_428 = arith.constant 144 : index
      %swap3A_429 = tpu.vector_load %arg12[%swap3A_428] {strides = array<i32>} : memref<416xi32, #tpu.memory_space<vmem>>, vector<16xi32>,
      %swap3A_430 = vector.shape_cast %swap3A_429 : vector<16xi32> to vector<16xi32>
      %swap3A_431 = vector.shape_cast %add3A_427 : vector<16xi32> to vector<16xi32>
      tpu.vector_store %arg12[%swap3A_428], %swap3A_431 {strides = array<i32>} : memref<416xi32, #tpu.memory_space<vmem>>, vector<16xi32>,
      %get3A_432 = arith.constant 160 : index
      %get3A_433 = tpu.vector_load %arg10[%get3A_432] {strides = array<i32>} : memref<416xi32, #tpu.memory_space<vmem>>, vector<16xi32>,
      %get3A_434 = vector.shape_cast %get3A_433 : vector<16xi32> to vector<16xi32>
      %get3A_435 = arith.constant 160 : index
      %get3A_436 = tpu.vector_load %arg21[%get3A_435] {strides = array<i32>} : memref<208xi32, #tpu.memory_space<vmem>>, vector<16xi32>,
      %get3A_437 = vector.shape_cast %get3A_436 : vector<16xi32> to vector<16xi32>
      %add3A_438 = arith.addi %get3A_434, %get3A_437 : vector<16xi32>
      %swap3A_439 = arith.constant 160 : index
      %swap3A_440 = tpu.vector_load %arg12[%swap3A_439] {strides = array<i32>} : memref<416xi32, #tpu.memory_space<vmem>>, vector<16xi32>,
      %swap3A_441 = vector.shape_cast %swap3A_440 : vector<16xi32> to vector<16xi32>
      %swap3A_442 = vector.shape_cast %add3A_438 : vector<16xi32> to vector<16xi32>
      tpu.vector_store %arg12[%swap3A_439], %swap3A_442 {strides = array<i32>} : memref<416xi32, #tpu.memory_space<vmem>>, vector<16xi32>,
      %get3A_443 = arith.constant 176 : index
      %get3A_444 = tpu.vector_load %arg10[%get3A_443] {strides = array<i32>} : memref<416xi32, #tpu.memory_space<vmem>>, vector<16xi32>,
      %get3A_445 = vector.shape_cast %get3A_444 : vector<16xi32> to vector<16xi32>
      %get3A_446 = arith.constant 176 : index
      %get3A_447 = tpu.vector_load %arg21[%get3A_446] {strides = array<i32>} : memref<208xi32, #tpu.memory_space<vmem>>, vector<16xi32>,
      %get3A_448 = vector.shape_cast %get3A_447 : vector<16xi32> to vector<16xi32>
      %add3A_449 = arith.addi %get3A_445, %get3A_448 : vector<16xi32>
      %swap3A_450 = arith.constant 176 : index
      %swap3A_451 = tpu.vector_load %arg12[%swap3A_450] {strides = array<i32>} : memref<416xi32, #tpu.memory_space<vmem>>, vector<16xi32>,
      %swap3A_452 = vector.shape_cast %swap3A_451 : vector<16xi32> to vector<16xi32>
      %swap3A_453 = vector.shape_cast %add3A_449 : vector<16xi32> to vector<16xi32>
      tpu.vector_store %arg12[%swap3A_450], %swap3A_453 {strides = array<i32>} : memref<416xi32, #tpu.memory_space<vmem>>, vector<16xi32>,
      %get3A_454 = arith.constant 192 : index
      %get3A_455 = tpu.vector_load %arg10[%get3A_454] {strides = array<i32>} : memref<416xi32, #tpu.memory_space<vmem>>, vector<16xi32>,
      %get3A_456 = vector.shape_cast %get3A_455 : vector<16xi32> to vector<16xi32>
      %get3A_457 = arith.constant 192 : index
      %get3A_458 = tpu.vector_load %arg21[%get3A_457] {strides = array<i32>} : memref<208xi32, #tpu.memory_space<vmem>>, vector<16xi32>,
      %get3A_459 = vector.shape_cast %get3A_458 : vector<16xi32> to vector<16xi32>
      %add3A_460 = arith.addi %get3A_456, %get3A_459 : vector<16xi32>
      %swap3A_461 = arith.constant 192 : index
      %swap3A_462 = tpu.vector_load %arg12[%swap3A_461] {strides = array<i32>} : memref<416xi32, #tpu.memory_space<vmem>>, vector<16xi32>,
      %swap3A_463 = vector.shape_cast %swap3A_462 : vector<16xi32> to vector<16xi32>
      %swap3A_464 = vector.shape_cast %add3A_460 : vector<16xi32> to vector<16xi32>
      tpu.vector_store %arg12[%swap3A_461], %swap3A_464 {strides = array<i32>} : memref<416xi32, #tpu.memory_space<vmem>>, vector<16xi32>,
      %get3A_465 = arith.constant 208 : index
      %get3A_466 = tpu.vector_load %arg10[%get3A_465] {strides = array<i32>} : memref<416xi32, #tpu.memory_space<vmem>>, vector<16xi32>,
      %get3A_467 = vector.shape_cast %get3A_466 : vector<16xi32> to vector<16xi32>
      %get3A_468 = arith.constant 0 : index
      %get3A_469 = tpu.vector_load %arg21[%get3A_468] {strides = array<i32>} : memref<208xi32, #tpu.memory_space<vmem>>, vector<16xi32>,
      %get3A_470 = vector.shape_cast %get3A_469 : vector<16xi32> to vector<16xi32>
      %add3A_471 = arith.addi %get3A_467, %get3A_470 : vector<16xi32>
      %swap3A_472 = arith.constant 208 : index
      %swap3A_473 = tpu.vector_load %arg12[%swap3A_472] {strides = array<i32>} : memref<416xi32, #tpu.memory_space<vmem>>, vector<16xi32>,
      %swap3A_474 = vector.shape_cast %swap3A_473 : vector<16xi32> to vector<16xi32>
      %swap3A_475 = vector.shape_cast %add3A_471 : vector<16xi32> to vector<16xi32>
      tpu.vector_store %arg12[%swap3A_472], %swap3A_475 {strides = array<i32>} : memref<416xi32, #tpu.memory_space<vmem>>, vector<16xi32>,
      %get3A_476 = arith.constant 224 : index
      %get3A_477 = tpu.vector_load %arg10[%get3A_476] {strides = array<i32>} : memref<416xi32, #tpu.memory_space<vmem>>, vector<16xi32>,
      %get3A_478 = vector.shape_cast %get3A_477 : vector<16xi32> to vector<16xi32>
      %get3A_479 = arith.constant 16 : index
      %get3A_480 = tpu.vector_load %arg21[%get3A_479] {strides = array<i32>} : memref<208xi32, #tpu.memory_space<vmem>>, vector<16xi32>,
      %get3A_481 = vector.shape_cast %get3A_480 : vector<16xi32> to vector<16xi32>
      %add3A_482 = arith.addi %get3A_478, %get3A_481 : vector<16xi32>
      %swap3A_483 = arith.constant 224 : index
      %swap3A_484 = tpu.vector_load %arg12[%swap3A_483] {strides = array<i32>} : memref<416xi32, #tpu.memory_space<vmem>>, vector<16xi32>,
      %swap3A_485 = vector.shape_cast %swap3A_484 : vector<16xi32> to vector<16xi32>
      %swap3A_486 = vector.shape_cast %add3A_482 : vector<16xi32> to vector<16xi32>
      tpu.vector_store %arg12[%swap3A_483], %swap3A_486 {strides = array<i32>} : memref<416xi32, #tpu.memory_space<vmem>>, vector<16xi32>,
      %get3A_487 = arith.constant 240 : index
      %get3A_488 = tpu.vector_load %arg10[%get3A_487] {strides = array<i32>} : memref<416xi32, #tpu.memory_space<vmem>>, vector<16xi32>,
      %get3A_489 = vector.shape_cast %get3A_488 : vector<16xi32> to vector<16xi32>
      %get3A_490 = arith.constant 32 : index
      %get3A_491 = tpu.vector_load %arg21[%get3A_490] {strides = array<i32>} : memref<208xi32, #tpu.memory_space<vmem>>, vector<16xi32>,
      %get3A_492 = vector.shape_cast %get3A_491 : vector<16xi32> to vector<16xi32>
      %add3A_493 = arith.addi %get3A_489, %get3A_492 : vector<16xi32>
      %swap3A_494 = arith.constant 240 : index
      %swap3A_495 = tpu.vector_load %arg12[%swap3A_494] {strides = array<i32>} : memref<416xi32, #tpu.memory_space<vmem>>, vector<16xi32>,
      %swap3A_496 = vector.shape_cast %swap3A_495 : vector<16xi32> to vector<16xi32>
      %swap3A_497 = vector.shape_cast %add3A_493 : vector<16xi32> to vector<16xi32>
      tpu.vector_store %arg12[%swap3A_494], %swap3A_497 {strides = array<i32>} : memref<416xi32, #tpu.memory_space<vmem>>, vector<16xi32>,
      %get3A_498 = arith.constant 256 : index
      %get3A_499 = tpu.vector_load %arg10[%get3A_498] {strides = array<i32>} : memref<416xi32, #tpu.memory_space<vmem>>, vector<16xi32>,
      %get3A_500 = vector.shape_cast %get3A_499 : vector<16xi32> to vector<16xi32>
      %get3A_501 = arith.constant 48 : index
      %get3A_502 = tpu.vector_load %arg21[%get3A_501] {strides = array<i32>} : memref<208xi32, #tpu.memory_space<vmem>>, vector<16xi32>,
      %get3A_503 = vector.shape_cast %get3A_502 : vector<16xi32> to vector<16xi32>
      %add3A_504 = arith.addi %get3A_500, %get3A_503 : vector<16xi32>
      %swap3A_505 = arith.constant 256 : index
      %swap3A_506 = tpu.vector_load %arg12[%swap3A_505] {strides = array<i32>} : memref<416xi32, #tpu.memory_space<vmem>>, vector<16xi32>,
      %swap3A_507 = vector.shape_cast %swap3A_506 : vector<16xi32> to vector<16xi32>
      %swap3A_508 = vector.shape_cast %add3A_504 : vector<16xi32> to vector<16xi32>
      tpu.vector_store %arg12[%swap3A_505], %swap3A_508 {strides = array<i32>} : memref<416xi32, #tpu.memory_space<vmem>>, vector<16xi32>,
      %get3A_509 = arith.constant 272 : index
      %get3A_510 = tpu.vector_load %arg10[%get3A_509] {strides = array<i32>} : memref<416xi32, #tpu.memory_space<vmem>>, vector<16xi32>,
      %get3A_511 = vector.shape_cast %get3A_510 : vector<16xi32> to vector<16xi32>
      %get3A_512 = arith.constant 64 : index
      %get3A_513 = tpu.vector_load %arg21[%get3A_512] {strides = array<i32>} : memref<208xi32, #tpu.memory_space<vmem>>, vector<16xi32>,
      %get3A_514 = vector.shape_cast %get3A_513 : vector<16xi32> to vector<16xi32>
      %add3A_515 = arith.addi %get3A_511, %get3A_514 : vector<16xi32>
      %swap3A_516 = arith.constant 272 : index
      %swap3A_517 = tpu.vector_load %arg12[%swap3A_516] {strides = array<i32>} : memref<416xi32, #tpu.memory_space<vmem>>, vector<16xi32>,
      %swap3A_518 = vector.shape_cast %swap3A_517 : vector<16xi32> to vector<16xi32>
      %swap3A_519 = vector.shape_cast %add3A_515 : vector<16xi32> to vector<16xi32>
      tpu.vector_store %arg12[%swap3A_516], %swap3A_519 {strides = array<i32>} : memref<416xi32, #tpu.memory_space<vmem>>, vector<16xi32>,
      %get3A_520 = arith.constant 288 : index
      %get3A_521 = tpu.vector_load %arg10[%get3A_520] {strides = array<i32>} : memref<416xi32, #tpu.memory_space<vmem>>, vector<16xi32>,
      %get3A_522 = vector.shape_cast %get3A_521 : vector<16xi32> to vector<16xi32>
      %get3A_523 = arith.constant 80 : index
      %get3A_524 = tpu.vector_load %arg21[%get3A_523] {strides = array<i32>} : memref<208xi32, #tpu.memory_space<vmem>>, vector<16xi32>,
      %get3A_525 = vector.shape_cast %get3A_524 : vector<16xi32> to vector<16xi32>
      %add3A_526 = arith.addi %get3A_522, %get3A_525 : vector<16xi32>
      %swap3A_527 = arith.constant 288 : index
      %swap3A_528 = tpu.vector_load %arg12[%swap3A_527] {strides = array<i32>} : memref<416xi32, #tpu.memory_space<vmem>>, vector<16xi32>,
      %swap3A_529 = vector.shape_cast %swap3A_528 : vector<16xi32> to vector<16xi32>
      %swap3A_530 = vector.shape_cast %add3A_526 : vector<16xi32> to vector<16xi32>
      tpu.vector_store %arg12[%swap3A_527], %swap3A_530 {strides = array<i32>} : memref<416xi32, #tpu.memory_space<vmem>>, vector<16xi32>,
      %get3A_531 = arith.constant 304 : index
      %get3A_532 = tpu.vector_load %arg10[%get3A_531] {strides = array<i32>} : memref<416xi32, #tpu.memory_space<vmem>>, vector<16xi32>,
      %get3A_533 = vector.shape_cast %get3A_532 : vector<16xi32> to vector<16xi32>
      %get3A_534 = arith.constant 96 : index
      %get3A_535 = tpu.vector_load %arg21[%get3A_534] {strides = array<i32>} : memref<208xi32, #tpu.memory_space<vmem>>, vector<16xi32>,
      %get3A_536 = vector.shape_cast %get3A_535 : vector<16xi32> to vector<16xi32>
      %add3A_537 = arith.addi %get3A_533, %get3A_536 : vector<16xi32>
      %swap3A_538 = arith.constant 304 : index
      %swap3A_539 = tpu.vector_load %arg12[%swap3A_538] {strides = array<i32>} : memref<416xi32, #tpu.memory_space<vmem>>, vector<16xi32>,
      %swap3A_540 = vector.shape_cast %swap3A_539 : vector<16xi32> to vector<16xi32>
      %swap3A_541 = vector.shape_cast %add3A_537 : vector<16xi32> to vector<16xi32>
      tpu.vector_store %arg12[%swap3A_538], %swap3A_541 {strides = array<i32>} : memref<416xi32, #tpu.memory_space<vmem>>, vector<16xi32>,
      %get3A_542 = arith.constant 320 : index
      %get3A_543 = tpu.vector_load %arg10[%get3A_542] {strides = array<i32>} : memref<416xi32, #tpu.memory_space<vmem>>, vector<16xi32>,
      %get3A_544 = vector.shape_cast %get3A_543 : vector<16xi32> to vector<16xi32>
      %get3A_545 = arith.constant 112 : index
      %get3A_546 = tpu.vector_load %arg21[%get3A_545] {strides = array<i32>} : memref<208xi32, #tpu.memory_space<vmem>>, vector<16xi32>,
      %get3A_547 = vector.shape_cast %get3A_546 : vector<16xi32> to vector<16xi32>
      %add3A_548 = arith.addi %get3A_544, %get3A_547 : vector<16xi32>
      %swap3A_549 = arith.constant 320 : index
      %swap3A_550 = tpu.vector_load %arg12[%swap3A_549] {strides = array<i32>} : memref<416xi32, #tpu.memory_space<vmem>>, vector<16xi32>,
      %swap3A_551 = vector.shape_cast %swap3A_550 : vector<16xi32> to vector<16xi32>
      %swap3A_552 = vector.shape_cast %add3A_548 : vector<16xi32> to vector<16xi32>
      tpu.vector_store %arg12[%swap3A_549], %swap3A_552 {strides = array<i32>} : memref<416xi32, #tpu.memory_space<vmem>>, vector<16xi32>,
      %get3A_553 = arith.constant 336 : index
      %get3A_554 = tpu.vector_load %arg10[%get3A_553] {strides = array<i32>} : memref<416xi32, #tpu.memory_space<vmem>>, vector<16xi32>,
      %get3A_555 = vector.shape_cast %get3A_554 : vector<16xi32> to vector<16xi32>
      %get3A_556 = arith.constant 128 : index
      %get3A_557 = tpu.vector_load %arg21[%get3A_556] {strides = array<i32>} : memref<208xi32, #tpu.memory_space<vmem>>, vector<16xi32>,
      %get3A_558 = vector.shape_cast %get3A_557 : vector<16xi32> to vector<16xi32>
      %add3A_559 = arith.addi %get3A_555, %get3A_558 : vector<16xi32>
      %swap3A_560 = arith.constant 336 : index
      %swap3A_561 = tpu.vector_load %arg12[%swap3A_560] {strides = array<i32>} : memref<416xi32, #tpu.memory_space<vmem>>, vector<16xi32>,
      %swap3A_562 = vector.shape_cast %swap3A_561 : vector<16xi32> to vector<16xi32>
      %swap3A_563 = vector.shape_cast %add3A_559 : vector<16xi32> to vector<16xi32>
      tpu.vector_store %arg12[%swap3A_560], %swap3A_563 {strides = array<i32>} : memref<416xi32, #tpu.memory_space<vmem>>, vector<16xi32>,
      %get3A_564 = arith.constant 352 : index
      %get3A_565 = tpu.vector_load %arg10[%get3A_564] {strides = array<i32>} : memref<416xi32, #tpu.memory_space<vmem>>, vector<16xi32>,
      %get3A_566 = vector.shape_cast %get3A_565 : vector<16xi32> to vector<16xi32>
      %get3A_567 = arith.constant 144 : index
      %get3A_568 = tpu.vector_load %arg21[%get3A_567] {strides = array<i32>} : memref<208xi32, #tpu.memory_space<vmem>>, vector<16xi32>,
      %get3A_569 = vector.shape_cast %get3A_568 : vector<16xi32> to vector<16xi32>
      %add3A_570 = arith.addi %get3A_566, %get3A_569 : vector<16xi32>
      %swap3A_571 = arith.constant 352 : index
      %swap3A_572 = tpu.vector_load %arg12[%swap3A_571] {strides = array<i32>} : memref<416xi32, #tpu.memory_space<vmem>>, vector<16xi32>,
      %swap3A_573 = vector.shape_cast %swap3A_572 : vector<16xi32> to vector<16xi32>
      %swap3A_574 = vector.shape_cast %add3A_570 : vector<16xi32> to vector<16xi32>
      tpu.vector_store %arg12[%swap3A_571], %swap3A_574 {strides = array<i32>} : memref<416xi32, #tpu.memory_space<vmem>>, vector<16xi32>,
      %get3A_575 = arith.constant 368 : index
      %get3A_576 = tpu.vector_load %arg10[%get3A_575] {strides = array<i32>} : memref<416xi32, #tpu.memory_space<vmem>>, vector<16xi32>,
      %get3A_577 = vector.shape_cast %get3A_576 : vector<16xi32> to vector<16xi32>
      %get3A_578 = arith.constant 160 : index
      %get3A_579 = tpu.vector_load %arg21[%get3A_578] {strides = array<i32>} : memref<208xi32, #tpu.memory_space<vmem>>, vector<16xi32>,
      %get3A_580 = vector.shape_cast %get3A_579 : vector<16xi32> to vector<16xi32>
      %add3A_581 = arith.addi %get3A_577, %get3A_580 : vector<16xi32>
      %swap3A_582 = arith.constant 368 : index
      %swap3A_583 = tpu.vector_load %arg12[%swap3A_582] {strides = array<i32>} : memref<416xi32, #tpu.memory_space<vmem>>, vector<16xi32>,
      %swap3A_584 = vector.shape_cast %swap3A_583 : vector<16xi32> to vector<16xi32>
      %swap3A_585 = vector.shape_cast %add3A_581 : vector<16xi32> to vector<16xi32>
      tpu.vector_store %arg12[%swap3A_582], %swap3A_585 {strides = array<i32>} : memref<416xi32, #tpu.memory_space<vmem>>, vector<16xi32>,
      %get3A_586 = arith.constant 384 : index
      %get3A_587 = tpu.vector_load %arg10[%get3A_586] {strides = array<i32>} : memref<416xi32, #tpu.memory_space<vmem>>, vector<16xi32>,
      %get3A_588 = vector.shape_cast %get3A_587 : vector<16xi32> to vector<16xi32>
      %get3A_589 = arith.constant 176 : index
      %get3A_590 = tpu.vector_load %arg21[%get3A_589] {strides = array<i32>} : memref<208xi32, #tpu.memory_space<vmem>>, vector<16xi32>,
      %get3A_591 = vector.shape_cast %get3A_590 : vector<16xi32> to vector<16xi32>
      %add3A_592 = arith.addi %get3A_588, %get3A_591 : vector<16xi32>
      %swap3A_593 = arith.constant 384 : index
      %swap3A_594 = tpu.vector_load %arg12[%swap3A_593] {strides = array<i32>} : memref<416xi32, #tpu.memory_space<vmem>>, vector<16xi32>,
      %swap3A_595 = vector.shape_cast %swap3A_594 : vector<16xi32> to vector<16xi32>
      %swap3A_596 = vector.shape_cast %add3A_592 : vector<16xi32> to vector<16xi32>
      tpu.vector_store %arg12[%swap3A_593], %swap3A_596 {strides = array<i32>} : memref<416xi32, #tpu.memory_space<vmem>>, vector<16xi32>,
      %get3A_597 = arith.constant 400 : index
      %get3A_598 = tpu.vector_load %arg10[%get3A_597] {strides = array<i32>} : memref<416xi32, #tpu.memory_space<vmem>>, vector<16xi32>,
      %get3A_599 = vector.shape_cast %get3A_598 : vector<16xi32> to vector<16xi32>
      %get3A_600 = arith.constant 192 : index
      %get3A_601 = tpu.vector_load %arg21[%get3A_600] {strides = array<i32>} : memref<208xi32, #tpu.memory_space<vmem>>, vector<16xi32>,
      %get3A_602 = vector.shape_cast %get3A_601 : vector<16xi32> to vector<16xi32>
      %add3A_603 = arith.addi %get3A_599, %get3A_602 : vector<16xi32>
      %swap3A_604 = arith.constant 400 : index
      %swap3A_605 = tpu.vector_load %arg12[%swap3A_604] {strides = array<i32>} : memref<416xi32, #tpu.memory_space<vmem>>, vector<16xi32>,
      %swap3A_606 = vector.shape_cast %swap3A_605 : vector<16xi32> to vector<16xi32>
      %swap3A_607 = vector.shape_cast %add3A_603 : vector<16xi32> to vector<16xi32>
      tpu.vector_store %arg12[%swap3A_604], %swap3A_607 {strides = array<i32>} : memref<416xi32, #tpu.memory_space<vmem>>, vector<16xi32>,
      %dma_start3A_608 = arith.constant 0 : i32
      %dma_start3A_609 = arith.constant 0 : i32
      %dma_start3A_610 = tpu.memref_slice %arg2[%dma_start3A_608, %dma_start3A_609] : memref<2600000x32xf32, #tpu.memory_space<hbm>> -> memref<2600000x32xf32, #tpu.memory_space<hbm>>
      tpu.enqueue_indirect_dma source(%dma_start3A_610 : memref<2600000x32xf32, #tpu.memory_space<hbm>>) target(%arg14 : memref<416x32xf32, #tpu.memory_space<vmem>>) offsets(%arg12 : memref<416xi32, #tpu.memory_space<vmem>>) semaphore(%arg23 : memref<!tpu.dma_semaphore, #tpu.memory_space<semaphore_mem>>)
      %ge3A = arith.constant 1 : i32
      %ge3A_611 = arith.cmpi sge, %scan3A_307, %ge3A : i32
      %mul3A_612 = arith.constant 512 : i32
      %mul3A_613 = arith.muli %add3A, %mul3A_612 : i32
      %mul3A_614 = arith.constant 16 : i32
      %mul3A_615 = arith.muli %mul3A_309, %mul3A_614 : i32
      %add3A_616 = arith.addi %mul3A_613, %mul3A_615 : i32
      %multiple_of3A_617 = tpu.assume_multiple %add3A_616, 16 : i32
      %dma_wait3A_618 = arith.constant 0 : i32
      %dma_wait3A_619 = arith.constant 0 : i32
      %dma_wait3A_620 = tpu.memref_slice %arg2[%dma_wait3A_618, %dma_wait3A_619] : memref<2600000x32xf32, #tpu.memory_space<hbm>> -> memref<416x32xf32, #tpu.memory_space<hbm>>
      %dma_wait3A_621 = arith.constant 0 : i32
      %dma_wait3A_622 = arith.constant 0 : i32
      %dma_wait3A_623 = tpu.memref_slice %arg2[%dma_wait3A_621, %dma_wait3A_622] : memref<2600000x32xf32, #tpu.memory_space<hbm>> -> memref<416x32xf32, #tpu.memory_space<hbm>>
      tpu.wait_dma2 semaphore(%arg22 : memref<!tpu.dma_semaphore, #tpu.memory_space<semaphore_mem>>) src(%dma_wait3A_623 : memref<416x32xf32, #tpu.memory_space<hbm>>) dst(%arg13 : memref<416x32xf32, #tpu.memory_space<vmem>>)
      %convert_element_type3A = arith.extui %ge3A_611 : i1 to i32
      %cond3A = arith.constant 0 : i32
      %cond3A_624 = arith.cmpi ne, %convert_element_type3A, %cond3A : i32
      scf.if %cond3A_624 {
        %dma_wait3A_672 = arith.constant 0 : i32
        %dma_wait3A_673 = tpu.memref_slice %arg8[%dma_wait3A_672] : memref<20447232xf32, #tpu.memory_space<hbm>> -> memref<19968xf32, #tpu.memory_space<hbm>>
        %dma_wait3A_674 = arith.constant 0 : i32
        %dma_wait3A_675 = tpu.memref_slice %arg8[%dma_wait3A_674] : memref<20447232xf32, #tpu.memory_space<hbm>> -> memref<19968xf32, #tpu.memory_space<hbm>>
        tpu.wait_dma2 semaphore(%arg24 : memref<!tpu.dma_semaphore, #tpu.memory_space<semaphore_mem>>) src(%arg17 : memref<19968xf32, #tpu.memory_space<vmem>>) dst(%dma_wait3A_675 : memref<19968xf32, #tpu.memory_space<hbm>>)
      } else {
      }
      %scan3A_625 = arith.constant 0 : i32
      %scan3A_626 = arith.constant 0 : i32
      %scan3A_627 = arith.constant 16 : i32
      %scan3A_628 = arith.addi %scan3A_626, %scan3A_627 : i32
      %scan3A_629 = arith.constant 1 : i32
      scf.for %scan3A_672 = %scan3A_626 to %scan3A_628 step %scan3A_629  : i32 {
        %mul3A_673 = arith.constant 26 : i32
        %mul3A_674 = arith.muli %scan3A_672, %mul3A_673 : i32
        %add3A_675 = arith.constant 0 : i32
        %add3A_676 = arith.addi %mul3A_674, %add3A_675 : i32
        %get3A_677 = arith.index_cast %add3A_676 : i32 to index
        %get3A_678 = arith.constant 0 : index
        %get3A_679 = tpu.vector_load %arg13[%get3A_677, %get3A_678] {strides = array<i32>} : memref<416x32xf32, #tpu.memory_space<vmem>>, vector<1x16xf32>,
        %get3A_680 = vector.shape_cast %get3A_679 : vector<1x16xf32> to vector<16xf32>
        %get3A_681 = arith.constant 13 : i32
        %get3A_682 = arith.index_cast %get3A_681 : i32 to index
        %get3A_683 = arith.constant 0 : index
        %get3A_684 = tpu.vector_load %arg20[%get3A_682, %get3A_683] {strides = array<i32>} : memref<39x32xf32, #tpu.memory_space<vmem>>, vector<1x16xf32>,
        %get3A_685 = vector.shape_cast %get3A_684 : vector<1x16xf32> to vector<16xf32>
        %add3A_686 = arith.addf %get3A_680, %get3A_685 : vector<16xf32>
        %mul3A_687 = arith.constant 39 : i32
        %mul3A_688 = arith.muli %scan3A_672, %mul3A_687 : i32
        %add3A_689 = arith.constant 13 : i32
        %add3A_690 = arith.addi %mul3A_688, %add3A_689 : i32
        %add3A_691 = arith.constant 0 : i32
        %add3A_692 = arith.addi %add3A_690, %add3A_691 : i32
        %mul3A_693 = arith.constant 32 : i32
        %mul3A_694 = arith.muli %add3A_692, %mul3A_693 : i32
        %add3A_695 = arith.constant 0 : i32
        %add3A_696 = arith.addi %mul3A_694, %add3A_695 : i32
        %swap3A_697 = arith.index_cast %add3A_696 : i32 to index
        %swap3A_698 = tpu.vector_load %arg17[%swap3A_697] {strides = array<i32>} : memref<19968xf32, #tpu.memory_space<vmem>>, vector<16xf32>,
        %swap3A_699 = vector.shape_cast %swap3A_698 : vector<16xf32> to vector<16xf32>
        %swap3A_700 = vector.shape_cast %add3A_686 : vector<16xf32> to vector<16xf32>
        tpu.vector_store %arg17[%swap3A_697], %swap3A_700 {strides = array<i32>} : memref<19968xf32, #tpu.memory_space<vmem>>, vector<16xf32>,
        %mul3A_701 = arith.constant 26 : i32
        %mul3A_702 = arith.muli %scan3A_672, %mul3A_701 : i32
        %add3A_703 = arith.constant 0 : i32
        %add3A_704 = arith.addi %mul3A_702, %add3A_703 : i32
        %get3A_705 = arith.index_cast %add3A_704 : i32 to index
        %get3A_706 = arith.constant 16 : index
        %get3A_707 = tpu.vector_load %arg13[%get3A_705, %get3A_706] {strides = array<i32>} : memref<416x32xf32, #tpu.memory_space<vmem>>, vector<1x16xf32>,
        %get3A_708 = vector.shape_cast %get3A_707 : vector<1x16xf32> to vector<16xf32>
        %get3A_709 = arith.constant 13 : i32
        %get3A_710 = arith.index_cast %get3A_709 : i32 to index
        %get3A_711 = arith.constant 16 : index
        %get3A_712 = tpu.vector_load %arg20[%get3A_710, %get3A_711] {strides = array<i32>} : memref<39x32xf32, #tpu.memory_space<vmem>>, vector<1x16xf32>,
        %get3A_713 = vector.shape_cast %get3A_712 : vector<1x16xf32> to vector<16xf32>
        %add3A_714 = arith.addf %get3A_708, %get3A_713 : vector<16xf32>
        %mul3A_715 = arith.constant 39 : i32
        %mul3A_716 = arith.muli %scan3A_672, %mul3A_715 : i32
        %add3A_717 = arith.constant 13 : i32
        %add3A_718 = arith.addi %mul3A_716, %add3A_717 : i32
        %add3A_719 = arith.constant 0 : i32
        %add3A_720 = arith.addi %add3A_718, %add3A_719 : i32
        %mul3A_721 = arith.constant 32 : i32
        %mul3A_722 = arith.muli %add3A_720, %mul3A_721 : i32
        %add3A_723 = arith.constant 16 : i32
        %add3A_724 = arith.addi %mul3A_722, %add3A_723 : i32
        %swap3A_725 = arith.index_cast %add3A_724 : i32 to index
        %swap3A_726 = tpu.vector_load %arg17[%swap3A_725] {strides = array<i32>} : memref<19968xf32, #tpu.memory_space<vmem>>, vector<16xf32>,
        %swap3A_727 = vector.shape_cast %swap3A_726 : vector<16xf32> to vector<16xf32>
        %swap3A_728 = vector.shape_cast %add3A_714 : vector<16xf32> to vector<16xf32>
        tpu.vector_store %arg17[%swap3A_725], %swap3A_728 {strides = array<i32>} : memref<19968xf32, #tpu.memory_space<vmem>>, vector<16xf32>,
        %mul3A_729 = arith.constant 26 : i32
        %mul3A_730 = arith.muli %scan3A_672, %mul3A_729 : i32
        %add3A_731 = arith.constant 1 : i32
        %add3A_732 = arith.addi %mul3A_730, %add3A_731 : i32
        %get3A_733 = arith.index_cast %add3A_732 : i32 to index
        %get3A_734 = arith.constant 0 : index
        %get3A_735 = tpu.vector_load %arg13[%get3A_733, %get3A_734] {strides = array<i32>} : memref<416x32xf32, #tpu.memory_space<vmem>>, vector<1x16xf32>,
        %get3A_736 = vector.shape_cast %get3A_735 : vector<1x16xf32> to vector<16xf32>
        %get3A_737 = arith.constant 14 : i32
        %get3A_738 = arith.index_cast %get3A_737 : i32 to index
        %get3A_739 = arith.constant 0 : index
        %get3A_740 = tpu.vector_load %arg20[%get3A_738, %get3A_739] {strides = array<i32>} : memref<39x32xf32, #tpu.memory_space<vmem>>, vector<1x16xf32>,
        %get3A_741 = vector.shape_cast %get3A_740 : vector<1x16xf32> to vector<16xf32>
        %add3A_742 = arith.addf %get3A_736, %get3A_741 : vector<16xf32>
        %mul3A_743 = arith.constant 39 : i32
        %mul3A_744 = arith.muli %scan3A_672, %mul3A_743 : i32
        %add3A_745 = arith.constant 13 : i32
        %add3A_746 = arith.addi %mul3A_744, %add3A_745 : i32
        %add3A_747 = arith.constant 1 : i32
        %add3A_748 = arith.addi %add3A_746, %add3A_747 : i32
        %mul3A_749 = arith.constant 32 : i32
        %mul3A_750 = arith.muli %add3A_748, %mul3A_749 : i32
        %add3A_751 = arith.constant 0 : i32
        %add3A_752 = arith.addi %mul3A_750, %add3A_751 : i32
        %swap3A_753 = arith.index_cast %add3A_752 : i32 to index
        %swap3A_754 = tpu.vector_load %arg17[%swap3A_753] {strides = array<i32>} : memref<19968xf32, #tpu.memory_space<vmem>>, vector<16xf32>,
        %swap3A_755 = vector.shape_cast %swap3A_754 : vector<16xf32> to vector<16xf32>
        %swap3A_756 = vector.shape_cast %add3A_742 : vector<16xf32> to vector<16xf32>
        tpu.vector_store %arg17[%swap3A_753], %swap3A_756 {strides = array<i32>} : memref<19968xf32, #tpu.memory_space<vmem>>, vector<16xf32>,
        %mul3A_757 = arith.constant 26 : i32
        %mul3A_758 = arith.muli %scan3A_672, %mul3A_757 : i32
        %add3A_759 = arith.constant 1 : i32
        %add3A_760 = arith.addi %mul3A_758, %add3A_759 : i32
        %get3A_761 = arith.index_cast %add3A_760 : i32 to index
        %get3A_762 = arith.constant 16 : index
        %get3A_763 = tpu.vector_load %arg13[%get3A_761, %get3A_762] {strides = array<i32>} : memref<416x32xf32, #tpu.memory_space<vmem>>, vector<1x16xf32>,
        %get3A_764 = vector.shape_cast %get3A_763 : vector<1x16xf32> to vector<16xf32>
        %get3A_765 = arith.constant 14 : i32
        %get3A_766 = arith.index_cast %get3A_765 : i32 to index
        %get3A_767 = arith.constant 16 : index
        %get3A_768 = tpu.vector_load %arg20[%get3A_766, %get3A_767] {strides = array<i32>} : memref<39x32xf32, #tpu.memory_space<vmem>>, vector<1x16xf32>,
        %get3A_769 = vector.shape_cast %get3A_768 : vector<1x16xf32> to vector<16xf32>
        %add3A_770 = arith.addf %get3A_764, %get3A_769 : vector<16xf32>
        %mul3A_771 = arith.constant 39 : i32
        %mul3A_772 = arith.muli %scan3A_672, %mul3A_771 : i32
        %add3A_773 = arith.constant 13 : i32
        %add3A_774 = arith.addi %mul3A_772, %add3A_773 : i32
        %add3A_775 = arith.constant 1 : i32
        %add3A_776 = arith.addi %add3A_774, %add3A_775 : i32
        %mul3A_777 = arith.constant 32 : i32
        %mul3A_778 = arith.muli %add3A_776, %mul3A_777 : i32
        %add3A_779 = arith.constant 16 : i32
        %add3A_780 = arith.addi %mul3A_778, %add3A_779 : i32
        %swap3A_781 = arith.index_cast %add3A_780 : i32 to index
        %swap3A_782 = tpu.vector_load %arg17[%swap3A_781] {strides = array<i32>} : memref<19968xf32, #tpu.memory_space<vmem>>, vector<16xf32>,
        %swap3A_783 = vector.shape_cast %swap3A_782 : vector<16xf32> to vector<16xf32>
        %swap3A_784 = vector.shape_cast %add3A_770 : vector<16xf32> to vector<16xf32>
        tpu.vector_store %arg17[%swap3A_781], %swap3A_784 {strides = array<i32>} : memref<19968xf32, #tpu.memory_space<vmem>>, vector<16xf32>,
        %mul3A_785 = arith.constant 26 : i32
        %mul3A_786 = arith.muli %scan3A_672, %mul3A_785 : i32
        %add3A_787 = arith.constant 2 : i32
        %add3A_788 = arith.addi %mul3A_786, %add3A_787 : i32
        %get3A_789 = arith.index_cast %add3A_788 : i32 to index
        %get3A_790 = arith.constant 0 : index
        %get3A_791 = tpu.vector_load %arg13[%get3A_789, %get3A_790] {strides = array<i32>} : memref<416x32xf32, #tpu.memory_space<vmem>>, vector<1x16xf32>,
        %get3A_792 = vector.shape_cast %get3A_791 : vector<1x16xf32> to vector<16xf32>
        %get3A_793 = arith.constant 15 : i32
        %get3A_794 = arith.index_cast %get3A_793 : i32 to index
        %get3A_795 = arith.constant 0 : index
        %get3A_796 = tpu.vector_load %arg20[%get3A_794, %get3A_795] {strides = array<i32>} : memref<39x32xf32, #tpu.memory_space<vmem>>, vector<1x16xf32>,
        %get3A_797 = vector.shape_cast %get3A_796 : vector<1x16xf32> to vector<16xf32>
        %add3A_798 = arith.addf %get3A_792, %get3A_797 : vector<16xf32>
        %mul3A_799 = arith.constant 39 : i32
        %mul3A_800 = arith.muli %scan3A_672, %mul3A_799 : i32
        %add3A_801 = arith.constant 13 : i32
        %add3A_802 = arith.addi %mul3A_800, %add3A_801 : i32
        %add3A_803 = arith.constant 2 : i32
        %add3A_804 = arith.addi %add3A_802, %add3A_803 : i32
        %mul3A_805 = arith.constant 32 : i32
        %mul3A_806 = arith.muli %add3A_804, %mul3A_805 : i32
        %add3A_807 = arith.constant 0 : i32
        %add3A_808 = arith.addi %mul3A_806, %add3A_807 : i32
        %swap3A_809 = arith.index_cast %add3A_808 : i32 to index
        %swap3A_810 = tpu.vector_load %arg17[%swap3A_809] {strides = array<i32>} : memref<19968xf32, #tpu.memory_space<vmem>>, vector<16xf32>,
        %swap3A_811 = vector.shape_cast %swap3A_810 : vector<16xf32> to vector<16xf32>
        %swap3A_812 = vector.shape_cast %add3A_798 : vector<16xf32> to vector<16xf32>
        tpu.vector_store %arg17[%swap3A_809], %swap3A_812 {strides = array<i32>} : memref<19968xf32, #tpu.memory_space<vmem>>, vector<16xf32>,
        %mul3A_813 = arith.constant 26 : i32
        %mul3A_814 = arith.muli %scan3A_672, %mul3A_813 : i32
        %add3A_815 = arith.constant 2 : i32
        %add3A_816 = arith.addi %mul3A_814, %add3A_815 : i32
        %get3A_817 = arith.index_cast %add3A_816 : i32 to index
        %get3A_818 = arith.constant 16 : index
        %get3A_819 = tpu.vector_load %arg13[%get3A_817, %get3A_818] {strides = array<i32>} : memref<416x32xf32, #tpu.memory_space<vmem>>, vector<1x16xf32>,
        %get3A_820 = vector.shape_cast %get3A_819 : vector<1x16xf32> to vector<16xf32>
        %get3A_821 = arith.constant 15 : i32
        %get3A_822 = arith.index_cast %get3A_821 : i32 to index
        %get3A_823 = arith.constant 16 : index
        %get3A_824 = tpu.vector_load %arg20[%get3A_822, %get3A_823] {strides = array<i32>} : memref<39x32xf32, #tpu.memory_space<vmem>>, vector<1x16xf32>,
        %get3A_825 = vector.shape_cast %get3A_824 : vector<1x16xf32> to vector<16xf32>
        %add3A_826 = arith.addf %get3A_820, %get3A_825 : vector<16xf32>
        %mul3A_827 = arith.constant 39 : i32
        %mul3A_828 = arith.muli %scan3A_672, %mul3A_827 : i32
        %add3A_829 = arith.constant 13 : i32
        %add3A_830 = arith.addi %mul3A_828, %add3A_829 : i32
        %add3A_831 = arith.constant 2 : i32
        %add3A_832 = arith.addi %add3A_830, %add3A_831 : i32
        %mul3A_833 = arith.constant 32 : i32
        %mul3A_834 = arith.muli %add3A_832, %mul3A_833 : i32
        %add3A_835 = arith.constant 16 : i32
        %add3A_836 = arith.addi %mul3A_834, %add3A_835 : i32
        %swap3A_837 = arith.index_cast %add3A_836 : i32 to index
        %swap3A_838 = tpu.vector_load %arg17[%swap3A_837] {strides = array<i32>} : memref<19968xf32, #tpu.memory_space<vmem>>, vector<16xf32>,
        %swap3A_839 = vector.shape_cast %swap3A_838 : vector<16xf32> to vector<16xf32>
        %swap3A_840 = vector.shape_cast %add3A_826 : vector<16xf32> to vector<16xf32>
        tpu.vector_store %arg17[%swap3A_837], %swap3A_840 {strides = array<i32>} : memref<19968xf32, #tpu.memory_space<vmem>>, vector<16xf32>,
        %mul3A_841 = arith.constant 26 : i32
        %mul3A_842 = arith.muli %scan3A_672, %mul3A_841 : i32
        %add3A_843 = arith.constant 3 : i32
        %add3A_844 = arith.addi %mul3A_842, %add3A_843 : i32
        %get3A_845 = arith.index_cast %add3A_844 : i32 to index
        %get3A_846 = arith.constant 0 : index
        %get3A_847 = tpu.vector_load %arg13[%get3A_845, %get3A_846] {strides = array<i32>} : memref<416x32xf32, #tpu.memory_space<vmem>>, vector<1x16xf32>,
        %get3A_848 = vector.shape_cast %get3A_847 : vector<1x16xf32> to vector<16xf32>
        %get3A_849 = arith.constant 16 : i32
        %get3A_850 = arith.index_cast %get3A_849 : i32 to index
        %get3A_851 = arith.constant 0 : index
        %get3A_852 = tpu.vector_load %arg20[%get3A_850, %get3A_851] {strides = array<i32>} : memref<39x32xf32, #tpu.memory_space<vmem>>, vector<1x16xf32>,
        %get3A_853 = vector.shape_cast %get3A_852 : vector<1x16xf32> to vector<16xf32>
        %add3A_854 = arith.addf %get3A_848, %get3A_853 : vector<16xf32>
        %mul3A_855 = arith.constant 39 : i32
        %mul3A_856 = arith.muli %scan3A_672, %mul3A_855 : i32
        %add3A_857 = arith.constant 13 : i32
        %add3A_858 = arith.addi %mul3A_856, %add3A_857 : i32
        %add3A_859 = arith.constant 3 : i32
        %add3A_860 = arith.addi %add3A_858, %add3A_859 : i32
        %mul3A_861 = arith.constant 32 : i32
        %mul3A_862 = arith.muli %add3A_860, %mul3A_861 : i32
        %add3A_863 = arith.constant 0 : i32
        %add3A_864 = arith.addi %mul3A_862, %add3A_863 : i32
        %swap3A_865 = arith.index_cast %add3A_864 : i32 to index
        %swap3A_866 = tpu.vector_load %arg17[%swap3A_865] {strides = array<i32>} : memref<19968xf32, #tpu.memory_space<vmem>>, vector<16xf32>,
        %swap3A_867 = vector.shape_cast %swap3A_866 : vector<16xf32> to vector<16xf32>
        %swap3A_868 = vector.shape_cast %add3A_854 : vector<16xf32> to vector<16xf32>
        tpu.vector_store %arg17[%swap3A_865], %swap3A_868 {strides = array<i32>} : memref<19968xf32, #tpu.memory_space<vmem>>, vector<16xf32>,
        %mul3A_869 = arith.constant 26 : i32
        %mul3A_870 = arith.muli %scan3A_672, %mul3A_869 : i32
        %add3A_871 = arith.constant 3 : i32
        %add3A_872 = arith.addi %mul3A_870, %add3A_871 : i32
        %get3A_873 = arith.index_cast %add3A_872 : i32 to index
        %get3A_874 = arith.constant 16 : index
        %get3A_875 = tpu.vector_load %arg13[%get3A_873, %get3A_874] {strides = array<i32>} : memref<416x32xf32, #tpu.memory_space<vmem>>, vector<1x16xf32>,
        %get3A_876 = vector.shape_cast %get3A_875 : vector<1x16xf32> to vector<16xf32>
        %get3A_877 = arith.constant 16 : i32
        %get3A_878 = arith.index_cast %get3A_877 : i32 to index
        %get3A_879 = arith.constant 16 : index
        %get3A_880 = tpu.vector_load %arg20[%get3A_878, %get3A_879] {strides = array<i32>} : memref<39x32xf32, #tpu.memory_space<vmem>>, vector<1x16xf32>,
        %get3A_881 = vector.shape_cast %get3A_880 : vector<1x16xf32> to vector<16xf32>
        %add3A_882 = arith.addf %get3A_876, %get3A_881 : vector<16xf32>
        %mul3A_883 = arith.constant 39 : i32
        %mul3A_884 = arith.muli %scan3A_672, %mul3A_883 : i32
        %add3A_885 = arith.constant 13 : i32
        %add3A_886 = arith.addi %mul3A_884, %add3A_885 : i32
        %add3A_887 = arith.constant 3 : i32
        %add3A_888 = arith.addi %add3A_886, %add3A_887 : i32
        %mul3A_889 = arith.constant 32 : i32
        %mul3A_890 = arith.muli %add3A_888, %mul3A_889 : i32
        %add3A_891 = arith.constant 16 : i32
        %add3A_892 = arith.addi %mul3A_890, %add3A_891 : i32
        %swap3A_893 = arith.index_cast %add3A_892 : i32 to index
        %swap3A_894 = tpu.vector_load %arg17[%swap3A_893] {strides = array<i32>} : memref<19968xf32, #tpu.memory_space<vmem>>, vector<16xf32>,
        %swap3A_895 = vector.shape_cast %swap3A_894 : vector<16xf32> to vector<16xf32>
        %swap3A_896 = vector.shape_cast %add3A_882 : vector<16xf32> to vector<16xf32>
        tpu.vector_store %arg17[%swap3A_893], %swap3A_896 {strides = array<i32>} : memref<19968xf32, #tpu.memory_space<vmem>>, vector<16xf32>,
        %mul3A_897 = arith.constant 26 : i32
        %mul3A_898 = arith.muli %scan3A_672, %mul3A_897 : i32
        %add3A_899 = arith.constant 4 : i32
        %add3A_900 = arith.addi %mul3A_898, %add3A_899 : i32
        %get3A_901 = arith.index_cast %add3A_900 : i32 to index
        %get3A_902 = arith.constant 0 : index
        %get3A_903 = tpu.vector_load %arg13[%get3A_901, %get3A_902] {strides = array<i32>} : memref<416x32xf32, #tpu.memory_space<vmem>>, vector<1x16xf32>,
        %get3A_904 = vector.shape_cast %get3A_903 : vector<1x16xf32> to vector<16xf32>
        %get3A_905 = arith.constant 17 : i32
        %get3A_906 = arith.index_cast %get3A_905 : i32 to index
        %get3A_907 = arith.constant 0 : index
        %get3A_908 = tpu.vector_load %arg20[%get3A_906, %get3A_907] {strides = array<i32>} : memref<39x32xf32, #tpu.memory_space<vmem>>, vector<1x16xf32>,
        %get3A_909 = vector.shape_cast %get3A_908 : vector<1x16xf32> to vector<16xf32>
        %add3A_910 = arith.addf %get3A_904, %get3A_909 : vector<16xf32>
        %mul3A_911 = arith.constant 39 : i32
        %mul3A_912 = arith.muli %scan3A_672, %mul3A_911 : i32
        %add3A_913 = arith.constant 13 : i32
        %add3A_914 = arith.addi %mul3A_912, %add3A_913 : i32
        %add3A_915 = arith.constant 4 : i32
        %add3A_916 = arith.addi %add3A_914, %add3A_915 : i32
        %mul3A_917 = arith.constant 32 : i32
        %mul3A_918 = arith.muli %add3A_916, %mul3A_917 : i32
        %add3A_919 = arith.constant 0 : i32
        %add3A_920 = arith.addi %mul3A_918, %add3A_919 : i32
        %swap3A_921 = arith.index_cast %add3A_920 : i32 to index
        %swap3A_922 = tpu.vector_load %arg17[%swap3A_921] {strides = array<i32>} : memref<19968xf32, #tpu.memory_space<vmem>>, vector<16xf32>,
        %swap3A_923 = vector.shape_cast %swap3A_922 : vector<16xf32> to vector<16xf32>
        %swap3A_924 = vector.shape_cast %add3A_910 : vector<16xf32> to vector<16xf32>
        tpu.vector_store %arg17[%swap3A_921], %swap3A_924 {strides = array<i32>} : memref<19968xf32, #tpu.memory_space<vmem>>, vector<16xf32>,
        %mul3A_925 = arith.constant 26 : i32
        %mul3A_926 = arith.muli %scan3A_672, %mul3A_925 : i32
        %add3A_927 = arith.constant 4 : i32
        %add3A_928 = arith.addi %mul3A_926, %add3A_927 : i32
        %get3A_929 = arith.index_cast %add3A_928 : i32 to index
        %get3A_930 = arith.constant 16 : index
        %get3A_931 = tpu.vector_load %arg13[%get3A_929, %get3A_930] {strides = array<i32>} : memref<416x32xf32, #tpu.memory_space<vmem>>, vector<1x16xf32>,
        %get3A_932 = vector.shape_cast %get3A_931 : vector<1x16xf32> to vector<16xf32>
        %get3A_933 = arith.constant 17 : i32
        %get3A_934 = arith.index_cast %get3A_933 : i32 to index
        %get3A_935 = arith.constant 16 : index
        %get3A_936 = tpu.vector_load %arg20[%get3A_934, %get3A_935] {strides = array<i32>} : memref<39x32xf32, #tpu.memory_space<vmem>>, vector<1x16xf32>,
        %get3A_937 = vector.shape_cast %get3A_936 : vector<1x16xf32> to vector<16xf32>
        %add3A_938 = arith.addf %get3A_932, %get3A_937 : vector<16xf32>
        %mul3A_939 = arith.constant 39 : i32
        %mul3A_940 = arith.muli %scan3A_672, %mul3A_939 : i32
        %add3A_941 = arith.constant 13 : i32
        %add3A_942 = arith.addi %mul3A_940, %add3A_941 : i32
        %add3A_943 = arith.constant 4 : i32
        %add3A_944 = arith.addi %add3A_942, %add3A_943 : i32
        %mul3A_945 = arith.constant 32 : i32
        %mul3A_946 = arith.muli %add3A_944, %mul3A_945 : i32
        %add3A_947 = arith.constant 16 : i32
        %add3A_948 = arith.addi %mul3A_946, %add3A_947 : i32
        %swap3A_949 = arith.index_cast %add3A_948 : i32 to index
        %swap3A_950 = tpu.vector_load %arg17[%swap3A_949] {strides = array<i32>} : memref<19968xf32, #tpu.memory_space<vmem>>, vector<16xf32>,
        %swap3A_951 = vector.shape_cast %swap3A_950 : vector<16xf32> to vector<16xf32>
        %swap3A_952 = vector.shape_cast %add3A_938 : vector<16xf32> to vector<16xf32>
        tpu.vector_store %arg17[%swap3A_949], %swap3A_952 {strides = array<i32>} : memref<19968xf32, #tpu.memory_space<vmem>>, vector<16xf32>,
        %mul3A_953 = arith.constant 26 : i32
        %mul3A_954 = arith.muli %scan3A_672, %mul3A_953 : i32
        %add3A_955 = arith.constant 5 : i32
        %add3A_956 = arith.addi %mul3A_954, %add3A_955 : i32
        %get3A_957 = arith.index_cast %add3A_956 : i32 to index
        %get3A_958 = arith.constant 0 : index
        %get3A_959 = tpu.vector_load %arg13[%get3A_957, %get3A_958] {strides = array<i32>} : memref<416x32xf32, #tpu.memory_space<vmem>>, vector<1x16xf32>,
        %get3A_960 = vector.shape_cast %get3A_959 : vector<1x16xf32> to vector<16xf32>
        %get3A_961 = arith.constant 18 : i32
        %get3A_962 = arith.index_cast %get3A_961 : i32 to index
        %get3A_963 = arith.constant 0 : index
        %get3A_964 = tpu.vector_load %arg20[%get3A_962, %get3A_963] {strides = array<i32>} : memref<39x32xf32, #tpu.memory_space<vmem>>, vector<1x16xf32>,
        %get3A_965 = vector.shape_cast %get3A_964 : vector<1x16xf32> to vector<16xf32>
        %add3A_966 = arith.addf %get3A_960, %get3A_965 : vector<16xf32>
        %mul3A_967 = arith.constant 39 : i32
        %mul3A_968 = arith.muli %scan3A_672, %mul3A_967 : i32
        %add3A_969 = arith.constant 13 : i32
        %add3A_970 = arith.addi %mul3A_968, %add3A_969 : i32
        %add3A_971 = arith.constant 5 : i32
        %add3A_972 = arith.addi %add3A_970, %add3A_971 : i32
        %mul3A_973 = arith.constant 32 : i32
        %mul3A_974 = arith.muli %add3A_972, %mul3A_973 : i32
        %add3A_975 = arith.constant 0 : i32
        %add3A_976 = arith.addi %mul3A_974, %add3A_975 : i32
        %swap3A_977 = arith.index_cast %add3A_976 : i32 to index
        %swap3A_978 = tpu.vector_load %arg17[%swap3A_977] {strides = array<i32>} : memref<19968xf32, #tpu.memory_space<vmem>>, vector<16xf32>,
        %swap3A_979 = vector.shape_cast %swap3A_978 : vector<16xf32> to vector<16xf32>
        %swap3A_980 = vector.shape_cast %add3A_966 : vector<16xf32> to vector<16xf32>
        tpu.vector_store %arg17[%swap3A_977], %swap3A_980 {strides = array<i32>} : memref<19968xf32, #tpu.memory_space<vmem>>, vector<16xf32>,
        %mul3A_981 = arith.constant 26 : i32
        %mul3A_982 = arith.muli %scan3A_672, %mul3A_981 : i32
        %add3A_983 = arith.constant 5 : i32
        %add3A_984 = arith.addi %mul3A_982, %add3A_983 : i32
        %get3A_985 = arith.index_cast %add3A_984 : i32 to index
        %get3A_986 = arith.constant 16 : index
        %get3A_987 = tpu.vector_load %arg13[%get3A_985, %get3A_986] {strides = array<i32>} : memref<416x32xf32, #tpu.memory_space<vmem>>, vector<1x16xf32>,
        %get3A_988 = vector.shape_cast %get3A_987 : vector<1x16xf32> to vector<16xf32>
        %get3A_989 = arith.constant 18 : i32
        %get3A_990 = arith.index_cast %get3A_989 : i32 to index
        %get3A_991 = arith.constant 16 : index
        %get3A_992 = tpu.vector_load %arg20[%get3A_990, %get3A_991] {strides = array<i32>} : memref<39x32xf32, #tpu.memory_space<vmem>>, vector<1x16xf32>,
        %get3A_993 = vector.shape_cast %get3A_992 : vector<1x16xf32> to vector<16xf32>
        %add3A_994 = arith.addf %get3A_988, %get3A_993 : vector<16xf32>
        %mul3A_995 = arith.constant 39 : i32
        %mul3A_996 = arith.muli %scan3A_672, %mul3A_995 : i32
        %add3A_997 = arith.constant 13 : i32
        %add3A_998 = arith.addi %mul3A_996, %add3A_997 : i32
        %add3A_999 = arith.constant 5 : i32
        %add3A_1000 = arith.addi %add3A_998, %add3A_999 : i32
        %mul3A_1001 = arith.constant 32 : i32
        %mul3A_1002 = arith.muli %add3A_1000, %mul3A_1001 : i32
        %add3A_1003 = arith.constant 16 : i32
        %add3A_1004 = arith.addi %mul3A_1002, %add3A_1003 : i32
        %swap3A_1005 = arith.index_cast %add3A_1004 : i32 to index
        %swap3A_1006 = tpu.vector_load %arg17[%swap3A_1005] {strides = array<i32>} : memref<19968xf32, #tpu.memory_space<vmem>>, vector<16xf32>,
        %swap3A_1007 = vector.shape_cast %swap3A_1006 : vector<16xf32> to vector<16xf32>
        %swap3A_1008 = vector.shape_cast %add3A_994 : vector<16xf32> to vector<16xf32>
        tpu.vector_store %arg17[%swap3A_1005], %swap3A_1008 {strides = array<i32>} : memref<19968xf32, #tpu.memory_space<vmem>>, vector<16xf32>,
        %mul3A_1009 = arith.constant 26 : i32
        %mul3A_1010 = arith.muli %scan3A_672, %mul3A_1009 : i32
        %add3A_1011 = arith.constant 6 : i32
        %add3A_1012 = arith.addi %mul3A_1010, %add3A_1011 : i32
        %get3A_1013 = arith.index_cast %add3A_1012 : i32 to index
        %get3A_1014 = arith.constant 0 : index
        %get3A_1015 = tpu.vector_load %arg13[%get3A_1013, %get3A_1014] {strides = array<i32>} : memref<416x32xf32, #tpu.memory_space<vmem>>, vector<1x16xf32>,
        %get3A_1016 = vector.shape_cast %get3A_1015 : vector<1x16xf32> to vector<16xf32>
        %get3A_1017 = arith.constant 19 : i32
        %get3A_1018 = arith.index_cast %get3A_1017 : i32 to index
        %get3A_1019 = arith.constant 0 : index
        %get3A_1020 = tpu.vector_load %arg20[%get3A_1018, %get3A_1019] {strides = array<i32>} : memref<39x32xf32, #tpu.memory_space<vmem>>, vector<1x16xf32>,
        %get3A_1021 = vector.shape_cast %get3A_1020 : vector<1x16xf32> to vector<16xf32>
        %add3A_1022 = arith.addf %get3A_1016, %get3A_1021 : vector<16xf32>
        %mul3A_1023 = arith.constant 39 : i32
        %mul3A_1024 = arith.muli %scan3A_672, %mul3A_1023 : i32
        %add3A_1025 = arith.constant 13 : i32
        %add3A_1026 = arith.addi %mul3A_1024, %add3A_1025 : i32
        %add3A_1027 = arith.constant 6 : i32
        %add3A_1028 = arith.addi %add3A_1026, %add3A_1027 : i32
        %mul3A_1029 = arith.constant 32 : i32
        %mul3A_1030 = arith.muli %add3A_1028, %mul3A_1029 : i32
        %add3A_1031 = arith.constant 0 : i32
        %add3A_1032 = arith.addi %mul3A_1030, %add3A_1031 : i32
        %swap3A_1033 = arith.index_cast %add3A_1032 : i32 to index
        %swap3A_1034 = tpu.vector_load %arg17[%swap3A_1033] {strides = array<i32>} : memref<19968xf32, #tpu.memory_space<vmem>>, vector<16xf32>,
        %swap3A_1035 = vector.shape_cast %swap3A_1034 : vector<16xf32> to vector<16xf32>
        %swap3A_1036 = vector.shape_cast %add3A_1022 : vector<16xf32> to vector<16xf32>
        tpu.vector_store %arg17[%swap3A_1033], %swap3A_1036 {strides = array<i32>} : memref<19968xf32, #tpu.memory_space<vmem>>, vector<16xf32>,
        %mul3A_1037 = arith.constant 26 : i32
        %mul3A_1038 = arith.muli %scan3A_672, %mul3A_1037 : i32
        %add3A_1039 = arith.constant 6 : i32
        %add3A_1040 = arith.addi %mul3A_1038, %add3A_1039 : i32
        %get3A_1041 = arith.index_cast %add3A_1040 : i32 to index
        %get3A_1042 = arith.constant 16 : index
        %get3A_1043 = tpu.vector_load %arg13[%get3A_1041, %get3A_1042] {strides = array<i32>} : memref<416x32xf32, #tpu.memory_space<vmem>>, vector<1x16xf32>,
        %get3A_1044 = vector.shape_cast %get3A_1043 : vector<1x16xf32> to vector<16xf32>
        %get3A_1045 = arith.constant 19 : i32
        %get3A_1046 = arith.index_cast %get3A_1045 : i32 to index
        %get3A_1047 = arith.constant 16 : index
        %get3A_1048 = tpu.vector_load %arg20[%get3A_1046, %get3A_1047] {strides = array<i32>} : memref<39x32xf32, #tpu.memory_space<vmem>>, vector<1x16xf32>,
        %get3A_1049 = vector.shape_cast %get3A_1048 : vector<1x16xf32> to vector<16xf32>
        %add3A_1050 = arith.addf %get3A_1044, %get3A_1049 : vector<16xf32>
        %mul3A_1051 = arith.constant 39 : i32
        %mul3A_1052 = arith.muli %scan3A_672, %mul3A_1051 : i32
        %add3A_1053 = arith.constant 13 : i32
        %add3A_1054 = arith.addi %mul3A_1052, %add3A_1053 : i32
        %add3A_1055 = arith.constant 6 : i32
        %add3A_1056 = arith.addi %add3A_1054, %add3A_1055 : i32
        %mul3A_1057 = arith.constant 32 : i32
        %mul3A_1058 = arith.muli %add3A_1056, %mul3A_1057 : i32
        %add3A_1059 = arith.constant 16 : i32
        %add3A_1060 = arith.addi %mul3A_1058, %add3A_1059 : i32
        %swap3A_1061 = arith.index_cast %add3A_1060 : i32 to index
        %swap3A_1062 = tpu.vector_load %arg17[%swap3A_1061] {strides = array<i32>} : memref<19968xf32, #tpu.memory_space<vmem>>, vector<16xf32>,
        %swap3A_1063 = vector.shape_cast %swap3A_1062 : vector<16xf32> to vector<16xf32>
        %swap3A_1064 = vector.shape_cast %add3A_1050 : vector<16xf32> to vector<16xf32>
        tpu.vector_store %arg17[%swap3A_1061], %swap3A_1064 {strides = array<i32>} : memref<19968xf32, #tpu.memory_space<vmem>>, vector<16xf32>,
        %mul3A_1065 = arith.constant 26 : i32
        %mul3A_1066 = arith.muli %scan3A_672, %mul3A_1065 : i32
        %add3A_1067 = arith.constant 7 : i32
        %add3A_1068 = arith.addi %mul3A_1066, %add3A_1067 : i32
        %get3A_1069 = arith.index_cast %add3A_1068 : i32 to index
        %get3A_1070 = arith.constant 0 : index
        %get3A_1071 = tpu.vector_load %arg13[%get3A_1069, %get3A_1070] {strides = array<i32>} : memref<416x32xf32, #tpu.memory_space<vmem>>, vector<1x16xf32>,
        %get3A_1072 = vector.shape_cast %get3A_1071 : vector<1x16xf32> to vector<16xf32>
        %get3A_1073 = arith.constant 20 : i32
        %get3A_1074 = arith.index_cast %get3A_1073 : i32 to index
        %get3A_1075 = arith.constant 0 : index
        %get3A_1076 = tpu.vector_load %arg20[%get3A_1074, %get3A_1075] {strides = array<i32>} : memref<39x32xf32, #tpu.memory_space<vmem>>, vector<1x16xf32>,
        %get3A_1077 = vector.shape_cast %get3A_1076 : vector<1x16xf32> to vector<16xf32>
        %add3A_1078 = arith.addf %get3A_1072, %get3A_1077 : vector<16xf32>
        %mul3A_1079 = arith.constant 39 : i32
        %mul3A_1080 = arith.muli %scan3A_672, %mul3A_1079 : i32
        %add3A_1081 = arith.constant 13 : i32
        %add3A_1082 = arith.addi %mul3A_1080, %add3A_1081 : i32
        %add3A_1083 = arith.constant 7 : i32
        %add3A_1084 = arith.addi %add3A_1082, %add3A_1083 : i32
        %mul3A_1085 = arith.constant 32 : i32
        %mul3A_1086 = arith.muli %add3A_1084, %mul3A_1085 : i32
        %add3A_1087 = arith.constant 0 : i32
        %add3A_1088 = arith.addi %mul3A_1086, %add3A_1087 : i32
        %swap3A_1089 = arith.index_cast %add3A_1088 : i32 to index
        %swap3A_1090 = tpu.vector_load %arg17[%swap3A_1089] {strides = array<i32>} : memref<19968xf32, #tpu.memory_space<vmem>>, vector<16xf32>,
        %swap3A_1091 = vector.shape_cast %swap3A_1090 : vector<16xf32> to vector<16xf32>
        %swap3A_1092 = vector.shape_cast %add3A_1078 : vector<16xf32> to vector<16xf32>
        tpu.vector_store %arg17[%swap3A_1089], %swap3A_1092 {strides = array<i32>} : memref<19968xf32, #tpu.memory_space<vmem>>, vector<16xf32>,
        %mul3A_1093 = arith.constant 26 : i32
        %mul3A_1094 = arith.muli %scan3A_672, %mul3A_1093 : i32
        %add3A_1095 = arith.constant 7 : i32
        %add3A_1096 = arith.addi %mul3A_1094, %add3A_1095 : i32
        %get3A_1097 = arith.index_cast %add3A_1096 : i32 to index
        %get3A_1098 = arith.constant 16 : index
        %get3A_1099 = tpu.vector_load %arg13[%get3A_1097, %get3A_1098] {strides = array<i32>} : memref<416x32xf32, #tpu.memory_space<vmem>>, vector<1x16xf32>,
        %get3A_1100 = vector.shape_cast %get3A_1099 : vector<1x16xf32> to vector<16xf32>
        %get3A_1101 = arith.constant 20 : i32
        %get3A_1102 = arith.index_cast %get3A_1101 : i32 to index
        %get3A_1103 = arith.constant 16 : index
        %get3A_1104 = tpu.vector_load %arg20[%get3A_1102, %get3A_1103] {strides = array<i32>} : memref<39x32xf32, #tpu.memory_space<vmem>>, vector<1x16xf32>,
        %get3A_1105 = vector.shape_cast %get3A_1104 : vector<1x16xf32> to vector<16xf32>
        %add3A_1106 = arith.addf %get3A_1100, %get3A_1105 : vector<16xf32>
        %mul3A_1107 = arith.constant 39 : i32
        %mul3A_1108 = arith.muli %scan3A_672, %mul3A_1107 : i32
        %add3A_1109 = arith.constant 13 : i32
        %add3A_1110 = arith.addi %mul3A_1108, %add3A_1109 : i32
        %add3A_1111 = arith.constant 7 : i32
        %add3A_1112 = arith.addi %add3A_1110, %add3A_1111 : i32
        %mul3A_1113 = arith.constant 32 : i32
        %mul3A_1114 = arith.muli %add3A_1112, %mul3A_1113 : i32
        %add3A_1115 = arith.constant 16 : i32
        %add3A_1116 = arith.addi %mul3A_1114, %add3A_1115 : i32
        %swap3A_1117 = arith.index_cast %add3A_1116 : i32 to index
        %swap3A_1118 = tpu.vector_load %arg17[%swap3A_1117] {strides = array<i32>} : memref<19968xf32, #tpu.memory_space<vmem>>, vector<16xf32>,
        %swap3A_1119 = vector.shape_cast %swap3A_1118 : vector<16xf32> to vector<16xf32>
        %swap3A_1120 = vector.shape_cast %add3A_1106 : vector<16xf32> to vector<16xf32>
        tpu.vector_store %arg17[%swap3A_1117], %swap3A_1120 {strides = array<i32>} : memref<19968xf32, #tpu.memory_space<vmem>>, vector<16xf32>,
        %mul3A_1121 = arith.constant 26 : i32
        %mul3A_1122 = arith.muli %scan3A_672, %mul3A_1121 : i32
        %add3A_1123 = arith.constant 8 : i32
        %add3A_1124 = arith.addi %mul3A_1122, %add3A_1123 : i32
        %get3A_1125 = arith.index_cast %add3A_1124 : i32 to index
        %get3A_1126 = arith.constant 0 : index
        %get3A_1127 = tpu.vector_load %arg13[%get3A_1125, %get3A_1126] {strides = array<i32>} : memref<416x32xf32, #tpu.memory_space<vmem>>, vector<1x16xf32>,
        %get3A_1128 = vector.shape_cast %get3A_1127 : vector<1x16xf32> to vector<16xf32>
        %get3A_1129 = arith.constant 21 : i32
        %get3A_1130 = arith.index_cast %get3A_1129 : i32 to index
        %get3A_1131 = arith.constant 0 : index
        %get3A_1132 = tpu.vector_load %arg20[%get3A_1130, %get3A_1131] {strides = array<i32>} : memref<39x32xf32, #tpu.memory_space<vmem>>, vector<1x16xf32>,
        %get3A_1133 = vector.shape_cast %get3A_1132 : vector<1x16xf32> to vector<16xf32>
        %add3A_1134 = arith.addf %get3A_1128, %get3A_1133 : vector<16xf32>
        %mul3A_1135 = arith.constant 39 : i32
        %mul3A_1136 = arith.muli %scan3A_672, %mul3A_1135 : i32
        %add3A_1137 = arith.constant 13 : i32
        %add3A_1138 = arith.addi %mul3A_1136, %add3A_1137 : i32
        %add3A_1139 = arith.constant 8 : i32
        %add3A_1140 = arith.addi %add3A_1138, %add3A_1139 : i32
        %mul3A_1141 = arith.constant 32 : i32
        %mul3A_1142 = arith.muli %add3A_1140, %mul3A_1141 : i32
        %add3A_1143 = arith.constant 0 : i32
        %add3A_1144 = arith.addi %mul3A_1142, %add3A_1143 : i32
        %swap3A_1145 = arith.index_cast %add3A_1144 : i32 to index
        %swap3A_1146 = tpu.vector_load %arg17[%swap3A_1145] {strides = array<i32>} : memref<19968xf32, #tpu.memory_space<vmem>>, vector<16xf32>,
        %swap3A_1147 = vector.shape_cast %swap3A_1146 : vector<16xf32> to vector<16xf32>
        %swap3A_1148 = vector.shape_cast %add3A_1134 : vector<16xf32> to vector<16xf32>
        tpu.vector_store %arg17[%swap3A_1145], %swap3A_1148 {strides = array<i32>} : memref<19968xf32, #tpu.memory_space<vmem>>, vector<16xf32>,
        %mul3A_1149 = arith.constant 26 : i32
        %mul3A_1150 = arith.muli %scan3A_672, %mul3A_1149 : i32
        %add3A_1151 = arith.constant 8 : i32
        %add3A_1152 = arith.addi %mul3A_1150, %add3A_1151 : i32
        %get3A_1153 = arith.index_cast %add3A_1152 : i32 to index
        %get3A_1154 = arith.constant 16 : index
        %get3A_1155 = tpu.vector_load %arg13[%get3A_1153, %get3A_1154] {strides = array<i32>} : memref<416x32xf32, #tpu.memory_space<vmem>>, vector<1x16xf32>,
        %get3A_1156 = vector.shape_cast %get3A_1155 : vector<1x16xf32> to vector<16xf32>
        %get3A_1157 = arith.constant 21 : i32
        %get3A_1158 = arith.index_cast %get3A_1157 : i32 to index
        %get3A_1159 = arith.constant 16 : index
        %get3A_1160 = tpu.vector_load %arg20[%get3A_1158, %get3A_1159] {strides = array<i32>} : memref<39x32xf32, #tpu.memory_space<vmem>>, vector<1x16xf32>,
        %get3A_1161 = vector.shape_cast %get3A_1160 : vector<1x16xf32> to vector<16xf32>
        %add3A_1162 = arith.addf %get3A_1156, %get3A_1161 : vector<16xf32>
        %mul3A_1163 = arith.constant 39 : i32
        %mul3A_1164 = arith.muli %scan3A_672, %mul3A_1163 : i32
        %add3A_1165 = arith.constant 13 : i32
        %add3A_1166 = arith.addi %mul3A_1164, %add3A_1165 : i32
        %add3A_1167 = arith.constant 8 : i32
        %add3A_1168 = arith.addi %add3A_1166, %add3A_1167 : i32
        %mul3A_1169 = arith.constant 32 : i32
        %mul3A_1170 = arith.muli %add3A_1168, %mul3A_1169 : i32
        %add3A_1171 = arith.constant 16 : i32
        %add3A_1172 = arith.addi %mul3A_1170, %add3A_1171 : i32
        %swap3A_1173 = arith.index_cast %add3A_1172 : i32 to index
        %swap3A_1174 = tpu.vector_load %arg17[%swap3A_1173] {strides = array<i32>} : memref<19968xf32, #tpu.memory_space<vmem>>, vector<16xf32>,
        %swap3A_1175 = vector.shape_cast %swap3A_1174 : vector<16xf32> to vector<16xf32>
        %swap3A_1176 = vector.shape_cast %add3A_1162 : vector<16xf32> to vector<16xf32>
        tpu.vector_store %arg17[%swap3A_1173], %swap3A_1176 {strides = array<i32>} : memref<19968xf32, #tpu.memory_space<vmem>>, vector<16xf32>,
        %mul3A_1177 = arith.constant 26 : i32
        %mul3A_1178 = arith.muli %scan3A_672, %mul3A_1177 : i32
        %add3A_1179 = arith.constant 9 : i32
        %add3A_1180 = arith.addi %mul3A_1178, %add3A_1179 : i32
        %get3A_1181 = arith.index_cast %add3A_1180 : i32 to index
        %get3A_1182 = arith.constant 0 : index
        %get3A_1183 = tpu.vector_load %arg13[%get3A_1181, %get3A_1182] {strides = array<i32>} : memref<416x32xf32, #tpu.memory_space<vmem>>, vector<1x16xf32>,
        %get3A_1184 = vector.shape_cast %get3A_1183 : vector<1x16xf32> to vector<16xf32>
        %get3A_1185 = arith.constant 22 : i32
        %get3A_1186 = arith.index_cast %get3A_1185 : i32 to index
        %get3A_1187 = arith.constant 0 : index
        %get3A_1188 = tpu.vector_load %arg20[%get3A_1186, %get3A_1187] {strides = array<i32>} : memref<39x32xf32, #tpu.memory_space<vmem>>, vector<1x16xf32>,
        %get3A_1189 = vector.shape_cast %get3A_1188 : vector<1x16xf32> to vector<16xf32>
        %add3A_1190 = arith.addf %get3A_1184, %get3A_1189 : vector<16xf32>
        %mul3A_1191 = arith.constant 39 : i32
        %mul3A_1192 = arith.muli %scan3A_672, %mul3A_1191 : i32
        %add3A_1193 = arith.constant 13 : i32
        %add3A_1194 = arith.addi %mul3A_1192, %add3A_1193 : i32
        %add3A_1195 = arith.constant 9 : i32
        %add3A_1196 = arith.addi %add3A_1194, %add3A_1195 : i32
        %mul3A_1197 = arith.constant 32 : i32
        %mul3A_1198 = arith.muli %add3A_1196, %mul3A_1197 : i32
        %add3A_1199 = arith.constant 0 : i32
        %add3A_1200 = arith.addi %mul3A_1198, %add3A_1199 : i32
        %swap3A_1201 = arith.index_cast %add3A_1200 : i32 to index
        %swap3A_1202 = tpu.vector_load %arg17[%swap3A_1201] {strides = array<i32>} : memref<19968xf32, #tpu.memory_space<vmem>>, vector<16xf32>,
        %swap3A_1203 = vector.shape_cast %swap3A_1202 : vector<16xf32> to vector<16xf32>
        %swap3A_1204 = vector.shape_cast %add3A_1190 : vector<16xf32> to vector<16xf32>
        tpu.vector_store %arg17[%swap3A_1201], %swap3A_1204 {strides = array<i32>} : memref<19968xf32, #tpu.memory_space<vmem>>, vector<16xf32>,
        %mul3A_1205 = arith.constant 26 : i32
        %mul3A_1206 = arith.muli %scan3A_672, %mul3A_1205 : i32
        %add3A_1207 = arith.constant 9 : i32
        %add3A_1208 = arith.addi %mul3A_1206, %add3A_1207 : i32
        %get3A_1209 = arith.index_cast %add3A_1208 : i32 to index
        %get3A_1210 = arith.constant 16 : index
        %get3A_1211 = tpu.vector_load %arg13[%get3A_1209, %get3A_1210] {strides = array<i32>} : memref<416x32xf32, #tpu.memory_space<vmem>>, vector<1x16xf32>,
        %get3A_1212 = vector.shape_cast %get3A_1211 : vector<1x16xf32> to vector<16xf32>
        %get3A_1213 = arith.constant 22 : i32
        %get3A_1214 = arith.index_cast %get3A_1213 : i32 to index
        %get3A_1215 = arith.constant 16 : index
        %get3A_1216 = tpu.vector_load %arg20[%get3A_1214, %get3A_1215] {strides = array<i32>} : memref<39x32xf32, #tpu.memory_space<vmem>>, vector<1x16xf32>,
        %get3A_1217 = vector.shape_cast %get3A_1216 : vector<1x16xf32> to vector<16xf32>
        %add3A_1218 = arith.addf %get3A_1212, %get3A_1217 : vector<16xf32>
        %mul3A_1219 = arith.constant 39 : i32
        %mul3A_1220 = arith.muli %scan3A_672, %mul3A_1219 : i32
        %add3A_1221 = arith.constant 13 : i32
        %add3A_1222 = arith.addi %mul3A_1220, %add3A_1221 : i32
        %add3A_1223 = arith.constant 9 : i32
        %add3A_1224 = arith.addi %add3A_1222, %add3A_1223 : i32
        %mul3A_1225 = arith.constant 32 : i32
        %mul3A_1226 = arith.muli %add3A_1224, %mul3A_1225 : i32
        %add3A_1227 = arith.constant 16 : i32
        %add3A_1228 = arith.addi %mul3A_1226, %add3A_1227 : i32
        %swap3A_1229 = arith.index_cast %add3A_1228 : i32 to index
        %swap3A_1230 = tpu.vector_load %arg17[%swap3A_1229] {strides = array<i32>} : memref<19968xf32, #tpu.memory_space<vmem>>, vector<16xf32>,
        %swap3A_1231 = vector.shape_cast %swap3A_1230 : vector<16xf32> to vector<16xf32>
        %swap3A_1232 = vector.shape_cast %add3A_1218 : vector<16xf32> to vector<16xf32>
        tpu.vector_store %arg17[%swap3A_1229], %swap3A_1232 {strides = array<i32>} : memref<19968xf32, #tpu.memory_space<vmem>>, vector<16xf32>,
        %mul3A_1233 = arith.constant 26 : i32
        %mul3A_1234 = arith.muli %scan3A_672, %mul3A_1233 : i32
        %add3A_1235 = arith.constant 10 : i32
        %add3A_1236 = arith.addi %mul3A_1234, %add3A_1235 : i32
        %get3A_1237 = arith.index_cast %add3A_1236 : i32 to index
        %get3A_1238 = arith.constant 0 : index
        %get3A_1239 = tpu.vector_load %arg13[%get3A_1237, %get3A_1238] {strides = array<i32>} : memref<416x32xf32, #tpu.memory_space<vmem>>, vector<1x16xf32>,
        %get3A_1240 = vector.shape_cast %get3A_1239 : vector<1x16xf32> to vector<16xf32>
        %get3A_1241 = arith.constant 23 : i32
        %get3A_1242 = arith.index_cast %get3A_1241 : i32 to index
        %get3A_1243 = arith.constant 0 : index
        %get3A_1244 = tpu.vector_load %arg20[%get3A_1242, %get3A_1243] {strides = array<i32>} : memref<39x32xf32, #tpu.memory_space<vmem>>, vector<1x16xf32>,
        %get3A_1245 = vector.shape_cast %get3A_1244 : vector<1x16xf32> to vector<16xf32>
        %add3A_1246 = arith.addf %get3A_1240, %get3A_1245 : vector<16xf32>
        %mul3A_1247 = arith.constant 39 : i32
        %mul3A_1248 = arith.muli %scan3A_672, %mul3A_1247 : i32
        %add3A_1249 = arith.constant 13 : i32
        %add3A_1250 = arith.addi %mul3A_1248, %add3A_1249 : i32
        %add3A_1251 = arith.constant 10 : i32
        %add3A_1252 = arith.addi %add3A_1250, %add3A_1251 : i32
        %mul3A_1253 = arith.constant 32 : i32
        %mul3A_1254 = arith.muli %add3A_1252, %mul3A_1253 : i32
        %add3A_1255 = arith.constant 0 : i32
        %add3A_1256 = arith.addi %mul3A_1254, %add3A_1255 : i32
        %swap3A_1257 = arith.index_cast %add3A_1256 : i32 to index
        %swap3A_1258 = tpu.vector_load %arg17[%swap3A_1257] {strides = array<i32>} : memref<19968xf32, #tpu.memory_space<vmem>>, vector<16xf32>,
        %swap3A_1259 = vector.shape_cast %swap3A_1258 : vector<16xf32> to vector<16xf32>
        %swap3A_1260 = vector.shape_cast %add3A_1246 : vector<16xf32> to vector<16xf32>
        tpu.vector_store %arg17[%swap3A_1257], %swap3A_1260 {strides = array<i32>} : memref<19968xf32, #tpu.memory_space<vmem>>, vector<16xf32>,
        %mul3A_1261 = arith.constant 26 : i32
        %mul3A_1262 = arith.muli %scan3A_672, %mul3A_1261 : i32
        %add3A_1263 = arith.constant 10 : i32
        %add3A_1264 = arith.addi %mul3A_1262, %add3A_1263 : i32
        %get3A_1265 = arith.index_cast %add3A_1264 : i32 to index
        %get3A_1266 = arith.constant 16 : index
        %get3A_1267 = tpu.vector_load %arg13[%get3A_1265, %get3A_1266] {strides = array<i32>} : memref<416x32xf32, #tpu.memory_space<vmem>>, vector<1x16xf32>,
        %get3A_1268 = vector.shape_cast %get3A_1267 : vector<1x16xf32> to vector<16xf32>
        %get3A_1269 = arith.constant 23 : i32
        %get3A_1270 = arith.index_cast %get3A_1269 : i32 to index
        %get3A_1271 = arith.constant 16 : index
        %get3A_1272 = tpu.vector_load %arg20[%get3A_1270, %get3A_1271] {strides = array<i32>} : memref<39x32xf32, #tpu.memory_space<vmem>>, vector<1x16xf32>,
        %get3A_1273 = vector.shape_cast %get3A_1272 : vector<1x16xf32> to vector<16xf32>
        %add3A_1274 = arith.addf %get3A_1268, %get3A_1273 : vector<16xf32>
        %mul3A_1275 = arith.constant 39 : i32
        %mul3A_1276 = arith.muli %scan3A_672, %mul3A_1275 : i32
        %add3A_1277 = arith.constant 13 : i32
        %add3A_1278 = arith.addi %mul3A_1276, %add3A_1277 : i32
        %add3A_1279 = arith.constant 10 : i32
        %add3A_1280 = arith.addi %add3A_1278, %add3A_1279 : i32
        %mul3A_1281 = arith.constant 32 : i32
        %mul3A_1282 = arith.muli %add3A_1280, %mul3A_1281 : i32
        %add3A_1283 = arith.constant 16 : i32
        %add3A_1284 = arith.addi %mul3A_1282, %add3A_1283 : i32
        %swap3A_1285 = arith.index_cast %add3A_1284 : i32 to index
        %swap3A_1286 = tpu.vector_load %arg17[%swap3A_1285] {strides = array<i32>} : memref<19968xf32, #tpu.memory_space<vmem>>, vector<16xf32>,
        %swap3A_1287 = vector.shape_cast %swap3A_1286 : vector<16xf32> to vector<16xf32>
        %swap3A_1288 = vector.shape_cast %add3A_1274 : vector<16xf32> to vector<16xf32>
        tpu.vector_store %arg17[%swap3A_1285], %swap3A_1288 {strides = array<i32>} : memref<19968xf32, #tpu.memory_space<vmem>>, vector<16xf32>,
        %mul3A_1289 = arith.constant 26 : i32
        %mul3A_1290 = arith.muli %scan3A_672, %mul3A_1289 : i32
        %add3A_1291 = arith.constant 11 : i32
        %add3A_1292 = arith.addi %mul3A_1290, %add3A_1291 : i32
        %get3A_1293 = arith.index_cast %add3A_1292 : i32 to index
        %get3A_1294 = arith.constant 0 : index
        %get3A_1295 = tpu.vector_load %arg13[%get3A_1293, %get3A_1294] {strides = array<i32>} : memref<416x32xf32, #tpu.memory_space<vmem>>, vector<1x16xf32>,
        %get3A_1296 = vector.shape_cast %get3A_1295 : vector<1x16xf32> to vector<16xf32>
        %get3A_1297 = arith.constant 24 : i32
        %get3A_1298 = arith.index_cast %get3A_1297 : i32 to index
        %get3A_1299 = arith.constant 0 : index
        %get3A_1300 = tpu.vector_load %arg20[%get3A_1298, %get3A_1299] {strides = array<i32>} : memref<39x32xf32, #tpu.memory_space<vmem>>, vector<1x16xf32>,
        %get3A_1301 = vector.shape_cast %get3A_1300 : vector<1x16xf32> to vector<16xf32>
        %add3A_1302 = arith.addf %get3A_1296, %get3A_1301 : vector<16xf32>
        %mul3A_1303 = arith.constant 39 : i32
        %mul3A_1304 = arith.muli %scan3A_672, %mul3A_1303 : i32
        %add3A_1305 = arith.constant 13 : i32
        %add3A_1306 = arith.addi %mul3A_1304, %add3A_1305 : i32
        %add3A_1307 = arith.constant 11 : i32
        %add3A_1308 = arith.addi %add3A_1306, %add3A_1307 : i32
        %mul3A_1309 = arith.constant 32 : i32
        %mul3A_1310 = arith.muli %add3A_1308, %mul3A_1309 : i32
        %add3A_1311 = arith.constant 0 : i32
        %add3A_1312 = arith.addi %mul3A_1310, %add3A_1311 : i32
        %swap3A_1313 = arith.index_cast %add3A_1312 : i32 to index
        %swap3A_1314 = tpu.vector_load %arg17[%swap3A_1313] {strides = array<i32>} : memref<19968xf32, #tpu.memory_space<vmem>>, vector<16xf32>,
        %swap3A_1315 = vector.shape_cast %swap3A_1314 : vector<16xf32> to vector<16xf32>
        %swap3A_1316 = vector.shape_cast %add3A_1302 : vector<16xf32> to vector<16xf32>
        tpu.vector_store %arg17[%swap3A_1313], %swap3A_1316 {strides = array<i32>} : memref<19968xf32, #tpu.memory_space<vmem>>, vector<16xf32>,
        %mul3A_1317 = arith.constant 26 : i32
        %mul3A_1318 = arith.muli %scan3A_672, %mul3A_1317 : i32
        %add3A_1319 = arith.constant 11 : i32
        %add3A_1320 = arith.addi %mul3A_1318, %add3A_1319 : i32
        %get3A_1321 = arith.index_cast %add3A_1320 : i32 to index
        %get3A_1322 = arith.constant 16 : index
        %get3A_1323 = tpu.vector_load %arg13[%get3A_1321, %get3A_1322] {strides = array<i32>} : memref<416x32xf32, #tpu.memory_space<vmem>>, vector<1x16xf32>,
        %get3A_1324 = vector.shape_cast %get3A_1323 : vector<1x16xf32> to vector<16xf32>
        %get3A_1325 = arith.constant 24 : i32
        %get3A_1326 = arith.index_cast %get3A_1325 : i32 to index
        %get3A_1327 = arith.constant 16 : index
        %get3A_1328 = tpu.vector_load %arg20[%get3A_1326, %get3A_1327] {strides = array<i32>} : memref<39x32xf32, #tpu.memory_space<vmem>>, vector<1x16xf32>,
        %get3A_1329 = vector.shape_cast %get3A_1328 : vector<1x16xf32> to vector<16xf32>
        %add3A_1330 = arith.addf %get3A_1324, %get3A_1329 : vector<16xf32>
        %mul3A_1331 = arith.constant 39 : i32
        %mul3A_1332 = arith.muli %scan3A_672, %mul3A_1331 : i32
        %add3A_1333 = arith.constant 13 : i32
        %add3A_1334 = arith.addi %mul3A_1332, %add3A_1333 : i32
        %add3A_1335 = arith.constant 11 : i32
        %add3A_1336 = arith.addi %add3A_1334, %add3A_1335 : i32
        %mul3A_1337 = arith.constant 32 : i32
        %mul3A_1338 = arith.muli %add3A_1336, %mul3A_1337 : i32
        %add3A_1339 = arith.constant 16 : i32
        %add3A_1340 = arith.addi %mul3A_1338, %add3A_1339 : i32
        %swap3A_1341 = arith.index_cast %add3A_1340 : i32 to index
        %swap3A_1342 = tpu.vector_load %arg17[%swap3A_1341] {strides = array<i32>} : memref<19968xf32, #tpu.memory_space<vmem>>, vector<16xf32>,
        %swap3A_1343 = vector.shape_cast %swap3A_1342 : vector<16xf32> to vector<16xf32>
        %swap3A_1344 = vector.shape_cast %add3A_1330 : vector<16xf32> to vector<16xf32>
        tpu.vector_store %arg17[%swap3A_1341], %swap3A_1344 {strides = array<i32>} : memref<19968xf32, #tpu.memory_space<vmem>>, vector<16xf32>,
        %mul3A_1345 = arith.constant 26 : i32
        %mul3A_1346 = arith.muli %scan3A_672, %mul3A_1345 : i32
        %add3A_1347 = arith.constant 12 : i32
        %add3A_1348 = arith.addi %mul3A_1346, %add3A_1347 : i32
        %get3A_1349 = arith.index_cast %add3A_1348 : i32 to index
        %get3A_1350 = arith.constant 0 : index
        %get3A_1351 = tpu.vector_load %arg13[%get3A_1349, %get3A_1350] {strides = array<i32>} : memref<416x32xf32, #tpu.memory_space<vmem>>, vector<1x16xf32>,
        %get3A_1352 = vector.shape_cast %get3A_1351 : vector<1x16xf32> to vector<16xf32>
        %get3A_1353 = arith.constant 25 : i32
        %get3A_1354 = arith.index_cast %get3A_1353 : i32 to index
        %get3A_1355 = arith.constant 0 : index
        %get3A_1356 = tpu.vector_load %arg20[%get3A_1354, %get3A_1355] {strides = array<i32>} : memref<39x32xf32, #tpu.memory_space<vmem>>, vector<1x16xf32>,
        %get3A_1357 = vector.shape_cast %get3A_1356 : vector<1x16xf32> to vector<16xf32>
        %add3A_1358 = arith.addf %get3A_1352, %get3A_1357 : vector<16xf32>
        %mul3A_1359 = arith.constant 39 : i32
        %mul3A_1360 = arith.muli %scan3A_672, %mul3A_1359 : i32
        %add3A_1361 = arith.constant 13 : i32
        %add3A_1362 = arith.addi %mul3A_1360, %add3A_1361 : i32
        %add3A_1363 = arith.constant 12 : i32
        %add3A_1364 = arith.addi %add3A_1362, %add3A_1363 : i32
        %mul3A_1365 = arith.constant 32 : i32
        %mul3A_1366 = arith.muli %add3A_1364, %mul3A_1365 : i32
        %add3A_1367 = arith.constant 0 : i32
        %add3A_1368 = arith.addi %mul3A_1366, %add3A_1367 : i32
        %swap3A_1369 = arith.index_cast %add3A_1368 : i32 to index
        %swap3A_1370 = tpu.vector_load %arg17[%swap3A_1369] {strides = array<i32>} : memref<19968xf32, #tpu.memory_space<vmem>>, vector<16xf32>,
        %swap3A_1371 = vector.shape_cast %swap3A_1370 : vector<16xf32> to vector<16xf32>
        %swap3A_1372 = vector.shape_cast %add3A_1358 : vector<16xf32> to vector<16xf32>
        tpu.vector_store %arg17[%swap3A_1369], %swap3A_1372 {strides = array<i32>} : memref<19968xf32, #tpu.memory_space<vmem>>, vector<16xf32>,
        %mul3A_1373 = arith.constant 26 : i32
        %mul3A_1374 = arith.muli %scan3A_672, %mul3A_1373 : i32
        %add3A_1375 = arith.constant 12 : i32
        %add3A_1376 = arith.addi %mul3A_1374, %add3A_1375 : i32
        %get3A_1377 = arith.index_cast %add3A_1376 : i32 to index
        %get3A_1378 = arith.constant 16 : index
        %get3A_1379 = tpu.vector_load %arg13[%get3A_1377, %get3A_1378] {strides = array<i32>} : memref<416x32xf32, #tpu.memory_space<vmem>>, vector<1x16xf32>,
        %get3A_1380 = vector.shape_cast %get3A_1379 : vector<1x16xf32> to vector<16xf32>
        %get3A_1381 = arith.constant 25 : i32
        %get3A_1382 = arith.index_cast %get3A_1381 : i32 to index
        %get3A_1383 = arith.constant 16 : index
        %get3A_1384 = tpu.vector_load %arg20[%get3A_1382, %get3A_1383] {strides = array<i32>} : memref<39x32xf32, #tpu.memory_space<vmem>>, vector<1x16xf32>,
        %get3A_1385 = vector.shape_cast %get3A_1384 : vector<1x16xf32> to vector<16xf32>
        %add3A_1386 = arith.addf %get3A_1380, %get3A_1385 : vector<16xf32>
        %mul3A_1387 = arith.constant 39 : i32
        %mul3A_1388 = arith.muli %scan3A_672, %mul3A_1387 : i32
        %add3A_1389 = arith.constant 13 : i32
        %add3A_1390 = arith.addi %mul3A_1388, %add3A_1389 : i32
        %add3A_1391 = arith.constant 12 : i32
        %add3A_1392 = arith.addi %add3A_1390, %add3A_1391 : i32
        %mul3A_1393 = arith.constant 32 : i32
        %mul3A_1394 = arith.muli %add3A_1392, %mul3A_1393 : i32
        %add3A_1395 = arith.constant 16 : i32
        %add3A_1396 = arith.addi %mul3A_1394, %add3A_1395 : i32
        %swap3A_1397 = arith.index_cast %add3A_1396 : i32 to index
        %swap3A_1398 = tpu.vector_load %arg17[%swap3A_1397] {strides = array<i32>} : memref<19968xf32, #tpu.memory_space<vmem>>, vector<16xf32>,
        %swap3A_1399 = vector.shape_cast %swap3A_1398 : vector<16xf32> to vector<16xf32>
        %swap3A_1400 = vector.shape_cast %add3A_1386 : vector<16xf32> to vector<16xf32>
        tpu.vector_store %arg17[%swap3A_1397], %swap3A_1400 {strides = array<i32>} : memref<19968xf32, #tpu.memory_space<vmem>>, vector<16xf32>,
        %mul3A_1401 = arith.constant 26 : i32
        %mul3A_1402 = arith.muli %scan3A_672, %mul3A_1401 : i32
        %add3A_1403 = arith.constant 13 : i32
        %add3A_1404 = arith.addi %mul3A_1402, %add3A_1403 : i32
        %get3A_1405 = arith.index_cast %add3A_1404 : i32 to index
        %get3A_1406 = arith.constant 0 : index
        %get3A_1407 = tpu.vector_load %arg13[%get3A_1405, %get3A_1406] {strides = array<i32>} : memref<416x32xf32, #tpu.memory_space<vmem>>, vector<1x16xf32>,
        %get3A_1408 = vector.shape_cast %get3A_1407 : vector<1x16xf32> to vector<16xf32>
        %get3A_1409 = arith.constant 26 : i32
        %get3A_1410 = arith.index_cast %get3A_1409 : i32 to index
        %get3A_1411 = arith.constant 0 : index
        %get3A_1412 = tpu.vector_load %arg20[%get3A_1410, %get3A_1411] {strides = array<i32>} : memref<39x32xf32, #tpu.memory_space<vmem>>, vector<1x16xf32>,
        %get3A_1413 = vector.shape_cast %get3A_1412 : vector<1x16xf32> to vector<16xf32>
        %add3A_1414 = arith.addf %get3A_1408, %get3A_1413 : vector<16xf32>
        %mul3A_1415 = arith.constant 39 : i32
        %mul3A_1416 = arith.muli %scan3A_672, %mul3A_1415 : i32
        %add3A_1417 = arith.constant 13 : i32
        %add3A_1418 = arith.addi %mul3A_1416, %add3A_1417 : i32
        %add3A_1419 = arith.constant 13 : i32
        %add3A_1420 = arith.addi %add3A_1418, %add3A_1419 : i32
        %mul3A_1421 = arith.constant 32 : i32
        %mul3A_1422 = arith.muli %add3A_1420, %mul3A_1421 : i32
        %add3A_1423 = arith.constant 0 : i32
        %add3A_1424 = arith.addi %mul3A_1422, %add3A_1423 : i32
        %swap3A_1425 = arith.index_cast %add3A_1424 : i32 to index
        %swap3A_1426 = tpu.vector_load %arg17[%swap3A_1425] {strides = array<i32>} : memref<19968xf32, #tpu.memory_space<vmem>>, vector<16xf32>,
        %swap3A_1427 = vector.shape_cast %swap3A_1426 : vector<16xf32> to vector<16xf32>
        %swap3A_1428 = vector.shape_cast %add3A_1414 : vector<16xf32> to vector<16xf32>
        tpu.vector_store %arg17[%swap3A_1425], %swap3A_1428 {strides = array<i32>} : memref<19968xf32, #tpu.memory_space<vmem>>, vector<16xf32>,
        %mul3A_1429 = arith.constant 26 : i32
        %mul3A_1430 = arith.muli %scan3A_672, %mul3A_1429 : i32
        %add3A_1431 = arith.constant 13 : i32
        %add3A_1432 = arith.addi %mul3A_1430, %add3A_1431 : i32
        %get3A_1433 = arith.index_cast %add3A_1432 : i32 to index
        %get3A_1434 = arith.constant 16 : index
        %get3A_1435 = tpu.vector_load %arg13[%get3A_1433, %get3A_1434] {strides = array<i32>} : memref<416x32xf32, #tpu.memory_space<vmem>>, vector<1x16xf32>,
        %get3A_1436 = vector.shape_cast %get3A_1435 : vector<1x16xf32> to vector<16xf32>
        %get3A_1437 = arith.constant 26 : i32
        %get3A_1438 = arith.index_cast %get3A_1437 : i32 to index
        %get3A_1439 = arith.constant 16 : index
        %get3A_1440 = tpu.vector_load %arg20[%get3A_1438, %get3A_1439] {strides = array<i32>} : memref<39x32xf32, #tpu.memory_space<vmem>>, vector<1x16xf32>,
        %get3A_1441 = vector.shape_cast %get3A_1440 : vector<1x16xf32> to vector<16xf32>
        %add3A_1442 = arith.addf %get3A_1436, %get3A_1441 : vector<16xf32>
        %mul3A_1443 = arith.constant 39 : i32
        %mul3A_1444 = arith.muli %scan3A_672, %mul3A_1443 : i32
        %add3A_1445 = arith.constant 13 : i32
        %add3A_1446 = arith.addi %mul3A_1444, %add3A_1445 : i32
        %add3A_1447 = arith.constant 13 : i32
        %add3A_1448 = arith.addi %add3A_1446, %add3A_1447 : i32
        %mul3A_1449 = arith.constant 32 : i32
        %mul3A_1450 = arith.muli %add3A_1448, %mul3A_1449 : i32
        %add3A_1451 = arith.constant 16 : i32
        %add3A_1452 = arith.addi %mul3A_1450, %add3A_1451 : i32
        %swap3A_1453 = arith.index_cast %add3A_1452 : i32 to index
        %swap3A_1454 = tpu.vector_load %arg17[%swap3A_1453] {strides = array<i32>} : memref<19968xf32, #tpu.memory_space<vmem>>, vector<16xf32>,
        %swap3A_1455 = vector.shape_cast %swap3A_1454 : vector<16xf32> to vector<16xf32>
        %swap3A_1456 = vector.shape_cast %add3A_1442 : vector<16xf32> to vector<16xf32>
        tpu.vector_store %arg17[%swap3A_1453], %swap3A_1456 {strides = array<i32>} : memref<19968xf32, #tpu.memory_space<vmem>>, vector<16xf32>,
        %mul3A_1457 = arith.constant 26 : i32
        %mul3A_1458 = arith.muli %scan3A_672, %mul3A_1457 : i32
        %add3A_1459 = arith.constant 14 : i32
        %add3A_1460 = arith.addi %mul3A_1458, %add3A_1459 : i32
        %get3A_1461 = arith.index_cast %add3A_1460 : i32 to index
        %get3A_1462 = arith.constant 0 : index
        %get3A_1463 = tpu.vector_load %arg13[%get3A_1461, %get3A_1462] {strides = array<i32>} : memref<416x32xf32, #tpu.memory_space<vmem>>, vector<1x16xf32>,
        %get3A_1464 = vector.shape_cast %get3A_1463 : vector<1x16xf32> to vector<16xf32>
        %get3A_1465 = arith.constant 27 : i32
        %get3A_1466 = arith.index_cast %get3A_1465 : i32 to index
        %get3A_1467 = arith.constant 0 : index
        %get3A_1468 = tpu.vector_load %arg20[%get3A_1466, %get3A_1467] {strides = array<i32>} : memref<39x32xf32, #tpu.memory_space<vmem>>, vector<1x16xf32>,
        %get3A_1469 = vector.shape_cast %get3A_1468 : vector<1x16xf32> to vector<16xf32>
        %add3A_1470 = arith.addf %get3A_1464, %get3A_1469 : vector<16xf32>
        %mul3A_1471 = arith.constant 39 : i32
        %mul3A_1472 = arith.muli %scan3A_672, %mul3A_1471 : i32
        %add3A_1473 = arith.constant 13 : i32
        %add3A_1474 = arith.addi %mul3A_1472, %add3A_1473 : i32
        %add3A_1475 = arith.constant 14 : i32
        %add3A_1476 = arith.addi %add3A_1474, %add3A_1475 : i32
        %mul3A_1477 = arith.constant 32 : i32
        %mul3A_1478 = arith.muli %add3A_1476, %mul3A_1477 : i32
        %add3A_1479 = arith.constant 0 : i32
        %add3A_1480 = arith.addi %mul3A_1478, %add3A_1479 : i32
        %swap3A_1481 = arith.index_cast %add3A_1480 : i32 to index
        %swap3A_1482 = tpu.vector_load %arg17[%swap3A_1481] {strides = array<i32>} : memref<19968xf32, #tpu.memory_space<vmem>>, vector<16xf32>,
        %swap3A_1483 = vector.shape_cast %swap3A_1482 : vector<16xf32> to vector<16xf32>
        %swap3A_1484 = vector.shape_cast %add3A_1470 : vector<16xf32> to vector<16xf32>
        tpu.vector_store %arg17[%swap3A_1481], %swap3A_1484 {strides = array<i32>} : memref<19968xf32, #tpu.memory_space<vmem>>, vector<16xf32>,
        %mul3A_1485 = arith.constant 26 : i32
        %mul3A_1486 = arith.muli %scan3A_672, %mul3A_1485 : i32
        %add3A_1487 = arith.constant 14 : i32
        %add3A_1488 = arith.addi %mul3A_1486, %add3A_1487 : i32
        %get3A_1489 = arith.index_cast %add3A_1488 : i32 to index
        %get3A_1490 = arith.constant 16 : index
        %get3A_1491 = tpu.vector_load %arg13[%get3A_1489, %get3A_1490] {strides = array<i32>} : memref<416x32xf32, #tpu.memory_space<vmem>>, vector<1x16xf32>,
        %get3A_1492 = vector.shape_cast %get3A_1491 : vector<1x16xf32> to vector<16xf32>
        %get3A_1493 = arith.constant 27 : i32
        %get3A_1494 = arith.index_cast %get3A_1493 : i32 to index
        %get3A_1495 = arith.constant 16 : index
        %get3A_1496 = tpu.vector_load %arg20[%get3A_1494, %get3A_1495] {strides = array<i32>} : memref<39x32xf32, #tpu.memory_space<vmem>>, vector<1x16xf32>,
        %get3A_1497 = vector.shape_cast %get3A_1496 : vector<1x16xf32> to vector<16xf32>
        %add3A_1498 = arith.addf %get3A_1492, %get3A_1497 : vector<16xf32>
        %mul3A_1499 = arith.constant 39 : i32
        %mul3A_1500 = arith.muli %scan3A_672, %mul3A_1499 : i32
        %add3A_1501 = arith.constant 13 : i32
        %add3A_1502 = arith.addi %mul3A_1500, %add3A_1501 : i32
        %add3A_1503 = arith.constant 14 : i32
        %add3A_1504 = arith.addi %add3A_1502, %add3A_1503 : i32
        %mul3A_1505 = arith.constant 32 : i32
        %mul3A_1506 = arith.muli %add3A_1504, %mul3A_1505 : i32
        %add3A_1507 = arith.constant 16 : i32
        %add3A_1508 = arith.addi %mul3A_1506, %add3A_1507 : i32
        %swap3A_1509 = arith.index_cast %add3A_1508 : i32 to index
        %swap3A_1510 = tpu.vector_load %arg17[%swap3A_1509] {strides = array<i32>} : memref<19968xf32, #tpu.memory_space<vmem>>, vector<16xf32>,
        %swap3A_1511 = vector.shape_cast %swap3A_1510 : vector<16xf32> to vector<16xf32>
        %swap3A_1512 = vector.shape_cast %add3A_1498 : vector<16xf32> to vector<16xf32>
        tpu.vector_store %arg17[%swap3A_1509], %swap3A_1512 {strides = array<i32>} : memref<19968xf32, #tpu.memory_space<vmem>>, vector<16xf32>,
        %mul3A_1513 = arith.constant 26 : i32
        %mul3A_1514 = arith.muli %scan3A_672, %mul3A_1513 : i32
        %add3A_1515 = arith.constant 15 : i32
        %add3A_1516 = arith.addi %mul3A_1514, %add3A_1515 : i32
        %get3A_1517 = arith.index_cast %add3A_1516 : i32 to index
        %get3A_1518 = arith.constant 0 : index
        %get3A_1519 = tpu.vector_load %arg13[%get3A_1517, %get3A_1518] {strides = array<i32>} : memref<416x32xf32, #tpu.memory_space<vmem>>, vector<1x16xf32>,
        %get3A_1520 = vector.shape_cast %get3A_1519 : vector<1x16xf32> to vector<16xf32>
        %get3A_1521 = arith.constant 28 : i32
        %get3A_1522 = arith.index_cast %get3A_1521 : i32 to index
        %get3A_1523 = arith.constant 0 : index
        %get3A_1524 = tpu.vector_load %arg20[%get3A_1522, %get3A_1523] {strides = array<i32>} : memref<39x32xf32, #tpu.memory_space<vmem>>, vector<1x16xf32>,
        %get3A_1525 = vector.shape_cast %get3A_1524 : vector<1x16xf32> to vector<16xf32>
        %add3A_1526 = arith.addf %get3A_1520, %get3A_1525 : vector<16xf32>
        %mul3A_1527 = arith.constant 39 : i32
        %mul3A_1528 = arith.muli %scan3A_672, %mul3A_1527 : i32
        %add3A_1529 = arith.constant 13 : i32
        %add3A_1530 = arith.addi %mul3A_1528, %add3A_1529 : i32
        %add3A_1531 = arith.constant 15 : i32
        %add3A_1532 = arith.addi %add3A_1530, %add3A_1531 : i32
        %mul3A_1533 = arith.constant 32 : i32
        %mul3A_1534 = arith.muli %add3A_1532, %mul3A_1533 : i32
        %add3A_1535 = arith.constant 0 : i32
        %add3A_1536 = arith.addi %mul3A_1534, %add3A_1535 : i32
        %swap3A_1537 = arith.index_cast %add3A_1536 : i32 to index
        %swap3A_1538 = tpu.vector_load %arg17[%swap3A_1537] {strides = array<i32>} : memref<19968xf32, #tpu.memory_space<vmem>>, vector<16xf32>,
        %swap3A_1539 = vector.shape_cast %swap3A_1538 : vector<16xf32> to vector<16xf32>
        %swap3A_1540 = vector.shape_cast %add3A_1526 : vector<16xf32> to vector<16xf32>
        tpu.vector_store %arg17[%swap3A_1537], %swap3A_1540 {strides = array<i32>} : memref<19968xf32, #tpu.memory_space<vmem>>, vector<16xf32>,
        %mul3A_1541 = arith.constant 26 : i32
        %mul3A_1542 = arith.muli %scan3A_672, %mul3A_1541 : i32
        %add3A_1543 = arith.constant 15 : i32
        %add3A_1544 = arith.addi %mul3A_1542, %add3A_1543 : i32
        %get3A_1545 = arith.index_cast %add3A_1544 : i32 to index
        %get3A_1546 = arith.constant 16 : index
        %get3A_1547 = tpu.vector_load %arg13[%get3A_1545, %get3A_1546] {strides = array<i32>} : memref<416x32xf32, #tpu.memory_space<vmem>>, vector<1x16xf32>,
        %get3A_1548 = vector.shape_cast %get3A_1547 : vector<1x16xf32> to vector<16xf32>
        %get3A_1549 = arith.constant 28 : i32
        %get3A_1550 = arith.index_cast %get3A_1549 : i32 to index
        %get3A_1551 = arith.constant 16 : index
        %get3A_1552 = tpu.vector_load %arg20[%get3A_1550, %get3A_1551] {strides = array<i32>} : memref<39x32xf32, #tpu.memory_space<vmem>>, vector<1x16xf32>,
        %get3A_1553 = vector.shape_cast %get3A_1552 : vector<1x16xf32> to vector<16xf32>
        %add3A_1554 = arith.addf %get3A_1548, %get3A_1553 : vector<16xf32>
        %mul3A_1555 = arith.constant 39 : i32
        %mul3A_1556 = arith.muli %scan3A_672, %mul3A_1555 : i32
        %add3A_1557 = arith.constant 13 : i32
        %add3A_1558 = arith.addi %mul3A_1556, %add3A_1557 : i32
        %add3A_1559 = arith.constant 15 : i32
        %add3A_1560 = arith.addi %add3A_1558, %add3A_1559 : i32
        %mul3A_1561 = arith.constant 32 : i32
        %mul3A_1562 = arith.muli %add3A_1560, %mul3A_1561 : i32
        %add3A_1563 = arith.constant 16 : i32
        %add3A_1564 = arith.addi %mul3A_1562, %add3A_1563 : i32
        %swap3A_1565 = arith.index_cast %add3A_1564 : i32 to index
        %swap3A_1566 = tpu.vector_load %arg17[%swap3A_1565] {strides = array<i32>} : memref<19968xf32, #tpu.memory_space<vmem>>, vector<16xf32>,
        %swap3A_1567 = vector.shape_cast %swap3A_1566 : vector<16xf32> to vector<16xf32>
        %swap3A_1568 = vector.shape_cast %add3A_1554 : vector<16xf32> to vector<16xf32>
        tpu.vector_store %arg17[%swap3A_1565], %swap3A_1568 {strides = array<i32>} : memref<19968xf32, #tpu.memory_space<vmem>>, vector<16xf32>,
        %mul3A_1569 = arith.constant 26 : i32
        %mul3A_1570 = arith.muli %scan3A_672, %mul3A_1569 : i32
        %add3A_1571 = arith.constant 16 : i32
        %add3A_1572 = arith.addi %mul3A_1570, %add3A_1571 : i32
        %get3A_1573 = arith.index_cast %add3A_1572 : i32 to index
        %get3A_1574 = arith.constant 0 : index
        %get3A_1575 = tpu.vector_load %arg13[%get3A_1573, %get3A_1574] {strides = array<i32>} : memref<416x32xf32, #tpu.memory_space<vmem>>, vector<1x16xf32>,
        %get3A_1576 = vector.shape_cast %get3A_1575 : vector<1x16xf32> to vector<16xf32>
        %get3A_1577 = arith.constant 29 : i32
        %get3A_1578 = arith.index_cast %get3A_1577 : i32 to index
        %get3A_1579 = arith.constant 0 : index
        %get3A_1580 = tpu.vector_load %arg20[%get3A_1578, %get3A_1579] {strides = array<i32>} : memref<39x32xf32, #tpu.memory_space<vmem>>, vector<1x16xf32>,
        %get3A_1581 = vector.shape_cast %get3A_1580 : vector<1x16xf32> to vector<16xf32>
        %add3A_1582 = arith.addf %get3A_1576, %get3A_1581 : vector<16xf32>
        %mul3A_1583 = arith.constant 39 : i32
        %mul3A_1584 = arith.muli %scan3A_672, %mul3A_1583 : i32
        %add3A_1585 = arith.constant 13 : i32
        %add3A_1586 = arith.addi %mul3A_1584, %add3A_1585 : i32
        %add3A_1587 = arith.constant 16 : i32
        %add3A_1588 = arith.addi %add3A_1586, %add3A_1587 : i32
        %mul3A_1589 = arith.constant 32 : i32
        %mul3A_1590 = arith.muli %add3A_1588, %mul3A_1589 : i32
        %add3A_1591 = arith.constant 0 : i32
        %add3A_1592 = arith.addi %mul3A_1590, %add3A_1591 : i32
        %swap3A_1593 = arith.index_cast %add3A_1592 : i32 to index
        %swap3A_1594 = tpu.vector_load %arg17[%swap3A_1593] {strides = array<i32>} : memref<19968xf32, #tpu.memory_space<vmem>>, vector<16xf32>,
        %swap3A_1595 = vector.shape_cast %swap3A_1594 : vector<16xf32> to vector<16xf32>
        %swap3A_1596 = vector.shape_cast %add3A_1582 : vector<16xf32> to vector<16xf32>
        tpu.vector_store %arg17[%swap3A_1593], %swap3A_1596 {strides = array<i32>} : memref<19968xf32, #tpu.memory_space<vmem>>, vector<16xf32>,
        %mul3A_1597 = arith.constant 26 : i32
        %mul3A_1598 = arith.muli %scan3A_672, %mul3A_1597 : i32
        %add3A_1599 = arith.constant 16 : i32
        %add3A_1600 = arith.addi %mul3A_1598, %add3A_1599 : i32
        %get3A_1601 = arith.index_cast %add3A_1600 : i32 to index
        %get3A_1602 = arith.constant 16 : index
        %get3A_1603 = tpu.vector_load %arg13[%get3A_1601, %get3A_1602] {strides = array<i32>} : memref<416x32xf32, #tpu.memory_space<vmem>>, vector<1x16xf32>,
        %get3A_1604 = vector.shape_cast %get3A_1603 : vector<1x16xf32> to vector<16xf32>
        %get3A_1605 = arith.constant 29 : i32
        %get3A_1606 = arith.index_cast %get3A_1605 : i32 to index
        %get3A_1607 = arith.constant 16 : index
        %get3A_1608 = tpu.vector_load %arg20[%get3A_1606, %get3A_1607] {strides = array<i32>} : memref<39x32xf32, #tpu.memory_space<vmem>>, vector<1x16xf32>,
        %get3A_1609 = vector.shape_cast %get3A_1608 : vector<1x16xf32> to vector<16xf32>
        %add3A_1610 = arith.addf %get3A_1604, %get3A_1609 : vector<16xf32>
        %mul3A_1611 = arith.constant 39 : i32
        %mul3A_1612 = arith.muli %scan3A_672, %mul3A_1611 : i32
        %add3A_1613 = arith.constant 13 : i32
        %add3A_1614 = arith.addi %mul3A_1612, %add3A_1613 : i32
        %add3A_1615 = arith.constant 16 : i32
        %add3A_1616 = arith.addi %add3A_1614, %add3A_1615 : i32
        %mul3A_1617 = arith.constant 32 : i32
        %mul3A_1618 = arith.muli %add3A_1616, %mul3A_1617 : i32
        %add3A_1619 = arith.constant 16 : i32
        %add3A_1620 = arith.addi %mul3A_1618, %add3A_1619 : i32
        %swap3A_1621 = arith.index_cast %add3A_1620 : i32 to index
        %swap3A_1622 = tpu.vector_load %arg17[%swap3A_1621] {strides = array<i32>} : memref<19968xf32, #tpu.memory_space<vmem>>, vector<16xf32>,
        %swap3A_1623 = vector.shape_cast %swap3A_1622 : vector<16xf32> to vector<16xf32>
        %swap3A_1624 = vector.shape_cast %add3A_1610 : vector<16xf32> to vector<16xf32>
        tpu.vector_store %arg17[%swap3A_1621], %swap3A_1624 {strides = array<i32>} : memref<19968xf32, #tpu.memory_space<vmem>>, vector<16xf32>,
        %mul3A_1625 = arith.constant 26 : i32
        %mul3A_1626 = arith.muli %scan3A_672, %mul3A_1625 : i32
        %add3A_1627 = arith.constant 17 : i32
        %add3A_1628 = arith.addi %mul3A_1626, %add3A_1627 : i32
        %get3A_1629 = arith.index_cast %add3A_1628 : i32 to index
        %get3A_1630 = arith.constant 0 : index
        %get3A_1631 = tpu.vector_load %arg13[%get3A_1629, %get3A_1630] {strides = array<i32>} : memref<416x32xf32, #tpu.memory_space<vmem>>, vector<1x16xf32>,
        %get3A_1632 = vector.shape_cast %get3A_1631 : vector<1x16xf32> to vector<16xf32>
        %get3A_1633 = arith.constant 30 : i32
        %get3A_1634 = arith.index_cast %get3A_1633 : i32 to index
        %get3A_1635 = arith.constant 0 : index
        %get3A_1636 = tpu.vector_load %arg20[%get3A_1634, %get3A_1635] {strides = array<i32>} : memref<39x32xf32, #tpu.memory_space<vmem>>, vector<1x16xf32>,
        %get3A_1637 = vector.shape_cast %get3A_1636 : vector<1x16xf32> to vector<16xf32>
        %add3A_1638 = arith.addf %get3A_1632, %get3A_1637 : vector<16xf32>
        %mul3A_1639 = arith.constant 39 : i32
        %mul3A_1640 = arith.muli %scan3A_672, %mul3A_1639 : i32
        %add3A_1641 = arith.constant 13 : i32
        %add3A_1642 = arith.addi %mul3A_1640, %add3A_1641 : i32
        %add3A_1643 = arith.constant 17 : i32
        %add3A_1644 = arith.addi %add3A_1642, %add3A_1643 : i32
        %mul3A_1645 = arith.constant 32 : i32
        %mul3A_1646 = arith.muli %add3A_1644, %mul3A_1645 : i32
        %add3A_1647 = arith.constant 0 : i32
        %add3A_1648 = arith.addi %mul3A_1646, %add3A_1647 : i32
        %swap3A_1649 = arith.index_cast %add3A_1648 : i32 to index
        %swap3A_1650 = tpu.vector_load %arg17[%swap3A_1649] {strides = array<i32>} : memref<19968xf32, #tpu.memory_space<vmem>>, vector<16xf32>,
        %swap3A_1651 = vector.shape_cast %swap3A_1650 : vector<16xf32> to vector<16xf32>
        %swap3A_1652 = vector.shape_cast %add3A_1638 : vector<16xf32> to vector<16xf32>
        tpu.vector_store %arg17[%swap3A_1649], %swap3A_1652 {strides = array<i32>} : memref<19968xf32, #tpu.memory_space<vmem>>, vector<16xf32>,
        %mul3A_1653 = arith.constant 26 : i32
        %mul3A_1654 = arith.muli %scan3A_672, %mul3A_1653 : i32
        %add3A_1655 = arith.constant 17 : i32
        %add3A_1656 = arith.addi %mul3A_1654, %add3A_1655 : i32
        %get3A_1657 = arith.index_cast %add3A_1656 : i32 to index
        %get3A_1658 = arith.constant 16 : index
        %get3A_1659 = tpu.vector_load %arg13[%get3A_1657, %get3A_1658] {strides = array<i32>} : memref<416x32xf32, #tpu.memory_space<vmem>>, vector<1x16xf32>,
        %get3A_1660 = vector.shape_cast %get3A_1659 : vector<1x16xf32> to vector<16xf32>
        %get3A_1661 = arith.constant 30 : i32
        %get3A_1662 = arith.index_cast %get3A_1661 : i32 to index
        %get3A_1663 = arith.constant 16 : index
        %get3A_1664 = tpu.vector_load %arg20[%get3A_1662, %get3A_1663] {strides = array<i32>} : memref<39x32xf32, #tpu.memory_space<vmem>>, vector<1x16xf32>,
        %get3A_1665 = vector.shape_cast %get3A_1664 : vector<1x16xf32> to vector<16xf32>
        %add3A_1666 = arith.addf %get3A_1660, %get3A_1665 : vector<16xf32>
        %mul3A_1667 = arith.constant 39 : i32
        %mul3A_1668 = arith.muli %scan3A_672, %mul3A_1667 : i32
        %add3A_1669 = arith.constant 13 : i32
        %add3A_1670 = arith.addi %mul3A_1668, %add3A_1669 : i32
        %add3A_1671 = arith.constant 17 : i32
        %add3A_1672 = arith.addi %add3A_1670, %add3A_1671 : i32
        %mul3A_1673 = arith.constant 32 : i32
        %mul3A_1674 = arith.muli %add3A_1672, %mul3A_1673 : i32
        %add3A_1675 = arith.constant 16 : i32
        %add3A_1676 = arith.addi %mul3A_1674, %add3A_1675 : i32
        %swap3A_1677 = arith.index_cast %add3A_1676 : i32 to index
        %swap3A_1678 = tpu.vector_load %arg17[%swap3A_1677] {strides = array<i32>} : memref<19968xf32, #tpu.memory_space<vmem>>, vector<16xf32>,
        %swap3A_1679 = vector.shape_cast %swap3A_1678 : vector<16xf32> to vector<16xf32>
        %swap3A_1680 = vector.shape_cast %add3A_1666 : vector<16xf32> to vector<16xf32>
        tpu.vector_store %arg17[%swap3A_1677], %swap3A_1680 {strides = array<i32>} : memref<19968xf32, #tpu.memory_space<vmem>>, vector<16xf32>,
        %mul3A_1681 = arith.constant 26 : i32
        %mul3A_1682 = arith.muli %scan3A_672, %mul3A_1681 : i32
        %add3A_1683 = arith.constant 18 : i32
        %add3A_1684 = arith.addi %mul3A_1682, %add3A_1683 : i32
        %get3A_1685 = arith.index_cast %add3A_1684 : i32 to index
        %get3A_1686 = arith.constant 0 : index
        %get3A_1687 = tpu.vector_load %arg13[%get3A_1685, %get3A_1686] {strides = array<i32>} : memref<416x32xf32, #tpu.memory_space<vmem>>, vector<1x16xf32>,
        %get3A_1688 = vector.shape_cast %get3A_1687 : vector<1x16xf32> to vector<16xf32>
        %get3A_1689 = arith.constant 31 : i32
        %get3A_1690 = arith.index_cast %get3A_1689 : i32 to index
        %get3A_1691 = arith.constant 0 : index
        %get3A_1692 = tpu.vector_load %arg20[%get3A_1690, %get3A_1691] {strides = array<i32>} : memref<39x32xf32, #tpu.memory_space<vmem>>, vector<1x16xf32>,
        %get3A_1693 = vector.shape_cast %get3A_1692 : vector<1x16xf32> to vector<16xf32>
        %add3A_1694 = arith.addf %get3A_1688, %get3A_1693 : vector<16xf32>
        %mul3A_1695 = arith.constant 39 : i32
        %mul3A_1696 = arith.muli %scan3A_672, %mul3A_1695 : i32
        %add3A_1697 = arith.constant 13 : i32
        %add3A_1698 = arith.addi %mul3A_1696, %add3A_1697 : i32
        %add3A_1699 = arith.constant 18 : i32
        %add3A_1700 = arith.addi %add3A_1698, %add3A_1699 : i32
        %mul3A_1701 = arith.constant 32 : i32
        %mul3A_1702 = arith.muli %add3A_1700, %mul3A_1701 : i32
        %add3A_1703 = arith.constant 0 : i32
        %add3A_1704 = arith.addi %mul3A_1702, %add3A_1703 : i32
        %swap3A_1705 = arith.index_cast %add3A_1704 : i32 to index
        %swap3A_1706 = tpu.vector_load %arg17[%swap3A_1705] {strides = array<i32>} : memref<19968xf32, #tpu.memory_space<vmem>>, vector<16xf32>,
        %swap3A_1707 = vector.shape_cast %swap3A_1706 : vector<16xf32> to vector<16xf32>
        %swap3A_1708 = vector.shape_cast %add3A_1694 : vector<16xf32> to vector<16xf32>
        tpu.vector_store %arg17[%swap3A_1705], %swap3A_1708 {strides = array<i32>} : memref<19968xf32, #tpu.memory_space<vmem>>, vector<16xf32>,
        %mul3A_1709 = arith.constant 26 : i32
        %mul3A_1710 = arith.muli %scan3A_672, %mul3A_1709 : i32
        %add3A_1711 = arith.constant 18 : i32
        %add3A_1712 = arith.addi %mul3A_1710, %add3A_1711 : i32
        %get3A_1713 = arith.index_cast %add3A_1712 : i32 to index
        %get3A_1714 = arith.constant 16 : index
        %get3A_1715 = tpu.vector_load %arg13[%get3A_1713, %get3A_1714] {strides = array<i32>} : memref<416x32xf32, #tpu.memory_space<vmem>>, vector<1x16xf32>,
        %get3A_1716 = vector.shape_cast %get3A_1715 : vector<1x16xf32> to vector<16xf32>
        %get3A_1717 = arith.constant 31 : i32
        %get3A_1718 = arith.index_cast %get3A_1717 : i32 to index
        %get3A_1719 = arith.constant 16 : index
        %get3A_1720 = tpu.vector_load %arg20[%get3A_1718, %get3A_1719] {strides = array<i32>} : memref<39x32xf32, #tpu.memory_space<vmem>>, vector<1x16xf32>,
        %get3A_1721 = vector.shape_cast %get3A_1720 : vector<1x16xf32> to vector<16xf32>
        %add3A_1722 = arith.addf %get3A_1716, %get3A_1721 : vector<16xf32>
        %mul3A_1723 = arith.constant 39 : i32
        %mul3A_1724 = arith.muli %scan3A_672, %mul3A_1723 : i32
        %add3A_1725 = arith.constant 13 : i32
        %add3A_1726 = arith.addi %mul3A_1724, %add3A_1725 : i32
        %add3A_1727 = arith.constant 18 : i32
        %add3A_1728 = arith.addi %add3A_1726, %add3A_1727 : i32
        %mul3A_1729 = arith.constant 32 : i32
        %mul3A_1730 = arith.muli %add3A_1728, %mul3A_1729 : i32
        %add3A_1731 = arith.constant 16 : i32
        %add3A_1732 = arith.addi %mul3A_1730, %add3A_1731 : i32
        %swap3A_1733 = arith.index_cast %add3A_1732 : i32 to index
        %swap3A_1734 = tpu.vector_load %arg17[%swap3A_1733] {strides = array<i32>} : memref<19968xf32, #tpu.memory_space<vmem>>, vector<16xf32>,
        %swap3A_1735 = vector.shape_cast %swap3A_1734 : vector<16xf32> to vector<16xf32>
        %swap3A_1736 = vector.shape_cast %add3A_1722 : vector<16xf32> to vector<16xf32>
        tpu.vector_store %arg17[%swap3A_1733], %swap3A_1736 {strides = array<i32>} : memref<19968xf32, #tpu.memory_space<vmem>>, vector<16xf32>,
        %mul3A_1737 = arith.constant 26 : i32
        %mul3A_1738 = arith.muli %scan3A_672, %mul3A_1737 : i32
        %add3A_1739 = arith.constant 19 : i32
        %add3A_1740 = arith.addi %mul3A_1738, %add3A_1739 : i32
        %get3A_1741 = arith.index_cast %add3A_1740 : i32 to index
        %get3A_1742 = arith.constant 0 : index
        %get3A_1743 = tpu.vector_load %arg13[%get3A_1741, %get3A_1742] {strides = array<i32>} : memref<416x32xf32, #tpu.memory_space<vmem>>, vector<1x16xf32>,
        %get3A_1744 = vector.shape_cast %get3A_1743 : vector<1x16xf32> to vector<16xf32>
        %get3A_1745 = arith.constant 32 : i32
        %get3A_1746 = arith.index_cast %get3A_1745 : i32 to index
        %get3A_1747 = arith.constant 0 : index
        %get3A_1748 = tpu.vector_load %arg20[%get3A_1746, %get3A_1747] {strides = array<i32>} : memref<39x32xf32, #tpu.memory_space<vmem>>, vector<1x16xf32>,
        %get3A_1749 = vector.shape_cast %get3A_1748 : vector<1x16xf32> to vector<16xf32>
        %add3A_1750 = arith.addf %get3A_1744, %get3A_1749 : vector<16xf32>
        %mul3A_1751 = arith.constant 39 : i32
        %mul3A_1752 = arith.muli %scan3A_672, %mul3A_1751 : i32
        %add3A_1753 = arith.constant 13 : i32
        %add3A_1754 = arith.addi %mul3A_1752, %add3A_1753 : i32
        %add3A_1755 = arith.constant 19 : i32
        %add3A_1756 = arith.addi %add3A_1754, %add3A_1755 : i32
        %mul3A_1757 = arith.constant 32 : i32
        %mul3A_1758 = arith.muli %add3A_1756, %mul3A_1757 : i32
        %add3A_1759 = arith.constant 0 : i32
        %add3A_1760 = arith.addi %mul3A_1758, %add3A_1759 : i32
        %swap3A_1761 = arith.index_cast %add3A_1760 : i32 to index
        %swap3A_1762 = tpu.vector_load %arg17[%swap3A_1761] {strides = array<i32>} : memref<19968xf32, #tpu.memory_space<vmem>>, vector<16xf32>,
        %swap3A_1763 = vector.shape_cast %swap3A_1762 : vector<16xf32> to vector<16xf32>
        %swap3A_1764 = vector.shape_cast %add3A_1750 : vector<16xf32> to vector<16xf32>
        tpu.vector_store %arg17[%swap3A_1761], %swap3A_1764 {strides = array<i32>} : memref<19968xf32, #tpu.memory_space<vmem>>, vector<16xf32>,
        %mul3A_1765 = arith.constant 26 : i32
        %mul3A_1766 = arith.muli %scan3A_672, %mul3A_1765 : i32
        %add3A_1767 = arith.constant 19 : i32
        %add3A_1768 = arith.addi %mul3A_1766, %add3A_1767 : i32
        %get3A_1769 = arith.index_cast %add3A_1768 : i32 to index
        %get3A_1770 = arith.constant 16 : index
        %get3A_1771 = tpu.vector_load %arg13[%get3A_1769, %get3A_1770] {strides = array<i32>} : memref<416x32xf32, #tpu.memory_space<vmem>>, vector<1x16xf32>,
        %get3A_1772 = vector.shape_cast %get3A_1771 : vector<1x16xf32> to vector<16xf32>
        %get3A_1773 = arith.constant 32 : i32
        %get3A_1774 = arith.index_cast %get3A_1773 : i32 to index
        %get3A_1775 = arith.constant 16 : index
        %get3A_1776 = tpu.vector_load %arg20[%get3A_1774, %get3A_1775] {strides = array<i32>} : memref<39x32xf32, #tpu.memory_space<vmem>>, vector<1x16xf32>,
        %get3A_1777 = vector.shape_cast %get3A_1776 : vector<1x16xf32> to vector<16xf32>
        %add3A_1778 = arith.addf %get3A_1772, %get3A_1777 : vector<16xf32>
        %mul3A_1779 = arith.constant 39 : i32
        %mul3A_1780 = arith.muli %scan3A_672, %mul3A_1779 : i32
        %add3A_1781 = arith.constant 13 : i32
        %add3A_1782 = arith.addi %mul3A_1780, %add3A_1781 : i32
        %add3A_1783 = arith.constant 19 : i32
        %add3A_1784 = arith.addi %add3A_1782, %add3A_1783 : i32
        %mul3A_1785 = arith.constant 32 : i32
        %mul3A_1786 = arith.muli %add3A_1784, %mul3A_1785 : i32
        %add3A_1787 = arith.constant 16 : i32
        %add3A_1788 = arith.addi %mul3A_1786, %add3A_1787 : i32
        %swap3A_1789 = arith.index_cast %add3A_1788 : i32 to index
        %swap3A_1790 = tpu.vector_load %arg17[%swap3A_1789] {strides = array<i32>} : memref<19968xf32, #tpu.memory_space<vmem>>, vector<16xf32>,
        %swap3A_1791 = vector.shape_cast %swap3A_1790 : vector<16xf32> to vector<16xf32>
        %swap3A_1792 = vector.shape_cast %add3A_1778 : vector<16xf32> to vector<16xf32>
        tpu.vector_store %arg17[%swap3A_1789], %swap3A_1792 {strides = array<i32>} : memref<19968xf32, #tpu.memory_space<vmem>>, vector<16xf32>,
        %mul3A_1793 = arith.constant 26 : i32
        %mul3A_1794 = arith.muli %scan3A_672, %mul3A_1793 : i32
        %add3A_1795 = arith.constant 20 : i32
        %add3A_1796 = arith.addi %mul3A_1794, %add3A_1795 : i32
        %get3A_1797 = arith.index_cast %add3A_1796 : i32 to index
        %get3A_1798 = arith.constant 0 : index
        %get3A_1799 = tpu.vector_load %arg13[%get3A_1797, %get3A_1798] {strides = array<i32>} : memref<416x32xf32, #tpu.memory_space<vmem>>, vector<1x16xf32>,
        %get3A_1800 = vector.shape_cast %get3A_1799 : vector<1x16xf32> to vector<16xf32>
        %get3A_1801 = arith.constant 33 : i32
        %get3A_1802 = arith.index_cast %get3A_1801 : i32 to index
        %get3A_1803 = arith.constant 0 : index
        %get3A_1804 = tpu.vector_load %arg20[%get3A_1802, %get3A_1803] {strides = array<i32>} : memref<39x32xf32, #tpu.memory_space<vmem>>, vector<1x16xf32>,
        %get3A_1805 = vector.shape_cast %get3A_1804 : vector<1x16xf32> to vector<16xf32>
        %add3A_1806 = arith.addf %get3A_1800, %get3A_1805 : vector<16xf32>
        %mul3A_1807 = arith.constant 39 : i32
        %mul3A_1808 = arith.muli %scan3A_672, %mul3A_1807 : i32
        %add3A_1809 = arith.constant 13 : i32
        %add3A_1810 = arith.addi %mul3A_1808, %add3A_1809 : i32
        %add3A_1811 = arith.constant 20 : i32
        %add3A_1812 = arith.addi %add3A_1810, %add3A_1811 : i32
        %mul3A_1813 = arith.constant 32 : i32
        %mul3A_1814 = arith.muli %add3A_1812, %mul3A_1813 : i32
        %add3A_1815 = arith.constant 0 : i32
        %add3A_1816 = arith.addi %mul3A_1814, %add3A_1815 : i32
        %swap3A_1817 = arith.index_cast %add3A_1816 : i32 to index
        %swap3A_1818 = tpu.vector_load %arg17[%swap3A_1817] {strides = array<i32>} : memref<19968xf32, #tpu.memory_space<vmem>>, vector<16xf32>,
        %swap3A_1819 = vector.shape_cast %swap3A_1818 : vector<16xf32> to vector<16xf32>
        %swap3A_1820 = vector.shape_cast %add3A_1806 : vector<16xf32> to vector<16xf32>
        tpu.vector_store %arg17[%swap3A_1817], %swap3A_1820 {strides = array<i32>} : memref<19968xf32, #tpu.memory_space<vmem>>, vector<16xf32>,
        %mul3A_1821 = arith.constant 26 : i32
        %mul3A_1822 = arith.muli %scan3A_672, %mul3A_1821 : i32
        %add3A_1823 = arith.constant 20 : i32
        %add3A_1824 = arith.addi %mul3A_1822, %add3A_1823 : i32
        %get3A_1825 = arith.index_cast %add3A_1824 : i32 to index
        %get3A_1826 = arith.constant 16 : index
        %get3A_1827 = tpu.vector_load %arg13[%get3A_1825, %get3A_1826] {strides = array<i32>} : memref<416x32xf32, #tpu.memory_space<vmem>>, vector<1x16xf32>,
        %get3A_1828 = vector.shape_cast %get3A_1827 : vector<1x16xf32> to vector<16xf32>
        %get3A_1829 = arith.constant 33 : i32
        %get3A_1830 = arith.index_cast %get3A_1829 : i32 to index
        %get3A_1831 = arith.constant 16 : index
        %get3A_1832 = tpu.vector_load %arg20[%get3A_1830, %get3A_1831] {strides = array<i32>} : memref<39x32xf32, #tpu.memory_space<vmem>>, vector<1x16xf32>,
        %get3A_1833 = vector.shape_cast %get3A_1832 : vector<1x16xf32> to vector<16xf32>
        %add3A_1834 = arith.addf %get3A_1828, %get3A_1833 : vector<16xf32>
        %mul3A_1835 = arith.constant 39 : i32
        %mul3A_1836 = arith.muli %scan3A_672, %mul3A_1835 : i32
        %add3A_1837 = arith.constant 13 : i32
        %add3A_1838 = arith.addi %mul3A_1836, %add3A_1837 : i32
        %add3A_1839 = arith.constant 20 : i32
        %add3A_1840 = arith.addi %add3A_1838, %add3A_1839 : i32
        %mul3A_1841 = arith.constant 32 : i32
        %mul3A_1842 = arith.muli %add3A_1840, %mul3A_1841 : i32
        %add3A_1843 = arith.constant 16 : i32
        %add3A_1844 = arith.addi %mul3A_1842, %add3A_1843 : i32
        %swap3A_1845 = arith.index_cast %add3A_1844 : i32 to index
        %swap3A_1846 = tpu.vector_load %arg17[%swap3A_1845] {strides = array<i32>} : memref<19968xf32, #tpu.memory_space<vmem>>, vector<16xf32>,
        %swap3A_1847 = vector.shape_cast %swap3A_1846 : vector<16xf32> to vector<16xf32>
        %swap3A_1848 = vector.shape_cast %add3A_1834 : vector<16xf32> to vector<16xf32>
        tpu.vector_store %arg17[%swap3A_1845], %swap3A_1848 {strides = array<i32>} : memref<19968xf32, #tpu.memory_space<vmem>>, vector<16xf32>,
        %mul3A_1849 = arith.constant 26 : i32
        %mul3A_1850 = arith.muli %scan3A_672, %mul3A_1849 : i32
        %add3A_1851 = arith.constant 21 : i32
        %add3A_1852 = arith.addi %mul3A_1850, %add3A_1851 : i32
        %get3A_1853 = arith.index_cast %add3A_1852 : i32 to index
        %get3A_1854 = arith.constant 0 : index
        %get3A_1855 = tpu.vector_load %arg13[%get3A_1853, %get3A_1854] {strides = array<i32>} : memref<416x32xf32, #tpu.memory_space<vmem>>, vector<1x16xf32>,
        %get3A_1856 = vector.shape_cast %get3A_1855 : vector<1x16xf32> to vector<16xf32>
        %get3A_1857 = arith.constant 34 : i32
        %get3A_1858 = arith.index_cast %get3A_1857 : i32 to index
        %get3A_1859 = arith.constant 0 : index
        %get3A_1860 = tpu.vector_load %arg20[%get3A_1858, %get3A_1859] {strides = array<i32>} : memref<39x32xf32, #tpu.memory_space<vmem>>, vector<1x16xf32>,
        %get3A_1861 = vector.shape_cast %get3A_1860 : vector<1x16xf32> to vector<16xf32>
        %add3A_1862 = arith.addf %get3A_1856, %get3A_1861 : vector<16xf32>
        %mul3A_1863 = arith.constant 39 : i32
        %mul3A_1864 = arith.muli %scan3A_672, %mul3A_1863 : i32
        %add3A_1865 = arith.constant 13 : i32
        %add3A_1866 = arith.addi %mul3A_1864, %add3A_1865 : i32
        %add3A_1867 = arith.constant 21 : i32
        %add3A_1868 = arith.addi %add3A_1866, %add3A_1867 : i32
        %mul3A_1869 = arith.constant 32 : i32
        %mul3A_1870 = arith.muli %add3A_1868, %mul3A_1869 : i32
        %add3A_1871 = arith.constant 0 : i32
        %add3A_1872 = arith.addi %mul3A_1870, %add3A_1871 : i32
        %swap3A_1873 = arith.index_cast %add3A_1872 : i32 to index
        %swap3A_1874 = tpu.vector_load %arg17[%swap3A_1873] {strides = array<i32>} : memref<19968xf32, #tpu.memory_space<vmem>>, vector<16xf32>,
        %swap3A_1875 = vector.shape_cast %swap3A_1874 : vector<16xf32> to vector<16xf32>
        %swap3A_1876 = vector.shape_cast %add3A_1862 : vector<16xf32> to vector<16xf32>
        tpu.vector_store %arg17[%swap3A_1873], %swap3A_1876 {strides = array<i32>} : memref<19968xf32, #tpu.memory_space<vmem>>, vector<16xf32>,
        %mul3A_1877 = arith.constant 26 : i32
        %mul3A_1878 = arith.muli %scan3A_672, %mul3A_1877 : i32
        %add3A_1879 = arith.constant 21 : i32
        %add3A_1880 = arith.addi %mul3A_1878, %add3A_1879 : i32
        %get3A_1881 = arith.index_cast %add3A_1880 : i32 to index
        %get3A_1882 = arith.constant 16 : index
        %get3A_1883 = tpu.vector_load %arg13[%get3A_1881, %get3A_1882] {strides = array<i32>} : memref<416x32xf32, #tpu.memory_space<vmem>>, vector<1x16xf32>,
        %get3A_1884 = vector.shape_cast %get3A_1883 : vector<1x16xf32> to vector<16xf32>
        %get3A_1885 = arith.constant 34 : i32
        %get3A_1886 = arith.index_cast %get3A_1885 : i32 to index
        %get3A_1887 = arith.constant 16 : index
        %get3A_1888 = tpu.vector_load %arg20[%get3A_1886, %get3A_1887] {strides = array<i32>} : memref<39x32xf32, #tpu.memory_space<vmem>>, vector<1x16xf32>,
        %get3A_1889 = vector.shape_cast %get3A_1888 : vector<1x16xf32> to vector<16xf32>
        %add3A_1890 = arith.addf %get3A_1884, %get3A_1889 : vector<16xf32>
        %mul3A_1891 = arith.constant 39 : i32
        %mul3A_1892 = arith.muli %scan3A_672, %mul3A_1891 : i32
        %add3A_1893 = arith.constant 13 : i32
        %add3A_1894 = arith.addi %mul3A_1892, %add3A_1893 : i32
        %add3A_1895 = arith.constant 21 : i32
        %add3A_1896 = arith.addi %add3A_1894, %add3A_1895 : i32
        %mul3A_1897 = arith.constant 32 : i32
        %mul3A_1898 = arith.muli %add3A_1896, %mul3A_1897 : i32
        %add3A_1899 = arith.constant 16 : i32
        %add3A_1900 = arith.addi %mul3A_1898, %add3A_1899 : i32
        %swap3A_1901 = arith.index_cast %add3A_1900 : i32 to index
        %swap3A_1902 = tpu.vector_load %arg17[%swap3A_1901] {strides = array<i32>} : memref<19968xf32, #tpu.memory_space<vmem>>, vector<16xf32>,
        %swap3A_1903 = vector.shape_cast %swap3A_1902 : vector<16xf32> to vector<16xf32>
        %swap3A_1904 = vector.shape_cast %add3A_1890 : vector<16xf32> to vector<16xf32>
        tpu.vector_store %arg17[%swap3A_1901], %swap3A_1904 {strides = array<i32>} : memref<19968xf32, #tpu.memory_space<vmem>>, vector<16xf32>,
        %mul3A_1905 = arith.constant 26 : i32
        %mul3A_1906 = arith.muli %scan3A_672, %mul3A_1905 : i32
        %add3A_1907 = arith.constant 22 : i32
        %add3A_1908 = arith.addi %mul3A_1906, %add3A_1907 : i32
        %get3A_1909 = arith.index_cast %add3A_1908 : i32 to index
        %get3A_1910 = arith.constant 0 : index
        %get3A_1911 = tpu.vector_load %arg13[%get3A_1909, %get3A_1910] {strides = array<i32>} : memref<416x32xf32, #tpu.memory_space<vmem>>, vector<1x16xf32>,
        %get3A_1912 = vector.shape_cast %get3A_1911 : vector<1x16xf32> to vector<16xf32>
        %get3A_1913 = arith.constant 35 : i32
        %get3A_1914 = arith.index_cast %get3A_1913 : i32 to index
        %get3A_1915 = arith.constant 0 : index
        %get3A_1916 = tpu.vector_load %arg20[%get3A_1914, %get3A_1915] {strides = array<i32>} : memref<39x32xf32, #tpu.memory_space<vmem>>, vector<1x16xf32>,
        %get3A_1917 = vector.shape_cast %get3A_1916 : vector<1x16xf32> to vector<16xf32>
        %add3A_1918 = arith.addf %get3A_1912, %get3A_1917 : vector<16xf32>
        %mul3A_1919 = arith.constant 39 : i32
        %mul3A_1920 = arith.muli %scan3A_672, %mul3A_1919 : i32
        %add3A_1921 = arith.constant 13 : i32
        %add3A_1922 = arith.addi %mul3A_1920, %add3A_1921 : i32
        %add3A_1923 = arith.constant 22 : i32
        %add3A_1924 = arith.addi %add3A_1922, %add3A_1923 : i32
        %mul3A_1925 = arith.constant 32 : i32
        %mul3A_1926 = arith.muli %add3A_1924, %mul3A_1925 : i32
        %add3A_1927 = arith.constant 0 : i32
        %add3A_1928 = arith.addi %mul3A_1926, %add3A_1927 : i32
        %swap3A_1929 = arith.index_cast %add3A_1928 : i32 to index
        %swap3A_1930 = tpu.vector_load %arg17[%swap3A_1929] {strides = array<i32>} : memref<19968xf32, #tpu.memory_space<vmem>>, vector<16xf32>,
        %swap3A_1931 = vector.shape_cast %swap3A_1930 : vector<16xf32> to vector<16xf32>
        %swap3A_1932 = vector.shape_cast %add3A_1918 : vector<16xf32> to vector<16xf32>
        tpu.vector_store %arg17[%swap3A_1929], %swap3A_1932 {strides = array<i32>} : memref<19968xf32, #tpu.memory_space<vmem>>, vector<16xf32>,
        %mul3A_1933 = arith.constant 26 : i32
        %mul3A_1934 = arith.muli %scan3A_672, %mul3A_1933 : i32
        %add3A_1935 = arith.constant 22 : i32
        %add3A_1936 = arith.addi %mul3A_1934, %add3A_1935 : i32
        %get3A_1937 = arith.index_cast %add3A_1936 : i32 to index
        %get3A_1938 = arith.constant 16 : index
        %get3A_1939 = tpu.vector_load %arg13[%get3A_1937, %get3A_1938] {strides = array<i32>} : memref<416x32xf32, #tpu.memory_space<vmem>>, vector<1x16xf32>,
        %get3A_1940 = vector.shape_cast %get3A_1939 : vector<1x16xf32> to vector<16xf32>
        %get3A_1941 = arith.constant 35 : i32
        %get3A_1942 = arith.index_cast %get3A_1941 : i32 to index
        %get3A_1943 = arith.constant 16 : index
        %get3A_1944 = tpu.vector_load %arg20[%get3A_1942, %get3A_1943] {strides = array<i32>} : memref<39x32xf32, #tpu.memory_space<vmem>>, vector<1x16xf32>,
        %get3A_1945 = vector.shape_cast %get3A_1944 : vector<1x16xf32> to vector<16xf32>
        %add3A_1946 = arith.addf %get3A_1940, %get3A_1945 : vector<16xf32>
        %mul3A_1947 = arith.constant 39 : i32
        %mul3A_1948 = arith.muli %scan3A_672, %mul3A_1947 : i32
        %add3A_1949 = arith.constant 13 : i32
        %add3A_1950 = arith.addi %mul3A_1948, %add3A_1949 : i32
        %add3A_1951 = arith.constant 22 : i32
        %add3A_1952 = arith.addi %add3A_1950, %add3A_1951 : i32
        %mul3A_1953 = arith.constant 32 : i32
        %mul3A_1954 = arith.muli %add3A_1952, %mul3A_1953 : i32
        %add3A_1955 = arith.constant 16 : i32
        %add3A_1956 = arith.addi %mul3A_1954, %add3A_1955 : i32
        %swap3A_1957 = arith.index_cast %add3A_1956 : i32 to index
        %swap3A_1958 = tpu.vector_load %arg17[%swap3A_1957] {strides = array<i32>} : memref<19968xf32, #tpu.memory_space<vmem>>, vector<16xf32>,
        %swap3A_1959 = vector.shape_cast %swap3A_1958 : vector<16xf32> to vector<16xf32>
        %swap3A_1960 = vector.shape_cast %add3A_1946 : vector<16xf32> to vector<16xf32>
        tpu.vector_store %arg17[%swap3A_1957], %swap3A_1960 {strides = array<i32>} : memref<19968xf32, #tpu.memory_space<vmem>>, vector<16xf32>,
        %mul3A_1961 = arith.constant 26 : i32
        %mul3A_1962 = arith.muli %scan3A_672, %mul3A_1961 : i32
        %add3A_1963 = arith.constant 23 : i32
        %add3A_1964 = arith.addi %mul3A_1962, %add3A_1963 : i32
        %get3A_1965 = arith.index_cast %add3A_1964 : i32 to index
        %get3A_1966 = arith.constant 0 : index
        %get3A_1967 = tpu.vector_load %arg13[%get3A_1965, %get3A_1966] {strides = array<i32>} : memref<416x32xf32, #tpu.memory_space<vmem>>, vector<1x16xf32>,
        %get3A_1968 = vector.shape_cast %get3A_1967 : vector<1x16xf32> to vector<16xf32>
        %get3A_1969 = arith.constant 36 : i32
        %get3A_1970 = arith.index_cast %get3A_1969 : i32 to index
        %get3A_1971 = arith.constant 0 : index
        %get3A_1972 = tpu.vector_load %arg20[%get3A_1970, %get3A_1971] {strides = array<i32>} : memref<39x32xf32, #tpu.memory_space<vmem>>, vector<1x16xf32>,
        %get3A_1973 = vector.shape_cast %get3A_1972 : vector<1x16xf32> to vector<16xf32>
        %add3A_1974 = arith.addf %get3A_1968, %get3A_1973 : vector<16xf32>
        %mul3A_1975 = arith.constant 39 : i32
        %mul3A_1976 = arith.muli %scan3A_672, %mul3A_1975 : i32
        %add3A_1977 = arith.constant 13 : i32
        %add3A_1978 = arith.addi %mul3A_1976, %add3A_1977 : i32
        %add3A_1979 = arith.constant 23 : i32
        %add3A_1980 = arith.addi %add3A_1978, %add3A_1979 : i32
        %mul3A_1981 = arith.constant 32 : i32
        %mul3A_1982 = arith.muli %add3A_1980, %mul3A_1981 : i32
        %add3A_1983 = arith.constant 0 : i32
        %add3A_1984 = arith.addi %mul3A_1982, %add3A_1983 : i32
        %swap3A_1985 = arith.index_cast %add3A_1984 : i32 to index
        %swap3A_1986 = tpu.vector_load %arg17[%swap3A_1985] {strides = array<i32>} : memref<19968xf32, #tpu.memory_space<vmem>>, vector<16xf32>,
        %swap3A_1987 = vector.shape_cast %swap3A_1986 : vector<16xf32> to vector<16xf32>
        %swap3A_1988 = vector.shape_cast %add3A_1974 : vector<16xf32> to vector<16xf32>
        tpu.vector_store %arg17[%swap3A_1985], %swap3A_1988 {strides = array<i32>} : memref<19968xf32, #tpu.memory_space<vmem>>, vector<16xf32>,
        %mul3A_1989 = arith.constant 26 : i32
        %mul3A_1990 = arith.muli %scan3A_672, %mul3A_1989 : i32
        %add3A_1991 = arith.constant 23 : i32
        %add3A_1992 = arith.addi %mul3A_1990, %add3A_1991 : i32
        %get3A_1993 = arith.index_cast %add3A_1992 : i32 to index
        %get3A_1994 = arith.constant 16 : index
        %get3A_1995 = tpu.vector_load %arg13[%get3A_1993, %get3A_1994] {strides = array<i32>} : memref<416x32xf32, #tpu.memory_space<vmem>>, vector<1x16xf32>,
        %get3A_1996 = vector.shape_cast %get3A_1995 : vector<1x16xf32> to vector<16xf32>
        %get3A_1997 = arith.constant 36 : i32
        %get3A_1998 = arith.index_cast %get3A_1997 : i32 to index
        %get3A_1999 = arith.constant 16 : index
        %get3A_2000 = tpu.vector_load %arg20[%get3A_1998, %get3A_1999] {strides = array<i32>} : memref<39x32xf32, #tpu.memory_space<vmem>>, vector<1x16xf32>,
        %get3A_2001 = vector.shape_cast %get3A_2000 : vector<1x16xf32> to vector<16xf32>
        %add3A_2002 = arith.addf %get3A_1996, %get3A_2001 : vector<16xf32>
        %mul3A_2003 = arith.constant 39 : i32
        %mul3A_2004 = arith.muli %scan3A_672, %mul3A_2003 : i32
        %add3A_2005 = arith.constant 13 : i32
        %add3A_2006 = arith.addi %mul3A_2004, %add3A_2005 : i32
        %add3A_2007 = arith.constant 23 : i32
        %add3A_2008 = arith.addi %add3A_2006, %add3A_2007 : i32
        %mul3A_2009 = arith.constant 32 : i32
        %mul3A_2010 = arith.muli %add3A_2008, %mul3A_2009 : i32
        %add3A_2011 = arith.constant 16 : i32
        %add3A_2012 = arith.addi %mul3A_2010, %add3A_2011 : i32
        %swap3A_2013 = arith.index_cast %add3A_2012 : i32 to index
        %swap3A_2014 = tpu.vector_load %arg17[%swap3A_2013] {strides = array<i32>} : memref<19968xf32, #tpu.memory_space<vmem>>, vector<16xf32>,
        %swap3A_2015 = vector.shape_cast %swap3A_2014 : vector<16xf32> to vector<16xf32>
        %swap3A_2016 = vector.shape_cast %add3A_2002 : vector<16xf32> to vector<16xf32>
        tpu.vector_store %arg17[%swap3A_2013], %swap3A_2016 {strides = array<i32>} : memref<19968xf32, #tpu.memory_space<vmem>>, vector<16xf32>,
        %mul3A_2017 = arith.constant 26 : i32
        %mul3A_2018 = arith.muli %scan3A_672, %mul3A_2017 : i32
        %add3A_2019 = arith.constant 24 : i32
        %add3A_2020 = arith.addi %mul3A_2018, %add3A_2019 : i32
        %get3A_2021 = arith.index_cast %add3A_2020 : i32 to index
        %get3A_2022 = arith.constant 0 : index
        %get3A_2023 = tpu.vector_load %arg13[%get3A_2021, %get3A_2022] {strides = array<i32>} : memref<416x32xf32, #tpu.memory_space<vmem>>, vector<1x16xf32>,
        %get3A_2024 = vector.shape_cast %get3A_2023 : vector<1x16xf32> to vector<16xf32>
        %get3A_2025 = arith.constant 37 : i32
        %get3A_2026 = arith.index_cast %get3A_2025 : i32 to index
        %get3A_2027 = arith.constant 0 : index
        %get3A_2028 = tpu.vector_load %arg20[%get3A_2026, %get3A_2027] {strides = array<i32>} : memref<39x32xf32, #tpu.memory_space<vmem>>, vector<1x16xf32>,
        %get3A_2029 = vector.shape_cast %get3A_2028 : vector<1x16xf32> to vector<16xf32>
        %add3A_2030 = arith.addf %get3A_2024, %get3A_2029 : vector<16xf32>
        %mul3A_2031 = arith.constant 39 : i32
        %mul3A_2032 = arith.muli %scan3A_672, %mul3A_2031 : i32
        %add3A_2033 = arith.constant 13 : i32
        %add3A_2034 = arith.addi %mul3A_2032, %add3A_2033 : i32
        %add3A_2035 = arith.constant 24 : i32
        %add3A_2036 = arith.addi %add3A_2034, %add3A_2035 : i32
        %mul3A_2037 = arith.constant 32 : i32
        %mul3A_2038 = arith.muli %add3A_2036, %mul3A_2037 : i32
        %add3A_2039 = arith.constant 0 : i32
        %add3A_2040 = arith.addi %mul3A_2038, %add3A_2039 : i32
        %swap3A_2041 = arith.index_cast %add3A_2040 : i32 to index
        %swap3A_2042 = tpu.vector_load %arg17[%swap3A_2041] {strides = array<i32>} : memref<19968xf32, #tpu.memory_space<vmem>>, vector<16xf32>,
        %swap3A_2043 = vector.shape_cast %swap3A_2042 : vector<16xf32> to vector<16xf32>
        %swap3A_2044 = vector.shape_cast %add3A_2030 : vector<16xf32> to vector<16xf32>
        tpu.vector_store %arg17[%swap3A_2041], %swap3A_2044 {strides = array<i32>} : memref<19968xf32, #tpu.memory_space<vmem>>, vector<16xf32>,
        %mul3A_2045 = arith.constant 26 : i32
        %mul3A_2046 = arith.muli %scan3A_672, %mul3A_2045 : i32
        %add3A_2047 = arith.constant 24 : i32
        %add3A_2048 = arith.addi %mul3A_2046, %add3A_2047 : i32
        %get3A_2049 = arith.index_cast %add3A_2048 : i32 to index
        %get3A_2050 = arith.constant 16 : index
        %get3A_2051 = tpu.vector_load %arg13[%get3A_2049, %get3A_2050] {strides = array<i32>} : memref<416x32xf32, #tpu.memory_space<vmem>>, vector<1x16xf32>,
        %get3A_2052 = vector.shape_cast %get3A_2051 : vector<1x16xf32> to vector<16xf32>
        %get3A_2053 = arith.constant 37 : i32
        %get3A_2054 = arith.index_cast %get3A_2053 : i32 to index
        %get3A_2055 = arith.constant 16 : index
        %get3A_2056 = tpu.vector_load %arg20[%get3A_2054, %get3A_2055] {strides = array<i32>} : memref<39x32xf32, #tpu.memory_space<vmem>>, vector<1x16xf32>,
        %get3A_2057 = vector.shape_cast %get3A_2056 : vector<1x16xf32> to vector<16xf32>
        %add3A_2058 = arith.addf %get3A_2052, %get3A_2057 : vector<16xf32>
        %mul3A_2059 = arith.constant 39 : i32
        %mul3A_2060 = arith.muli %scan3A_672, %mul3A_2059 : i32
        %add3A_2061 = arith.constant 13 : i32
        %add3A_2062 = arith.addi %mul3A_2060, %add3A_2061 : i32
        %add3A_2063 = arith.constant 24 : i32
        %add3A_2064 = arith.addi %add3A_2062, %add3A_2063 : i32
        %mul3A_2065 = arith.constant 32 : i32
        %mul3A_2066 = arith.muli %add3A_2064, %mul3A_2065 : i32
        %add3A_2067 = arith.constant 16 : i32
        %add3A_2068 = arith.addi %mul3A_2066, %add3A_2067 : i32
        %swap3A_2069 = arith.index_cast %add3A_2068 : i32 to index
        %swap3A_2070 = tpu.vector_load %arg17[%swap3A_2069] {strides = array<i32>} : memref<19968xf32, #tpu.memory_space<vmem>>, vector<16xf32>,
        %swap3A_2071 = vector.shape_cast %swap3A_2070 : vector<16xf32> to vector<16xf32>
        %swap3A_2072 = vector.shape_cast %add3A_2058 : vector<16xf32> to vector<16xf32>
        tpu.vector_store %arg17[%swap3A_2069], %swap3A_2072 {strides = array<i32>} : memref<19968xf32, #tpu.memory_space<vmem>>, vector<16xf32>,
        %mul3A_2073 = arith.constant 26 : i32
        %mul3A_2074 = arith.muli %scan3A_672, %mul3A_2073 : i32
        %add3A_2075 = arith.constant 25 : i32
        %add3A_2076 = arith.addi %mul3A_2074, %add3A_2075 : i32
        %get3A_2077 = arith.index_cast %add3A_2076 : i32 to index
        %get3A_2078 = arith.constant 0 : index
        %get3A_2079 = tpu.vector_load %arg13[%get3A_2077, %get3A_2078] {strides = array<i32>} : memref<416x32xf32, #tpu.memory_space<vmem>>, vector<1x16xf32>,
        %get3A_2080 = vector.shape_cast %get3A_2079 : vector<1x16xf32> to vector<16xf32>
        %get3A_2081 = arith.constant 38 : i32
        %get3A_2082 = arith.index_cast %get3A_2081 : i32 to index
        %get3A_2083 = arith.constant 0 : index
        %get3A_2084 = tpu.vector_load %arg20[%get3A_2082, %get3A_2083] {strides = array<i32>} : memref<39x32xf32, #tpu.memory_space<vmem>>, vector<1x16xf32>,
        %get3A_2085 = vector.shape_cast %get3A_2084 : vector<1x16xf32> to vector<16xf32>
        %add3A_2086 = arith.addf %get3A_2080, %get3A_2085 : vector<16xf32>
        %mul3A_2087 = arith.constant 39 : i32
        %mul3A_2088 = arith.muli %scan3A_672, %mul3A_2087 : i32
        %add3A_2089 = arith.constant 13 : i32
        %add3A_2090 = arith.addi %mul3A_2088, %add3A_2089 : i32
        %add3A_2091 = arith.constant 25 : i32
        %add3A_2092 = arith.addi %add3A_2090, %add3A_2091 : i32
        %mul3A_2093 = arith.constant 32 : i32
        %mul3A_2094 = arith.muli %add3A_2092, %mul3A_2093 : i32
        %add3A_2095 = arith.constant 0 : i32
        %add3A_2096 = arith.addi %mul3A_2094, %add3A_2095 : i32
        %swap3A_2097 = arith.index_cast %add3A_2096 : i32 to index
        %swap3A_2098 = tpu.vector_load %arg17[%swap3A_2097] {strides = array<i32>} : memref<19968xf32, #tpu.memory_space<vmem>>, vector<16xf32>,
        %swap3A_2099 = vector.shape_cast %swap3A_2098 : vector<16xf32> to vector<16xf32>
        %swap3A_2100 = vector.shape_cast %add3A_2086 : vector<16xf32> to vector<16xf32>
        tpu.vector_store %arg17[%swap3A_2097], %swap3A_2100 {strides = array<i32>} : memref<19968xf32, #tpu.memory_space<vmem>>, vector<16xf32>,
        %mul3A_2101 = arith.constant 26 : i32
        %mul3A_2102 = arith.muli %scan3A_672, %mul3A_2101 : i32
        %add3A_2103 = arith.constant 25 : i32
        %add3A_2104 = arith.addi %mul3A_2102, %add3A_2103 : i32
        %get3A_2105 = arith.index_cast %add3A_2104 : i32 to index
        %get3A_2106 = arith.constant 16 : index
        %get3A_2107 = tpu.vector_load %arg13[%get3A_2105, %get3A_2106] {strides = array<i32>} : memref<416x32xf32, #tpu.memory_space<vmem>>, vector<1x16xf32>,
        %get3A_2108 = vector.shape_cast %get3A_2107 : vector<1x16xf32> to vector<16xf32>
        %get3A_2109 = arith.constant 38 : i32
        %get3A_2110 = arith.index_cast %get3A_2109 : i32 to index
        %get3A_2111 = arith.constant 16 : index
        %get3A_2112 = tpu.vector_load %arg20[%get3A_2110, %get3A_2111] {strides = array<i32>} : memref<39x32xf32, #tpu.memory_space<vmem>>, vector<1x16xf32>,
        %get3A_2113 = vector.shape_cast %get3A_2112 : vector<1x16xf32> to vector<16xf32>
        %add3A_2114 = arith.addf %get3A_2108, %get3A_2113 : vector<16xf32>
        %mul3A_2115 = arith.constant 39 : i32
        %mul3A_2116 = arith.muli %scan3A_672, %mul3A_2115 : i32
        %add3A_2117 = arith.constant 13 : i32
        %add3A_2118 = arith.addi %mul3A_2116, %add3A_2117 : i32
        %add3A_2119 = arith.constant 25 : i32
        %add3A_2120 = arith.addi %add3A_2118, %add3A_2119 : i32
        %mul3A_2121 = arith.constant 32 : i32
        %mul3A_2122 = arith.muli %add3A_2120, %mul3A_2121 : i32
        %add3A_2123 = arith.constant 16 : i32
        %add3A_2124 = arith.addi %mul3A_2122, %add3A_2123 : i32
        %swap3A_2125 = arith.index_cast %add3A_2124 : i32 to index
        %swap3A_2126 = tpu.vector_load %arg17[%swap3A_2125] {strides = array<i32>} : memref<19968xf32, #tpu.memory_space<vmem>>, vector<16xf32>,
        %swap3A_2127 = vector.shape_cast %swap3A_2126 : vector<16xf32> to vector<16xf32>
        %swap3A_2128 = vector.shape_cast %add3A_2114 : vector<16xf32> to vector<16xf32>
        tpu.vector_store %arg17[%swap3A_2125], %swap3A_2128 {strides = array<i32>} : memref<19968xf32, #tpu.memory_space<vmem>>, vector<16xf32>,
        %mul3A_2129 = arith.constant 16 : i32
        %mul3A_2130 = arith.muli %scan3A_672, %mul3A_2129 : i32
        %get3A_2131 = arith.index_cast %mul3A_2130 : i32 to index
        %get3A_2132 = tpu.vector_load %arg15[%get3A_2131] {strides = array<i32>} : memref<256xf32, #tpu.memory_space<vmem>>, vector<16xf32>,
        %get3A_2133 = vector.shape_cast %get3A_2132 : vector<16xf32> to vector<16xf32>
        %slice3A = vector.extract_strided_slice %get3A_2133 {offsets = [0], sizes = [1], strides = [1]} : vector<16xf32> to vector<1xf32>
        %squeeze3A = vector.extract %slice3A[0] : f32 from vector<1xf32>
        %broadcast_in_dim3A = vector.broadcast %squeeze3A : f32 to vector<16xf32>
        %get3A_2134 = arith.constant 0 : i32
        %get3A_2135 = arith.index_cast %get3A_2134 : i32 to index
        %get3A_2136 = arith.constant 0 : index
        %get3A_2137 = tpu.vector_load %arg19[%get3A_2135, %get3A_2136] {strides = array<i32>} : memref<13x32xf32, #tpu.memory_space<vmem>>, vector<1x16xf32>,
        %get3A_2138 = vector.shape_cast %get3A_2137 : vector<1x16xf32> to vector<16xf32>
        %mul3A_2139 = arith.mulf %get3A_2138, %broadcast_in_dim3A : vector<16xf32>
        %get3A_2140 = arith.constant 0 : i32
        %get3A_2141 = arith.index_cast %get3A_2140 : i32 to index
        %get3A_2142 = arith.constant 0 : index
        %get3A_2143 = tpu.vector_load %arg20[%get3A_2141, %get3A_2142] {strides = array<i32>} : memref<39x32xf32, #tpu.memory_space<vmem>>, vector<1x16xf32>,
        %get3A_2144 = vector.shape_cast %get3A_2143 : vector<1x16xf32> to vector<16xf32>
        %add3A_2145 = arith.addf %mul3A_2139, %get3A_2144 : vector<16xf32>
        %mul3A_2146 = arith.constant 39 : i32
        %mul3A_2147 = arith.muli %scan3A_672, %mul3A_2146 : i32
        %add3A_2148 = arith.constant 0 : i32
        %add3A_2149 = arith.addi %mul3A_2147, %add3A_2148 : i32
        %mul3A_2150 = arith.constant 32 : i32
        %mul3A_2151 = arith.muli %add3A_2149, %mul3A_2150 : i32
        %add3A_2152 = arith.constant 0 : i32
        %add3A_2153 = arith.addi %mul3A_2151, %add3A_2152 : i32
        %swap3A_2154 = arith.index_cast %add3A_2153 : i32 to index
        %swap3A_2155 = tpu.vector_load %arg17[%swap3A_2154] {strides = array<i32>} : memref<19968xf32, #tpu.memory_space<vmem>>, vector<16xf32>,
        %swap3A_2156 = vector.shape_cast %swap3A_2155 : vector<16xf32> to vector<16xf32>
        %swap3A_2157 = vector.shape_cast %add3A_2145 : vector<16xf32> to vector<16xf32>
        tpu.vector_store %arg17[%swap3A_2154], %swap3A_2157 {strides = array<i32>} : memref<19968xf32, #tpu.memory_space<vmem>>, vector<16xf32>,
        %get3A_2158 = arith.constant 0 : i32
        %get3A_2159 = arith.index_cast %get3A_2158 : i32 to index
        %get3A_2160 = arith.constant 16 : index
        %get3A_2161 = tpu.vector_load %arg19[%get3A_2159, %get3A_2160] {strides = array<i32>} : memref<13x32xf32, #tpu.memory_space<vmem>>, vector<1x16xf32>,
        %get3A_2162 = vector.shape_cast %get3A_2161 : vector<1x16xf32> to vector<16xf32>
        %mul3A_2163 = arith.mulf %get3A_2162, %broadcast_in_dim3A : vector<16xf32>
        %get3A_2164 = arith.constant 0 : i32
        %get3A_2165 = arith.index_cast %get3A_2164 : i32 to index
        %get3A_2166 = arith.constant 16 : index
        %get3A_2167 = tpu.vector_load %arg20[%get3A_2165, %get3A_2166] {strides = array<i32>} : memref<39x32xf32, #tpu.memory_space<vmem>>, vector<1x16xf32>,
        %get3A_2168 = vector.shape_cast %get3A_2167 : vector<1x16xf32> to vector<16xf32>
        %add3A_2169 = arith.addf %mul3A_2163, %get3A_2168 : vector<16xf32>
        %mul3A_2170 = arith.constant 39 : i32
        %mul3A_2171 = arith.muli %scan3A_672, %mul3A_2170 : i32
        %add3A_2172 = arith.constant 0 : i32
        %add3A_2173 = arith.addi %mul3A_2171, %add3A_2172 : i32
        %mul3A_2174 = arith.constant 32 : i32
        %mul3A_2175 = arith.muli %add3A_2173, %mul3A_2174 : i32
        %add3A_2176 = arith.constant 16 : i32
        %add3A_2177 = arith.addi %mul3A_2175, %add3A_2176 : i32
        %swap3A_2178 = arith.index_cast %add3A_2177 : i32 to index
        %swap3A_2179 = tpu.vector_load %arg17[%swap3A_2178] {strides = array<i32>} : memref<19968xf32, #tpu.memory_space<vmem>>, vector<16xf32>,
        %swap3A_2180 = vector.shape_cast %swap3A_2179 : vector<16xf32> to vector<16xf32>
        %swap3A_2181 = vector.shape_cast %add3A_2169 : vector<16xf32> to vector<16xf32>
        tpu.vector_store %arg17[%swap3A_2178], %swap3A_2181 {strides = array<i32>} : memref<19968xf32, #tpu.memory_space<vmem>>, vector<16xf32>,
        %slice3A_2182 = vector.extract_strided_slice %get3A_2133 {offsets = [1], sizes = [1], strides = [1]} : vector<16xf32> to vector<1xf32>
        %squeeze3A_2183 = vector.extract %slice3A_2182[0] : f32 from vector<1xf32>
        %broadcast_in_dim3A_2184 = vector.broadcast %squeeze3A_2183 : f32 to vector<16xf32>
        %get3A_2185 = arith.constant 1 : i32
        %get3A_2186 = arith.index_cast %get3A_2185 : i32 to index
        %get3A_2187 = arith.constant 0 : index
        %get3A_2188 = tpu.vector_load %arg19[%get3A_2186, %get3A_2187] {strides = array<i32>} : memref<13x32xf32, #tpu.memory_space<vmem>>, vector<1x16xf32>,
        %get3A_2189 = vector.shape_cast %get3A_2188 : vector<1x16xf32> to vector<16xf32>
        %mul3A_2190 = arith.mulf %get3A_2189, %broadcast_in_dim3A_2184 : vector<16xf32>
        %get3A_2191 = arith.constant 1 : i32
        %get3A_2192 = arith.index_cast %get3A_2191 : i32 to index
        %get3A_2193 = arith.constant 0 : index
        %get3A_2194 = tpu.vector_load %arg20[%get3A_2192, %get3A_2193] {strides = array<i32>} : memref<39x32xf32, #tpu.memory_space<vmem>>, vector<1x16xf32>,
        %get3A_2195 = vector.shape_cast %get3A_2194 : vector<1x16xf32> to vector<16xf32>
        %add3A_2196 = arith.addf %mul3A_2190, %get3A_2195 : vector<16xf32>
        %mul3A_2197 = arith.constant 39 : i32
        %mul3A_2198 = arith.muli %scan3A_672, %mul3A_2197 : i32
        %add3A_2199 = arith.constant 1 : i32
        %add3A_2200 = arith.addi %mul3A_2198, %add3A_2199 : i32
        %mul3A_2201 = arith.constant 32 : i32
        %mul3A_2202 = arith.muli %add3A_2200, %mul3A_2201 : i32
        %add3A_2203 = arith.constant 0 : i32
        %add3A_2204 = arith.addi %mul3A_2202, %add3A_2203 : i32
        %swap3A_2205 = arith.index_cast %add3A_2204 : i32 to index
        %swap3A_2206 = tpu.vector_load %arg17[%swap3A_2205] {strides = array<i32>} : memref<19968xf32, #tpu.memory_space<vmem>>, vector<16xf32>,
        %swap3A_2207 = vector.shape_cast %swap3A_2206 : vector<16xf32> to vector<16xf32>
        %swap3A_2208 = vector.shape_cast %add3A_2196 : vector<16xf32> to vector<16xf32>
        tpu.vector_store %arg17[%swap3A_2205], %swap3A_2208 {strides = array<i32>} : memref<19968xf32, #tpu.memory_space<vmem>>, vector<16xf32>,
        %get3A_2209 = arith.constant 1 : i32
        %get3A_2210 = arith.index_cast %get3A_2209 : i32 to index
        %get3A_2211 = arith.constant 16 : index
        %get3A_2212 = tpu.vector_load %arg19[%get3A_2210, %get3A_2211] {strides = array<i32>} : memref<13x32xf32, #tpu.memory_space<vmem>>, vector<1x16xf32>,
        %get3A_2213 = vector.shape_cast %get3A_2212 : vector<1x16xf32> to vector<16xf32>
        %mul3A_2214 = arith.mulf %get3A_2213, %broadcast_in_dim3A_2184 : vector<16xf32>
        %get3A_2215 = arith.constant 1 : i32
        %get3A_2216 = arith.index_cast %get3A_2215 : i32 to index
        %get3A_2217 = arith.constant 16 : index
        %get3A_2218 = tpu.vector_load %arg20[%get3A_2216, %get3A_2217] {strides = array<i32>} : memref<39x32xf32, #tpu.memory_space<vmem>>, vector<1x16xf32>,
        %get3A_2219 = vector.shape_cast %get3A_2218 : vector<1x16xf32> to vector<16xf32>
        %add3A_2220 = arith.addf %mul3A_2214, %get3A_2219 : vector<16xf32>
        %mul3A_2221 = arith.constant 39 : i32
        %mul3A_2222 = arith.muli %scan3A_672, %mul3A_2221 : i32
        %add3A_2223 = arith.constant 1 : i32
        %add3A_2224 = arith.addi %mul3A_2222, %add3A_2223 : i32
        %mul3A_2225 = arith.constant 32 : i32
        %mul3A_2226 = arith.muli %add3A_2224, %mul3A_2225 : i32
        %add3A_2227 = arith.constant 16 : i32
        %add3A_2228 = arith.addi %mul3A_2226, %add3A_2227 : i32
        %swap3A_2229 = arith.index_cast %add3A_2228 : i32 to index
        %swap3A_2230 = tpu.vector_load %arg17[%swap3A_2229] {strides = array<i32>} : memref<19968xf32, #tpu.memory_space<vmem>>, vector<16xf32>,
        %swap3A_2231 = vector.shape_cast %swap3A_2230 : vector<16xf32> to vector<16xf32>
        %swap3A_2232 = vector.shape_cast %add3A_2220 : vector<16xf32> to vector<16xf32>
        tpu.vector_store %arg17[%swap3A_2229], %swap3A_2232 {strides = array<i32>} : memref<19968xf32, #tpu.memory_space<vmem>>, vector<16xf32>,
        %slice3A_2233 = vector.extract_strided_slice %get3A_2133 {offsets = [2], sizes = [1], strides = [1]} : vector<16xf32> to vector<1xf32>
        %squeeze3A_2234 = vector.extract %slice3A_2233[0] : f32 from vector<1xf32>
        %broadcast_in_dim3A_2235 = vector.broadcast %squeeze3A_2234 : f32 to vector<16xf32>
        %get3A_2236 = arith.constant 2 : i32
        %get3A_2237 = arith.index_cast %get3A_2236 : i32 to index
        %get3A_2238 = arith.constant 0 : index
        %get3A_2239 = tpu.vector_load %arg19[%get3A_2237, %get3A_2238] {strides = array<i32>} : memref<13x32xf32, #tpu.memory_space<vmem>>, vector<1x16xf32>,
        %get3A_2240 = vector.shape_cast %get3A_2239 : vector<1x16xf32> to vector<16xf32>
        %mul3A_2241 = arith.mulf %get3A_2240, %broadcast_in_dim3A_2235 : vector<16xf32>
        %get3A_2242 = arith.constant 2 : i32
        %get3A_2243 = arith.index_cast %get3A_2242 : i32 to index
        %get3A_2244 = arith.constant 0 : index
        %get3A_2245 = tpu.vector_load %arg20[%get3A_2243, %get3A_2244] {strides = array<i32>} : memref<39x32xf32, #tpu.memory_space<vmem>>, vector<1x16xf32>,
        %get3A_2246 = vector.shape_cast %get3A_2245 : vector<1x16xf32> to vector<16xf32>
        %add3A_2247 = arith.addf %mul3A_2241, %get3A_2246 : vector<16xf32>
        %mul3A_2248 = arith.constant 39 : i32
        %mul3A_2249 = arith.muli %scan3A_672, %mul3A_2248 : i32
        %add3A_2250 = arith.constant 2 : i32
        %add3A_2251 = arith.addi %mul3A_2249, %add3A_2250 : i32
        %mul3A_2252 = arith.constant 32 : i32
        %mul3A_2253 = arith.muli %add3A_2251, %mul3A_2252 : i32
        %add3A_2254 = arith.constant 0 : i32
        %add3A_2255 = arith.addi %mul3A_2253, %add3A_2254 : i32
        %swap3A_2256 = arith.index_cast %add3A_2255 : i32 to index
        %swap3A_2257 = tpu.vector_load %arg17[%swap3A_2256] {strides = array<i32>} : memref<19968xf32, #tpu.memory_space<vmem>>, vector<16xf32>,
        %swap3A_2258 = vector.shape_cast %swap3A_2257 : vector<16xf32> to vector<16xf32>
        %swap3A_2259 = vector.shape_cast %add3A_2247 : vector<16xf32> to vector<16xf32>
        tpu.vector_store %arg17[%swap3A_2256], %swap3A_2259 {strides = array<i32>} : memref<19968xf32, #tpu.memory_space<vmem>>, vector<16xf32>,
        %get3A_2260 = arith.constant 2 : i32
        %get3A_2261 = arith.index_cast %get3A_2260 : i32 to index
        %get3A_2262 = arith.constant 16 : index
        %get3A_2263 = tpu.vector_load %arg19[%get3A_2261, %get3A_2262] {strides = array<i32>} : memref<13x32xf32, #tpu.memory_space<vmem>>, vector<1x16xf32>,
        %get3A_2264 = vector.shape_cast %get3A_2263 : vector<1x16xf32> to vector<16xf32>
        %mul3A_2265 = arith.mulf %get3A_2264, %broadcast_in_dim3A_2235 : vector<16xf32>
        %get3A_2266 = arith.constant 2 : i32
        %get3A_2267 = arith.index_cast %get3A_2266 : i32 to index
        %get3A_2268 = arith.constant 16 : index
        %get3A_2269 = tpu.vector_load %arg20[%get3A_2267, %get3A_2268] {strides = array<i32>} : memref<39x32xf32, #tpu.memory_space<vmem>>, vector<1x16xf32>,
        %get3A_2270 = vector.shape_cast %get3A_2269 : vector<1x16xf32> to vector<16xf32>
        %add3A_2271 = arith.addf %mul3A_2265, %get3A_2270 : vector<16xf32>
        %mul3A_2272 = arith.constant 39 : i32
        %mul3A_2273 = arith.muli %scan3A_672, %mul3A_2272 : i32
        %add3A_2274 = arith.constant 2 : i32
        %add3A_2275 = arith.addi %mul3A_2273, %add3A_2274 : i32
        %mul3A_2276 = arith.constant 32 : i32
        %mul3A_2277 = arith.muli %add3A_2275, %mul3A_2276 : i32
        %add3A_2278 = arith.constant 16 : i32
        %add3A_2279 = arith.addi %mul3A_2277, %add3A_2278 : i32
        %swap3A_2280 = arith.index_cast %add3A_2279 : i32 to index
        %swap3A_2281 = tpu.vector_load %arg17[%swap3A_2280] {strides = array<i32>} : memref<19968xf32, #tpu.memory_space<vmem>>, vector<16xf32>,
        %swap3A_2282 = vector.shape_cast %swap3A_2281 : vector<16xf32> to vector<16xf32>
        %swap3A_2283 = vector.shape_cast %add3A_2271 : vector<16xf32> to vector<16xf32>
        tpu.vector_store %arg17[%swap3A_2280], %swap3A_2283 {strides = array<i32>} : memref<19968xf32, #tpu.memory_space<vmem>>, vector<16xf32>,
        %slice3A_2284 = vector.extract_strided_slice %get3A_2133 {offsets = [3], sizes = [1], strides = [1]} : vector<16xf32> to vector<1xf32>
        %squeeze3A_2285 = vector.extract %slice3A_2284[0] : f32 from vector<1xf32>
        %broadcast_in_dim3A_2286 = vector.broadcast %squeeze3A_2285 : f32 to vector<16xf32>
        %get3A_2287 = arith.constant 3 : i32
        %get3A_2288 = arith.index_cast %get3A_2287 : i32 to index
        %get3A_2289 = arith.constant 0 : index
        %get3A_2290 = tpu.vector_load %arg19[%get3A_2288, %get3A_2289] {strides = array<i32>} : memref<13x32xf32, #tpu.memory_space<vmem>>, vector<1x16xf32>,
        %get3A_2291 = vector.shape_cast %get3A_2290 : vector<1x16xf32> to vector<16xf32>
        %mul3A_2292 = arith.mulf %get3A_2291, %broadcast_in_dim3A_2286 : vector<16xf32>
        %get3A_2293 = arith.constant 3 : i32
        %get3A_2294 = arith.index_cast %get3A_2293 : i32 to index
        %get3A_2295 = arith.constant 0 : index
        %get3A_2296 = tpu.vector_load %arg20[%get3A_2294, %get3A_2295] {strides = array<i32>} : memref<39x32xf32, #tpu.memory_space<vmem>>, vector<1x16xf32>,
        %get3A_2297 = vector.shape_cast %get3A_2296 : vector<1x16xf32> to vector<16xf32>
        %add3A_2298 = arith.addf %mul3A_2292, %get3A_2297 : vector<16xf32>
        %mul3A_2299 = arith.constant 39 : i32
        %mul3A_2300 = arith.muli %scan3A_672, %mul3A_2299 : i32
        %add3A_2301 = arith.constant 3 : i32
        %add3A_2302 = arith.addi %mul3A_2300, %add3A_2301 : i32
        %mul3A_2303 = arith.constant 32 : i32
        %mul3A_2304 = arith.muli %add3A_2302, %mul3A_2303 : i32
        %add3A_2305 = arith.constant 0 : i32
        %add3A_2306 = arith.addi %mul3A_2304, %add3A_2305 : i32
        %swap3A_2307 = arith.index_cast %add3A_2306 : i32 to index
        %swap3A_2308 = tpu.vector_load %arg17[%swap3A_2307] {strides = array<i32>} : memref<19968xf32, #tpu.memory_space<vmem>>, vector<16xf32>,
        %swap3A_2309 = vector.shape_cast %swap3A_2308 : vector<16xf32> to vector<16xf32>
        %swap3A_2310 = vector.shape_cast %add3A_2298 : vector<16xf32> to vector<16xf32>
        tpu.vector_store %arg17[%swap3A_2307], %swap3A_2310 {strides = array<i32>} : memref<19968xf32, #tpu.memory_space<vmem>>, vector<16xf32>,
        %get3A_2311 = arith.constant 3 : i32
        %get3A_2312 = arith.index_cast %get3A_2311 : i32 to index
        %get3A_2313 = arith.constant 16 : index
        %get3A_2314 = tpu.vector_load %arg19[%get3A_2312, %get3A_2313] {strides = array<i32>} : memref<13x32xf32, #tpu.memory_space<vmem>>, vector<1x16xf32>,
        %get3A_2315 = vector.shape_cast %get3A_2314 : vector<1x16xf32> to vector<16xf32>
        %mul3A_2316 = arith.mulf %get3A_2315, %broadcast_in_dim3A_2286 : vector<16xf32>
        %get3A_2317 = arith.constant 3 : i32
        %get3A_2318 = arith.index_cast %get3A_2317 : i32 to index
        %get3A_2319 = arith.constant 16 : index
        %get3A_2320 = tpu.vector_load %arg20[%get3A_2318, %get3A_2319] {strides = array<i32>} : memref<39x32xf32, #tpu.memory_space<vmem>>, vector<1x16xf32>,
        %get3A_2321 = vector.shape_cast %get3A_2320 : vector<1x16xf32> to vector<16xf32>
        %add3A_2322 = arith.addf %mul3A_2316, %get3A_2321 : vector<16xf32>
        %mul3A_2323 = arith.constant 39 : i32
        %mul3A_2324 = arith.muli %scan3A_672, %mul3A_2323 : i32
        %add3A_2325 = arith.constant 3 : i32
        %add3A_2326 = arith.addi %mul3A_2324, %add3A_2325 : i32
        %mul3A_2327 = arith.constant 32 : i32
        %mul3A_2328 = arith.muli %add3A_2326, %mul3A_2327 : i32
        %add3A_2329 = arith.constant 16 : i32
        %add3A_2330 = arith.addi %mul3A_2328, %add3A_2329 : i32
        %swap3A_2331 = arith.index_cast %add3A_2330 : i32 to index
        %swap3A_2332 = tpu.vector_load %arg17[%swap3A_2331] {strides = array<i32>} : memref<19968xf32, #tpu.memory_space<vmem>>, vector<16xf32>,
        %swap3A_2333 = vector.shape_cast %swap3A_2332 : vector<16xf32> to vector<16xf32>
        %swap3A_2334 = vector.shape_cast %add3A_2322 : vector<16xf32> to vector<16xf32>
        tpu.vector_store %arg17[%swap3A_2331], %swap3A_2334 {strides = array<i32>} : memref<19968xf32, #tpu.memory_space<vmem>>, vector<16xf32>,
        %slice3A_2335 = vector.extract_strided_slice %get3A_2133 {offsets = [4], sizes = [1], strides = [1]} : vector<16xf32> to vector<1xf32>
        %squeeze3A_2336 = vector.extract %slice3A_2335[0] : f32 from vector<1xf32>
        %broadcast_in_dim3A_2337 = vector.broadcast %squeeze3A_2336 : f32 to vector<16xf32>
        %get3A_2338 = arith.constant 4 : i32
        %get3A_2339 = arith.index_cast %get3A_2338 : i32 to index
        %get3A_2340 = arith.constant 0 : index
        %get3A_2341 = tpu.vector_load %arg19[%get3A_2339, %get3A_2340] {strides = array<i32>} : memref<13x32xf32, #tpu.memory_space<vmem>>, vector<1x16xf32>,
        %get3A_2342 = vector.shape_cast %get3A_2341 : vector<1x16xf32> to vector<16xf32>
        %mul3A_2343 = arith.mulf %get3A_2342, %broadcast_in_dim3A_2337 : vector<16xf32>
        %get3A_2344 = arith.constant 4 : i32
        %get3A_2345 = arith.index_cast %get3A_2344 : i32 to index
        %get3A_2346 = arith.constant 0 : index
        %get3A_2347 = tpu.vector_load %arg20[%get3A_2345, %get3A_2346] {strides = array<i32>} : memref<39x32xf32, #tpu.memory_space<vmem>>, vector<1x16xf32>,
        %get3A_2348 = vector.shape_cast %get3A_2347 : vector<1x16xf32> to vector<16xf32>
        %add3A_2349 = arith.addf %mul3A_2343, %get3A_2348 : vector<16xf32>
        %mul3A_2350 = arith.constant 39 : i32
        %mul3A_2351 = arith.muli %scan3A_672, %mul3A_2350 : i32
        %add3A_2352 = arith.constant 4 : i32
        %add3A_2353 = arith.addi %mul3A_2351, %add3A_2352 : i32
        %mul3A_2354 = arith.constant 32 : i32
        %mul3A_2355 = arith.muli %add3A_2353, %mul3A_2354 : i32
        %add3A_2356 = arith.constant 0 : i32
        %add3A_2357 = arith.addi %mul3A_2355, %add3A_2356 : i32
        %swap3A_2358 = arith.index_cast %add3A_2357 : i32 to index
        %swap3A_2359 = tpu.vector_load %arg17[%swap3A_2358] {strides = array<i32>} : memref<19968xf32, #tpu.memory_space<vmem>>, vector<16xf32>,
        %swap3A_2360 = vector.shape_cast %swap3A_2359 : vector<16xf32> to vector<16xf32>
        %swap3A_2361 = vector.shape_cast %add3A_2349 : vector<16xf32> to vector<16xf32>
        tpu.vector_store %arg17[%swap3A_2358], %swap3A_2361 {strides = array<i32>} : memref<19968xf32, #tpu.memory_space<vmem>>, vector<16xf32>,
        %get3A_2362 = arith.constant 4 : i32
        %get3A_2363 = arith.index_cast %get3A_2362 : i32 to index
        %get3A_2364 = arith.constant 16 : index
        %get3A_2365 = tpu.vector_load %arg19[%get3A_2363, %get3A_2364] {strides = array<i32>} : memref<13x32xf32, #tpu.memory_space<vmem>>, vector<1x16xf32>,
        %get3A_2366 = vector.shape_cast %get3A_2365 : vector<1x16xf32> to vector<16xf32>
        %mul3A_2367 = arith.mulf %get3A_2366, %broadcast_in_dim3A_2337 : vector<16xf32>
        %get3A_2368 = arith.constant 4 : i32
        %get3A_2369 = arith.index_cast %get3A_2368 : i32 to index
        %get3A_2370 = arith.constant 16 : index
        %get3A_2371 = tpu.vector_load %arg20[%get3A_2369, %get3A_2370] {strides = array<i32>} : memref<39x32xf32, #tpu.memory_space<vmem>>, vector<1x16xf32>,
        %get3A_2372 = vector.shape_cast %get3A_2371 : vector<1x16xf32> to vector<16xf32>
        %add3A_2373 = arith.addf %mul3A_2367, %get3A_2372 : vector<16xf32>
        %mul3A_2374 = arith.constant 39 : i32
        %mul3A_2375 = arith.muli %scan3A_672, %mul3A_2374 : i32
        %add3A_2376 = arith.constant 4 : i32
        %add3A_2377 = arith.addi %mul3A_2375, %add3A_2376 : i32
        %mul3A_2378 = arith.constant 32 : i32
        %mul3A_2379 = arith.muli %add3A_2377, %mul3A_2378 : i32
        %add3A_2380 = arith.constant 16 : i32
        %add3A_2381 = arith.addi %mul3A_2379, %add3A_2380 : i32
        %swap3A_2382 = arith.index_cast %add3A_2381 : i32 to index
        %swap3A_2383 = tpu.vector_load %arg17[%swap3A_2382] {strides = array<i32>} : memref<19968xf32, #tpu.memory_space<vmem>>, vector<16xf32>,
        %swap3A_2384 = vector.shape_cast %swap3A_2383 : vector<16xf32> to vector<16xf32>
        %swap3A_2385 = vector.shape_cast %add3A_2373 : vector<16xf32> to vector<16xf32>
        tpu.vector_store %arg17[%swap3A_2382], %swap3A_2385 {strides = array<i32>} : memref<19968xf32, #tpu.memory_space<vmem>>, vector<16xf32>,
        %slice3A_2386 = vector.extract_strided_slice %get3A_2133 {offsets = [5], sizes = [1], strides = [1]} : vector<16xf32> to vector<1xf32>
        %squeeze3A_2387 = vector.extract %slice3A_2386[0] : f32 from vector<1xf32>
        %broadcast_in_dim3A_2388 = vector.broadcast %squeeze3A_2387 : f32 to vector<16xf32>
        %get3A_2389 = arith.constant 5 : i32
        %get3A_2390 = arith.index_cast %get3A_2389 : i32 to index
        %get3A_2391 = arith.constant 0 : index
        %get3A_2392 = tpu.vector_load %arg19[%get3A_2390, %get3A_2391] {strides = array<i32>} : memref<13x32xf32, #tpu.memory_space<vmem>>, vector<1x16xf32>,
        %get3A_2393 = vector.shape_cast %get3A_2392 : vector<1x16xf32> to vector<16xf32>
        %mul3A_2394 = arith.mulf %get3A_2393, %broadcast_in_dim3A_2388 : vector<16xf32>
        %get3A_2395 = arith.constant 5 : i32
        %get3A_2396 = arith.index_cast %get3A_2395 : i32 to index
        %get3A_2397 = arith.constant 0 : index
        %get3A_2398 = tpu.vector_load %arg20[%get3A_2396, %get3A_2397] {strides = array<i32>} : memref<39x32xf32, #tpu.memory_space<vmem>>, vector<1x16xf32>,
        %get3A_2399 = vector.shape_cast %get3A_2398 : vector<1x16xf32> to vector<16xf32>
        %add3A_2400 = arith.addf %mul3A_2394, %get3A_2399 : vector<16xf32>
        %mul3A_2401 = arith.constant 39 : i32
        %mul3A_2402 = arith.muli %scan3A_672, %mul3A_2401 : i32
        %add3A_2403 = arith.constant 5 : i32
        %add3A_2404 = arith.addi %mul3A_2402, %add3A_2403 : i32
        %mul3A_2405 = arith.constant 32 : i32
        %mul3A_2406 = arith.muli %add3A_2404, %mul3A_2405 : i32
        %add3A_2407 = arith.constant 0 : i32
        %add3A_2408 = arith.addi %mul3A_2406, %add3A_2407 : i32
        %swap3A_2409 = arith.index_cast %add3A_2408 : i32 to index
        %swap3A_2410 = tpu.vector_load %arg17[%swap3A_2409] {strides = array<i32>} : memref<19968xf32, #tpu.memory_space<vmem>>, vector<16xf32>,
        %swap3A_2411 = vector.shape_cast %swap3A_2410 : vector<16xf32> to vector<16xf32>
        %swap3A_2412 = vector.shape_cast %add3A_2400 : vector<16xf32> to vector<16xf32>
        tpu.vector_store %arg17[%swap3A_2409], %swap3A_2412 {strides = array<i32>} : memref<19968xf32, #tpu.memory_space<vmem>>, vector<16xf32>,
        %get3A_2413 = arith.constant 5 : i32
        %get3A_2414 = arith.index_cast %get3A_2413 : i32 to index
        %get3A_2415 = arith.constant 16 : index
        %get3A_2416 = tpu.vector_load %arg19[%get3A_2414, %get3A_2415] {strides = array<i32>} : memref<13x32xf32, #tpu.memory_space<vmem>>, vector<1x16xf32>,
        %get3A_2417 = vector.shape_cast %get3A_2416 : vector<1x16xf32> to vector<16xf32>
        %mul3A_2418 = arith.mulf %get3A_2417, %broadcast_in_dim3A_2388 : vector<16xf32>
        %get3A_2419 = arith.constant 5 : i32
        %get3A_2420 = arith.index_cast %get3A_2419 : i32 to index
        %get3A_2421 = arith.constant 16 : index
        %get3A_2422 = tpu.vector_load %arg20[%get3A_2420, %get3A_2421] {strides = array<i32>} : memref<39x32xf32, #tpu.memory_space<vmem>>, vector<1x16xf32>,
        %get3A_2423 = vector.shape_cast %get3A_2422 : vector<1x16xf32> to vector<16xf32>
        %add3A_2424 = arith.addf %mul3A_2418, %get3A_2423 : vector<16xf32>
        %mul3A_2425 = arith.constant 39 : i32
        %mul3A_2426 = arith.muli %scan3A_672, %mul3A_2425 : i32
        %add3A_2427 = arith.constant 5 : i32
        %add3A_2428 = arith.addi %mul3A_2426, %add3A_2427 : i32
        %mul3A_2429 = arith.constant 32 : i32
        %mul3A_2430 = arith.muli %add3A_2428, %mul3A_2429 : i32
        %add3A_2431 = arith.constant 16 : i32
        %add3A_2432 = arith.addi %mul3A_2430, %add3A_2431 : i32
        %swap3A_2433 = arith.index_cast %add3A_2432 : i32 to index
        %swap3A_2434 = tpu.vector_load %arg17[%swap3A_2433] {strides = array<i32>} : memref<19968xf32, #tpu.memory_space<vmem>>, vector<16xf32>,
        %swap3A_2435 = vector.shape_cast %swap3A_2434 : vector<16xf32> to vector<16xf32>
        %swap3A_2436 = vector.shape_cast %add3A_2424 : vector<16xf32> to vector<16xf32>
        tpu.vector_store %arg17[%swap3A_2433], %swap3A_2436 {strides = array<i32>} : memref<19968xf32, #tpu.memory_space<vmem>>, vector<16xf32>,
        %slice3A_2437 = vector.extract_strided_slice %get3A_2133 {offsets = [6], sizes = [1], strides = [1]} : vector<16xf32> to vector<1xf32>
        %squeeze3A_2438 = vector.extract %slice3A_2437[0] : f32 from vector<1xf32>
        %broadcast_in_dim3A_2439 = vector.broadcast %squeeze3A_2438 : f32 to vector<16xf32>
        %get3A_2440 = arith.constant 6 : i32
        %get3A_2441 = arith.index_cast %get3A_2440 : i32 to index
        %get3A_2442 = arith.constant 0 : index
        %get3A_2443 = tpu.vector_load %arg19[%get3A_2441, %get3A_2442] {strides = array<i32>} : memref<13x32xf32, #tpu.memory_space<vmem>>, vector<1x16xf32>,
        %get3A_2444 = vector.shape_cast %get3A_2443 : vector<1x16xf32> to vector<16xf32>
        %mul3A_2445 = arith.mulf %get3A_2444, %broadcast_in_dim3A_2439 : vector<16xf32>
        %get3A_2446 = arith.constant 6 : i32
        %get3A_2447 = arith.index_cast %get3A_2446 : i32 to index
        %get3A_2448 = arith.constant 0 : index
        %get3A_2449 = tpu.vector_load %arg20[%get3A_2447, %get3A_2448] {strides = array<i32>} : memref<39x32xf32, #tpu.memory_space<vmem>>, vector<1x16xf32>,
        %get3A_2450 = vector.shape_cast %get3A_2449 : vector<1x16xf32> to vector<16xf32>
        %add3A_2451 = arith.addf %mul3A_2445, %get3A_2450 : vector<16xf32>
        %mul3A_2452 = arith.constant 39 : i32
        %mul3A_2453 = arith.muli %scan3A_672, %mul3A_2452 : i32
        %add3A_2454 = arith.constant 6 : i32
        %add3A_2455 = arith.addi %mul3A_2453, %add3A_2454 : i32
        %mul3A_2456 = arith.constant 32 : i32
        %mul3A_2457 = arith.muli %add3A_2455, %mul3A_2456 : i32
        %add3A_2458 = arith.constant 0 : i32
        %add3A_2459 = arith.addi %mul3A_2457, %add3A_2458 : i32
        %swap3A_2460 = arith.index_cast %add3A_2459 : i32 to index
        %swap3A_2461 = tpu.vector_load %arg17[%swap3A_2460] {strides = array<i32>} : memref<19968xf32, #tpu.memory_space<vmem>>, vector<16xf32>,
        %swap3A_2462 = vector.shape_cast %swap3A_2461 : vector<16xf32> to vector<16xf32>
        %swap3A_2463 = vector.shape_cast %add3A_2451 : vector<16xf32> to vector<16xf32>
        tpu.vector_store %arg17[%swap3A_2460], %swap3A_2463 {strides = array<i32>} : memref<19968xf32, #tpu.memory_space<vmem>>, vector<16xf32>,
        %get3A_2464 = arith.constant 6 : i32
        %get3A_2465 = arith.index_cast %get3A_2464 : i32 to index
        %get3A_2466 = arith.constant 16 : index
        %get3A_2467 = tpu.vector_load %arg19[%get3A_2465, %get3A_2466] {strides = array<i32>} : memref<13x32xf32, #tpu.memory_space<vmem>>, vector<1x16xf32>,
        %get3A_2468 = vector.shape_cast %get3A_2467 : vector<1x16xf32> to vector<16xf32>
        %mul3A_2469 = arith.mulf %get3A_2468, %broadcast_in_dim3A_2439 : vector<16xf32>
        %get3A_2470 = arith.constant 6 : i32
        %get3A_2471 = arith.index_cast %get3A_2470 : i32 to index
        %get3A_2472 = arith.constant 16 : index
        %get3A_2473 = tpu.vector_load %arg20[%get3A_2471, %get3A_2472] {strides = array<i32>} : memref<39x32xf32, #tpu.memory_space<vmem>>, vector<1x16xf32>,
        %get3A_2474 = vector.shape_cast %get3A_2473 : vector<1x16xf32> to vector<16xf32>
        %add3A_2475 = arith.addf %mul3A_2469, %get3A_2474 : vector<16xf32>
        %mul3A_2476 = arith.constant 39 : i32
        %mul3A_2477 = arith.muli %scan3A_672, %mul3A_2476 : i32
        %add3A_2478 = arith.constant 6 : i32
        %add3A_2479 = arith.addi %mul3A_2477, %add3A_2478 : i32
        %mul3A_2480 = arith.constant 32 : i32
        %mul3A_2481 = arith.muli %add3A_2479, %mul3A_2480 : i32
        %add3A_2482 = arith.constant 16 : i32
        %add3A_2483 = arith.addi %mul3A_2481, %add3A_2482 : i32
        %swap3A_2484 = arith.index_cast %add3A_2483 : i32 to index
        %swap3A_2485 = tpu.vector_load %arg17[%swap3A_2484] {strides = array<i32>} : memref<19968xf32, #tpu.memory_space<vmem>>, vector<16xf32>,
        %swap3A_2486 = vector.shape_cast %swap3A_2485 : vector<16xf32> to vector<16xf32>
        %swap3A_2487 = vector.shape_cast %add3A_2475 : vector<16xf32> to vector<16xf32>
        tpu.vector_store %arg17[%swap3A_2484], %swap3A_2487 {strides = array<i32>} : memref<19968xf32, #tpu.memory_space<vmem>>, vector<16xf32>,
        %slice3A_2488 = vector.extract_strided_slice %get3A_2133 {offsets = [7], sizes = [1], strides = [1]} : vector<16xf32> to vector<1xf32>
        %squeeze3A_2489 = vector.extract %slice3A_2488[0] : f32 from vector<1xf32>
        %broadcast_in_dim3A_2490 = vector.broadcast %squeeze3A_2489 : f32 to vector<16xf32>
        %get3A_2491 = arith.constant 7 : i32
        %get3A_2492 = arith.index_cast %get3A_2491 : i32 to index
        %get3A_2493 = arith.constant 0 : index
        %get3A_2494 = tpu.vector_load %arg19[%get3A_2492, %get3A_2493] {strides = array<i32>} : memref<13x32xf32, #tpu.memory_space<vmem>>, vector<1x16xf32>,
        %get3A_2495 = vector.shape_cast %get3A_2494 : vector<1x16xf32> to vector<16xf32>
        %mul3A_2496 = arith.mulf %get3A_2495, %broadcast_in_dim3A_2490 : vector<16xf32>
        %get3A_2497 = arith.constant 7 : i32
        %get3A_2498 = arith.index_cast %get3A_2497 : i32 to index
        %get3A_2499 = arith.constant 0 : index
        %get3A_2500 = tpu.vector_load %arg20[%get3A_2498, %get3A_2499] {strides = array<i32>} : memref<39x32xf32, #tpu.memory_space<vmem>>, vector<1x16xf32>,
        %get3A_2501 = vector.shape_cast %get3A_2500 : vector<1x16xf32> to vector<16xf32>
        %add3A_2502 = arith.addf %mul3A_2496, %get3A_2501 : vector<16xf32>
        %mul3A_2503 = arith.constant 39 : i32
        %mul3A_2504 = arith.muli %scan3A_672, %mul3A_2503 : i32
        %add3A_2505 = arith.constant 7 : i32
        %add3A_2506 = arith.addi %mul3A_2504, %add3A_2505 : i32
        %mul3A_2507 = arith.constant 32 : i32
        %mul3A_2508 = arith.muli %add3A_2506, %mul3A_2507 : i32
        %add3A_2509 = arith.constant 0 : i32
        %add3A_2510 = arith.addi %mul3A_2508, %add3A_2509 : i32
        %swap3A_2511 = arith.index_cast %add3A_2510 : i32 to index
        %swap3A_2512 = tpu.vector_load %arg17[%swap3A_2511] {strides = array<i32>} : memref<19968xf32, #tpu.memory_space<vmem>>, vector<16xf32>,
        %swap3A_2513 = vector.shape_cast %swap3A_2512 : vector<16xf32> to vector<16xf32>
        %swap3A_2514 = vector.shape_cast %add3A_2502 : vector<16xf32> to vector<16xf32>
        tpu.vector_store %arg17[%swap3A_2511], %swap3A_2514 {strides = array<i32>} : memref<19968xf32, #tpu.memory_space<vmem>>, vector<16xf32>,
        %get3A_2515 = arith.constant 7 : i32
        %get3A_2516 = arith.index_cast %get3A_2515 : i32 to index
        %get3A_2517 = arith.constant 16 : index
        %get3A_2518 = tpu.vector_load %arg19[%get3A_2516, %get3A_2517] {strides = array<i32>} : memref<13x32xf32, #tpu.memory_space<vmem>>, vector<1x16xf32>,
        %get3A_2519 = vector.shape_cast %get3A_2518 : vector<1x16xf32> to vector<16xf32>
        %mul3A_2520 = arith.mulf %get3A_2519, %broadcast_in_dim3A_2490 : vector<16xf32>
        %get3A_2521 = arith.constant 7 : i32
        %get3A_2522 = arith.index_cast %get3A_2521 : i32 to index
        %get3A_2523 = arith.constant 16 : index
        %get3A_2524 = tpu.vector_load %arg20[%get3A_2522, %get3A_2523] {strides = array<i32>} : memref<39x32xf32, #tpu.memory_space<vmem>>, vector<1x16xf32>,
        %get3A_2525 = vector.shape_cast %get3A_2524 : vector<1x16xf32> to vector<16xf32>
        %add3A_2526 = arith.addf %mul3A_2520, %get3A_2525 : vector<16xf32>
        %mul3A_2527 = arith.constant 39 : i32
        %mul3A_2528 = arith.muli %scan3A_672, %mul3A_2527 : i32
        %add3A_2529 = arith.constant 7 : i32
        %add3A_2530 = arith.addi %mul3A_2528, %add3A_2529 : i32
        %mul3A_2531 = arith.constant 32 : i32
        %mul3A_2532 = arith.muli %add3A_2530, %mul3A_2531 : i32
        %add3A_2533 = arith.constant 16 : i32
        %add3A_2534 = arith.addi %mul3A_2532, %add3A_2533 : i32
        %swap3A_2535 = arith.index_cast %add3A_2534 : i32 to index
        %swap3A_2536 = tpu.vector_load %arg17[%swap3A_2535] {strides = array<i32>} : memref<19968xf32, #tpu.memory_space<vmem>>, vector<16xf32>,
        %swap3A_2537 = vector.shape_cast %swap3A_2536 : vector<16xf32> to vector<16xf32>
        %swap3A_2538 = vector.shape_cast %add3A_2526 : vector<16xf32> to vector<16xf32>
        tpu.vector_store %arg17[%swap3A_2535], %swap3A_2538 {strides = array<i32>} : memref<19968xf32, #tpu.memory_space<vmem>>, vector<16xf32>,
        %slice3A_2539 = vector.extract_strided_slice %get3A_2133 {offsets = [8], sizes = [1], strides = [1]} : vector<16xf32> to vector<1xf32>
        %squeeze3A_2540 = vector.extract %slice3A_2539[0] : f32 from vector<1xf32>
        %broadcast_in_dim3A_2541 = vector.broadcast %squeeze3A_2540 : f32 to vector<16xf32>
        %get3A_2542 = arith.constant 8 : i32
        %get3A_2543 = arith.index_cast %get3A_2542 : i32 to index
        %get3A_2544 = arith.constant 0 : index
        %get3A_2545 = tpu.vector_load %arg19[%get3A_2543, %get3A_2544] {strides = array<i32>} : memref<13x32xf32, #tpu.memory_space<vmem>>, vector<1x16xf32>,
        %get3A_2546 = vector.shape_cast %get3A_2545 : vector<1x16xf32> to vector<16xf32>
        %mul3A_2547 = arith.mulf %get3A_2546, %broadcast_in_dim3A_2541 : vector<16xf32>
        %get3A_2548 = arith.constant 8 : i32
        %get3A_2549 = arith.index_cast %get3A_2548 : i32 to index
        %get3A_2550 = arith.constant 0 : index
        %get3A_2551 = tpu.vector_load %arg20[%get3A_2549, %get3A_2550] {strides = array<i32>} : memref<39x32xf32, #tpu.memory_space<vmem>>, vector<1x16xf32>,
        %get3A_2552 = vector.shape_cast %get3A_2551 : vector<1x16xf32> to vector<16xf32>
        %add3A_2553 = arith.addf %mul3A_2547, %get3A_2552 : vector<16xf32>
        %mul3A_2554 = arith.constant 39 : i32
        %mul3A_2555 = arith.muli %scan3A_672, %mul3A_2554 : i32
        %add3A_2556 = arith.constant 8 : i32
        %add3A_2557 = arith.addi %mul3A_2555, %add3A_2556 : i32
        %mul3A_2558 = arith.constant 32 : i32
        %mul3A_2559 = arith.muli %add3A_2557, %mul3A_2558 : i32
        %add3A_2560 = arith.constant 0 : i32
        %add3A_2561 = arith.addi %mul3A_2559, %add3A_2560 : i32
        %swap3A_2562 = arith.index_cast %add3A_2561 : i32 to index
        %swap3A_2563 = tpu.vector_load %arg17[%swap3A_2562] {strides = array<i32>} : memref<19968xf32, #tpu.memory_space<vmem>>, vector<16xf32>,
        %swap3A_2564 = vector.shape_cast %swap3A_2563 : vector<16xf32> to vector<16xf32>
        %swap3A_2565 = vector.shape_cast %add3A_2553 : vector<16xf32> to vector<16xf32>
        tpu.vector_store %arg17[%swap3A_2562], %swap3A_2565 {strides = array<i32>} : memref<19968xf32, #tpu.memory_space<vmem>>, vector<16xf32>,
        %get3A_2566 = arith.constant 8 : i32
        %get3A_2567 = arith.index_cast %get3A_2566 : i32 to index
        %get3A_2568 = arith.constant 16 : index
        %get3A_2569 = tpu.vector_load %arg19[%get3A_2567, %get3A_2568] {strides = array<i32>} : memref<13x32xf32, #tpu.memory_space<vmem>>, vector<1x16xf32>,
        %get3A_2570 = vector.shape_cast %get3A_2569 : vector<1x16xf32> to vector<16xf32>
        %mul3A_2571 = arith.mulf %get3A_2570, %broadcast_in_dim3A_2541 : vector<16xf32>
        %get3A_2572 = arith.constant 8 : i32
        %get3A_2573 = arith.index_cast %get3A_2572 : i32 to index
        %get3A_2574 = arith.constant 16 : index
        %get3A_2575 = tpu.vector_load %arg20[%get3A_2573, %get3A_2574] {strides = array<i32>} : memref<39x32xf32, #tpu.memory_space<vmem>>, vector<1x16xf32>,
        %get3A_2576 = vector.shape_cast %get3A_2575 : vector<1x16xf32> to vector<16xf32>
        %add3A_2577 = arith.addf %mul3A_2571, %get3A_2576 : vector<16xf32>
        %mul3A_2578 = arith.constant 39 : i32
        %mul3A_2579 = arith.muli %scan3A_672, %mul3A_2578 : i32
        %add3A_2580 = arith.constant 8 : i32
        %add3A_2581 = arith.addi %mul3A_2579, %add3A_2580 : i32
        %mul3A_2582 = arith.constant 32 : i32
        %mul3A_2583 = arith.muli %add3A_2581, %mul3A_2582 : i32
        %add3A_2584 = arith.constant 16 : i32
        %add3A_2585 = arith.addi %mul3A_2583, %add3A_2584 : i32
        %swap3A_2586 = arith.index_cast %add3A_2585 : i32 to index
        %swap3A_2587 = tpu.vector_load %arg17[%swap3A_2586] {strides = array<i32>} : memref<19968xf32, #tpu.memory_space<vmem>>, vector<16xf32>,
        %swap3A_2588 = vector.shape_cast %swap3A_2587 : vector<16xf32> to vector<16xf32>
        %swap3A_2589 = vector.shape_cast %add3A_2577 : vector<16xf32> to vector<16xf32>
        tpu.vector_store %arg17[%swap3A_2586], %swap3A_2589 {strides = array<i32>} : memref<19968xf32, #tpu.memory_space<vmem>>, vector<16xf32>,
        %slice3A_2590 = vector.extract_strided_slice %get3A_2133 {offsets = [9], sizes = [1], strides = [1]} : vector<16xf32> to vector<1xf32>
        %squeeze3A_2591 = vector.extract %slice3A_2590[0] : f32 from vector<1xf32>
        %broadcast_in_dim3A_2592 = vector.broadcast %squeeze3A_2591 : f32 to vector<16xf32>
        %get3A_2593 = arith.constant 9 : i32
        %get3A_2594 = arith.index_cast %get3A_2593 : i32 to index
        %get3A_2595 = arith.constant 0 : index
        %get3A_2596 = tpu.vector_load %arg19[%get3A_2594, %get3A_2595] {strides = array<i32>} : memref<13x32xf32, #tpu.memory_space<vmem>>, vector<1x16xf32>,
        %get3A_2597 = vector.shape_cast %get3A_2596 : vector<1x16xf32> to vector<16xf32>
        %mul3A_2598 = arith.mulf %get3A_2597, %broadcast_in_dim3A_2592 : vector<16xf32>
        %get3A_2599 = arith.constant 9 : i32
        %get3A_2600 = arith.index_cast %get3A_2599 : i32 to index
        %get3A_2601 = arith.constant 0 : index
        %get3A_2602 = tpu.vector_load %arg20[%get3A_2600, %get3A_2601] {strides = array<i32>} : memref<39x32xf32, #tpu.memory_space<vmem>>, vector<1x16xf32>,
        %get3A_2603 = vector.shape_cast %get3A_2602 : vector<1x16xf32> to vector<16xf32>
        %add3A_2604 = arith.addf %mul3A_2598, %get3A_2603 : vector<16xf32>
        %mul3A_2605 = arith.constant 39 : i32
        %mul3A_2606 = arith.muli %scan3A_672, %mul3A_2605 : i32
        %add3A_2607 = arith.constant 9 : i32
        %add3A_2608 = arith.addi %mul3A_2606, %add3A_2607 : i32
        %mul3A_2609 = arith.constant 32 : i32
        %mul3A_2610 = arith.muli %add3A_2608, %mul3A_2609 : i32
        %add3A_2611 = arith.constant 0 : i32
        %add3A_2612 = arith.addi %mul3A_2610, %add3A_2611 : i32
        %swap3A_2613 = arith.index_cast %add3A_2612 : i32 to index
        %swap3A_2614 = tpu.vector_load %arg17[%swap3A_2613] {strides = array<i32>} : memref<19968xf32, #tpu.memory_space<vmem>>, vector<16xf32>,
        %swap3A_2615 = vector.shape_cast %swap3A_2614 : vector<16xf32> to vector<16xf32>
        %swap3A_2616 = vector.shape_cast %add3A_2604 : vector<16xf32> to vector<16xf32>
        tpu.vector_store %arg17[%swap3A_2613], %swap3A_2616 {strides = array<i32>} : memref<19968xf32, #tpu.memory_space<vmem>>, vector<16xf32>,
        %get3A_2617 = arith.constant 9 : i32
        %get3A_2618 = arith.index_cast %get3A_2617 : i32 to index
        %get3A_2619 = arith.constant 16 : index
        %get3A_2620 = tpu.vector_load %arg19[%get3A_2618, %get3A_2619] {strides = array<i32>} : memref<13x32xf32, #tpu.memory_space<vmem>>, vector<1x16xf32>,
        %get3A_2621 = vector.shape_cast %get3A_2620 : vector<1x16xf32> to vector<16xf32>
        %mul3A_2622 = arith.mulf %get3A_2621, %broadcast_in_dim3A_2592 : vector<16xf32>
        %get3A_2623 = arith.constant 9 : i32
        %get3A_2624 = arith.index_cast %get3A_2623 : i32 to index
        %get3A_2625 = arith.constant 16 : index
        %get3A_2626 = tpu.vector_load %arg20[%get3A_2624, %get3A_2625] {strides = array<i32>} : memref<39x32xf32, #tpu.memory_space<vmem>>, vector<1x16xf32>,
        %get3A_2627 = vector.shape_cast %get3A_2626 : vector<1x16xf32> to vector<16xf32>
        %add3A_2628 = arith.addf %mul3A_2622, %get3A_2627 : vector<16xf32>
        %mul3A_2629 = arith.constant 39 : i32
        %mul3A_2630 = arith.muli %scan3A_672, %mul3A_2629 : i32
        %add3A_2631 = arith.constant 9 : i32
        %add3A_2632 = arith.addi %mul3A_2630, %add3A_2631 : i32
        %mul3A_2633 = arith.constant 32 : i32
        %mul3A_2634 = arith.muli %add3A_2632, %mul3A_2633 : i32
        %add3A_2635 = arith.constant 16 : i32
        %add3A_2636 = arith.addi %mul3A_2634, %add3A_2635 : i32
        %swap3A_2637 = arith.index_cast %add3A_2636 : i32 to index
        %swap3A_2638 = tpu.vector_load %arg17[%swap3A_2637] {strides = array<i32>} : memref<19968xf32, #tpu.memory_space<vmem>>, vector<16xf32>,
        %swap3A_2639 = vector.shape_cast %swap3A_2638 : vector<16xf32> to vector<16xf32>
        %swap3A_2640 = vector.shape_cast %add3A_2628 : vector<16xf32> to vector<16xf32>
        tpu.vector_store %arg17[%swap3A_2637], %swap3A_2640 {strides = array<i32>} : memref<19968xf32, #tpu.memory_space<vmem>>, vector<16xf32>,
        %slice3A_2641 = vector.extract_strided_slice %get3A_2133 {offsets = [10], sizes = [1], strides = [1]} : vector<16xf32> to vector<1xf32>
        %squeeze3A_2642 = vector.extract %slice3A_2641[0] : f32 from vector<1xf32>
        %broadcast_in_dim3A_2643 = vector.broadcast %squeeze3A_2642 : f32 to vector<16xf32>
        %get3A_2644 = arith.constant 10 : i32
        %get3A_2645 = arith.index_cast %get3A_2644 : i32 to index
        %get3A_2646 = arith.constant 0 : index
        %get3A_2647 = tpu.vector_load %arg19[%get3A_2645, %get3A_2646] {strides = array<i32>} : memref<13x32xf32, #tpu.memory_space<vmem>>, vector<1x16xf32>,
        %get3A_2648 = vector.shape_cast %get3A_2647 : vector<1x16xf32> to vector<16xf32>
        %mul3A_2649 = arith.mulf %get3A_2648, %broadcast_in_dim3A_2643 : vector<16xf32>
        %get3A_2650 = arith.constant 10 : i32
        %get3A_2651 = arith.index_cast %get3A_2650 : i32 to index
        %get3A_2652 = arith.constant 0 : index
        %get3A_2653 = tpu.vector_load %arg20[%get3A_2651, %get3A_2652] {strides = array<i32>} : memref<39x32xf32, #tpu.memory_space<vmem>>, vector<1x16xf32>,
        %get3A_2654 = vector.shape_cast %get3A_2653 : vector<1x16xf32> to vector<16xf32>
        %add3A_2655 = arith.addf %mul3A_2649, %get3A_2654 : vector<16xf32>
        %mul3A_2656 = arith.constant 39 : i32
        %mul3A_2657 = arith.muli %scan3A_672, %mul3A_2656 : i32
        %add3A_2658 = arith.constant 10 : i32
        %add3A_2659 = arith.addi %mul3A_2657, %add3A_2658 : i32
        %mul3A_2660 = arith.constant 32 : i32
        %mul3A_2661 = arith.muli %add3A_2659, %mul3A_2660 : i32
        %add3A_2662 = arith.constant 0 : i32
        %add3A_2663 = arith.addi %mul3A_2661, %add3A_2662 : i32
        %swap3A_2664 = arith.index_cast %add3A_2663 : i32 to index
        %swap3A_2665 = tpu.vector_load %arg17[%swap3A_2664] {strides = array<i32>} : memref<19968xf32, #tpu.memory_space<vmem>>, vector<16xf32>,
        %swap3A_2666 = vector.shape_cast %swap3A_2665 : vector<16xf32> to vector<16xf32>
        %swap3A_2667 = vector.shape_cast %add3A_2655 : vector<16xf32> to vector<16xf32>
        tpu.vector_store %arg17[%swap3A_2664], %swap3A_2667 {strides = array<i32>} : memref<19968xf32, #tpu.memory_space<vmem>>, vector<16xf32>,
        %get3A_2668 = arith.constant 10 : i32
        %get3A_2669 = arith.index_cast %get3A_2668 : i32 to index
        %get3A_2670 = arith.constant 16 : index
        %get3A_2671 = tpu.vector_load %arg19[%get3A_2669, %get3A_2670] {strides = array<i32>} : memref<13x32xf32, #tpu.memory_space<vmem>>, vector<1x16xf32>,
        %get3A_2672 = vector.shape_cast %get3A_2671 : vector<1x16xf32> to vector<16xf32>
        %mul3A_2673 = arith.mulf %get3A_2672, %broadcast_in_dim3A_2643 : vector<16xf32>
        %get3A_2674 = arith.constant 10 : i32
        %get3A_2675 = arith.index_cast %get3A_2674 : i32 to index
        %get3A_2676 = arith.constant 16 : index
        %get3A_2677 = tpu.vector_load %arg20[%get3A_2675, %get3A_2676] {strides = array<i32>} : memref<39x32xf32, #tpu.memory_space<vmem>>, vector<1x16xf32>,
        %get3A_2678 = vector.shape_cast %get3A_2677 : vector<1x16xf32> to vector<16xf32>
        %add3A_2679 = arith.addf %mul3A_2673, %get3A_2678 : vector<16xf32>
        %mul3A_2680 = arith.constant 39 : i32
        %mul3A_2681 = arith.muli %scan3A_672, %mul3A_2680 : i32
        %add3A_2682 = arith.constant 10 : i32
        %add3A_2683 = arith.addi %mul3A_2681, %add3A_2682 : i32
        %mul3A_2684 = arith.constant 32 : i32
        %mul3A_2685 = arith.muli %add3A_2683, %mul3A_2684 : i32
        %add3A_2686 = arith.constant 16 : i32
        %add3A_2687 = arith.addi %mul3A_2685, %add3A_2686 : i32
        %swap3A_2688 = arith.index_cast %add3A_2687 : i32 to index
        %swap3A_2689 = tpu.vector_load %arg17[%swap3A_2688] {strides = array<i32>} : memref<19968xf32, #tpu.memory_space<vmem>>, vector<16xf32>,
        %swap3A_2690 = vector.shape_cast %swap3A_2689 : vector<16xf32> to vector<16xf32>
        %swap3A_2691 = vector.shape_cast %add3A_2679 : vector<16xf32> to vector<16xf32>
        tpu.vector_store %arg17[%swap3A_2688], %swap3A_2691 {strides = array<i32>} : memref<19968xf32, #tpu.memory_space<vmem>>, vector<16xf32>,
        %slice3A_2692 = vector.extract_strided_slice %get3A_2133 {offsets = [11], sizes = [1], strides = [1]} : vector<16xf32> to vector<1xf32>
        %squeeze3A_2693 = vector.extract %slice3A_2692[0] : f32 from vector<1xf32>
        %broadcast_in_dim3A_2694 = vector.broadcast %squeeze3A_2693 : f32 to vector<16xf32>
        %get3A_2695 = arith.constant 11 : i32
        %get3A_2696 = arith.index_cast %get3A_2695 : i32 to index
        %get3A_2697 = arith.constant 0 : index
        %get3A_2698 = tpu.vector_load %arg19[%get3A_2696, %get3A_2697] {strides = array<i32>} : memref<13x32xf32, #tpu.memory_space<vmem>>, vector<1x16xf32>,
        %get3A_2699 = vector.shape_cast %get3A_2698 : vector<1x16xf32> to vector<16xf32>
        %mul3A_2700 = arith.mulf %get3A_2699, %broadcast_in_dim3A_2694 : vector<16xf32>
        %get3A_2701 = arith.constant 11 : i32
        %get3A_2702 = arith.index_cast %get3A_2701 : i32 to index
        %get3A_2703 = arith.constant 0 : index
        %get3A_2704 = tpu.vector_load %arg20[%get3A_2702, %get3A_2703] {strides = array<i32>} : memref<39x32xf32, #tpu.memory_space<vmem>>, vector<1x16xf32>,
        %get3A_2705 = vector.shape_cast %get3A_2704 : vector<1x16xf32> to vector<16xf32>
        %add3A_2706 = arith.addf %mul3A_2700, %get3A_2705 : vector<16xf32>
        %mul3A_2707 = arith.constant 39 : i32
        %mul3A_2708 = arith.muli %scan3A_672, %mul3A_2707 : i32
        %add3A_2709 = arith.constant 11 : i32
        %add3A_2710 = arith.addi %mul3A_2708, %add3A_2709 : i32
        %mul3A_2711 = arith.constant 32 : i32
        %mul3A_2712 = arith.muli %add3A_2710, %mul3A_2711 : i32
        %add3A_2713 = arith.constant 0 : i32
        %add3A_2714 = arith.addi %mul3A_2712, %add3A_2713 : i32
        %swap3A_2715 = arith.index_cast %add3A_2714 : i32 to index
        %swap3A_2716 = tpu.vector_load %arg17[%swap3A_2715] {strides = array<i32>} : memref<19968xf32, #tpu.memory_space<vmem>>, vector<16xf32>,
        %swap3A_2717 = vector.shape_cast %swap3A_2716 : vector<16xf32> to vector<16xf32>
        %swap3A_2718 = vector.shape_cast %add3A_2706 : vector<16xf32> to vector<16xf32>
        tpu.vector_store %arg17[%swap3A_2715], %swap3A_2718 {strides = array<i32>} : memref<19968xf32, #tpu.memory_space<vmem>>, vector<16xf32>,
        %get3A_2719 = arith.constant 11 : i32
        %get3A_2720 = arith.index_cast %get3A_2719 : i32 to index
        %get3A_2721 = arith.constant 16 : index
        %get3A_2722 = tpu.vector_load %arg19[%get3A_2720, %get3A_2721] {strides = array<i32>} : memref<13x32xf32, #tpu.memory_space<vmem>>, vector<1x16xf32>,
        %get3A_2723 = vector.shape_cast %get3A_2722 : vector<1x16xf32> to vector<16xf32>
        %mul3A_2724 = arith.mulf %get3A_2723, %broadcast_in_dim3A_2694 : vector<16xf32>
        %get3A_2725 = arith.constant 11 : i32
        %get3A_2726 = arith.index_cast %get3A_2725 : i32 to index
        %get3A_2727 = arith.constant 16 : index
        %get3A_2728 = tpu.vector_load %arg20[%get3A_2726, %get3A_2727] {strides = array<i32>} : memref<39x32xf32, #tpu.memory_space<vmem>>, vector<1x16xf32>,
        %get3A_2729 = vector.shape_cast %get3A_2728 : vector<1x16xf32> to vector<16xf32>
        %add3A_2730 = arith.addf %mul3A_2724, %get3A_2729 : vector<16xf32>
        %mul3A_2731 = arith.constant 39 : i32
        %mul3A_2732 = arith.muli %scan3A_672, %mul3A_2731 : i32
        %add3A_2733 = arith.constant 11 : i32
        %add3A_2734 = arith.addi %mul3A_2732, %add3A_2733 : i32
        %mul3A_2735 = arith.constant 32 : i32
        %mul3A_2736 = arith.muli %add3A_2734, %mul3A_2735 : i32
        %add3A_2737 = arith.constant 16 : i32
        %add3A_2738 = arith.addi %mul3A_2736, %add3A_2737 : i32
        %swap3A_2739 = arith.index_cast %add3A_2738 : i32 to index
        %swap3A_2740 = tpu.vector_load %arg17[%swap3A_2739] {strides = array<i32>} : memref<19968xf32, #tpu.memory_space<vmem>>, vector<16xf32>,
        %swap3A_2741 = vector.shape_cast %swap3A_2740 : vector<16xf32> to vector<16xf32>
        %swap3A_2742 = vector.shape_cast %add3A_2730 : vector<16xf32> to vector<16xf32>
        tpu.vector_store %arg17[%swap3A_2739], %swap3A_2742 {strides = array<i32>} : memref<19968xf32, #tpu.memory_space<vmem>>, vector<16xf32>,
        %slice3A_2743 = vector.extract_strided_slice %get3A_2133 {offsets = [12], sizes = [1], strides = [1]} : vector<16xf32> to vector<1xf32>
        %squeeze3A_2744 = vector.extract %slice3A_2743[0] : f32 from vector<1xf32>
        %broadcast_in_dim3A_2745 = vector.broadcast %squeeze3A_2744 : f32 to vector<16xf32>
        %get3A_2746 = arith.constant 12 : i32
        %get3A_2747 = arith.index_cast %get3A_2746 : i32 to index
        %get3A_2748 = arith.constant 0 : index
        %get3A_2749 = tpu.vector_load %arg19[%get3A_2747, %get3A_2748] {strides = array<i32>} : memref<13x32xf32, #tpu.memory_space<vmem>>, vector<1x16xf32>,
        %get3A_2750 = vector.shape_cast %get3A_2749 : vector<1x16xf32> to vector<16xf32>
        %mul3A_2751 = arith.mulf %get3A_2750, %broadcast_in_dim3A_2745 : vector<16xf32>
        %get3A_2752 = arith.constant 12 : i32
        %get3A_2753 = arith.index_cast %get3A_2752 : i32 to index
        %get3A_2754 = arith.constant 0 : index
        %get3A_2755 = tpu.vector_load %arg20[%get3A_2753, %get3A_2754] {strides = array<i32>} : memref<39x32xf32, #tpu.memory_space<vmem>>, vector<1x16xf32>,
        %get3A_2756 = vector.shape_cast %get3A_2755 : vector<1x16xf32> to vector<16xf32>
        %add3A_2757 = arith.addf %mul3A_2751, %get3A_2756 : vector<16xf32>
        %mul3A_2758 = arith.constant 39 : i32
        %mul3A_2759 = arith.muli %scan3A_672, %mul3A_2758 : i32
        %add3A_2760 = arith.constant 12 : i32
        %add3A_2761 = arith.addi %mul3A_2759, %add3A_2760 : i32
        %mul3A_2762 = arith.constant 32 : i32
        %mul3A_2763 = arith.muli %add3A_2761, %mul3A_2762 : i32
        %add3A_2764 = arith.constant 0 : i32
        %add3A_2765 = arith.addi %mul3A_2763, %add3A_2764 : i32
        %swap3A_2766 = arith.index_cast %add3A_2765 : i32 to index
        %swap3A_2767 = tpu.vector_load %arg17[%swap3A_2766] {strides = array<i32>} : memref<19968xf32, #tpu.memory_space<vmem>>, vector<16xf32>,
        %swap3A_2768 = vector.shape_cast %swap3A_2767 : vector<16xf32> to vector<16xf32>
        %swap3A_2769 = vector.shape_cast %add3A_2757 : vector<16xf32> to vector<16xf32>
        tpu.vector_store %arg17[%swap3A_2766], %swap3A_2769 {strides = array<i32>} : memref<19968xf32, #tpu.memory_space<vmem>>, vector<16xf32>,
        %get3A_2770 = arith.constant 12 : i32
        %get3A_2771 = arith.index_cast %get3A_2770 : i32 to index
        %get3A_2772 = arith.constant 16 : index
        %get3A_2773 = tpu.vector_load %arg19[%get3A_2771, %get3A_2772] {strides = array<i32>} : memref<13x32xf32, #tpu.memory_space<vmem>>, vector<1x16xf32>,
        %get3A_2774 = vector.shape_cast %get3A_2773 : vector<1x16xf32> to vector<16xf32>
        %mul3A_2775 = arith.mulf %get3A_2774, %broadcast_in_dim3A_2745 : vector<16xf32>
        %get3A_2776 = arith.constant 12 : i32
        %get3A_2777 = arith.index_cast %get3A_2776 : i32 to index
        %get3A_2778 = arith.constant 16 : index
        %get3A_2779 = tpu.vector_load %arg20[%get3A_2777, %get3A_2778] {strides = array<i32>} : memref<39x32xf32, #tpu.memory_space<vmem>>, vector<1x16xf32>,
        %get3A_2780 = vector.shape_cast %get3A_2779 : vector<1x16xf32> to vector<16xf32>
        %add3A_2781 = arith.addf %mul3A_2775, %get3A_2780 : vector<16xf32>
        %mul3A_2782 = arith.constant 39 : i32
        %mul3A_2783 = arith.muli %scan3A_672, %mul3A_2782 : i32
        %add3A_2784 = arith.constant 12 : i32
        %add3A_2785 = arith.addi %mul3A_2783, %add3A_2784 : i32
        %mul3A_2786 = arith.constant 32 : i32
        %mul3A_2787 = arith.muli %add3A_2785, %mul3A_2786 : i32
        %add3A_2788 = arith.constant 16 : i32
        %add3A_2789 = arith.addi %mul3A_2787, %add3A_2788 : i32
        %swap3A_2790 = arith.index_cast %add3A_2789 : i32 to index
        %swap3A_2791 = tpu.vector_load %arg17[%swap3A_2790] {strides = array<i32>} : memref<19968xf32, #tpu.memory_space<vmem>>, vector<16xf32>,
        %swap3A_2792 = vector.shape_cast %swap3A_2791 : vector<16xf32> to vector<16xf32>
        %swap3A_2793 = vector.shape_cast %add3A_2781 : vector<16xf32> to vector<16xf32>
        tpu.vector_store %arg17[%swap3A_2790], %swap3A_2793 {strides = array<i32>} : memref<19968xf32, #tpu.memory_space<vmem>>, vector<16xf32>,
      }
      %scan3A_630 = arith.constant 16 : i32
      %mul3A_631 = arith.constant 39 : i32
      %mul3A_632 = arith.muli %multiple_of3A_617, %mul3A_631 : i32
      %mul3A_633 = arith.constant 32 : i32
      %mul3A_634 = arith.muli %mul3A_632, %mul3A_633 : i32
      %dma_start3A_635 = tpu.memref_slice %arg8[%mul3A_634] : memref<20447232xf32, #tpu.memory_space<hbm>> -> memref<19968xf32, #tpu.memory_space<hbm>>
      %dma_start3A_636 = tpu.memref_slice %arg8[%mul3A_634] : memref<20447232xf32, #tpu.memory_space<hbm>> -> memref<19968xf32, #tpu.memory_space<hbm>>
      tpu.enqueue_dma source(%arg17 : memref<19968xf32, #tpu.memory_space<vmem>>) target(%dma_start3A_636 : memref<19968xf32, #tpu.memory_space<hbm>>) target_semaphore(%arg24 : memref<!tpu.dma_semaphore, #tpu.memory_space<semaphore_mem>>)
      %lt3A = arith.constant 15 : i32
      %lt3A_637 = arith.cmpi slt, %scan3A_307, %lt3A : i32
      %convert_element_type3A_638 = arith.extui %lt3A_637 : i1 to i32
      %cond3A_639 = arith.constant 0 : i32
      %cond3A_640 = arith.cmpi ne, %convert_element_type3A_638, %cond3A_639 : i32
      scf.if %cond3A_640 {
        %add3A_672 = arith.constant 2 : i32
        %add3A_673 = arith.addi %mul3A_309, %add3A_672 : i32
        %mul3A_674 = arith.constant 512 : i32
        %mul3A_675 = arith.muli %add3A, %mul3A_674 : i32
        %mul3A_676 = arith.constant 16 : i32
        %mul3A_677 = arith.muli %add3A_673, %mul3A_676 : i32
        %add3A_678 = arith.addi %mul3A_675, %mul3A_677 : i32
        %multiple_of3A_679 = tpu.assume_multiple %add3A_678, 16 : i32
        %mul3A_680 = arith.constant 26 : i32
        %mul3A_681 = arith.muli %multiple_of3A_679, %mul3A_680 : i32
        "tpu.region"() ({
          %run_scoped3A = tpu.sem_alloc : memref<!tpu.dma_semaphore, #tpu.memory_space<semaphore_mem>>
          %dma_start3A_973 = tpu.memref_slice %arg3[%mul3A_681] : memref<425984xi32, #tpu.memory_space<hbm>> -> memref<416xi32, #tpu.memory_space<hbm>>
          %dma_start3A_974 = tpu.memref_slice %arg3[%mul3A_681] : memref<425984xi32, #tpu.memory_space<hbm>> -> memref<416xi32, #tpu.memory_space<hbm>>
          tpu.enqueue_dma source(%dma_start3A_974 : memref<416xi32, #tpu.memory_space<hbm>>) target(%arg9 : memref<416xi32, #tpu.memory_space<vmem>>) target_semaphore(%run_scoped3A : memref<!tpu.dma_semaphore, #tpu.memory_space<semaphore_mem>>)
          %dma_wait3A_975 = tpu.memref_slice %arg3[%mul3A_681] : memref<425984xi32, #tpu.memory_space<hbm>> -> memref<416xi32, #tpu.memory_space<hbm>>
          %dma_wait3A_976 = tpu.memref_slice %arg3[%mul3A_681] : memref<425984xi32, #tpu.memory_space<hbm>> -> memref<416xi32, #tpu.memory_space<hbm>>
          tpu.wait_dma2 semaphore(%run_scoped3A : memref<!tpu.dma_semaphore, #tpu.memory_space<semaphore_mem>>) src(%dma_wait3A_976 : memref<416xi32, #tpu.memory_space<hbm>>) dst(%arg9 : memref<416xi32, #tpu.memory_space<vmem>>)
          tpu.yield
        }) : () -> ()
        %mul3A_682 = arith.constant 16 : i32
        %mul3A_683 = arith.muli %multiple_of3A_679, %mul3A_682 : i32
        "tpu.region"() ({
          %run_scoped3A = tpu.sem_alloc : memref<!tpu.dma_semaphore, #tpu.memory_space<semaphore_mem>>
          %dma_start3A_973 = tpu.memref_slice %arg4[%mul3A_683] : memref<262144xf32, #tpu.memory_space<hbm>> -> memref<256xf32, #tpu.memory_space<hbm>>
          %dma_start3A_974 = tpu.memref_slice %arg4[%mul3A_683] : memref<262144xf32, #tpu.memory_space<hbm>> -> memref<256xf32, #tpu.memory_space<hbm>>
          tpu.enqueue_dma source(%dma_start3A_974 : memref<256xf32, #tpu.memory_space<hbm>>) target(%arg15 : memref<256xf32, #tpu.memory_space<vmem>>) target_semaphore(%run_scoped3A : memref<!tpu.dma_semaphore, #tpu.memory_space<semaphore_mem>>)
          %dma_wait3A_975 = tpu.memref_slice %arg4[%mul3A_683] : memref<262144xf32, #tpu.memory_space<hbm>> -> memref<256xf32, #tpu.memory_space<hbm>>
          %dma_wait3A_976 = tpu.memref_slice %arg4[%mul3A_683] : memref<262144xf32, #tpu.memory_space<hbm>> -> memref<256xf32, #tpu.memory_space<hbm>>
          tpu.wait_dma2 semaphore(%run_scoped3A : memref<!tpu.dma_semaphore, #tpu.memory_space<semaphore_mem>>) src(%dma_wait3A_976 : memref<256xf32, #tpu.memory_space<hbm>>) dst(%arg15 : memref<256xf32, #tpu.memory_space<vmem>>)
          tpu.yield
        }) : () -> ()
        %get3A_684 = arith.constant 0 : index
        %get3A_685 = tpu.vector_load %arg9[%get3A_684] {strides = array<i32>} : memref<416xi32, #tpu.memory_space<vmem>>, vector<16xi32>,
        %get3A_686 = vector.shape_cast %get3A_685 : vector<16xi32> to vector<16xi32>
        %get3A_687 = arith.constant 0 : index
        %get3A_688 = tpu.vector_load %arg21[%get3A_687] {strides = array<i32>} : memref<208xi32, #tpu.memory_space<vmem>>, vector<16xi32>,
        %get3A_689 = vector.shape_cast %get3A_688 : vector<16xi32> to vector<16xi32>
        %add3A_690 = arith.addi %get3A_686, %get3A_689 : vector<16xi32>
        %swap3A_691 = arith.constant 0 : index
        %swap3A_692 = tpu.vector_load %arg11[%swap3A_691] {strides = array<i32>} : memref<416xi32, #tpu.memory_space<vmem>>, vector<16xi32>,
        %swap3A_693 = vector.shape_cast %swap3A_692 : vector<16xi32> to vector<16xi32>
        %swap3A_694 = vector.shape_cast %add3A_690 : vector<16xi32> to vector<16xi32>
        tpu.vector_store %arg11[%swap3A_691], %swap3A_694 {strides = array<i32>} : memref<416xi32, #tpu.memory_space<vmem>>, vector<16xi32>,
        %get3A_695 = arith.constant 16 : index
        %get3A_696 = tpu.vector_load %arg9[%get3A_695] {strides = array<i32>} : memref<416xi32, #tpu.memory_space<vmem>>, vector<16xi32>,
        %get3A_697 = vector.shape_cast %get3A_696 : vector<16xi32> to vector<16xi32>
        %get3A_698 = arith.constant 16 : index
        %get3A_699 = tpu.vector_load %arg21[%get3A_698] {strides = array<i32>} : memref<208xi32, #tpu.memory_space<vmem>>, vector<16xi32>,
        %get3A_700 = vector.shape_cast %get3A_699 : vector<16xi32> to vector<16xi32>
        %add3A_701 = arith.addi %get3A_697, %get3A_700 : vector<16xi32>
        %swap3A_702 = arith.constant 16 : index
        %swap3A_703 = tpu.vector_load %arg11[%swap3A_702] {strides = array<i32>} : memref<416xi32, #tpu.memory_space<vmem>>, vector<16xi32>,
        %swap3A_704 = vector.shape_cast %swap3A_703 : vector<16xi32> to vector<16xi32>
        %swap3A_705 = vector.shape_cast %add3A_701 : vector<16xi32> to vector<16xi32>
        tpu.vector_store %arg11[%swap3A_702], %swap3A_705 {strides = array<i32>} : memref<416xi32, #tpu.memory_space<vmem>>, vector<16xi32>,
        %get3A_706 = arith.constant 32 : index
        %get3A_707 = tpu.vector_load %arg9[%get3A_706] {strides = array<i32>} : memref<416xi32, #tpu.memory_space<vmem>>, vector<16xi32>,
        %get3A_708 = vector.shape_cast %get3A_707 : vector<16xi32> to vector<16xi32>
        %get3A_709 = arith.constant 32 : index
        %get3A_710 = tpu.vector_load %arg21[%get3A_709] {strides = array<i32>} : memref<208xi32, #tpu.memory_space<vmem>>, vector<16xi32>,
        %get3A_711 = vector.shape_cast %get3A_710 : vector<16xi32> to vector<16xi32>
        %add3A_712 = arith.addi %get3A_708, %get3A_711 : vector<16xi32>
        %swap3A_713 = arith.constant 32 : index
        %swap3A_714 = tpu.vector_load %arg11[%swap3A_713] {strides = array<i32>} : memref<416xi32, #tpu.memory_space<vmem>>, vector<16xi32>,
        %swap3A_715 = vector.shape_cast %swap3A_714 : vector<16xi32> to vector<16xi32>
        %swap3A_716 = vector.shape_cast %add3A_712 : vector<16xi32> to vector<16xi32>
        tpu.vector_store %arg11[%swap3A_713], %swap3A_716 {strides = array<i32>} : memref<416xi32, #tpu.memory_space<vmem>>, vector<16xi32>,
        %get3A_717 = arith.constant 48 : index
        %get3A_718 = tpu.vector_load %arg9[%get3A_717] {strides = array<i32>} : memref<416xi32, #tpu.memory_space<vmem>>, vector<16xi32>,
        %get3A_719 = vector.shape_cast %get3A_718 : vector<16xi32> to vector<16xi32>
        %get3A_720 = arith.constant 48 : index
        %get3A_721 = tpu.vector_load %arg21[%get3A_720] {strides = array<i32>} : memref<208xi32, #tpu.memory_space<vmem>>, vector<16xi32>,
        %get3A_722 = vector.shape_cast %get3A_721 : vector<16xi32> to vector<16xi32>
        %add3A_723 = arith.addi %get3A_719, %get3A_722 : vector<16xi32>
        %swap3A_724 = arith.constant 48 : index
        %swap3A_725 = tpu.vector_load %arg11[%swap3A_724] {strides = array<i32>} : memref<416xi32, #tpu.memory_space<vmem>>, vector<16xi32>,
        %swap3A_726 = vector.shape_cast %swap3A_725 : vector<16xi32> to vector<16xi32>
        %swap3A_727 = vector.shape_cast %add3A_723 : vector<16xi32> to vector<16xi32>
        tpu.vector_store %arg11[%swap3A_724], %swap3A_727 {strides = array<i32>} : memref<416xi32, #tpu.memory_space<vmem>>, vector<16xi32>,
        %get3A_728 = arith.constant 64 : index
        %get3A_729 = tpu.vector_load %arg9[%get3A_728] {strides = array<i32>} : memref<416xi32, #tpu.memory_space<vmem>>, vector<16xi32>,
        %get3A_730 = vector.shape_cast %get3A_729 : vector<16xi32> to vector<16xi32>
        %get3A_731 = arith.constant 64 : index
        %get3A_732 = tpu.vector_load %arg21[%get3A_731] {strides = array<i32>} : memref<208xi32, #tpu.memory_space<vmem>>, vector<16xi32>,
        %get3A_733 = vector.shape_cast %get3A_732 : vector<16xi32> to vector<16xi32>
        %add3A_734 = arith.addi %get3A_730, %get3A_733 : vector<16xi32>
        %swap3A_735 = arith.constant 64 : index
        %swap3A_736 = tpu.vector_load %arg11[%swap3A_735] {strides = array<i32>} : memref<416xi32, #tpu.memory_space<vmem>>, vector<16xi32>,
        %swap3A_737 = vector.shape_cast %swap3A_736 : vector<16xi32> to vector<16xi32>
        %swap3A_738 = vector.shape_cast %add3A_734 : vector<16xi32> to vector<16xi32>
        tpu.vector_store %arg11[%swap3A_735], %swap3A_738 {strides = array<i32>} : memref<416xi32, #tpu.memory_space<vmem>>, vector<16xi32>,
        %get3A_739 = arith.constant 80 : index
        %get3A_740 = tpu.vector_load %arg9[%get3A_739] {strides = array<i32>} : memref<416xi32, #tpu.memory_space<vmem>>, vector<16xi32>,
        %get3A_741 = vector.shape_cast %get3A_740 : vector<16xi32> to vector<16xi32>
        %get3A_742 = arith.constant 80 : index
        %get3A_743 = tpu.vector_load %arg21[%get3A_742] {strides = array<i32>} : memref<208xi32, #tpu.memory_space<vmem>>, vector<16xi32>,
        %get3A_744 = vector.shape_cast %get3A_743 : vector<16xi32> to vector<16xi32>
        %add3A_745 = arith.addi %get3A_741, %get3A_744 : vector<16xi32>
        %swap3A_746 = arith.constant 80 : index
        %swap3A_747 = tpu.vector_load %arg11[%swap3A_746] {strides = array<i32>} : memref<416xi32, #tpu.memory_space<vmem>>, vector<16xi32>,
        %swap3A_748 = vector.shape_cast %swap3A_747 : vector<16xi32> to vector<16xi32>
        %swap3A_749 = vector.shape_cast %add3A_745 : vector<16xi32> to vector<16xi32>
        tpu.vector_store %arg11[%swap3A_746], %swap3A_749 {strides = array<i32>} : memref<416xi32, #tpu.memory_space<vmem>>, vector<16xi32>,
        %get3A_750 = arith.constant 96 : index
        %get3A_751 = tpu.vector_load %arg9[%get3A_750] {strides = array<i32>} : memref<416xi32, #tpu.memory_space<vmem>>, vector<16xi32>,
        %get3A_752 = vector.shape_cast %get3A_751 : vector<16xi32> to vector<16xi32>
        %get3A_753 = arith.constant 96 : index
        %get3A_754 = tpu.vector_load %arg21[%get3A_753] {strides = array<i32>} : memref<208xi32, #tpu.memory_space<vmem>>, vector<16xi32>,
        %get3A_755 = vector.shape_cast %get3A_754 : vector<16xi32> to vector<16xi32>
        %add3A_756 = arith.addi %get3A_752, %get3A_755 : vector<16xi32>
        %swap3A_757 = arith.constant 96 : index
        %swap3A_758 = tpu.vector_load %arg11[%swap3A_757] {strides = array<i32>} : memref<416xi32, #tpu.memory_space<vmem>>, vector<16xi32>,
        %swap3A_759 = vector.shape_cast %swap3A_758 : vector<16xi32> to vector<16xi32>
        %swap3A_760 = vector.shape_cast %add3A_756 : vector<16xi32> to vector<16xi32>
        tpu.vector_store %arg11[%swap3A_757], %swap3A_760 {strides = array<i32>} : memref<416xi32, #tpu.memory_space<vmem>>, vector<16xi32>,
        %get3A_761 = arith.constant 112 : index
        %get3A_762 = tpu.vector_load %arg9[%get3A_761] {strides = array<i32>} : memref<416xi32, #tpu.memory_space<vmem>>, vector<16xi32>,
        %get3A_763 = vector.shape_cast %get3A_762 : vector<16xi32> to vector<16xi32>
        %get3A_764 = arith.constant 112 : index
        %get3A_765 = tpu.vector_load %arg21[%get3A_764] {strides = array<i32>} : memref<208xi32, #tpu.memory_space<vmem>>, vector<16xi32>,
        %get3A_766 = vector.shape_cast %get3A_765 : vector<16xi32> to vector<16xi32>
        %add3A_767 = arith.addi %get3A_763, %get3A_766 : vector<16xi32>
        %swap3A_768 = arith.constant 112 : index
        %swap3A_769 = tpu.vector_load %arg11[%swap3A_768] {strides = array<i32>} : memref<416xi32, #tpu.memory_space<vmem>>, vector<16xi32>,
        %swap3A_770 = vector.shape_cast %swap3A_769 : vector<16xi32> to vector<16xi32>
        %swap3A_771 = vector.shape_cast %add3A_767 : vector<16xi32> to vector<16xi32>
        tpu.vector_store %arg11[%swap3A_768], %swap3A_771 {strides = array<i32>} : memref<416xi32, #tpu.memory_space<vmem>>, vector<16xi32>,
        %get3A_772 = arith.constant 128 : index
        %get3A_773 = tpu.vector_load %arg9[%get3A_772] {strides = array<i32>} : memref<416xi32, #tpu.memory_space<vmem>>, vector<16xi32>,
        %get3A_774 = vector.shape_cast %get3A_773 : vector<16xi32> to vector<16xi32>
        %get3A_775 = arith.constant 128 : index
        %get3A_776 = tpu.vector_load %arg21[%get3A_775] {strides = array<i32>} : memref<208xi32, #tpu.memory_space<vmem>>, vector<16xi32>,
        %get3A_777 = vector.shape_cast %get3A_776 : vector<16xi32> to vector<16xi32>
        %add3A_778 = arith.addi %get3A_774, %get3A_777 : vector<16xi32>
        %swap3A_779 = arith.constant 128 : index
        %swap3A_780 = tpu.vector_load %arg11[%swap3A_779] {strides = array<i32>} : memref<416xi32, #tpu.memory_space<vmem>>, vector<16xi32>,
        %swap3A_781 = vector.shape_cast %swap3A_780 : vector<16xi32> to vector<16xi32>
        %swap3A_782 = vector.shape_cast %add3A_778 : vector<16xi32> to vector<16xi32>
        tpu.vector_store %arg11[%swap3A_779], %swap3A_782 {strides = array<i32>} : memref<416xi32, #tpu.memory_space<vmem>>, vector<16xi32>,
        %get3A_783 = arith.constant 144 : index
        %get3A_784 = tpu.vector_load %arg9[%get3A_783] {strides = array<i32>} : memref<416xi32, #tpu.memory_space<vmem>>, vector<16xi32>,
        %get3A_785 = vector.shape_cast %get3A_784 : vector<16xi32> to vector<16xi32>
        %get3A_786 = arith.constant 144 : index
        %get3A_787 = tpu.vector_load %arg21[%get3A_786] {strides = array<i32>} : memref<208xi32, #tpu.memory_space<vmem>>, vector<16xi32>,
        %get3A_788 = vector.shape_cast %get3A_787 : vector<16xi32> to vector<16xi32>
        %add3A_789 = arith.addi %get3A_785, %get3A_788 : vector<16xi32>
        %swap3A_790 = arith.constant 144 : index
        %swap3A_791 = tpu.vector_load %arg11[%swap3A_790] {strides = array<i32>} : memref<416xi32, #tpu.memory_space<vmem>>, vector<16xi32>,
        %swap3A_792 = vector.shape_cast %swap3A_791 : vector<16xi32> to vector<16xi32>
        %swap3A_793 = vector.shape_cast %add3A_789 : vector<16xi32> to vector<16xi32>
        tpu.vector_store %arg11[%swap3A_790], %swap3A_793 {strides = array<i32>} : memref<416xi32, #tpu.memory_space<vmem>>, vector<16xi32>,
        %get3A_794 = arith.constant 160 : index
        %get3A_795 = tpu.vector_load %arg9[%get3A_794] {strides = array<i32>} : memref<416xi32, #tpu.memory_space<vmem>>, vector<16xi32>,
        %get3A_796 = vector.shape_cast %get3A_795 : vector<16xi32> to vector<16xi32>
        %get3A_797 = arith.constant 160 : index
        %get3A_798 = tpu.vector_load %arg21[%get3A_797] {strides = array<i32>} : memref<208xi32, #tpu.memory_space<vmem>>, vector<16xi32>,
        %get3A_799 = vector.shape_cast %get3A_798 : vector<16xi32> to vector<16xi32>
        %add3A_800 = arith.addi %get3A_796, %get3A_799 : vector<16xi32>
        %swap3A_801 = arith.constant 160 : index
        %swap3A_802 = tpu.vector_load %arg11[%swap3A_801] {strides = array<i32>} : memref<416xi32, #tpu.memory_space<vmem>>, vector<16xi32>,
        %swap3A_803 = vector.shape_cast %swap3A_802 : vector<16xi32> to vector<16xi32>
        %swap3A_804 = vector.shape_cast %add3A_800 : vector<16xi32> to vector<16xi32>
        tpu.vector_store %arg11[%swap3A_801], %swap3A_804 {strides = array<i32>} : memref<416xi32, #tpu.memory_space<vmem>>, vector<16xi32>,
        %get3A_805 = arith.constant 176 : index
        %get3A_806 = tpu.vector_load %arg9[%get3A_805] {strides = array<i32>} : memref<416xi32, #tpu.memory_space<vmem>>, vector<16xi32>,
        %get3A_807 = vector.shape_cast %get3A_806 : vector<16xi32> to vector<16xi32>
        %get3A_808 = arith.constant 176 : index
        %get3A_809 = tpu.vector_load %arg21[%get3A_808] {strides = array<i32>} : memref<208xi32, #tpu.memory_space<vmem>>, vector<16xi32>,
        %get3A_810 = vector.shape_cast %get3A_809 : vector<16xi32> to vector<16xi32>
        %add3A_811 = arith.addi %get3A_807, %get3A_810 : vector<16xi32>
        %swap3A_812 = arith.constant 176 : index
        %swap3A_813 = tpu.vector_load %arg11[%swap3A_812] {strides = array<i32>} : memref<416xi32, #tpu.memory_space<vmem>>, vector<16xi32>,
        %swap3A_814 = vector.shape_cast %swap3A_813 : vector<16xi32> to vector<16xi32>
        %swap3A_815 = vector.shape_cast %add3A_811 : vector<16xi32> to vector<16xi32>
        tpu.vector_store %arg11[%swap3A_812], %swap3A_815 {strides = array<i32>} : memref<416xi32, #tpu.memory_space<vmem>>, vector<16xi32>,
        %get3A_816 = arith.constant 192 : index
        %get3A_817 = tpu.vector_load %arg9[%get3A_816] {strides = array<i32>} : memref<416xi32, #tpu.memory_space<vmem>>, vector<16xi32>,
        %get3A_818 = vector.shape_cast %get3A_817 : vector<16xi32> to vector<16xi32>
        %get3A_819 = arith.constant 192 : index
        %get3A_820 = tpu.vector_load %arg21[%get3A_819] {strides = array<i32>} : memref<208xi32, #tpu.memory_space<vmem>>, vector<16xi32>,
        %get3A_821 = vector.shape_cast %get3A_820 : vector<16xi32> to vector<16xi32>
        %add3A_822 = arith.addi %get3A_818, %get3A_821 : vector<16xi32>
        %swap3A_823 = arith.constant 192 : index
        %swap3A_824 = tpu.vector_load %arg11[%swap3A_823] {strides = array<i32>} : memref<416xi32, #tpu.memory_space<vmem>>, vector<16xi32>,
        %swap3A_825 = vector.shape_cast %swap3A_824 : vector<16xi32> to vector<16xi32>
        %swap3A_826 = vector.shape_cast %add3A_822 : vector<16xi32> to vector<16xi32>
        tpu.vector_store %arg11[%swap3A_823], %swap3A_826 {strides = array<i32>} : memref<416xi32, #tpu.memory_space<vmem>>, vector<16xi32>,
        %get3A_827 = arith.constant 208 : index
        %get3A_828 = tpu.vector_load %arg9[%get3A_827] {strides = array<i32>} : memref<416xi32, #tpu.memory_space<vmem>>, vector<16xi32>,
        %get3A_829 = vector.shape_cast %get3A_828 : vector<16xi32> to vector<16xi32>
        %get3A_830 = arith.constant 0 : index
        %get3A_831 = tpu.vector_load %arg21[%get3A_830] {strides = array<i32>} : memref<208xi32, #tpu.memory_space<vmem>>, vector<16xi32>,
        %get3A_832 = vector.shape_cast %get3A_831 : vector<16xi32> to vector<16xi32>
        %add3A_833 = arith.addi %get3A_829, %get3A_832 : vector<16xi32>
        %swap3A_834 = arith.constant 208 : index
        %swap3A_835 = tpu.vector_load %arg11[%swap3A_834] {strides = array<i32>} : memref<416xi32, #tpu.memory_space<vmem>>, vector<16xi32>,
        %swap3A_836 = vector.shape_cast %swap3A_835 : vector<16xi32> to vector<16xi32>
        %swap3A_837 = vector.shape_cast %add3A_833 : vector<16xi32> to vector<16xi32>
        tpu.vector_store %arg11[%swap3A_834], %swap3A_837 {strides = array<i32>} : memref<416xi32, #tpu.memory_space<vmem>>, vector<16xi32>,
        %get3A_838 = arith.constant 224 : index
        %get3A_839 = tpu.vector_load %arg9[%get3A_838] {strides = array<i32>} : memref<416xi32, #tpu.memory_space<vmem>>, vector<16xi32>,
        %get3A_840 = vector.shape_cast %get3A_839 : vector<16xi32> to vector<16xi32>
        %get3A_841 = arith.constant 16 : index
        %get3A_842 = tpu.vector_load %arg21[%get3A_841] {strides = array<i32>} : memref<208xi32, #tpu.memory_space<vmem>>, vector<16xi32>,
        %get3A_843 = vector.shape_cast %get3A_842 : vector<16xi32> to vector<16xi32>
        %add3A_844 = arith.addi %get3A_840, %get3A_843 : vector<16xi32>
        %swap3A_845 = arith.constant 224 : index
        %swap3A_846 = tpu.vector_load %arg11[%swap3A_845] {strides = array<i32>} : memref<416xi32, #tpu.memory_space<vmem>>, vector<16xi32>,
        %swap3A_847 = vector.shape_cast %swap3A_846 : vector<16xi32> to vector<16xi32>
        %swap3A_848 = vector.shape_cast %add3A_844 : vector<16xi32> to vector<16xi32>
        tpu.vector_store %arg11[%swap3A_845], %swap3A_848 {strides = array<i32>} : memref<416xi32, #tpu.memory_space<vmem>>, vector<16xi32>,
        %get3A_849 = arith.constant 240 : index
        %get3A_850 = tpu.vector_load %arg9[%get3A_849] {strides = array<i32>} : memref<416xi32, #tpu.memory_space<vmem>>, vector<16xi32>,
        %get3A_851 = vector.shape_cast %get3A_850 : vector<16xi32> to vector<16xi32>
        %get3A_852 = arith.constant 32 : index
        %get3A_853 = tpu.vector_load %arg21[%get3A_852] {strides = array<i32>} : memref<208xi32, #tpu.memory_space<vmem>>, vector<16xi32>,
        %get3A_854 = vector.shape_cast %get3A_853 : vector<16xi32> to vector<16xi32>
        %add3A_855 = arith.addi %get3A_851, %get3A_854 : vector<16xi32>
        %swap3A_856 = arith.constant 240 : index
        %swap3A_857 = tpu.vector_load %arg11[%swap3A_856] {strides = array<i32>} : memref<416xi32, #tpu.memory_space<vmem>>, vector<16xi32>,
        %swap3A_858 = vector.shape_cast %swap3A_857 : vector<16xi32> to vector<16xi32>
        %swap3A_859 = vector.shape_cast %add3A_855 : vector<16xi32> to vector<16xi32>
        tpu.vector_store %arg11[%swap3A_856], %swap3A_859 {strides = array<i32>} : memref<416xi32, #tpu.memory_space<vmem>>, vector<16xi32>,
        %get3A_860 = arith.constant 256 : index
        %get3A_861 = tpu.vector_load %arg9[%get3A_860] {strides = array<i32>} : memref<416xi32, #tpu.memory_space<vmem>>, vector<16xi32>,
        %get3A_862 = vector.shape_cast %get3A_861 : vector<16xi32> to vector<16xi32>
        %get3A_863 = arith.constant 48 : index
        %get3A_864 = tpu.vector_load %arg21[%get3A_863] {strides = array<i32>} : memref<208xi32, #tpu.memory_space<vmem>>, vector<16xi32>,
        %get3A_865 = vector.shape_cast %get3A_864 : vector<16xi32> to vector<16xi32>
        %add3A_866 = arith.addi %get3A_862, %get3A_865 : vector<16xi32>
        %swap3A_867 = arith.constant 256 : index
        %swap3A_868 = tpu.vector_load %arg11[%swap3A_867] {strides = array<i32>} : memref<416xi32, #tpu.memory_space<vmem>>, vector<16xi32>,
        %swap3A_869 = vector.shape_cast %swap3A_868 : vector<16xi32> to vector<16xi32>
        %swap3A_870 = vector.shape_cast %add3A_866 : vector<16xi32> to vector<16xi32>
        tpu.vector_store %arg11[%swap3A_867], %swap3A_870 {strides = array<i32>} : memref<416xi32, #tpu.memory_space<vmem>>, vector<16xi32>,
        %get3A_871 = arith.constant 272 : index
        %get3A_872 = tpu.vector_load %arg9[%get3A_871] {strides = array<i32>} : memref<416xi32, #tpu.memory_space<vmem>>, vector<16xi32>,
        %get3A_873 = vector.shape_cast %get3A_872 : vector<16xi32> to vector<16xi32>
        %get3A_874 = arith.constant 64 : index
        %get3A_875 = tpu.vector_load %arg21[%get3A_874] {strides = array<i32>} : memref<208xi32, #tpu.memory_space<vmem>>, vector<16xi32>,
        %get3A_876 = vector.shape_cast %get3A_875 : vector<16xi32> to vector<16xi32>
        %add3A_877 = arith.addi %get3A_873, %get3A_876 : vector<16xi32>
        %swap3A_878 = arith.constant 272 : index
        %swap3A_879 = tpu.vector_load %arg11[%swap3A_878] {strides = array<i32>} : memref<416xi32, #tpu.memory_space<vmem>>, vector<16xi32>,
        %swap3A_880 = vector.shape_cast %swap3A_879 : vector<16xi32> to vector<16xi32>
        %swap3A_881 = vector.shape_cast %add3A_877 : vector<16xi32> to vector<16xi32>
        tpu.vector_store %arg11[%swap3A_878], %swap3A_881 {strides = array<i32>} : memref<416xi32, #tpu.memory_space<vmem>>, vector<16xi32>,
        %get3A_882 = arith.constant 288 : index
        %get3A_883 = tpu.vector_load %arg9[%get3A_882] {strides = array<i32>} : memref<416xi32, #tpu.memory_space<vmem>>, vector<16xi32>,
        %get3A_884 = vector.shape_cast %get3A_883 : vector<16xi32> to vector<16xi32>
        %get3A_885 = arith.constant 80 : index
        %get3A_886 = tpu.vector_load %arg21[%get3A_885] {strides = array<i32>} : memref<208xi32, #tpu.memory_space<vmem>>, vector<16xi32>,
        %get3A_887 = vector.shape_cast %get3A_886 : vector<16xi32> to vector<16xi32>
        %add3A_888 = arith.addi %get3A_884, %get3A_887 : vector<16xi32>
        %swap3A_889 = arith.constant 288 : index
        %swap3A_890 = tpu.vector_load %arg11[%swap3A_889] {strides = array<i32>} : memref<416xi32, #tpu.memory_space<vmem>>, vector<16xi32>,
        %swap3A_891 = vector.shape_cast %swap3A_890 : vector<16xi32> to vector<16xi32>
        %swap3A_892 = vector.shape_cast %add3A_888 : vector<16xi32> to vector<16xi32>
        tpu.vector_store %arg11[%swap3A_889], %swap3A_892 {strides = array<i32>} : memref<416xi32, #tpu.memory_space<vmem>>, vector<16xi32>,
        %get3A_893 = arith.constant 304 : index
        %get3A_894 = tpu.vector_load %arg9[%get3A_893] {strides = array<i32>} : memref<416xi32, #tpu.memory_space<vmem>>, vector<16xi32>,
        %get3A_895 = vector.shape_cast %get3A_894 : vector<16xi32> to vector<16xi32>
        %get3A_896 = arith.constant 96 : index
        %get3A_897 = tpu.vector_load %arg21[%get3A_896] {strides = array<i32>} : memref<208xi32, #tpu.memory_space<vmem>>, vector<16xi32>,
        %get3A_898 = vector.shape_cast %get3A_897 : vector<16xi32> to vector<16xi32>
        %add3A_899 = arith.addi %get3A_895, %get3A_898 : vector<16xi32>
        %swap3A_900 = arith.constant 304 : index
        %swap3A_901 = tpu.vector_load %arg11[%swap3A_900] {strides = array<i32>} : memref<416xi32, #tpu.memory_space<vmem>>, vector<16xi32>,
        %swap3A_902 = vector.shape_cast %swap3A_901 : vector<16xi32> to vector<16xi32>
        %swap3A_903 = vector.shape_cast %add3A_899 : vector<16xi32> to vector<16xi32>
        tpu.vector_store %arg11[%swap3A_900], %swap3A_903 {strides = array<i32>} : memref<416xi32, #tpu.memory_space<vmem>>, vector<16xi32>,
        %get3A_904 = arith.constant 320 : index
        %get3A_905 = tpu.vector_load %arg9[%get3A_904] {strides = array<i32>} : memref<416xi32, #tpu.memory_space<vmem>>, vector<16xi32>,
        %get3A_906 = vector.shape_cast %get3A_905 : vector<16xi32> to vector<16xi32>
        %get3A_907 = arith.constant 112 : index
        %get3A_908 = tpu.vector_load %arg21[%get3A_907] {strides = array<i32>} : memref<208xi32, #tpu.memory_space<vmem>>, vector<16xi32>,
        %get3A_909 = vector.shape_cast %get3A_908 : vector<16xi32> to vector<16xi32>
        %add3A_910 = arith.addi %get3A_906, %get3A_909 : vector<16xi32>
        %swap3A_911 = arith.constant 320 : index
        %swap3A_912 = tpu.vector_load %arg11[%swap3A_911] {strides = array<i32>} : memref<416xi32, #tpu.memory_space<vmem>>, vector<16xi32>,
        %swap3A_913 = vector.shape_cast %swap3A_912 : vector<16xi32> to vector<16xi32>
        %swap3A_914 = vector.shape_cast %add3A_910 : vector<16xi32> to vector<16xi32>
        tpu.vector_store %arg11[%swap3A_911], %swap3A_914 {strides = array<i32>} : memref<416xi32, #tpu.memory_space<vmem>>, vector<16xi32>,
        %get3A_915 = arith.constant 336 : index
        %get3A_916 = tpu.vector_load %arg9[%get3A_915] {strides = array<i32>} : memref<416xi32, #tpu.memory_space<vmem>>, vector<16xi32>,
        %get3A_917 = vector.shape_cast %get3A_916 : vector<16xi32> to vector<16xi32>
        %get3A_918 = arith.constant 128 : index
        %get3A_919 = tpu.vector_load %arg21[%get3A_918] {strides = array<i32>} : memref<208xi32, #tpu.memory_space<vmem>>, vector<16xi32>,
        %get3A_920 = vector.shape_cast %get3A_919 : vector<16xi32> to vector<16xi32>
        %add3A_921 = arith.addi %get3A_917, %get3A_920 : vector<16xi32>
        %swap3A_922 = arith.constant 336 : index
        %swap3A_923 = tpu.vector_load %arg11[%swap3A_922] {strides = array<i32>} : memref<416xi32, #tpu.memory_space<vmem>>, vector<16xi32>,
        %swap3A_924 = vector.shape_cast %swap3A_923 : vector<16xi32> to vector<16xi32>
        %swap3A_925 = vector.shape_cast %add3A_921 : vector<16xi32> to vector<16xi32>
        tpu.vector_store %arg11[%swap3A_922], %swap3A_925 {strides = array<i32>} : memref<416xi32, #tpu.memory_space<vmem>>, vector<16xi32>,
        %get3A_926 = arith.constant 352 : index
        %get3A_927 = tpu.vector_load %arg9[%get3A_926] {strides = array<i32>} : memref<416xi32, #tpu.memory_space<vmem>>, vector<16xi32>,
        %get3A_928 = vector.shape_cast %get3A_927 : vector<16xi32> to vector<16xi32>
        %get3A_929 = arith.constant 144 : index
        %get3A_930 = tpu.vector_load %arg21[%get3A_929] {strides = array<i32>} : memref<208xi32, #tpu.memory_space<vmem>>, vector<16xi32>,
        %get3A_931 = vector.shape_cast %get3A_930 : vector<16xi32> to vector<16xi32>
        %add3A_932 = arith.addi %get3A_928, %get3A_931 : vector<16xi32>
        %swap3A_933 = arith.constant 352 : index
        %swap3A_934 = tpu.vector_load %arg11[%swap3A_933] {strides = array<i32>} : memref<416xi32, #tpu.memory_space<vmem>>, vector<16xi32>,
        %swap3A_935 = vector.shape_cast %swap3A_934 : vector<16xi32> to vector<16xi32>
        %swap3A_936 = vector.shape_cast %add3A_932 : vector<16xi32> to vector<16xi32>
        tpu.vector_store %arg11[%swap3A_933], %swap3A_936 {strides = array<i32>} : memref<416xi32, #tpu.memory_space<vmem>>, vector<16xi32>,
        %get3A_937 = arith.constant 368 : index
        %get3A_938 = tpu.vector_load %arg9[%get3A_937] {strides = array<i32>} : memref<416xi32, #tpu.memory_space<vmem>>, vector<16xi32>,
        %get3A_939 = vector.shape_cast %get3A_938 : vector<16xi32> to vector<16xi32>
        %get3A_940 = arith.constant 160 : index
        %get3A_941 = tpu.vector_load %arg21[%get3A_940] {strides = array<i32>} : memref<208xi32, #tpu.memory_space<vmem>>, vector<16xi32>,
        %get3A_942 = vector.shape_cast %get3A_941 : vector<16xi32> to vector<16xi32>
        %add3A_943 = arith.addi %get3A_939, %get3A_942 : vector<16xi32>
        %swap3A_944 = arith.constant 368 : index
        %swap3A_945 = tpu.vector_load %arg11[%swap3A_944] {strides = array<i32>} : memref<416xi32, #tpu.memory_space<vmem>>, vector<16xi32>,
        %swap3A_946 = vector.shape_cast %swap3A_945 : vector<16xi32> to vector<16xi32>
        %swap3A_947 = vector.shape_cast %add3A_943 : vector<16xi32> to vector<16xi32>
        tpu.vector_store %arg11[%swap3A_944], %swap3A_947 {strides = array<i32>} : memref<416xi32, #tpu.memory_space<vmem>>, vector<16xi32>,
        %get3A_948 = arith.constant 384 : index
        %get3A_949 = tpu.vector_load %arg9[%get3A_948] {strides = array<i32>} : memref<416xi32, #tpu.memory_space<vmem>>, vector<16xi32>,
        %get3A_950 = vector.shape_cast %get3A_949 : vector<16xi32> to vector<16xi32>
        %get3A_951 = arith.constant 176 : index
        %get3A_952 = tpu.vector_load %arg21[%get3A_951] {strides = array<i32>} : memref<208xi32, #tpu.memory_space<vmem>>, vector<16xi32>,
        %get3A_953 = vector.shape_cast %get3A_952 : vector<16xi32> to vector<16xi32>
        %add3A_954 = arith.addi %get3A_950, %get3A_953 : vector<16xi32>
        %swap3A_955 = arith.constant 384 : index
        %swap3A_956 = tpu.vector_load %arg11[%swap3A_955] {strides = array<i32>} : memref<416xi32, #tpu.memory_space<vmem>>, vector<16xi32>,
        %swap3A_957 = vector.shape_cast %swap3A_956 : vector<16xi32> to vector<16xi32>
        %swap3A_958 = vector.shape_cast %add3A_954 : vector<16xi32> to vector<16xi32>
        tpu.vector_store %arg11[%swap3A_955], %swap3A_958 {strides = array<i32>} : memref<416xi32, #tpu.memory_space<vmem>>, vector<16xi32>,
        %get3A_959 = arith.constant 400 : index
        %get3A_960 = tpu.vector_load %arg9[%get3A_959] {strides = array<i32>} : memref<416xi32, #tpu.memory_space<vmem>>, vector<16xi32>,
        %get3A_961 = vector.shape_cast %get3A_960 : vector<16xi32> to vector<16xi32>
        %get3A_962 = arith.constant 192 : index
        %get3A_963 = tpu.vector_load %arg21[%get3A_962] {strides = array<i32>} : memref<208xi32, #tpu.memory_space<vmem>>, vector<16xi32>,
        %get3A_964 = vector.shape_cast %get3A_963 : vector<16xi32> to vector<16xi32>
        %add3A_965 = arith.addi %get3A_961, %get3A_964 : vector<16xi32>
        %swap3A_966 = arith.constant 400 : index
        %swap3A_967 = tpu.vector_load %arg11[%swap3A_966] {strides = array<i32>} : memref<416xi32, #tpu.memory_space<vmem>>, vector<16xi32>,
        %swap3A_968 = vector.shape_cast %swap3A_967 : vector<16xi32> to vector<16xi32>
        %swap3A_969 = vector.shape_cast %add3A_965 : vector<16xi32> to vector<16xi32>
        tpu.vector_store %arg11[%swap3A_966], %swap3A_969 {strides = array<i32>} : memref<416xi32, #tpu.memory_space<vmem>>, vector<16xi32>,
        %dma_start3A_970 = arith.constant 0 : i32
        %dma_start3A_971 = arith.constant 0 : i32
        %dma_start3A_972 = tpu.memref_slice %arg2[%dma_start3A_970, %dma_start3A_971] : memref<2600000x32xf32, #tpu.memory_space<hbm>> -> memref<2600000x32xf32, #tpu.memory_space<hbm>>
        tpu.enqueue_indirect_dma source(%dma_start3A_972 : memref<2600000x32xf32, #tpu.memory_space<hbm>>) target(%arg13 : memref<416x32xf32, #tpu.memory_space<vmem>>) offsets(%arg11 : memref<416xi32, #tpu.memory_space<vmem>>) semaphore(%arg22 : memref<!tpu.dma_semaphore, #tpu.memory_space<semaphore_mem>>)
      } else {
      }
      %add3A_641 = arith.constant 1 : i32
      %add3A_642 = arith.addi %mul3A_309, %add3A_641 : i32
      %ge3A_643 = arith.constant 1 : i32
      %ge3A_644 = arith.cmpi sge, %scan3A_307, %ge3A_643 : i32
      %mul3A_645 = arith.constant 512 : i32
      %mul3A_646 = arith.muli %add3A, %mul3A_645 : i32
      %mul3A_647 = arith.constant 16 : i32
      %mul3A_648 = arith.muli %add3A_642, %mul3A_647 : i32
      %add3A_649 = arith.addi %mul3A_646, %mul3A_648 : i32
      %multiple_of3A_650 = tpu.assume_multiple %add3A_649, 16 : i32
      %dma_wait3A_651 = arith.constant 0 : i32
      %dma_wait3A_652 = arith.constant 0 : i32
      %dma_wait3A_653 = tpu.memref_slice %arg2[%dma_wait3A_651, %dma_wait3A_652] : memref<2600000x32xf32, #tpu.memory_space<hbm>> -> memref<416x32xf32, #tpu.memory_space<hbm>>
      %dma_wait3A_654 = arith.constant 0 : i32
      %dma_wait3A_655 = arith.constant 0 : i32
      %dma_wait3A_656 = tpu.memref_slice %arg2[%dma_wait3A_654, %dma_wait3A_655] : memref<2600000x32xf32, #tpu.memory_space<hbm>> -> memref<416x32xf32, #tpu.memory_space<hbm>>
      tpu.wait_dma2 semaphore(%arg23 : memref<!tpu.dma_semaphore, #tpu.memory_space<semaphore_mem>>) src(%dma_wait3A_656 : memref<416x32xf32, #tpu.memory_space<hbm>>) dst(%arg14 : memref<416x32xf32, #tpu.memory_space<vmem>>)
      %convert_element_type3A_657 = arith.extui %ge3A_644 : i1 to i32
      %cond3A_658 = arith.constant 0 : i32
      %cond3A_659 = arith.cmpi ne, %convert_element_type3A_657, %cond3A_658 : i32
      scf.if %cond3A_659 {
        %dma_wait3A_672 = arith.constant 0 : i32
        %dma_wait3A_673 = tpu.memref_slice %arg8[%dma_wait3A_672] : memref<20447232xf32, #tpu.memory_space<hbm>> -> memref<19968xf32, #tpu.memory_space<hbm>>
        %dma_wait3A_674 = arith.constant 0 : i32
        %dma_wait3A_675 = tpu.memref_slice %arg8[%dma_wait3A_674] : memref<20447232xf32, #tpu.memory_space<hbm>> -> memref<19968xf32, #tpu.memory_space<hbm>>
        tpu.wait_dma2 semaphore(%arg25 : memref<!tpu.dma_semaphore, #tpu.memory_space<semaphore_mem>>) src(%arg18 : memref<19968xf32, #tpu.memory_space<vmem>>) dst(%dma_wait3A_675 : memref<19968xf32, #tpu.memory_space<hbm>>)
      } else {
      }
      %scan3A_660 = arith.constant 0 : i32
      %scan3A_661 = arith.constant 0 : i32
      %scan3A_662 = arith.constant 16 : i32
      %scan3A_663 = arith.addi %scan3A_661, %scan3A_662 : i32
      %scan3A_664 = arith.constant 1 : i32
      scf.for %scan3A_672 = %scan3A_661 to %scan3A_663 step %scan3A_664  : i32 {
        %mul3A_673 = arith.constant 26 : i32
        %mul3A_674 = arith.muli %scan3A_672, %mul3A_673 : i32
        %add3A_675 = arith.constant 0 : i32
        %add3A_676 = arith.addi %mul3A_674, %add3A_675 : i32
        %get3A_677 = arith.index_cast %add3A_676 : i32 to index
        %get3A_678 = arith.constant 0 : index
        %get3A_679 = tpu.vector_load %arg14[%get3A_677, %get3A_678] {strides = array<i32>} : memref<416x32xf32, #tpu.memory_space<vmem>>, vector<1x16xf32>,
        %get3A_680 = vector.shape_cast %get3A_679 : vector<1x16xf32> to vector<16xf32>
        %get3A_681 = arith.constant 13 : i32
        %get3A_682 = arith.index_cast %get3A_681 : i32 to index
        %get3A_683 = arith.constant 0 : index
        %get3A_684 = tpu.vector_load %arg20[%get3A_682, %get3A_683] {strides = array<i32>} : memref<39x32xf32, #tpu.memory_space<vmem>>, vector<1x16xf32>,
        %get3A_685 = vector.shape_cast %get3A_684 : vector<1x16xf32> to vector<16xf32>
        %add3A_686 = arith.addf %get3A_680, %get3A_685 : vector<16xf32>
        %mul3A_687 = arith.constant 39 : i32
        %mul3A_688 = arith.muli %scan3A_672, %mul3A_687 : i32
        %add3A_689 = arith.constant 13 : i32
        %add3A_690 = arith.addi %mul3A_688, %add3A_689 : i32
        %add3A_691 = arith.constant 0 : i32
        %add3A_692 = arith.addi %add3A_690, %add3A_691 : i32
        %mul3A_693 = arith.constant 32 : i32
        %mul3A_694 = arith.muli %add3A_692, %mul3A_693 : i32
        %add3A_695 = arith.constant 0 : i32
        %add3A_696 = arith.addi %mul3A_694, %add3A_695 : i32
        %swap3A_697 = arith.index_cast %add3A_696 : i32 to index
        %swap3A_698 = tpu.vector_load %arg18[%swap3A_697] {strides = array<i32>} : memref<19968xf32, #tpu.memory_space<vmem>>, vector<16xf32>,
        %swap3A_699 = vector.shape_cast %swap3A_698 : vector<16xf32> to vector<16xf32>
        %swap3A_700 = vector.shape_cast %add3A_686 : vector<16xf32> to vector<16xf32>
        tpu.vector_store %arg18[%swap3A_697], %swap3A_700 {strides = array<i32>} : memref<19968xf32, #tpu.memory_space<vmem>>, vector<16xf32>,
        %mul3A_701 = arith.constant 26 : i32
        %mul3A_702 = arith.muli %scan3A_672, %mul3A_701 : i32
        %add3A_703 = arith.constant 0 : i32
        %add3A_704 = arith.addi %mul3A_702, %add3A_703 : i32
        %get3A_705 = arith.index_cast %add3A_704 : i32 to index
        %get3A_706 = arith.constant 16 : index
        %get3A_707 = tpu.vector_load %arg14[%get3A_705, %get3A_706] {strides = array<i32>} : memref<416x32xf32, #tpu.memory_space<vmem>>, vector<1x16xf32>,
        %get3A_708 = vector.shape_cast %get3A_707 : vector<1x16xf32> to vector<16xf32>
        %get3A_709 = arith.constant 13 : i32
        %get3A_710 = arith.index_cast %get3A_709 : i32 to index
        %get3A_711 = arith.constant 16 : index
        %get3A_712 = tpu.vector_load %arg20[%get3A_710, %get3A_711] {strides = array<i32>} : memref<39x32xf32, #tpu.memory_space<vmem>>, vector<1x16xf32>,
        %get3A_713 = vector.shape_cast %get3A_712 : vector<1x16xf32> to vector<16xf32>
        %add3A_714 = arith.addf %get3A_708, %get3A_713 : vector<16xf32>
        %mul3A_715 = arith.constant 39 : i32
        %mul3A_716 = arith.muli %scan3A_672, %mul3A_715 : i32
        %add3A_717 = arith.constant 13 : i32
        %add3A_718 = arith.addi %mul3A_716, %add3A_717 : i32
        %add3A_719 = arith.constant 0 : i32
        %add3A_720 = arith.addi %add3A_718, %add3A_719 : i32
        %mul3A_721 = arith.constant 32 : i32
        %mul3A_722 = arith.muli %add3A_720, %mul3A_721 : i32
        %add3A_723 = arith.constant 16 : i32
        %add3A_724 = arith.addi %mul3A_722, %add3A_723 : i32
        %swap3A_725 = arith.index_cast %add3A_724 : i32 to index
        %swap3A_726 = tpu.vector_load %arg18[%swap3A_725] {strides = array<i32>} : memref<19968xf32, #tpu.memory_space<vmem>>, vector<16xf32>,
        %swap3A_727 = vector.shape_cast %swap3A_726 : vector<16xf32> to vector<16xf32>
        %swap3A_728 = vector.shape_cast %add3A_714 : vector<16xf32> to vector<16xf32>
        tpu.vector_store %arg18[%swap3A_725], %swap3A_728 {strides = array<i32>} : memref<19968xf32, #tpu.memory_space<vmem>>, vector<16xf32>,
        %mul3A_729 = arith.constant 26 : i32
        %mul3A_730 = arith.muli %scan3A_672, %mul3A_729 : i32
        %add3A_731 = arith.constant 1 : i32
        %add3A_732 = arith.addi %mul3A_730, %add3A_731 : i32
        %get3A_733 = arith.index_cast %add3A_732 : i32 to index
        %get3A_734 = arith.constant 0 : index
        %get3A_735 = tpu.vector_load %arg14[%get3A_733, %get3A_734] {strides = array<i32>} : memref<416x32xf32, #tpu.memory_space<vmem>>, vector<1x16xf32>,
        %get3A_736 = vector.shape_cast %get3A_735 : vector<1x16xf32> to vector<16xf32>
        %get3A_737 = arith.constant 14 : i32
        %get3A_738 = arith.index_cast %get3A_737 : i32 to index
        %get3A_739 = arith.constant 0 : index
        %get3A_740 = tpu.vector_load %arg20[%get3A_738, %get3A_739] {strides = array<i32>} : memref<39x32xf32, #tpu.memory_space<vmem>>, vector<1x16xf32>,
        %get3A_741 = vector.shape_cast %get3A_740 : vector<1x16xf32> to vector<16xf32>
        %add3A_742 = arith.addf %get3A_736, %get3A_741 : vector<16xf32>
        %mul3A_743 = arith.constant 39 : i32
        %mul3A_744 = arith.muli %scan3A_672, %mul3A_743 : i32
        %add3A_745 = arith.constant 13 : i32
        %add3A_746 = arith.addi %mul3A_744, %add3A_745 : i32
        %add3A_747 = arith.constant 1 : i32
        %add3A_748 = arith.addi %add3A_746, %add3A_747 : i32
        %mul3A_749 = arith.constant 32 : i32
        %mul3A_750 = arith.muli %add3A_748, %mul3A_749 : i32
        %add3A_751 = arith.constant 0 : i32
        %add3A_752 = arith.addi %mul3A_750, %add3A_751 : i32
        %swap3A_753 = arith.index_cast %add3A_752 : i32 to index
        %swap3A_754 = tpu.vector_load %arg18[%swap3A_753] {strides = array<i32>} : memref<19968xf32, #tpu.memory_space<vmem>>, vector<16xf32>,
        %swap3A_755 = vector.shape_cast %swap3A_754 : vector<16xf32> to vector<16xf32>
        %swap3A_756 = vector.shape_cast %add3A_742 : vector<16xf32> to vector<16xf32>
        tpu.vector_store %arg18[%swap3A_753], %swap3A_756 {strides = array<i32>} : memref<19968xf32, #tpu.memory_space<vmem>>, vector<16xf32>,
        %mul3A_757 = arith.constant 26 : i32
        %mul3A_758 = arith.muli %scan3A_672, %mul3A_757 : i32
        %add3A_759 = arith.constant 1 : i32
        %add3A_760 = arith.addi %mul3A_758, %add3A_759 : i32
        %get3A_761 = arith.index_cast %add3A_760 : i32 to index
        %get3A_762 = arith.constant 16 : index
        %get3A_763 = tpu.vector_load %arg14[%get3A_761, %get3A_762] {strides = array<i32>} : memref<416x32xf32, #tpu.memory_space<vmem>>, vector<1x16xf32>,
        %get3A_764 = vector.shape_cast %get3A_763 : vector<1x16xf32> to vector<16xf32>
        %get3A_765 = arith.constant 14 : i32
        %get3A_766 = arith.index_cast %get3A_765 : i32 to index
        %get3A_767 = arith.constant 16 : index
        %get3A_768 = tpu.vector_load %arg20[%get3A_766, %get3A_767] {strides = array<i32>} : memref<39x32xf32, #tpu.memory_space<vmem>>, vector<1x16xf32>,
        %get3A_769 = vector.shape_cast %get3A_768 : vector<1x16xf32> to vector<16xf32>
        %add3A_770 = arith.addf %get3A_764, %get3A_769 : vector<16xf32>
        %mul3A_771 = arith.constant 39 : i32
        %mul3A_772 = arith.muli %scan3A_672, %mul3A_771 : i32
        %add3A_773 = arith.constant 13 : i32
        %add3A_774 = arith.addi %mul3A_772, %add3A_773 : i32
        %add3A_775 = arith.constant 1 : i32
        %add3A_776 = arith.addi %add3A_774, %add3A_775 : i32
        %mul3A_777 = arith.constant 32 : i32
        %mul3A_778 = arith.muli %add3A_776, %mul3A_777 : i32
        %add3A_779 = arith.constant 16 : i32
        %add3A_780 = arith.addi %mul3A_778, %add3A_779 : i32
        %swap3A_781 = arith.index_cast %add3A_780 : i32 to index
        %swap3A_782 = tpu.vector_load %arg18[%swap3A_781] {strides = array<i32>} : memref<19968xf32, #tpu.memory_space<vmem>>, vector<16xf32>,
        %swap3A_783 = vector.shape_cast %swap3A_782 : vector<16xf32> to vector<16xf32>
        %swap3A_784 = vector.shape_cast %add3A_770 : vector<16xf32> to vector<16xf32>
        tpu.vector_store %arg18[%swap3A_781], %swap3A_784 {strides = array<i32>} : memref<19968xf32, #tpu.memory_space<vmem>>, vector<16xf32>,
        %mul3A_785 = arith.constant 26 : i32
        %mul3A_786 = arith.muli %scan3A_672, %mul3A_785 : i32
        %add3A_787 = arith.constant 2 : i32
        %add3A_788 = arith.addi %mul3A_786, %add3A_787 : i32
        %get3A_789 = arith.index_cast %add3A_788 : i32 to index
        %get3A_790 = arith.constant 0 : index
        %get3A_791 = tpu.vector_load %arg14[%get3A_789, %get3A_790] {strides = array<i32>} : memref<416x32xf32, #tpu.memory_space<vmem>>, vector<1x16xf32>,
        %get3A_792 = vector.shape_cast %get3A_791 : vector<1x16xf32> to vector<16xf32>
        %get3A_793 = arith.constant 15 : i32
        %get3A_794 = arith.index_cast %get3A_793 : i32 to index
        %get3A_795 = arith.constant 0 : index
        %get3A_796 = tpu.vector_load %arg20[%get3A_794, %get3A_795] {strides = array<i32>} : memref<39x32xf32, #tpu.memory_space<vmem>>, vector<1x16xf32>,
        %get3A_797 = vector.shape_cast %get3A_796 : vector<1x16xf32> to vector<16xf32>
        %add3A_798 = arith.addf %get3A_792, %get3A_797 : vector<16xf32>
        %mul3A_799 = arith.constant 39 : i32
        %mul3A_800 = arith.muli %scan3A_672, %mul3A_799 : i32
        %add3A_801 = arith.constant 13 : i32
        %add3A_802 = arith.addi %mul3A_800, %add3A_801 : i32
        %add3A_803 = arith.constant 2 : i32
        %add3A_804 = arith.addi %add3A_802, %add3A_803 : i32
        %mul3A_805 = arith.constant 32 : i32
        %mul3A_806 = arith.muli %add3A_804, %mul3A_805 : i32
        %add3A_807 = arith.constant 0 : i32
        %add3A_808 = arith.addi %mul3A_806, %add3A_807 : i32
        %swap3A_809 = arith.index_cast %add3A_808 : i32 to index
        %swap3A_810 = tpu.vector_load %arg18[%swap3A_809] {strides = array<i32>} : memref<19968xf32, #tpu.memory_space<vmem>>, vector<16xf32>,
        %swap3A_811 = vector.shape_cast %swap3A_810 : vector<16xf32> to vector<16xf32>
        %swap3A_812 = vector.shape_cast %add3A_798 : vector<16xf32> to vector<16xf32>
        tpu.vector_store %arg18[%swap3A_809], %swap3A_812 {strides = array<i32>} : memref<19968xf32, #tpu.memory_space<vmem>>, vector<16xf32>,
        %mul3A_813 = arith.constant 26 : i32
        %mul3A_814 = arith.muli %scan3A_672, %mul3A_813 : i32
        %add3A_815 = arith.constant 2 : i32
        %add3A_816 = arith.addi %mul3A_814, %add3A_815 : i32
        %get3A_817 = arith.index_cast %add3A_816 : i32 to index
        %get3A_818 = arith.constant 16 : index
        %get3A_819 = tpu.vector_load %arg14[%get3A_817, %get3A_818] {strides = array<i32>} : memref<416x32xf32, #tpu.memory_space<vmem>>, vector<1x16xf32>,
        %get3A_820 = vector.shape_cast %get3A_819 : vector<1x16xf32> to vector<16xf32>
        %get3A_821 = arith.constant 15 : i32
        %get3A_822 = arith.index_cast %get3A_821 : i32 to index
        %get3A_823 = arith.constant 16 : index
        %get3A_824 = tpu.vector_load %arg20[%get3A_822, %get3A_823] {strides = array<i32>} : memref<39x32xf32, #tpu.memory_space<vmem>>, vector<1x16xf32>,
        %get3A_825 = vector.shape_cast %get3A_824 : vector<1x16xf32> to vector<16xf32>
        %add3A_826 = arith.addf %get3A_820, %get3A_825 : vector<16xf32>
        %mul3A_827 = arith.constant 39 : i32
        %mul3A_828 = arith.muli %scan3A_672, %mul3A_827 : i32
        %add3A_829 = arith.constant 13 : i32
        %add3A_830 = arith.addi %mul3A_828, %add3A_829 : i32
        %add3A_831 = arith.constant 2 : i32
        %add3A_832 = arith.addi %add3A_830, %add3A_831 : i32
        %mul3A_833 = arith.constant 32 : i32
        %mul3A_834 = arith.muli %add3A_832, %mul3A_833 : i32
        %add3A_835 = arith.constant 16 : i32
        %add3A_836 = arith.addi %mul3A_834, %add3A_835 : i32
        %swap3A_837 = arith.index_cast %add3A_836 : i32 to index
        %swap3A_838 = tpu.vector_load %arg18[%swap3A_837] {strides = array<i32>} : memref<19968xf32, #tpu.memory_space<vmem>>, vector<16xf32>,
        %swap3A_839 = vector.shape_cast %swap3A_838 : vector<16xf32> to vector<16xf32>
        %swap3A_840 = vector.shape_cast %add3A_826 : vector<16xf32> to vector<16xf32>
        tpu.vector_store %arg18[%swap3A_837], %swap3A_840 {strides = array<i32>} : memref<19968xf32, #tpu.memory_space<vmem>>, vector<16xf32>,
        %mul3A_841 = arith.constant 26 : i32
        %mul3A_842 = arith.muli %scan3A_672, %mul3A_841 : i32
        %add3A_843 = arith.constant 3 : i32
        %add3A_844 = arith.addi %mul3A_842, %add3A_843 : i32
        %get3A_845 = arith.index_cast %add3A_844 : i32 to index
        %get3A_846 = arith.constant 0 : index
        %get3A_847 = tpu.vector_load %arg14[%get3A_845, %get3A_846] {strides = array<i32>} : memref<416x32xf32, #tpu.memory_space<vmem>>, vector<1x16xf32>,
        %get3A_848 = vector.shape_cast %get3A_847 : vector<1x16xf32> to vector<16xf32>
        %get3A_849 = arith.constant 16 : i32
        %get3A_850 = arith.index_cast %get3A_849 : i32 to index
        %get3A_851 = arith.constant 0 : index
        %get3A_852 = tpu.vector_load %arg20[%get3A_850, %get3A_851] {strides = array<i32>} : memref<39x32xf32, #tpu.memory_space<vmem>>, vector<1x16xf32>,
        %get3A_853 = vector.shape_cast %get3A_852 : vector<1x16xf32> to vector<16xf32>
        %add3A_854 = arith.addf %get3A_848, %get3A_853 : vector<16xf32>
        %mul3A_855 = arith.constant 39 : i32
        %mul3A_856 = arith.muli %scan3A_672, %mul3A_855 : i32
        %add3A_857 = arith.constant 13 : i32
        %add3A_858 = arith.addi %mul3A_856, %add3A_857 : i32
        %add3A_859 = arith.constant 3 : i32
        %add3A_860 = arith.addi %add3A_858, %add3A_859 : i32
        %mul3A_861 = arith.constant 32 : i32
        %mul3A_862 = arith.muli %add3A_860, %mul3A_861 : i32
        %add3A_863 = arith.constant 0 : i32
        %add3A_864 = arith.addi %mul3A_862, %add3A_863 : i32
        %swap3A_865 = arith.index_cast %add3A_864 : i32 to index
        %swap3A_866 = tpu.vector_load %arg18[%swap3A_865] {strides = array<i32>} : memref<19968xf32, #tpu.memory_space<vmem>>, vector<16xf32>,
        %swap3A_867 = vector.shape_cast %swap3A_866 : vector<16xf32> to vector<16xf32>
        %swap3A_868 = vector.shape_cast %add3A_854 : vector<16xf32> to vector<16xf32>
        tpu.vector_store %arg18[%swap3A_865], %swap3A_868 {strides = array<i32>} : memref<19968xf32, #tpu.memory_space<vmem>>, vector<16xf32>,
        %mul3A_869 = arith.constant 26 : i32
        %mul3A_870 = arith.muli %scan3A_672, %mul3A_869 : i32
        %add3A_871 = arith.constant 3 : i32
        %add3A_872 = arith.addi %mul3A_870, %add3A_871 : i32
        %get3A_873 = arith.index_cast %add3A_872 : i32 to index
        %get3A_874 = arith.constant 16 : index
        %get3A_875 = tpu.vector_load %arg14[%get3A_873, %get3A_874] {strides = array<i32>} : memref<416x32xf32, #tpu.memory_space<vmem>>, vector<1x16xf32>,
        %get3A_876 = vector.shape_cast %get3A_875 : vector<1x16xf32> to vector<16xf32>
        %get3A_877 = arith.constant 16 : i32
        %get3A_878 = arith.index_cast %get3A_877 : i32 to index
        %get3A_879 = arith.constant 16 : index
        %get3A_880 = tpu.vector_load %arg20[%get3A_878, %get3A_879] {strides = array<i32>} : memref<39x32xf32, #tpu.memory_space<vmem>>, vector<1x16xf32>,
        %get3A_881 = vector.shape_cast %get3A_880 : vector<1x16xf32> to vector<16xf32>
        %add3A_882 = arith.addf %get3A_876, %get3A_881 : vector<16xf32>
        %mul3A_883 = arith.constant 39 : i32
        %mul3A_884 = arith.muli %scan3A_672, %mul3A_883 : i32
        %add3A_885 = arith.constant 13 : i32
        %add3A_886 = arith.addi %mul3A_884, %add3A_885 : i32
        %add3A_887 = arith.constant 3 : i32
        %add3A_888 = arith.addi %add3A_886, %add3A_887 : i32
        %mul3A_889 = arith.constant 32 : i32
        %mul3A_890 = arith.muli %add3A_888, %mul3A_889 : i32
        %add3A_891 = arith.constant 16 : i32
        %add3A_892 = arith.addi %mul3A_890, %add3A_891 : i32
        %swap3A_893 = arith.index_cast %add3A_892 : i32 to index
        %swap3A_894 = tpu.vector_load %arg18[%swap3A_893] {strides = array<i32>} : memref<19968xf32, #tpu.memory_space<vmem>>, vector<16xf32>,
        %swap3A_895 = vector.shape_cast %swap3A_894 : vector<16xf32> to vector<16xf32>
        %swap3A_896 = vector.shape_cast %add3A_882 : vector<16xf32> to vector<16xf32>
        tpu.vector_store %arg18[%swap3A_893], %swap3A_896 {strides = array<i32>} : memref<19968xf32, #tpu.memory_space<vmem>>, vector<16xf32>,
        %mul3A_897 = arith.constant 26 : i32
        %mul3A_898 = arith.muli %scan3A_672, %mul3A_897 : i32
        %add3A_899 = arith.constant 4 : i32
        %add3A_900 = arith.addi %mul3A_898, %add3A_899 : i32
        %get3A_901 = arith.index_cast %add3A_900 : i32 to index
        %get3A_902 = arith.constant 0 : index
        %get3A_903 = tpu.vector_load %arg14[%get3A_901, %get3A_902] {strides = array<i32>} : memref<416x32xf32, #tpu.memory_space<vmem>>, vector<1x16xf32>,
        %get3A_904 = vector.shape_cast %get3A_903 : vector<1x16xf32> to vector<16xf32>
        %get3A_905 = arith.constant 17 : i32
        %get3A_906 = arith.index_cast %get3A_905 : i32 to index
        %get3A_907 = arith.constant 0 : index
        %get3A_908 = tpu.vector_load %arg20[%get3A_906, %get3A_907] {strides = array<i32>} : memref<39x32xf32, #tpu.memory_space<vmem>>, vector<1x16xf32>,
        %get3A_909 = vector.shape_cast %get3A_908 : vector<1x16xf32> to vector<16xf32>
        %add3A_910 = arith.addf %get3A_904, %get3A_909 : vector<16xf32>
        %mul3A_911 = arith.constant 39 : i32
        %mul3A_912 = arith.muli %scan3A_672, %mul3A_911 : i32
        %add3A_913 = arith.constant 13 : i32
        %add3A_914 = arith.addi %mul3A_912, %add3A_913 : i32
        %add3A_915 = arith.constant 4 : i32
        %add3A_916 = arith.addi %add3A_914, %add3A_915 : i32
        %mul3A_917 = arith.constant 32 : i32
        %mul3A_918 = arith.muli %add3A_916, %mul3A_917 : i32
        %add3A_919 = arith.constant 0 : i32
        %add3A_920 = arith.addi %mul3A_918, %add3A_919 : i32
        %swap3A_921 = arith.index_cast %add3A_920 : i32 to index
        %swap3A_922 = tpu.vector_load %arg18[%swap3A_921] {strides = array<i32>} : memref<19968xf32, #tpu.memory_space<vmem>>, vector<16xf32>,
        %swap3A_923 = vector.shape_cast %swap3A_922 : vector<16xf32> to vector<16xf32>
        %swap3A_924 = vector.shape_cast %add3A_910 : vector<16xf32> to vector<16xf32>
        tpu.vector_store %arg18[%swap3A_921], %swap3A_924 {strides = array<i32>} : memref<19968xf32, #tpu.memory_space<vmem>>, vector<16xf32>,
        %mul3A_925 = arith.constant 26 : i32
        %mul3A_926 = arith.muli %scan3A_672, %mul3A_925 : i32
        %add3A_927 = arith.constant 4 : i32
        %add3A_928 = arith.addi %mul3A_926, %add3A_927 : i32
        %get3A_929 = arith.index_cast %add3A_928 : i32 to index
        %get3A_930 = arith.constant 16 : index
        %get3A_931 = tpu.vector_load %arg14[%get3A_929, %get3A_930] {strides = array<i32>} : memref<416x32xf32, #tpu.memory_space<vmem>>, vector<1x16xf32>,
        %get3A_932 = vector.shape_cast %get3A_931 : vector<1x16xf32> to vector<16xf32>
        %get3A_933 = arith.constant 17 : i32
        %get3A_934 = arith.index_cast %get3A_933 : i32 to index
        %get3A_935 = arith.constant 16 : index
        %get3A_936 = tpu.vector_load %arg20[%get3A_934, %get3A_935] {strides = array<i32>} : memref<39x32xf32, #tpu.memory_space<vmem>>, vector<1x16xf32>,
        %get3A_937 = vector.shape_cast %get3A_936 : vector<1x16xf32> to vector<16xf32>
        %add3A_938 = arith.addf %get3A_932, %get3A_937 : vector<16xf32>
        %mul3A_939 = arith.constant 39 : i32
        %mul3A_940 = arith.muli %scan3A_672, %mul3A_939 : i32
        %add3A_941 = arith.constant 13 : i32
        %add3A_942 = arith.addi %mul3A_940, %add3A_941 : i32
        %add3A_943 = arith.constant 4 : i32
        %add3A_944 = arith.addi %add3A_942, %add3A_943 : i32
        %mul3A_945 = arith.constant 32 : i32
        %mul3A_946 = arith.muli %add3A_944, %mul3A_945 : i32
        %add3A_947 = arith.constant 16 : i32
        %add3A_948 = arith.addi %mul3A_946, %add3A_947 : i32
        %swap3A_949 = arith.index_cast %add3A_948 : i32 to index
        %swap3A_950 = tpu.vector_load %arg18[%swap3A_949] {strides = array<i32>} : memref<19968xf32, #tpu.memory_space<vmem>>, vector<16xf32>,
        %swap3A_951 = vector.shape_cast %swap3A_950 : vector<16xf32> to vector<16xf32>
        %swap3A_952 = vector.shape_cast %add3A_938 : vector<16xf32> to vector<16xf32>
        tpu.vector_store %arg18[%swap3A_949], %swap3A_952 {strides = array<i32>} : memref<19968xf32, #tpu.memory_space<vmem>>, vector<16xf32>,
        %mul3A_953 = arith.constant 26 : i32
        %mul3A_954 = arith.muli %scan3A_672, %mul3A_953 : i32
        %add3A_955 = arith.constant 5 : i32
        %add3A_956 = arith.addi %mul3A_954, %add3A_955 : i32
        %get3A_957 = arith.index_cast %add3A_956 : i32 to index
        %get3A_958 = arith.constant 0 : index
        %get3A_959 = tpu.vector_load %arg14[%get3A_957, %get3A_958] {strides = array<i32>} : memref<416x32xf32, #tpu.memory_space<vmem>>, vector<1x16xf32>,
        %get3A_960 = vector.shape_cast %get3A_959 : vector<1x16xf32> to vector<16xf32>
        %get3A_961 = arith.constant 18 : i32
        %get3A_962 = arith.index_cast %get3A_961 : i32 to index
        %get3A_963 = arith.constant 0 : index
        %get3A_964 = tpu.vector_load %arg20[%get3A_962, %get3A_963] {strides = array<i32>} : memref<39x32xf32, #tpu.memory_space<vmem>>, vector<1x16xf32>,
        %get3A_965 = vector.shape_cast %get3A_964 : vector<1x16xf32> to vector<16xf32>
        %add3A_966 = arith.addf %get3A_960, %get3A_965 : vector<16xf32>
        %mul3A_967 = arith.constant 39 : i32
        %mul3A_968 = arith.muli %scan3A_672, %mul3A_967 : i32
        %add3A_969 = arith.constant 13 : i32
        %add3A_970 = arith.addi %mul3A_968, %add3A_969 : i32
        %add3A_971 = arith.constant 5 : i32
        %add3A_972 = arith.addi %add3A_970, %add3A_971 : i32
        %mul3A_973 = arith.constant 32 : i32
        %mul3A_974 = arith.muli %add3A_972, %mul3A_973 : i32
        %add3A_975 = arith.constant 0 : i32
        %add3A_976 = arith.addi %mul3A_974, %add3A_975 : i32
        %swap3A_977 = arith.index_cast %add3A_976 : i32 to index
        %swap3A_978 = tpu.vector_load %arg18[%swap3A_977] {strides = array<i32>} : memref<19968xf32, #tpu.memory_space<vmem>>, vector<16xf32>,
        %swap3A_979 = vector.shape_cast %swap3A_978 : vector<16xf32> to vector<16xf32>
        %swap3A_980 = vector.shape_cast %add3A_966 : vector<16xf32> to vector<16xf32>
        tpu.vector_store %arg18[%swap3A_977], %swap3A_980 {strides = array<i32>} : memref<19968xf32, #tpu.memory_space<vmem>>, vector<16xf32>,
        %mul3A_981 = arith.constant 26 : i32
        %mul3A_982 = arith.muli %scan3A_672, %mul3A_981 : i32
        %add3A_983 = arith.constant 5 : i32
        %add3A_984 = arith.addi %mul3A_982, %add3A_983 : i32
        %get3A_985 = arith.index_cast %add3A_984 : i32 to index
        %get3A_986 = arith.constant 16 : index
        %get3A_987 = tpu.vector_load %arg14[%get3A_985, %get3A_986] {strides = array<i32>} : memref<416x32xf32, #tpu.memory_space<vmem>>, vector<1x16xf32>,
        %get3A_988 = vector.shape_cast %get3A_987 : vector<1x16xf32> to vector<16xf32>
        %get3A_989 = arith.constant 18 : i32
        %get3A_990 = arith.index_cast %get3A_989 : i32 to index
        %get3A_991 = arith.constant 16 : index
        %get3A_992 = tpu.vector_load %arg20[%get3A_990, %get3A_991] {strides = array<i32>} : memref<39x32xf32, #tpu.memory_space<vmem>>, vector<1x16xf32>,
        %get3A_993 = vector.shape_cast %get3A_992 : vector<1x16xf32> to vector<16xf32>
        %add3A_994 = arith.addf %get3A_988, %get3A_993 : vector<16xf32>
        %mul3A_995 = arith.constant 39 : i32
        %mul3A_996 = arith.muli %scan3A_672, %mul3A_995 : i32
        %add3A_997 = arith.constant 13 : i32
        %add3A_998 = arith.addi %mul3A_996, %add3A_997 : i32
        %add3A_999 = arith.constant 5 : i32
        %add3A_1000 = arith.addi %add3A_998, %add3A_999 : i32
        %mul3A_1001 = arith.constant 32 : i32
        %mul3A_1002 = arith.muli %add3A_1000, %mul3A_1001 : i32
        %add3A_1003 = arith.constant 16 : i32
        %add3A_1004 = arith.addi %mul3A_1002, %add3A_1003 : i32
        %swap3A_1005 = arith.index_cast %add3A_1004 : i32 to index
        %swap3A_1006 = tpu.vector_load %arg18[%swap3A_1005] {strides = array<i32>} : memref<19968xf32, #tpu.memory_space<vmem>>, vector<16xf32>,
        %swap3A_1007 = vector.shape_cast %swap3A_1006 : vector<16xf32> to vector<16xf32>
        %swap3A_1008 = vector.shape_cast %add3A_994 : vector<16xf32> to vector<16xf32>
        tpu.vector_store %arg18[%swap3A_1005], %swap3A_1008 {strides = array<i32>} : memref<19968xf32, #tpu.memory_space<vmem>>, vector<16xf32>,
        %mul3A_1009 = arith.constant 26 : i32
        %mul3A_1010 = arith.muli %scan3A_672, %mul3A_1009 : i32
        %add3A_1011 = arith.constant 6 : i32
        %add3A_1012 = arith.addi %mul3A_1010, %add3A_1011 : i32
        %get3A_1013 = arith.index_cast %add3A_1012 : i32 to index
        %get3A_1014 = arith.constant 0 : index
        %get3A_1015 = tpu.vector_load %arg14[%get3A_1013, %get3A_1014] {strides = array<i32>} : memref<416x32xf32, #tpu.memory_space<vmem>>, vector<1x16xf32>,
        %get3A_1016 = vector.shape_cast %get3A_1015 : vector<1x16xf32> to vector<16xf32>
        %get3A_1017 = arith.constant 19 : i32
        %get3A_1018 = arith.index_cast %get3A_1017 : i32 to index
        %get3A_1019 = arith.constant 0 : index
        %get3A_1020 = tpu.vector_load %arg20[%get3A_1018, %get3A_1019] {strides = array<i32>} : memref<39x32xf32, #tpu.memory_space<vmem>>, vector<1x16xf32>,
        %get3A_1021 = vector.shape_cast %get3A_1020 : vector<1x16xf32> to vector<16xf32>
        %add3A_1022 = arith.addf %get3A_1016, %get3A_1021 : vector<16xf32>
        %mul3A_1023 = arith.constant 39 : i32
        %mul3A_1024 = arith.muli %scan3A_672, %mul3A_1023 : i32
        %add3A_1025 = arith.constant 13 : i32
        %add3A_1026 = arith.addi %mul3A_1024, %add3A_1025 : i32
        %add3A_1027 = arith.constant 6 : i32
        %add3A_1028 = arith.addi %add3A_1026, %add3A_1027 : i32
        %mul3A_1029 = arith.constant 32 : i32
        %mul3A_1030 = arith.muli %add3A_1028, %mul3A_1029 : i32
        %add3A_1031 = arith.constant 0 : i32
        %add3A_1032 = arith.addi %mul3A_1030, %add3A_1031 : i32
        %swap3A_1033 = arith.index_cast %add3A_1032 : i32 to index
        %swap3A_1034 = tpu.vector_load %arg18[%swap3A_1033] {strides = array<i32>} : memref<19968xf32, #tpu.memory_space<vmem>>, vector<16xf32>,
        %swap3A_1035 = vector.shape_cast %swap3A_1034 : vector<16xf32> to vector<16xf32>
        %swap3A_1036 = vector.shape_cast %add3A_1022 : vector<16xf32> to vector<16xf32>
        tpu.vector_store %arg18[%swap3A_1033], %swap3A_1036 {strides = array<i32>} : memref<19968xf32, #tpu.memory_space<vmem>>, vector<16xf32>,
        %mul3A_1037 = arith.constant 26 : i32
        %mul3A_1038 = arith.muli %scan3A_672, %mul3A_1037 : i32
        %add3A_1039 = arith.constant 6 : i32
        %add3A_1040 = arith.addi %mul3A_1038, %add3A_1039 : i32
        %get3A_1041 = arith.index_cast %add3A_1040 : i32 to index
        %get3A_1042 = arith.constant 16 : index
        %get3A_1043 = tpu.vector_load %arg14[%get3A_1041, %get3A_1042] {strides = array<i32>} : memref<416x32xf32, #tpu.memory_space<vmem>>, vector<1x16xf32>,
        %get3A_1044 = vector.shape_cast %get3A_1043 : vector<1x16xf32> to vector<16xf32>
        %get3A_1045 = arith.constant 19 : i32
        %get3A_1046 = arith.index_cast %get3A_1045 : i32 to index
        %get3A_1047 = arith.constant 16 : index
        %get3A_1048 = tpu.vector_load %arg20[%get3A_1046, %get3A_1047] {strides = array<i32>} : memref<39x32xf32, #tpu.memory_space<vmem>>, vector<1x16xf32>,
        %get3A_1049 = vector.shape_cast %get3A_1048 : vector<1x16xf32> to vector<16xf32>
        %add3A_1050 = arith.addf %get3A_1044, %get3A_1049 : vector<16xf32>
        %mul3A_1051 = arith.constant 39 : i32
        %mul3A_1052 = arith.muli %scan3A_672, %mul3A_1051 : i32
        %add3A_1053 = arith.constant 13 : i32
        %add3A_1054 = arith.addi %mul3A_1052, %add3A_1053 : i32
        %add3A_1055 = arith.constant 6 : i32
        %add3A_1056 = arith.addi %add3A_1054, %add3A_1055 : i32
        %mul3A_1057 = arith.constant 32 : i32
        %mul3A_1058 = arith.muli %add3A_1056, %mul3A_1057 : i32
        %add3A_1059 = arith.constant 16 : i32
        %add3A_1060 = arith.addi %mul3A_1058, %add3A_1059 : i32
        %swap3A_1061 = arith.index_cast %add3A_1060 : i32 to index
        %swap3A_1062 = tpu.vector_load %arg18[%swap3A_1061] {strides = array<i32>} : memref<19968xf32, #tpu.memory_space<vmem>>, vector<16xf32>,
        %swap3A_1063 = vector.shape_cast %swap3A_1062 : vector<16xf32> to vector<16xf32>
        %swap3A_1064 = vector.shape_cast %add3A_1050 : vector<16xf32> to vector<16xf32>
        tpu.vector_store %arg18[%swap3A_1061], %swap3A_1064 {strides = array<i32>} : memref<19968xf32, #tpu.memory_space<vmem>>, vector<16xf32>,
        %mul3A_1065 = arith.constant 26 : i32
        %mul3A_1066 = arith.muli %scan3A_672, %mul3A_1065 : i32
        %add3A_1067 = arith.constant 7 : i32
        %add3A_1068 = arith.addi %mul3A_1066, %add3A_1067 : i32
        %get3A_1069 = arith.index_cast %add3A_1068 : i32 to index
        %get3A_1070 = arith.constant 0 : index
        %get3A_1071 = tpu.vector_load %arg14[%get3A_1069, %get3A_1070] {strides = array<i32>} : memref<416x32xf32, #tpu.memory_space<vmem>>, vector<1x16xf32>,
        %get3A_1072 = vector.shape_cast %get3A_1071 : vector<1x16xf32> to vector<16xf32>
        %get3A_1073 = arith.constant 20 : i32
        %get3A_1074 = arith.index_cast %get3A_1073 : i32 to index
        %get3A_1075 = arith.constant 0 : index
        %get3A_1076 = tpu.vector_load %arg20[%get3A_1074, %get3A_1075] {strides = array<i32>} : memref<39x32xf32, #tpu.memory_space<vmem>>, vector<1x16xf32>,
        %get3A_1077 = vector.shape_cast %get3A_1076 : vector<1x16xf32> to vector<16xf32>
        %add3A_1078 = arith.addf %get3A_1072, %get3A_1077 : vector<16xf32>
        %mul3A_1079 = arith.constant 39 : i32
        %mul3A_1080 = arith.muli %scan3A_672, %mul3A_1079 : i32
        %add3A_1081 = arith.constant 13 : i32
        %add3A_1082 = arith.addi %mul3A_1080, %add3A_1081 : i32
        %add3A_1083 = arith.constant 7 : i32
        %add3A_1084 = arith.addi %add3A_1082, %add3A_1083 : i32
        %mul3A_1085 = arith.constant 32 : i32
        %mul3A_1086 = arith.muli %add3A_1084, %mul3A_1085 : i32
        %add3A_1087 = arith.constant 0 : i32
        %add3A_1088 = arith.addi %mul3A_1086, %add3A_1087 : i32
        %swap3A_1089 = arith.index_cast %add3A_1088 : i32 to index
        %swap3A_1090 = tpu.vector_load %arg18[%swap3A_1089] {strides = array<i32>} : memref<19968xf32, #tpu.memory_space<vmem>>, vector<16xf32>,
        %swap3A_1091 = vector.shape_cast %swap3A_1090 : vector<16xf32> to vector<16xf32>
        %swap3A_1092 = vector.shape_cast %add3A_1078 : vector<16xf32> to vector<16xf32>
        tpu.vector_store %arg18[%swap3A_1089], %swap3A_1092 {strides = array<i32>} : memref<19968xf32, #tpu.memory_space<vmem>>, vector<16xf32>,
        %mul3A_1093 = arith.constant 26 : i32
        %mul3A_1094 = arith.muli %scan3A_672, %mul3A_1093 : i32
        %add3A_1095 = arith.constant 7 : i32
        %add3A_1096 = arith.addi %mul3A_1094, %add3A_1095 : i32
        %get3A_1097 = arith.index_cast %add3A_1096 : i32 to index
        %get3A_1098 = arith.constant 16 : index
        %get3A_1099 = tpu.vector_load %arg14[%get3A_1097, %get3A_1098] {strides = array<i32>} : memref<416x32xf32, #tpu.memory_space<vmem>>, vector<1x16xf32>,
        %get3A_1100 = vector.shape_cast %get3A_1099 : vector<1x16xf32> to vector<16xf32>
        %get3A_1101 = arith.constant 20 : i32
        %get3A_1102 = arith.index_cast %get3A_1101 : i32 to index
        %get3A_1103 = arith.constant 16 : index
        %get3A_1104 = tpu.vector_load %arg20[%get3A_1102, %get3A_1103] {strides = array<i32>} : memref<39x32xf32, #tpu.memory_space<vmem>>, vector<1x16xf32>,
        %get3A_1105 = vector.shape_cast %get3A_1104 : vector<1x16xf32> to vector<16xf32>
        %add3A_1106 = arith.addf %get3A_1100, %get3A_1105 : vector<16xf32>
        %mul3A_1107 = arith.constant 39 : i32
        %mul3A_1108 = arith.muli %scan3A_672, %mul3A_1107 : i32
        %add3A_1109 = arith.constant 13 : i32
        %add3A_1110 = arith.addi %mul3A_1108, %add3A_1109 : i32
        %add3A_1111 = arith.constant 7 : i32
        %add3A_1112 = arith.addi %add3A_1110, %add3A_1111 : i32
        %mul3A_1113 = arith.constant 32 : i32
        %mul3A_1114 = arith.muli %add3A_1112, %mul3A_1113 : i32
        %add3A_1115 = arith.constant 16 : i32
        %add3A_1116 = arith.addi %mul3A_1114, %add3A_1115 : i32
        %swap3A_1117 = arith.index_cast %add3A_1116 : i32 to index
        %swap3A_1118 = tpu.vector_load %arg18[%swap3A_1117] {strides = array<i32>} : memref<19968xf32, #tpu.memory_space<vmem>>, vector<16xf32>,
        %swap3A_1119 = vector.shape_cast %swap3A_1118 : vector<16xf32> to vector<16xf32>
        %swap3A_1120 = vector.shape_cast %add3A_1106 : vector<16xf32> to vector<16xf32>
        tpu.vector_store %arg18[%swap3A_1117], %swap3A_1120 {strides = array<i32>} : memref<19968xf32, #tpu.memory_space<vmem>>, vector<16xf32>,
        %mul3A_1121 = arith.constant 26 : i32
        %mul3A_1122 = arith.muli %scan3A_672, %mul3A_1121 : i32
        %add3A_1123 = arith.constant 8 : i32
        %add3A_1124 = arith.addi %mul3A_1122, %add3A_1123 : i32
        %get3A_1125 = arith.index_cast %add3A_1124 : i32 to index
        %get3A_1126 = arith.constant 0 : index
        %get3A_1127 = tpu.vector_load %arg14[%get3A_1125, %get3A_1126] {strides = array<i32>} : memref<416x32xf32, #tpu.memory_space<vmem>>, vector<1x16xf32>,
        %get3A_1128 = vector.shape_cast %get3A_1127 : vector<1x16xf32> to vector<16xf32>
        %get3A_1129 = arith.constant 21 : i32
        %get3A_1130 = arith.index_cast %get3A_1129 : i32 to index
        %get3A_1131 = arith.constant 0 : index
        %get3A_1132 = tpu.vector_load %arg20[%get3A_1130, %get3A_1131] {strides = array<i32>} : memref<39x32xf32, #tpu.memory_space<vmem>>, vector<1x16xf32>,
        %get3A_1133 = vector.shape_cast %get3A_1132 : vector<1x16xf32> to vector<16xf32>
        %add3A_1134 = arith.addf %get3A_1128, %get3A_1133 : vector<16xf32>
        %mul3A_1135 = arith.constant 39 : i32
        %mul3A_1136 = arith.muli %scan3A_672, %mul3A_1135 : i32
        %add3A_1137 = arith.constant 13 : i32
        %add3A_1138 = arith.addi %mul3A_1136, %add3A_1137 : i32
        %add3A_1139 = arith.constant 8 : i32
        %add3A_1140 = arith.addi %add3A_1138, %add3A_1139 : i32
        %mul3A_1141 = arith.constant 32 : i32
        %mul3A_1142 = arith.muli %add3A_1140, %mul3A_1141 : i32
        %add3A_1143 = arith.constant 0 : i32
        %add3A_1144 = arith.addi %mul3A_1142, %add3A_1143 : i32
        %swap3A_1145 = arith.index_cast %add3A_1144 : i32 to index
        %swap3A_1146 = tpu.vector_load %arg18[%swap3A_1145] {strides = array<i32>} : memref<19968xf32, #tpu.memory_space<vmem>>, vector<16xf32>,
        %swap3A_1147 = vector.shape_cast %swap3A_1146 : vector<16xf32> to vector<16xf32>
        %swap3A_1148 = vector.shape_cast %add3A_1134 : vector<16xf32> to vector<16xf32>
        tpu.vector_store %arg18[%swap3A_1145], %swap3A_1148 {strides = array<i32>} : memref<19968xf32, #tpu.memory_space<vmem>>, vector<16xf32>,
        %mul3A_1149 = arith.constant 26 : i32
        %mul3A_1150 = arith.muli %scan3A_672, %mul3A_1149 : i32
        %add3A_1151 = arith.constant 8 : i32
        %add3A_1152 = arith.addi %mul3A_1150, %add3A_1151 : i32
        %get3A_1153 = arith.index_cast %add3A_1152 : i32 to index
        %get3A_1154 = arith.constant 16 : index
        %get3A_1155 = tpu.vector_load %arg14[%get3A_1153, %get3A_1154] {strides = array<i32>} : memref<416x32xf32, #tpu.memory_space<vmem>>, vector<1x16xf32>,
        %get3A_1156 = vector.shape_cast %get3A_1155 : vector<1x16xf32> to vector<16xf32>
        %get3A_1157 = arith.constant 21 : i32
        %get3A_1158 = arith.index_cast %get3A_1157 : i32 to index
        %get3A_1159 = arith.constant 16 : index
        %get3A_1160 = tpu.vector_load %arg20[%get3A_1158, %get3A_1159] {strides = array<i32>} : memref<39x32xf32, #tpu.memory_space<vmem>>, vector<1x16xf32>,
        %get3A_1161 = vector.shape_cast %get3A_1160 : vector<1x16xf32> to vector<16xf32>
        %add3A_1162 = arith.addf %get3A_1156, %get3A_1161 : vector<16xf32>
        %mul3A_1163 = arith.constant 39 : i32
        %mul3A_1164 = arith.muli %scan3A_672, %mul3A_1163 : i32
        %add3A_1165 = arith.constant 13 : i32
        %add3A_1166 = arith.addi %mul3A_1164, %add3A_1165 : i32
        %add3A_1167 = arith.constant 8 : i32
        %add3A_1168 = arith.addi %add3A_1166, %add3A_1167 : i32
        %mul3A_1169 = arith.constant 32 : i32
        %mul3A_1170 = arith.muli %add3A_1168, %mul3A_1169 : i32
        %add3A_1171 = arith.constant 16 : i32
        %add3A_1172 = arith.addi %mul3A_1170, %add3A_1171 : i32
        %swap3A_1173 = arith.index_cast %add3A_1172 : i32 to index
        %swap3A_1174 = tpu.vector_load %arg18[%swap3A_1173] {strides = array<i32>} : memref<19968xf32, #tpu.memory_space<vmem>>, vector<16xf32>,
        %swap3A_1175 = vector.shape_cast %swap3A_1174 : vector<16xf32> to vector<16xf32>
        %swap3A_1176 = vector.shape_cast %add3A_1162 : vector<16xf32> to vector<16xf32>
        tpu.vector_store %arg18[%swap3A_1173], %swap3A_1176 {strides = array<i32>} : memref<19968xf32, #tpu.memory_space<vmem>>, vector<16xf32>,
        %mul3A_1177 = arith.constant 26 : i32
        %mul3A_1178 = arith.muli %scan3A_672, %mul3A_1177 : i32
        %add3A_1179 = arith.constant 9 : i32
        %add3A_1180 = arith.addi %mul3A_1178, %add3A_1179 : i32
        %get3A_1181 = arith.index_cast %add3A_1180 : i32 to index
        %get3A_1182 = arith.constant 0 : index
        %get3A_1183 = tpu.vector_load %arg14[%get3A_1181, %get3A_1182] {strides = array<i32>} : memref<416x32xf32, #tpu.memory_space<vmem>>, vector<1x16xf32>,
        %get3A_1184 = vector.shape_cast %get3A_1183 : vector<1x16xf32> to vector<16xf32>
        %get3A_1185 = arith.constant 22 : i32
        %get3A_1186 = arith.index_cast %get3A_1185 : i32 to index
        %get3A_1187 = arith.constant 0 : index
        %get3A_1188 = tpu.vector_load %arg20[%get3A_1186, %get3A_1187] {strides = array<i32>} : memref<39x32xf32, #tpu.memory_space<vmem>>, vector<1x16xf32>,
        %get3A_1189 = vector.shape_cast %get3A_1188 : vector<1x16xf32> to vector<16xf32>
        %add3A_1190 = arith.addf %get3A_1184, %get3A_1189 : vector<16xf32>
        %mul3A_1191 = arith.constant 39 : i32
        %mul3A_1192 = arith.muli %scan3A_672, %mul3A_1191 : i32
        %add3A_1193 = arith.constant 13 : i32
        %add3A_1194 = arith.addi %mul3A_1192, %add3A_1193 : i32
        %add3A_1195 = arith.constant 9 : i32
        %add3A_1196 = arith.addi %add3A_1194, %add3A_1195 : i32
        %mul3A_1197 = arith.constant 32 : i32
        %mul3A_1198 = arith.muli %add3A_1196, %mul3A_1197 : i32
        %add3A_1199 = arith.constant 0 : i32
        %add3A_1200 = arith.addi %mul3A_1198, %add3A_1199 : i32
        %swap3A_1201 = arith.index_cast %add3A_1200 : i32 to index
        %swap3A_1202 = tpu.vector_load %arg18[%swap3A_1201] {strides = array<i32>} : memref<19968xf32, #tpu.memory_space<vmem>>, vector<16xf32>,
        %swap3A_1203 = vector.shape_cast %swap3A_1202 : vector<16xf32> to vector<16xf32>
        %swap3A_1204 = vector.shape_cast %add3A_1190 : vector<16xf32> to vector<16xf32>
        tpu.vector_store %arg18[%swap3A_1201], %swap3A_1204 {strides = array<i32>} : memref<19968xf32, #tpu.memory_space<vmem>>, vector<16xf32>,
        %mul3A_1205 = arith.constant 26 : i32
        %mul3A_1206 = arith.muli %scan3A_672, %mul3A_1205 : i32
        %add3A_1207 = arith.constant 9 : i32
        %add3A_1208 = arith.addi %mul3A_1206, %add3A_1207 : i32
        %get3A_1209 = arith.index_cast %add3A_1208 : i32 to index
        %get3A_1210 = arith.constant 16 : index
        %get3A_1211 = tpu.vector_load %arg14[%get3A_1209, %get3A_1210] {strides = array<i32>} : memref<416x32xf32, #tpu.memory_space<vmem>>, vector<1x16xf32>,
        %get3A_1212 = vector.shape_cast %get3A_1211 : vector<1x16xf32> to vector<16xf32>
        %get3A_1213 = arith.constant 22 : i32
        %get3A_1214 = arith.index_cast %get3A_1213 : i32 to index
        %get3A_1215 = arith.constant 16 : index
        %get3A_1216 = tpu.vector_load %arg20[%get3A_1214, %get3A_1215] {strides = array<i32>} : memref<39x32xf32, #tpu.memory_space<vmem>>, vector<1x16xf32>,
        %get3A_1217 = vector.shape_cast %get3A_1216 : vector<1x16xf32> to vector<16xf32>
        %add3A_1218 = arith.addf %get3A_1212, %get3A_1217 : vector<16xf32>
        %mul3A_1219 = arith.constant 39 : i32
        %mul3A_1220 = arith.muli %scan3A_672, %mul3A_1219 : i32
        %add3A_1221 = arith.constant 13 : i32
        %add3A_1222 = arith.addi %mul3A_1220, %add3A_1221 : i32
        %add3A_1223 = arith.constant 9 : i32
        %add3A_1224 = arith.addi %add3A_1222, %add3A_1223 : i32
        %mul3A_1225 = arith.constant 32 : i32
        %mul3A_1226 = arith.muli %add3A_1224, %mul3A_1225 : i32
        %add3A_1227 = arith.constant 16 : i32
        %add3A_1228 = arith.addi %mul3A_1226, %add3A_1227 : i32
        %swap3A_1229 = arith.index_cast %add3A_1228 : i32 to index
        %swap3A_1230 = tpu.vector_load %arg18[%swap3A_1229] {strides = array<i32>} : memref<19968xf32, #tpu.memory_space<vmem>>, vector<16xf32>,
        %swap3A_1231 = vector.shape_cast %swap3A_1230 : vector<16xf32> to vector<16xf32>
        %swap3A_1232 = vector.shape_cast %add3A_1218 : vector<16xf32> to vector<16xf32>
        tpu.vector_store %arg18[%swap3A_1229], %swap3A_1232 {strides = array<i32>} : memref<19968xf32, #tpu.memory_space<vmem>>, vector<16xf32>,
        %mul3A_1233 = arith.constant 26 : i32
        %mul3A_1234 = arith.muli %scan3A_672, %mul3A_1233 : i32
        %add3A_1235 = arith.constant 10 : i32
        %add3A_1236 = arith.addi %mul3A_1234, %add3A_1235 : i32
        %get3A_1237 = arith.index_cast %add3A_1236 : i32 to index
        %get3A_1238 = arith.constant 0 : index
        %get3A_1239 = tpu.vector_load %arg14[%get3A_1237, %get3A_1238] {strides = array<i32>} : memref<416x32xf32, #tpu.memory_space<vmem>>, vector<1x16xf32>,
        %get3A_1240 = vector.shape_cast %get3A_1239 : vector<1x16xf32> to vector<16xf32>
        %get3A_1241 = arith.constant 23 : i32
        %get3A_1242 = arith.index_cast %get3A_1241 : i32 to index
        %get3A_1243 = arith.constant 0 : index
        %get3A_1244 = tpu.vector_load %arg20[%get3A_1242, %get3A_1243] {strides = array<i32>} : memref<39x32xf32, #tpu.memory_space<vmem>>, vector<1x16xf32>,
        %get3A_1245 = vector.shape_cast %get3A_1244 : vector<1x16xf32> to vector<16xf32>
        %add3A_1246 = arith.addf %get3A_1240, %get3A_1245 : vector<16xf32>
        %mul3A_1247 = arith.constant 39 : i32
        %mul3A_1248 = arith.muli %scan3A_672, %mul3A_1247 : i32
        %add3A_1249 = arith.constant 13 : i32
        %add3A_1250 = arith.addi %mul3A_1248, %add3A_1249 : i32
        %add3A_1251 = arith.constant 10 : i32
        %add3A_1252 = arith.addi %add3A_1250, %add3A_1251 : i32
        %mul3A_1253 = arith.constant 32 : i32
        %mul3A_1254 = arith.muli %add3A_1252, %mul3A_1253 : i32
        %add3A_1255 = arith.constant 0 : i32
        %add3A_1256 = arith.addi %mul3A_1254, %add3A_1255 : i32
        %swap3A_1257 = arith.index_cast %add3A_1256 : i32 to index
        %swap3A_1258 = tpu.vector_load %arg18[%swap3A_1257] {strides = array<i32>} : memref<19968xf32, #tpu.memory_space<vmem>>, vector<16xf32>,
        %swap3A_1259 = vector.shape_cast %swap3A_1258 : vector<16xf32> to vector<16xf32>
        %swap3A_1260 = vector.shape_cast %add3A_1246 : vector<16xf32> to vector<16xf32>
        tpu.vector_store %arg18[%swap3A_1257], %swap3A_1260 {strides = array<i32>} : memref<19968xf32, #tpu.memory_space<vmem>>, vector<16xf32>,
        %mul3A_1261 = arith.constant 26 : i32
        %mul3A_1262 = arith.muli %scan3A_672, %mul3A_1261 : i32
        %add3A_1263 = arith.constant 10 : i32
        %add3A_1264 = arith.addi %mul3A_1262, %add3A_1263 : i32
        %get3A_1265 = arith.index_cast %add3A_1264 : i32 to index
        %get3A_1266 = arith.constant 16 : index
        %get3A_1267 = tpu.vector_load %arg14[%get3A_1265, %get3A_1266] {strides = array<i32>} : memref<416x32xf32, #tpu.memory_space<vmem>>, vector<1x16xf32>,
        %get3A_1268 = vector.shape_cast %get3A_1267 : vector<1x16xf32> to vector<16xf32>
        %get3A_1269 = arith.constant 23 : i32
        %get3A_1270 = arith.index_cast %get3A_1269 : i32 to index
        %get3A_1271 = arith.constant 16 : index
        %get3A_1272 = tpu.vector_load %arg20[%get3A_1270, %get3A_1271] {strides = array<i32>} : memref<39x32xf32, #tpu.memory_space<vmem>>, vector<1x16xf32>,
        %get3A_1273 = vector.shape_cast %get3A_1272 : vector<1x16xf32> to vector<16xf32>
        %add3A_1274 = arith.addf %get3A_1268, %get3A_1273 : vector<16xf32>
        %mul3A_1275 = arith.constant 39 : i32
        %mul3A_1276 = arith.muli %scan3A_672, %mul3A_1275 : i32
        %add3A_1277 = arith.constant 13 : i32
        %add3A_1278 = arith.addi %mul3A_1276, %add3A_1277 : i32
        %add3A_1279 = arith.constant 10 : i32
        %add3A_1280 = arith.addi %add3A_1278, %add3A_1279 : i32
        %mul3A_1281 = arith.constant 32 : i32
        %mul3A_1282 = arith.muli %add3A_1280, %mul3A_1281 : i32
        %add3A_1283 = arith.constant 16 : i32
        %add3A_1284 = arith.addi %mul3A_1282, %add3A_1283 : i32
        %swap3A_1285 = arith.index_cast %add3A_1284 : i32 to index
        %swap3A_1286 = tpu.vector_load %arg18[%swap3A_1285] {strides = array<i32>} : memref<19968xf32, #tpu.memory_space<vmem>>, vector<16xf32>,
        %swap3A_1287 = vector.shape_cast %swap3A_1286 : vector<16xf32> to vector<16xf32>
        %swap3A_1288 = vector.shape_cast %add3A_1274 : vector<16xf32> to vector<16xf32>
        tpu.vector_store %arg18[%swap3A_1285], %swap3A_1288 {strides = array<i32>} : memref<19968xf32, #tpu.memory_space<vmem>>, vector<16xf32>,
        %mul3A_1289 = arith.constant 26 : i32
        %mul3A_1290 = arith.muli %scan3A_672, %mul3A_1289 : i32
        %add3A_1291 = arith.constant 11 : i32
        %add3A_1292 = arith.addi %mul3A_1290, %add3A_1291 : i32
        %get3A_1293 = arith.index_cast %add3A_1292 : i32 to index
        %get3A_1294 = arith.constant 0 : index
        %get3A_1295 = tpu.vector_load %arg14[%get3A_1293, %get3A_1294] {strides = array<i32>} : memref<416x32xf32, #tpu.memory_space<vmem>>, vector<1x16xf32>,
        %get3A_1296 = vector.shape_cast %get3A_1295 : vector<1x16xf32> to vector<16xf32>
        %get3A_1297 = arith.constant 24 : i32
        %get3A_1298 = arith.index_cast %get3A_1297 : i32 to index
        %get3A_1299 = arith.constant 0 : index
        %get3A_1300 = tpu.vector_load %arg20[%get3A_1298, %get3A_1299] {strides = array<i32>} : memref<39x32xf32, #tpu.memory_space<vmem>>, vector<1x16xf32>,
        %get3A_1301 = vector.shape_cast %get3A_1300 : vector<1x16xf32> to vector<16xf32>
        %add3A_1302 = arith.addf %get3A_1296, %get3A_1301 : vector<16xf32>
        %mul3A_1303 = arith.constant 39 : i32
        %mul3A_1304 = arith.muli %scan3A_672, %mul3A_1303 : i32
        %add3A_1305 = arith.constant 13 : i32
        %add3A_1306 = arith.addi %mul3A_1304, %add3A_1305 : i32
        %add3A_1307 = arith.constant 11 : i32
        %add3A_1308 = arith.addi %add3A_1306, %add3A_1307 : i32
        %mul3A_1309 = arith.constant 32 : i32
        %mul3A_1310 = arith.muli %add3A_1308, %mul3A_1309 : i32
        %add3A_1311 = arith.constant 0 : i32
        %add3A_1312 = arith.addi %mul3A_1310, %add3A_1311 : i32
        %swap3A_1313 = arith.index_cast %add3A_1312 : i32 to index
        %swap3A_1314 = tpu.vector_load %arg18[%swap3A_1313] {strides = array<i32>} : memref<19968xf32, #tpu.memory_space<vmem>>, vector<16xf32>,
        %swap3A_1315 = vector.shape_cast %swap3A_1314 : vector<16xf32> to vector<16xf32>
        %swap3A_1316 = vector.shape_cast %add3A_1302 : vector<16xf32> to vector<16xf32>
        tpu.vector_store %arg18[%swap3A_1313], %swap3A_1316 {strides = array<i32>} : memref<19968xf32, #tpu.memory_space<vmem>>, vector<16xf32>,
        %mul3A_1317 = arith.constant 26 : i32
        %mul3A_1318 = arith.muli %scan3A_672, %mul3A_1317 : i32
        %add3A_1319 = arith.constant 11 : i32
        %add3A_1320 = arith.addi %mul3A_1318, %add3A_1319 : i32
        %get3A_1321 = arith.index_cast %add3A_1320 : i32 to index
        %get3A_1322 = arith.constant 16 : index
        %get3A_1323 = tpu.vector_load %arg14[%get3A_1321, %get3A_1322] {strides = array<i32>} : memref<416x32xf32, #tpu.memory_space<vmem>>, vector<1x16xf32>,
        %get3A_1324 = vector.shape_cast %get3A_1323 : vector<1x16xf32> to vector<16xf32>
        %get3A_1325 = arith.constant 24 : i32
        %get3A_1326 = arith.index_cast %get3A_1325 : i32 to index
        %get3A_1327 = arith.constant 16 : index
        %get3A_1328 = tpu.vector_load %arg20[%get3A_1326, %get3A_1327] {strides = array<i32>} : memref<39x32xf32, #tpu.memory_space<vmem>>, vector<1x16xf32>,
        %get3A_1329 = vector.shape_cast %get3A_1328 : vector<1x16xf32> to vector<16xf32>
        %add3A_1330 = arith.addf %get3A_1324, %get3A_1329 : vector<16xf32>
        %mul3A_1331 = arith.constant 39 : i32
        %mul3A_1332 = arith.muli %scan3A_672, %mul3A_1331 : i32
        %add3A_1333 = arith.constant 13 : i32
        %add3A_1334 = arith.addi %mul3A_1332, %add3A_1333 : i32
        %add3A_1335 = arith.constant 11 : i32
        %add3A_1336 = arith.addi %add3A_1334, %add3A_1335 : i32
        %mul3A_1337 = arith.constant 32 : i32
        %mul3A_1338 = arith.muli %add3A_1336, %mul3A_1337 : i32
        %add3A_1339 = arith.constant 16 : i32
        %add3A_1340 = arith.addi %mul3A_1338, %add3A_1339 : i32
        %swap3A_1341 = arith.index_cast %add3A_1340 : i32 to index
        %swap3A_1342 = tpu.vector_load %arg18[%swap3A_1341] {strides = array<i32>} : memref<19968xf32, #tpu.memory_space<vmem>>, vector<16xf32>,
        %swap3A_1343 = vector.shape_cast %swap3A_1342 : vector<16xf32> to vector<16xf32>
        %swap3A_1344 = vector.shape_cast %add3A_1330 : vector<16xf32> to vector<16xf32>
        tpu.vector_store %arg18[%swap3A_1341], %swap3A_1344 {strides = array<i32>} : memref<19968xf32, #tpu.memory_space<vmem>>, vector<16xf32>,
        %mul3A_1345 = arith.constant 26 : i32
        %mul3A_1346 = arith.muli %scan3A_672, %mul3A_1345 : i32
        %add3A_1347 = arith.constant 12 : i32
        %add3A_1348 = arith.addi %mul3A_1346, %add3A_1347 : i32
        %get3A_1349 = arith.index_cast %add3A_1348 : i32 to index
        %get3A_1350 = arith.constant 0 : index
        %get3A_1351 = tpu.vector_load %arg14[%get3A_1349, %get3A_1350] {strides = array<i32>} : memref<416x32xf32, #tpu.memory_space<vmem>>, vector<1x16xf32>,
        %get3A_1352 = vector.shape_cast %get3A_1351 : vector<1x16xf32> to vector<16xf32>
        %get3A_1353 = arith.constant 25 : i32
        %get3A_1354 = arith.index_cast %get3A_1353 : i32 to index
        %get3A_1355 = arith.constant 0 : index
        %get3A_1356 = tpu.vector_load %arg20[%get3A_1354, %get3A_1355] {strides = array<i32>} : memref<39x32xf32, #tpu.memory_space<vmem>>, vector<1x16xf32>,
        %get3A_1357 = vector.shape_cast %get3A_1356 : vector<1x16xf32> to vector<16xf32>
        %add3A_1358 = arith.addf %get3A_1352, %get3A_1357 : vector<16xf32>
        %mul3A_1359 = arith.constant 39 : i32
        %mul3A_1360 = arith.muli %scan3A_672, %mul3A_1359 : i32
        %add3A_1361 = arith.constant 13 : i32
        %add3A_1362 = arith.addi %mul3A_1360, %add3A_1361 : i32
        %add3A_1363 = arith.constant 12 : i32
        %add3A_1364 = arith.addi %add3A_1362, %add3A_1363 : i32
        %mul3A_1365 = arith.constant 32 : i32
        %mul3A_1366 = arith.muli %add3A_1364, %mul3A_1365 : i32
        %add3A_1367 = arith.constant 0 : i32
        %add3A_1368 = arith.addi %mul3A_1366, %add3A_1367 : i32
        %swap3A_1369 = arith.index_cast %add3A_1368 : i32 to index
        %swap3A_1370 = tpu.vector_load %arg18[%swap3A_1369] {strides = array<i32>} : memref<19968xf32, #tpu.memory_space<vmem>>, vector<16xf32>,
        %swap3A_1371 = vector.shape_cast %swap3A_1370 : vector<16xf32> to vector<16xf32>
        %swap3A_1372 = vector.shape_cast %add3A_1358 : vector<16xf32> to vector<16xf32>
        tpu.vector_store %arg18[%swap3A_1369], %swap3A_1372 {strides = array<i32>} : memref<19968xf32, #tpu.memory_space<vmem>>, vector<16xf32>,
        %mul3A_1373 = arith.constant 26 : i32
        %mul3A_1374 = arith.muli %scan3A_672, %mul3A_1373 : i32
        %add3A_1375 = arith.constant 12 : i32
        %add3A_1376 = arith.addi %mul3A_1374, %add3A_1375 : i32
        %get3A_1377 = arith.index_cast %add3A_1376 : i32 to index
        %get3A_1378 = arith.constant 16 : index
        %get3A_1379 = tpu.vector_load %arg14[%get3A_1377, %get3A_1378] {strides = array<i32>} : memref<416x32xf32, #tpu.memory_space<vmem>>, vector<1x16xf32>,
        %get3A_1380 = vector.shape_cast %get3A_1379 : vector<1x16xf32> to vector<16xf32>
        %get3A_1381 = arith.constant 25 : i32
        %get3A_1382 = arith.index_cast %get3A_1381 : i32 to index
        %get3A_1383 = arith.constant 16 : index
        %get3A_1384 = tpu.vector_load %arg20[%get3A_1382, %get3A_1383] {strides = array<i32>} : memref<39x32xf32, #tpu.memory_space<vmem>>, vector<1x16xf32>,
        %get3A_1385 = vector.shape_cast %get3A_1384 : vector<1x16xf32> to vector<16xf32>
        %add3A_1386 = arith.addf %get3A_1380, %get3A_1385 : vector<16xf32>
        %mul3A_1387 = arith.constant 39 : i32
        %mul3A_1388 = arith.muli %scan3A_672, %mul3A_1387 : i32
        %add3A_1389 = arith.constant 13 : i32
        %add3A_1390 = arith.addi %mul3A_1388, %add3A_1389 : i32
        %add3A_1391 = arith.constant 12 : i32
        %add3A_1392 = arith.addi %add3A_1390, %add3A_1391 : i32
        %mul3A_1393 = arith.constant 32 : i32
        %mul3A_1394 = arith.muli %add3A_1392, %mul3A_1393 : i32
        %add3A_1395 = arith.constant 16 : i32
        %add3A_1396 = arith.addi %mul3A_1394, %add3A_1395 : i32
        %swap3A_1397 = arith.index_cast %add3A_1396 : i32 to index
        %swap3A_1398 = tpu.vector_load %arg18[%swap3A_1397] {strides = array<i32>} : memref<19968xf32, #tpu.memory_space<vmem>>, vector<16xf32>,
        %swap3A_1399 = vector.shape_cast %swap3A_1398 : vector<16xf32> to vector<16xf32>
        %swap3A_1400 = vector.shape_cast %add3A_1386 : vector<16xf32> to vector<16xf32>
        tpu.vector_store %arg18[%swap3A_1397], %swap3A_1400 {strides = array<i32>} : memref<19968xf32, #tpu.memory_space<vmem>>, vector<16xf32>,
        %mul3A_1401 = arith.constant 26 : i32
        %mul3A_1402 = arith.muli %scan3A_672, %mul3A_1401 : i32
        %add3A_1403 = arith.constant 13 : i32
        %add3A_1404 = arith.addi %mul3A_1402, %add3A_1403 : i32
        %get3A_1405 = arith.index_cast %add3A_1404 : i32 to index
        %get3A_1406 = arith.constant 0 : index
        %get3A_1407 = tpu.vector_load %arg14[%get3A_1405, %get3A_1406] {strides = array<i32>} : memref<416x32xf32, #tpu.memory_space<vmem>>, vector<1x16xf32>,
        %get3A_1408 = vector.shape_cast %get3A_1407 : vector<1x16xf32> to vector<16xf32>
        %get3A_1409 = arith.constant 26 : i32
        %get3A_1410 = arith.index_cast %get3A_1409 : i32 to index
        %get3A_1411 = arith.constant 0 : index
        %get3A_1412 = tpu.vector_load %arg20[%get3A_1410, %get3A_1411] {strides = array<i32>} : memref<39x32xf32, #tpu.memory_space<vmem>>, vector<1x16xf32>,
        %get3A_1413 = vector.shape_cast %get3A_1412 : vector<1x16xf32> to vector<16xf32>
        %add3A_1414 = arith.addf %get3A_1408, %get3A_1413 : vector<16xf32>
        %mul3A_1415 = arith.constant 39 : i32
        %mul3A_1416 = arith.muli %scan3A_672, %mul3A_1415 : i32
        %add3A_1417 = arith.constant 13 : i32
        %add3A_1418 = arith.addi %mul3A_1416, %add3A_1417 : i32
        %add3A_1419 = arith.constant 13 : i32
        %add3A_1420 = arith.addi %add3A_1418, %add3A_1419 : i32
        %mul3A_1421 = arith.constant 32 : i32
        %mul3A_1422 = arith.muli %add3A_1420, %mul3A_1421 : i32
        %add3A_1423 = arith.constant 0 : i32
        %add3A_1424 = arith.addi %mul3A_1422, %add3A_1423 : i32
        %swap3A_1425 = arith.index_cast %add3A_1424 : i32 to index
        %swap3A_1426 = tpu.vector_load %arg18[%swap3A_1425] {strides = array<i32>} : memref<19968xf32, #tpu.memory_space<vmem>>, vector<16xf32>,
        %swap3A_1427 = vector.shape_cast %swap3A_1426 : vector<16xf32> to vector<16xf32>
        %swap3A_1428 = vector.shape_cast %add3A_1414 : vector<16xf32> to vector<16xf32>
        tpu.vector_store %arg18[%swap3A_1425], %swap3A_1428 {strides = array<i32>} : memref<19968xf32, #tpu.memory_space<vmem>>, vector<16xf32>,
        %mul3A_1429 = arith.constant 26 : i32
        %mul3A_1430 = arith.muli %scan3A_672, %mul3A_1429 : i32
        %add3A_1431 = arith.constant 13 : i32
        %add3A_1432 = arith.addi %mul3A_1430, %add3A_1431 : i32
        %get3A_1433 = arith.index_cast %add3A_1432 : i32 to index
        %get3A_1434 = arith.constant 16 : index
        %get3A_1435 = tpu.vector_load %arg14[%get3A_1433, %get3A_1434] {strides = array<i32>} : memref<416x32xf32, #tpu.memory_space<vmem>>, vector<1x16xf32>,
        %get3A_1436 = vector.shape_cast %get3A_1435 : vector<1x16xf32> to vector<16xf32>
        %get3A_1437 = arith.constant 26 : i32
        %get3A_1438 = arith.index_cast %get3A_1437 : i32 to index
        %get3A_1439 = arith.constant 16 : index
        %get3A_1440 = tpu.vector_load %arg20[%get3A_1438, %get3A_1439] {strides = array<i32>} : memref<39x32xf32, #tpu.memory_space<vmem>>, vector<1x16xf32>,
        %get3A_1441 = vector.shape_cast %get3A_1440 : vector<1x16xf32> to vector<16xf32>
        %add3A_1442 = arith.addf %get3A_1436, %get3A_1441 : vector<16xf32>
        %mul3A_1443 = arith.constant 39 : i32
        %mul3A_1444 = arith.muli %scan3A_672, %mul3A_1443 : i32
        %add3A_1445 = arith.constant 13 : i32
        %add3A_1446 = arith.addi %mul3A_1444, %add3A_1445 : i32
        %add3A_1447 = arith.constant 13 : i32
        %add3A_1448 = arith.addi %add3A_1446, %add3A_1447 : i32
        %mul3A_1449 = arith.constant 32 : i32
        %mul3A_1450 = arith.muli %add3A_1448, %mul3A_1449 : i32
        %add3A_1451 = arith.constant 16 : i32
        %add3A_1452 = arith.addi %mul3A_1450, %add3A_1451 : i32
        %swap3A_1453 = arith.index_cast %add3A_1452 : i32 to index
        %swap3A_1454 = tpu.vector_load %arg18[%swap3A_1453] {strides = array<i32>} : memref<19968xf32, #tpu.memory_space<vmem>>, vector<16xf32>,
        %swap3A_1455 = vector.shape_cast %swap3A_1454 : vector<16xf32> to vector<16xf32>
        %swap3A_1456 = vector.shape_cast %add3A_1442 : vector<16xf32> to vector<16xf32>
        tpu.vector_store %arg18[%swap3A_1453], %swap3A_1456 {strides = array<i32>} : memref<19968xf32, #tpu.memory_space<vmem>>, vector<16xf32>,
        %mul3A_1457 = arith.constant 26 : i32
        %mul3A_1458 = arith.muli %scan3A_672, %mul3A_1457 : i32
        %add3A_1459 = arith.constant 14 : i32
        %add3A_1460 = arith.addi %mul3A_1458, %add3A_1459 : i32
        %get3A_1461 = arith.index_cast %add3A_1460 : i32 to index
        %get3A_1462 = arith.constant 0 : index
        %get3A_1463 = tpu.vector_load %arg14[%get3A_1461, %get3A_1462] {strides = array<i32>} : memref<416x32xf32, #tpu.memory_space<vmem>>, vector<1x16xf32>,
        %get3A_1464 = vector.shape_cast %get3A_1463 : vector<1x16xf32> to vector<16xf32>
        %get3A_1465 = arith.constant 27 : i32
        %get3A_1466 = arith.index_cast %get3A_1465 : i32 to index
        %get3A_1467 = arith.constant 0 : index
        %get3A_1468 = tpu.vector_load %arg20[%get3A_1466, %get3A_1467] {strides = array<i32>} : memref<39x32xf32, #tpu.memory_space<vmem>>, vector<1x16xf32>,
        %get3A_1469 = vector.shape_cast %get3A_1468 : vector<1x16xf32> to vector<16xf32>
        %add3A_1470 = arith.addf %get3A_1464, %get3A_1469 : vector<16xf32>
        %mul3A_1471 = arith.constant 39 : i32
        %mul3A_1472 = arith.muli %scan3A_672, %mul3A_1471 : i32
        %add3A_1473 = arith.constant 13 : i32
        %add3A_1474 = arith.addi %mul3A_1472, %add3A_1473 : i32
        %add3A_1475 = arith.constant 14 : i32
        %add3A_1476 = arith.addi %add3A_1474, %add3A_1475 : i32
        %mul3A_1477 = arith.constant 32 : i32
        %mul3A_1478 = arith.muli %add3A_1476, %mul3A_1477 : i32
        %add3A_1479 = arith.constant 0 : i32
        %add3A_1480 = arith.addi %mul3A_1478, %add3A_1479 : i32
        %swap3A_1481 = arith.index_cast %add3A_1480 : i32 to index
        %swap3A_1482 = tpu.vector_load %arg18[%swap3A_1481] {strides = array<i32>} : memref<19968xf32, #tpu.memory_space<vmem>>, vector<16xf32>,
        %swap3A_1483 = vector.shape_cast %swap3A_1482 : vector<16xf32> to vector<16xf32>
        %swap3A_1484 = vector.shape_cast %add3A_1470 : vector<16xf32> to vector<16xf32>
        tpu.vector_store %arg18[%swap3A_1481], %swap3A_1484 {strides = array<i32>} : memref<19968xf32, #tpu.memory_space<vmem>>, vector<16xf32>,
        %mul3A_1485 = arith.constant 26 : i32
        %mul3A_1486 = arith.muli %scan3A_672, %mul3A_1485 : i32
        %add3A_1487 = arith.constant 14 : i32
        %add3A_1488 = arith.addi %mul3A_1486, %add3A_1487 : i32
        %get3A_1489 = arith.index_cast %add3A_1488 : i32 to index
        %get3A_1490 = arith.constant 16 : index
        %get3A_1491 = tpu.vector_load %arg14[%get3A_1489, %get3A_1490] {strides = array<i32>} : memref<416x32xf32, #tpu.memory_space<vmem>>, vector<1x16xf32>,
        %get3A_1492 = vector.shape_cast %get3A_1491 : vector<1x16xf32> to vector<16xf32>
        %get3A_1493 = arith.constant 27 : i32
        %get3A_1494 = arith.index_cast %get3A_1493 : i32 to index
        %get3A_1495 = arith.constant 16 : index
        %get3A_1496 = tpu.vector_load %arg20[%get3A_1494, %get3A_1495] {strides = array<i32>} : memref<39x32xf32, #tpu.memory_space<vmem>>, vector<1x16xf32>,
        %get3A_1497 = vector.shape_cast %get3A_1496 : vector<1x16xf32> to vector<16xf32>
        %add3A_1498 = arith.addf %get3A_1492, %get3A_1497 : vector<16xf32>
        %mul3A_1499 = arith.constant 39 : i32
        %mul3A_1500 = arith.muli %scan3A_672, %mul3A_1499 : i32
        %add3A_1501 = arith.constant 13 : i32
        %add3A_1502 = arith.addi %mul3A_1500, %add3A_1501 : i32
        %add3A_1503 = arith.constant 14 : i32
        %add3A_1504 = arith.addi %add3A_1502, %add3A_1503 : i32
        %mul3A_1505 = arith.constant 32 : i32
        %mul3A_1506 = arith.muli %add3A_1504, %mul3A_1505 : i32
        %add3A_1507 = arith.constant 16 : i32
        %add3A_1508 = arith.addi %mul3A_1506, %add3A_1507 : i32
        %swap3A_1509 = arith.index_cast %add3A_1508 : i32 to index
        %swap3A_1510 = tpu.vector_load %arg18[%swap3A_1509] {strides = array<i32>} : memref<19968xf32, #tpu.memory_space<vmem>>, vector<16xf32>,
        %swap3A_1511 = vector.shape_cast %swap3A_1510 : vector<16xf32> to vector<16xf32>
        %swap3A_1512 = vector.shape_cast %add3A_1498 : vector<16xf32> to vector<16xf32>
        tpu.vector_store %arg18[%swap3A_1509], %swap3A_1512 {strides = array<i32>} : memref<19968xf32, #tpu.memory_space<vmem>>, vector<16xf32>,
        %mul3A_1513 = arith.constant 26 : i32
        %mul3A_1514 = arith.muli %scan3A_672, %mul3A_1513 : i32
        %add3A_1515 = arith.constant 15 : i32
        %add3A_1516 = arith.addi %mul3A_1514, %add3A_1515 : i32
        %get3A_1517 = arith.index_cast %add3A_1516 : i32 to index
        %get3A_1518 = arith.constant 0 : index
        %get3A_1519 = tpu.vector_load %arg14[%get3A_1517, %get3A_1518] {strides = array<i32>} : memref<416x32xf32, #tpu.memory_space<vmem>>, vector<1x16xf32>,
        %get3A_1520 = vector.shape_cast %get3A_1519 : vector<1x16xf32> to vector<16xf32>
        %get3A_1521 = arith.constant 28 : i32
        %get3A_1522 = arith.index_cast %get3A_1521 : i32 to index
        %get3A_1523 = arith.constant 0 : index
        %get3A_1524 = tpu.vector_load %arg20[%get3A_1522, %get3A_1523] {strides = array<i32>} : memref<39x32xf32, #tpu.memory_space<vmem>>, vector<1x16xf32>,
        %get3A_1525 = vector.shape_cast %get3A_1524 : vector<1x16xf32> to vector<16xf32>
        %add3A_1526 = arith.addf %get3A_1520, %get3A_1525 : vector<16xf32>
        %mul3A_1527 = arith.constant 39 : i32
        %mul3A_1528 = arith.muli %scan3A_672, %mul3A_1527 : i32
        %add3A_1529 = arith.constant 13 : i32
        %add3A_1530 = arith.addi %mul3A_1528, %add3A_1529 : i32
        %add3A_1531 = arith.constant 15 : i32
        %add3A_1532 = arith.addi %add3A_1530, %add3A_1531 : i32
        %mul3A_1533 = arith.constant 32 : i32
        %mul3A_1534 = arith.muli %add3A_1532, %mul3A_1533 : i32
        %add3A_1535 = arith.constant 0 : i32
        %add3A_1536 = arith.addi %mul3A_1534, %add3A_1535 : i32
        %swap3A_1537 = arith.index_cast %add3A_1536 : i32 to index
        %swap3A_1538 = tpu.vector_load %arg18[%swap3A_1537] {strides = array<i32>} : memref<19968xf32, #tpu.memory_space<vmem>>, vector<16xf32>,
        %swap3A_1539 = vector.shape_cast %swap3A_1538 : vector<16xf32> to vector<16xf32>
        %swap3A_1540 = vector.shape_cast %add3A_1526 : vector<16xf32> to vector<16xf32>
        tpu.vector_store %arg18[%swap3A_1537], %swap3A_1540 {strides = array<i32>} : memref<19968xf32, #tpu.memory_space<vmem>>, vector<16xf32>,
        %mul3A_1541 = arith.constant 26 : i32
        %mul3A_1542 = arith.muli %scan3A_672, %mul3A_1541 : i32
        %add3A_1543 = arith.constant 15 : i32
        %add3A_1544 = arith.addi %mul3A_1542, %add3A_1543 : i32
        %get3A_1545 = arith.index_cast %add3A_1544 : i32 to index
        %get3A_1546 = arith.constant 16 : index
        %get3A_1547 = tpu.vector_load %arg14[%get3A_1545, %get3A_1546] {strides = array<i32>} : memref<416x32xf32, #tpu.memory_space<vmem>>, vector<1x16xf32>,
        %get3A_1548 = vector.shape_cast %get3A_1547 : vector<1x16xf32> to vector<16xf32>
        %get3A_1549 = arith.constant 28 : i32
        %get3A_1550 = arith.index_cast %get3A_1549 : i32 to index
        %get3A_1551 = arith.constant 16 : index
        %get3A_1552 = tpu.vector_load %arg20[%get3A_1550, %get3A_1551] {strides = array<i32>} : memref<39x32xf32, #tpu.memory_space<vmem>>, vector<1x16xf32>,
        %get3A_1553 = vector.shape_cast %get3A_1552 : vector<1x16xf32> to vector<16xf32>
        %add3A_1554 = arith.addf %get3A_1548, %get3A_1553 : vector<16xf32>
        %mul3A_1555 = arith.constant 39 : i32
        %mul3A_1556 = arith.muli %scan3A_672, %mul3A_1555 : i32
        %add3A_1557 = arith.constant 13 : i32
        %add3A_1558 = arith.addi %mul3A_1556, %add3A_1557 : i32
        %add3A_1559 = arith.constant 15 : i32
        %add3A_1560 = arith.addi %add3A_1558, %add3A_1559 : i32
        %mul3A_1561 = arith.constant 32 : i32
        %mul3A_1562 = arith.muli %add3A_1560, %mul3A_1561 : i32
        %add3A_1563 = arith.constant 16 : i32
        %add3A_1564 = arith.addi %mul3A_1562, %add3A_1563 : i32
        %swap3A_1565 = arith.index_cast %add3A_1564 : i32 to index
        %swap3A_1566 = tpu.vector_load %arg18[%swap3A_1565] {strides = array<i32>} : memref<19968xf32, #tpu.memory_space<vmem>>, vector<16xf32>,
        %swap3A_1567 = vector.shape_cast %swap3A_1566 : vector<16xf32> to vector<16xf32>
        %swap3A_1568 = vector.shape_cast %add3A_1554 : vector<16xf32> to vector<16xf32>
        tpu.vector_store %arg18[%swap3A_1565], %swap3A_1568 {strides = array<i32>} : memref<19968xf32, #tpu.memory_space<vmem>>, vector<16xf32>,
        %mul3A_1569 = arith.constant 26 : i32
        %mul3A_1570 = arith.muli %scan3A_672, %mul3A_1569 : i32
        %add3A_1571 = arith.constant 16 : i32
        %add3A_1572 = arith.addi %mul3A_1570, %add3A_1571 : i32
        %get3A_1573 = arith.index_cast %add3A_1572 : i32 to index
        %get3A_1574 = arith.constant 0 : index
        %get3A_1575 = tpu.vector_load %arg14[%get3A_1573, %get3A_1574] {strides = array<i32>} : memref<416x32xf32, #tpu.memory_space<vmem>>, vector<1x16xf32>,
        %get3A_1576 = vector.shape_cast %get3A_1575 : vector<1x16xf32> to vector<16xf32>
        %get3A_1577 = arith.constant 29 : i32
        %get3A_1578 = arith.index_cast %get3A_1577 : i32 to index
        %get3A_1579 = arith.constant 0 : index
        %get3A_1580 = tpu.vector_load %arg20[%get3A_1578, %get3A_1579] {strides = array<i32>} : memref<39x32xf32, #tpu.memory_space<vmem>>, vector<1x16xf32>,
        %get3A_1581 = vector.shape_cast %get3A_1580 : vector<1x16xf32> to vector<16xf32>
        %add3A_1582 = arith.addf %get3A_1576, %get3A_1581 : vector<16xf32>
        %mul3A_1583 = arith.constant 39 : i32
        %mul3A_1584 = arith.muli %scan3A_672, %mul3A_1583 : i32
        %add3A_1585 = arith.constant 13 : i32
        %add3A_1586 = arith.addi %mul3A_1584, %add3A_1585 : i32
        %add3A_1587 = arith.constant 16 : i32
        %add3A_1588 = arith.addi %add3A_1586, %add3A_1587 : i32
        %mul3A_1589 = arith.constant 32 : i32
        %mul3A_1590 = arith.muli %add3A_1588, %mul3A_1589 : i32
        %add3A_1591 = arith.constant 0 : i32
        %add3A_1592 = arith.addi %mul3A_1590, %add3A_1591 : i32
        %swap3A_1593 = arith.index_cast %add3A_1592 : i32 to index
        %swap3A_1594 = tpu.vector_load %arg18[%swap3A_1593] {strides = array<i32>} : memref<19968xf32, #tpu.memory_space<vmem>>, vector<16xf32>,
        %swap3A_1595 = vector.shape_cast %swap3A_1594 : vector<16xf32> to vector<16xf32>
        %swap3A_1596 = vector.shape_cast %add3A_1582 : vector<16xf32> to vector<16xf32>
        tpu.vector_store %arg18[%swap3A_1593], %swap3A_1596 {strides = array<i32>} : memref<19968xf32, #tpu.memory_space<vmem>>, vector<16xf32>,
        %mul3A_1597 = arith.constant 26 : i32
        %mul3A_1598 = arith.muli %scan3A_672, %mul3A_1597 : i32
        %add3A_1599 = arith.constant 16 : i32
        %add3A_1600 = arith.addi %mul3A_1598, %add3A_1599 : i32
        %get3A_1601 = arith.index_cast %add3A_1600 : i32 to index
        %get3A_1602 = arith.constant 16 : index
        %get3A_1603 = tpu.vector_load %arg14[%get3A_1601, %get3A_1602] {strides = array<i32>} : memref<416x32xf32, #tpu.memory_space<vmem>>, vector<1x16xf32>,
        %get3A_1604 = vector.shape_cast %get3A_1603 : vector<1x16xf32> to vector<16xf32>
        %get3A_1605 = arith.constant 29 : i32
        %get3A_1606 = arith.index_cast %get3A_1605 : i32 to index
        %get3A_1607 = arith.constant 16 : index
        %get3A_1608 = tpu.vector_load %arg20[%get3A_1606, %get3A_1607] {strides = array<i32>} : memref<39x32xf32, #tpu.memory_space<vmem>>, vector<1x16xf32>,
        %get3A_1609 = vector.shape_cast %get3A_1608 : vector<1x16xf32> to vector<16xf32>
        %add3A_1610 = arith.addf %get3A_1604, %get3A_1609 : vector<16xf32>
        %mul3A_1611 = arith.constant 39 : i32
        %mul3A_1612 = arith.muli %scan3A_672, %mul3A_1611 : i32
        %add3A_1613 = arith.constant 13 : i32
        %add3A_1614 = arith.addi %mul3A_1612, %add3A_1613 : i32
        %add3A_1615 = arith.constant 16 : i32
        %add3A_1616 = arith.addi %add3A_1614, %add3A_1615 : i32
        %mul3A_1617 = arith.constant 32 : i32
        %mul3A_1618 = arith.muli %add3A_1616, %mul3A_1617 : i32
        %add3A_1619 = arith.constant 16 : i32
        %add3A_1620 = arith.addi %mul3A_1618, %add3A_1619 : i32
        %swap3A_1621 = arith.index_cast %add3A_1620 : i32 to index
        %swap3A_1622 = tpu.vector_load %arg18[%swap3A_1621] {strides = array<i32>} : memref<19968xf32, #tpu.memory_space<vmem>>, vector<16xf32>,
        %swap3A_1623 = vector.shape_cast %swap3A_1622 : vector<16xf32> to vector<16xf32>
        %swap3A_1624 = vector.shape_cast %add3A_1610 : vector<16xf32> to vector<16xf32>
        tpu.vector_store %arg18[%swap3A_1621], %swap3A_1624 {strides = array<i32>} : memref<19968xf32, #tpu.memory_space<vmem>>, vector<16xf32>,
        %mul3A_1625 = arith.constant 26 : i32
        %mul3A_1626 = arith.muli %scan3A_672, %mul3A_1625 : i32
        %add3A_1627 = arith.constant 17 : i32
        %add3A_1628 = arith.addi %mul3A_1626, %add3A_1627 : i32
        %get3A_1629 = arith.index_cast %add3A_1628 : i32 to index
        %get3A_1630 = arith.constant 0 : index
        %get3A_1631 = tpu.vector_load %arg14[%get3A_1629, %get3A_1630] {strides = array<i32>} : memref<416x32xf32, #tpu.memory_space<vmem>>, vector<1x16xf32>,
        %get3A_1632 = vector.shape_cast %get3A_1631 : vector<1x16xf32> to vector<16xf32>
        %get3A_1633 = arith.constant 30 : i32
        %get3A_1634 = arith.index_cast %get3A_1633 : i32 to index
        %get3A_1635 = arith.constant 0 : index
        %get3A_1636 = tpu.vector_load %arg20[%get3A_1634, %get3A_1635] {strides = array<i32>} : memref<39x32xf32, #tpu.memory_space<vmem>>, vector<1x16xf32>,
        %get3A_1637 = vector.shape_cast %get3A_1636 : vector<1x16xf32> to vector<16xf32>
        %add3A_1638 = arith.addf %get3A_1632, %get3A_1637 : vector<16xf32>
        %mul3A_1639 = arith.constant 39 : i32
        %mul3A_1640 = arith.muli %scan3A_672, %mul3A_1639 : i32
        %add3A_1641 = arith.constant 13 : i32
        %add3A_1642 = arith.addi %mul3A_1640, %add3A_1641 : i32
        %add3A_1643 = arith.constant 17 : i32
        %add3A_1644 = arith.addi %add3A_1642, %add3A_1643 : i32
        %mul3A_1645 = arith.constant 32 : i32
        %mul3A_1646 = arith.muli %add3A_1644, %mul3A_1645 : i32
        %add3A_1647 = arith.constant 0 : i32
        %add3A_1648 = arith.addi %mul3A_1646, %add3A_1647 : i32
        %swap3A_1649 = arith.index_cast %add3A_1648 : i32 to index
        %swap3A_1650 = tpu.vector_load %arg18[%swap3A_1649] {strides = array<i32>} : memref<19968xf32, #tpu.memory_space<vmem>>, vector<16xf32>,
        %swap3A_1651 = vector.shape_cast %swap3A_1650 : vector<16xf32> to vector<16xf32>
        %swap3A_1652 = vector.shape_cast %add3A_1638 : vector<16xf32> to vector<16xf32>
        tpu.vector_store %arg18[%swap3A_1649], %swap3A_1652 {strides = array<i32>} : memref<19968xf32, #tpu.memory_space<vmem>>, vector<16xf32>,
        %mul3A_1653 = arith.constant 26 : i32
        %mul3A_1654 = arith.muli %scan3A_672, %mul3A_1653 : i32
        %add3A_1655 = arith.constant 17 : i32
        %add3A_1656 = arith.addi %mul3A_1654, %add3A_1655 : i32
        %get3A_1657 = arith.index_cast %add3A_1656 : i32 to index
        %get3A_1658 = arith.constant 16 : index
        %get3A_1659 = tpu.vector_load %arg14[%get3A_1657, %get3A_1658] {strides = array<i32>} : memref<416x32xf32, #tpu.memory_space<vmem>>, vector<1x16xf32>,
        %get3A_1660 = vector.shape_cast %get3A_1659 : vector<1x16xf32> to vector<16xf32>
        %get3A_1661 = arith.constant 30 : i32
        %get3A_1662 = arith.index_cast %get3A_1661 : i32 to index
        %get3A_1663 = arith.constant 16 : index
        %get3A_1664 = tpu.vector_load %arg20[%get3A_1662, %get3A_1663] {strides = array<i32>} : memref<39x32xf32, #tpu.memory_space<vmem>>, vector<1x16xf32>,
        %get3A_1665 = vector.shape_cast %get3A_1664 : vector<1x16xf32> to vector<16xf32>
        %add3A_1666 = arith.addf %get3A_1660, %get3A_1665 : vector<16xf32>
        %mul3A_1667 = arith.constant 39 : i32
        %mul3A_1668 = arith.muli %scan3A_672, %mul3A_1667 : i32
        %add3A_1669 = arith.constant 13 : i32
        %add3A_1670 = arith.addi %mul3A_1668, %add3A_1669 : i32
        %add3A_1671 = arith.constant 17 : i32
        %add3A_1672 = arith.addi %add3A_1670, %add3A_1671 : i32
        %mul3A_1673 = arith.constant 32 : i32
        %mul3A_1674 = arith.muli %add3A_1672, %mul3A_1673 : i32
        %add3A_1675 = arith.constant 16 : i32
        %add3A_1676 = arith.addi %mul3A_1674, %add3A_1675 : i32
        %swap3A_1677 = arith.index_cast %add3A_1676 : i32 to index
        %swap3A_1678 = tpu.vector_load %arg18[%swap3A_1677] {strides = array<i32>} : memref<19968xf32, #tpu.memory_space<vmem>>, vector<16xf32>,
        %swap3A_1679 = vector.shape_cast %swap3A_1678 : vector<16xf32> to vector<16xf32>
        %swap3A_1680 = vector.shape_cast %add3A_1666 : vector<16xf32> to vector<16xf32>
        tpu.vector_store %arg18[%swap3A_1677], %swap3A_1680 {strides = array<i32>} : memref<19968xf32, #tpu.memory_space<vmem>>, vector<16xf32>,
        %mul3A_1681 = arith.constant 26 : i32
        %mul3A_1682 = arith.muli %scan3A_672, %mul3A_1681 : i32
        %add3A_1683 = arith.constant 18 : i32
        %add3A_1684 = arith.addi %mul3A_1682, %add3A_1683 : i32
        %get3A_1685 = arith.index_cast %add3A_1684 : i32 to index
        %get3A_1686 = arith.constant 0 : index
        %get3A_1687 = tpu.vector_load %arg14[%get3A_1685, %get3A_1686] {strides = array<i32>} : memref<416x32xf32, #tpu.memory_space<vmem>>, vector<1x16xf32>,
        %get3A_1688 = vector.shape_cast %get3A_1687 : vector<1x16xf32> to vector<16xf32>
        %get3A_1689 = arith.constant 31 : i32
        %get3A_1690 = arith.index_cast %get3A_1689 : i32 to index
        %get3A_1691 = arith.constant 0 : index
        %get3A_1692 = tpu.vector_load %arg20[%get3A_1690, %get3A_1691] {strides = array<i32>} : memref<39x32xf32, #tpu.memory_space<vmem>>, vector<1x16xf32>,
        %get3A_1693 = vector.shape_cast %get3A_1692 : vector<1x16xf32> to vector<16xf32>
        %add3A_1694 = arith.addf %get3A_1688, %get3A_1693 : vector<16xf32>
        %mul3A_1695 = arith.constant 39 : i32
        %mul3A_1696 = arith.muli %scan3A_672, %mul3A_1695 : i32
        %add3A_1697 = arith.constant 13 : i32
        %add3A_1698 = arith.addi %mul3A_1696, %add3A_1697 : i32
        %add3A_1699 = arith.constant 18 : i32
        %add3A_1700 = arith.addi %add3A_1698, %add3A_1699 : i32
        %mul3A_1701 = arith.constant 32 : i32
        %mul3A_1702 = arith.muli %add3A_1700, %mul3A_1701 : i32
        %add3A_1703 = arith.constant 0 : i32
        %add3A_1704 = arith.addi %mul3A_1702, %add3A_1703 : i32
        %swap3A_1705 = arith.index_cast %add3A_1704 : i32 to index
        %swap3A_1706 = tpu.vector_load %arg18[%swap3A_1705] {strides = array<i32>} : memref<19968xf32, #tpu.memory_space<vmem>>, vector<16xf32>,
        %swap3A_1707 = vector.shape_cast %swap3A_1706 : vector<16xf32> to vector<16xf32>
        %swap3A_1708 = vector.shape_cast %add3A_1694 : vector<16xf32> to vector<16xf32>
        tpu.vector_store %arg18[%swap3A_1705], %swap3A_1708 {strides = array<i32>} : memref<19968xf32, #tpu.memory_space<vmem>>, vector<16xf32>,
        %mul3A_1709 = arith.constant 26 : i32
        %mul3A_1710 = arith.muli %scan3A_672, %mul3A_1709 : i32
        %add3A_1711 = arith.constant 18 : i32
        %add3A_1712 = arith.addi %mul3A_1710, %add3A_1711 : i32
        %get3A_1713 = arith.index_cast %add3A_1712 : i32 to index
        %get3A_1714 = arith.constant 16 : index
        %get3A_1715 = tpu.vector_load %arg14[%get3A_1713, %get3A_1714] {strides = array<i32>} : memref<416x32xf32, #tpu.memory_space<vmem>>, vector<1x16xf32>,
        %get3A_1716 = vector.shape_cast %get3A_1715 : vector<1x16xf32> to vector<16xf32>
        %get3A_1717 = arith.constant 31 : i32
        %get3A_1718 = arith.index_cast %get3A_1717 : i32 to index
        %get3A_1719 = arith.constant 16 : index
        %get3A_1720 = tpu.vector_load %arg20[%get3A_1718, %get3A_1719] {strides = array<i32>} : memref<39x32xf32, #tpu.memory_space<vmem>>, vector<1x16xf32>,
        %get3A_1721 = vector.shape_cast %get3A_1720 : vector<1x16xf32> to vector<16xf32>
        %add3A_1722 = arith.addf %get3A_1716, %get3A_1721 : vector<16xf32>
        %mul3A_1723 = arith.constant 39 : i32
        %mul3A_1724 = arith.muli %scan3A_672, %mul3A_1723 : i32
        %add3A_1725 = arith.constant 13 : i32
        %add3A_1726 = arith.addi %mul3A_1724, %add3A_1725 : i32
        %add3A_1727 = arith.constant 18 : i32
        %add3A_1728 = arith.addi %add3A_1726, %add3A_1727 : i32
        %mul3A_1729 = arith.constant 32 : i32
        %mul3A_1730 = arith.muli %add3A_1728, %mul3A_1729 : i32
        %add3A_1731 = arith.constant 16 : i32
        %add3A_1732 = arith.addi %mul3A_1730, %add3A_1731 : i32
        %swap3A_1733 = arith.index_cast %add3A_1732 : i32 to index
        %swap3A_1734 = tpu.vector_load %arg18[%swap3A_1733] {strides = array<i32>} : memref<19968xf32, #tpu.memory_space<vmem>>, vector<16xf32>,
        %swap3A_1735 = vector.shape_cast %swap3A_1734 : vector<16xf32> to vector<16xf32>
        %swap3A_1736 = vector.shape_cast %add3A_1722 : vector<16xf32> to vector<16xf32>
        tpu.vector_store %arg18[%swap3A_1733], %swap3A_1736 {strides = array<i32>} : memref<19968xf32, #tpu.memory_space<vmem>>, vector<16xf32>,
        %mul3A_1737 = arith.constant 26 : i32
        %mul3A_1738 = arith.muli %scan3A_672, %mul3A_1737 : i32
        %add3A_1739 = arith.constant 19 : i32
        %add3A_1740 = arith.addi %mul3A_1738, %add3A_1739 : i32
        %get3A_1741 = arith.index_cast %add3A_1740 : i32 to index
        %get3A_1742 = arith.constant 0 : index
        %get3A_1743 = tpu.vector_load %arg14[%get3A_1741, %get3A_1742] {strides = array<i32>} : memref<416x32xf32, #tpu.memory_space<vmem>>, vector<1x16xf32>,
        %get3A_1744 = vector.shape_cast %get3A_1743 : vector<1x16xf32> to vector<16xf32>
        %get3A_1745 = arith.constant 32 : i32
        %get3A_1746 = arith.index_cast %get3A_1745 : i32 to index
        %get3A_1747 = arith.constant 0 : index
        %get3A_1748 = tpu.vector_load %arg20[%get3A_1746, %get3A_1747] {strides = array<i32>} : memref<39x32xf32, #tpu.memory_space<vmem>>, vector<1x16xf32>,
        %get3A_1749 = vector.shape_cast %get3A_1748 : vector<1x16xf32> to vector<16xf32>
        %add3A_1750 = arith.addf %get3A_1744, %get3A_1749 : vector<16xf32>
        %mul3A_1751 = arith.constant 39 : i32
        %mul3A_1752 = arith.muli %scan3A_672, %mul3A_1751 : i32
        %add3A_1753 = arith.constant 13 : i32
        %add3A_1754 = arith.addi %mul3A_1752, %add3A_1753 : i32
        %add3A_1755 = arith.constant 19 : i32
        %add3A_1756 = arith.addi %add3A_1754, %add3A_1755 : i32
        %mul3A_1757 = arith.constant 32 : i32
        %mul3A_1758 = arith.muli %add3A_1756, %mul3A_1757 : i32
        %add3A_1759 = arith.constant 0 : i32
        %add3A_1760 = arith.addi %mul3A_1758, %add3A_1759 : i32
        %swap3A_1761 = arith.index_cast %add3A_1760 : i32 to index
        %swap3A_1762 = tpu.vector_load %arg18[%swap3A_1761] {strides = array<i32>} : memref<19968xf32, #tpu.memory_space<vmem>>, vector<16xf32>,
        %swap3A_1763 = vector.shape_cast %swap3A_1762 : vector<16xf32> to vector<16xf32>
        %swap3A_1764 = vector.shape_cast %add3A_1750 : vector<16xf32> to vector<16xf32>
        tpu.vector_store %arg18[%swap3A_1761], %swap3A_1764 {strides = array<i32>} : memref<19968xf32, #tpu.memory_space<vmem>>, vector<16xf32>,
        %mul3A_1765 = arith.constant 26 : i32
        %mul3A_1766 = arith.muli %scan3A_672, %mul3A_1765 : i32
        %add3A_1767 = arith.constant 19 : i32
        %add3A_1768 = arith.addi %mul3A_1766, %add3A_1767 : i32
        %get3A_1769 = arith.index_cast %add3A_1768 : i32 to index
        %get3A_1770 = arith.constant 16 : index
        %get3A_1771 = tpu.vector_load %arg14[%get3A_1769, %get3A_1770] {strides = array<i32>} : memref<416x32xf32, #tpu.memory_space<vmem>>, vector<1x16xf32>,
        %get3A_1772 = vector.shape_cast %get3A_1771 : vector<1x16xf32> to vector<16xf32>
        %get3A_1773 = arith.constant 32 : i32
        %get3A_1774 = arith.index_cast %get3A_1773 : i32 to index
        %get3A_1775 = arith.constant 16 : index
        %get3A_1776 = tpu.vector_load %arg20[%get3A_1774, %get3A_1775] {strides = array<i32>} : memref<39x32xf32, #tpu.memory_space<vmem>>, vector<1x16xf32>,
        %get3A_1777 = vector.shape_cast %get3A_1776 : vector<1x16xf32> to vector<16xf32>
        %add3A_1778 = arith.addf %get3A_1772, %get3A_1777 : vector<16xf32>
        %mul3A_1779 = arith.constant 39 : i32
        %mul3A_1780 = arith.muli %scan3A_672, %mul3A_1779 : i32
        %add3A_1781 = arith.constant 13 : i32
        %add3A_1782 = arith.addi %mul3A_1780, %add3A_1781 : i32
        %add3A_1783 = arith.constant 19 : i32
        %add3A_1784 = arith.addi %add3A_1782, %add3A_1783 : i32
        %mul3A_1785 = arith.constant 32 : i32
        %mul3A_1786 = arith.muli %add3A_1784, %mul3A_1785 : i32
        %add3A_1787 = arith.constant 16 : i32
        %add3A_1788 = arith.addi %mul3A_1786, %add3A_1787 : i32
        %swap3A_1789 = arith.index_cast %add3A_1788 : i32 to index
        %swap3A_1790 = tpu.vector_load %arg18[%swap3A_1789] {strides = array<i32>} : memref<19968xf32, #tpu.memory_space<vmem>>, vector<16xf32>,
        %swap3A_1791 = vector.shape_cast %swap3A_1790 : vector<16xf32> to vector<16xf32>
        %swap3A_1792 = vector.shape_cast %add3A_1778 : vector<16xf32> to vector<16xf32>
        tpu.vector_store %arg18[%swap3A_1789], %swap3A_1792 {strides = array<i32>} : memref<19968xf32, #tpu.memory_space<vmem>>, vector<16xf32>,
        %mul3A_1793 = arith.constant 26 : i32
        %mul3A_1794 = arith.muli %scan3A_672, %mul3A_1793 : i32
        %add3A_1795 = arith.constant 20 : i32
        %add3A_1796 = arith.addi %mul3A_1794, %add3A_1795 : i32
        %get3A_1797 = arith.index_cast %add3A_1796 : i32 to index
        %get3A_1798 = arith.constant 0 : index
        %get3A_1799 = tpu.vector_load %arg14[%get3A_1797, %get3A_1798] {strides = array<i32>} : memref<416x32xf32, #tpu.memory_space<vmem>>, vector<1x16xf32>,
        %get3A_1800 = vector.shape_cast %get3A_1799 : vector<1x16xf32> to vector<16xf32>
        %get3A_1801 = arith.constant 33 : i32
        %get3A_1802 = arith.index_cast %get3A_1801 : i32 to index
        %get3A_1803 = arith.constant 0 : index
        %get3A_1804 = tpu.vector_load %arg20[%get3A_1802, %get3A_1803] {strides = array<i32>} : memref<39x32xf32, #tpu.memory_space<vmem>>, vector<1x16xf32>,
        %get3A_1805 = vector.shape_cast %get3A_1804 : vector<1x16xf32> to vector<16xf32>
        %add3A_1806 = arith.addf %get3A_1800, %get3A_1805 : vector<16xf32>
        %mul3A_1807 = arith.constant 39 : i32
        %mul3A_1808 = arith.muli %scan3A_672, %mul3A_1807 : i32
        %add3A_1809 = arith.constant 13 : i32
        %add3A_1810 = arith.addi %mul3A_1808, %add3A_1809 : i32
        %add3A_1811 = arith.constant 20 : i32
        %add3A_1812 = arith.addi %add3A_1810, %add3A_1811 : i32
        %mul3A_1813 = arith.constant 32 : i32
        %mul3A_1814 = arith.muli %add3A_1812, %mul3A_1813 : i32
        %add3A_1815 = arith.constant 0 : i32
        %add3A_1816 = arith.addi %mul3A_1814, %add3A_1815 : i32
        %swap3A_1817 = arith.index_cast %add3A_1816 : i32 to index
        %swap3A_1818 = tpu.vector_load %arg18[%swap3A_1817] {strides = array<i32>} : memref<19968xf32, #tpu.memory_space<vmem>>, vector<16xf32>,
        %swap3A_1819 = vector.shape_cast %swap3A_1818 : vector<16xf32> to vector<16xf32>
        %swap3A_1820 = vector.shape_cast %add3A_1806 : vector<16xf32> to vector<16xf32>
        tpu.vector_store %arg18[%swap3A_1817], %swap3A_1820 {strides = array<i32>} : memref<19968xf32, #tpu.memory_space<vmem>>, vector<16xf32>,
        %mul3A_1821 = arith.constant 26 : i32
        %mul3A_1822 = arith.muli %scan3A_672, %mul3A_1821 : i32
        %add3A_1823 = arith.constant 20 : i32
        %add3A_1824 = arith.addi %mul3A_1822, %add3A_1823 : i32
        %get3A_1825 = arith.index_cast %add3A_1824 : i32 to index
        %get3A_1826 = arith.constant 16 : index
        %get3A_1827 = tpu.vector_load %arg14[%get3A_1825, %get3A_1826] {strides = array<i32>} : memref<416x32xf32, #tpu.memory_space<vmem>>, vector<1x16xf32>,
        %get3A_1828 = vector.shape_cast %get3A_1827 : vector<1x16xf32> to vector<16xf32>
        %get3A_1829 = arith.constant 33 : i32
        %get3A_1830 = arith.index_cast %get3A_1829 : i32 to index
        %get3A_1831 = arith.constant 16 : index
        %get3A_1832 = tpu.vector_load %arg20[%get3A_1830, %get3A_1831] {strides = array<i32>} : memref<39x32xf32, #tpu.memory_space<vmem>>, vector<1x16xf32>,
        %get3A_1833 = vector.shape_cast %get3A_1832 : vector<1x16xf32> to vector<16xf32>
        %add3A_1834 = arith.addf %get3A_1828, %get3A_1833 : vector<16xf32>
        %mul3A_1835 = arith.constant 39 : i32
        %mul3A_1836 = arith.muli %scan3A_672, %mul3A_1835 : i32
        %add3A_1837 = arith.constant 13 : i32
        %add3A_1838 = arith.addi %mul3A_1836, %add3A_1837 : i32
        %add3A_1839 = arith.constant 20 : i32
        %add3A_1840 = arith.addi %add3A_1838, %add3A_1839 : i32
        %mul3A_1841 = arith.constant 32 : i32
        %mul3A_1842 = arith.muli %add3A_1840, %mul3A_1841 : i32
        %add3A_1843 = arith.constant 16 : i32
        %add3A_1844 = arith.addi %mul3A_1842, %add3A_1843 : i32
        %swap3A_1845 = arith.index_cast %add3A_1844 : i32 to index
        %swap3A_1846 = tpu.vector_load %arg18[%swap3A_1845] {strides = array<i32>} : memref<19968xf32, #tpu.memory_space<vmem>>, vector<16xf32>,
        %swap3A_1847 = vector.shape_cast %swap3A_1846 : vector<16xf32> to vector<16xf32>
        %swap3A_1848 = vector.shape_cast %add3A_1834 : vector<16xf32> to vector<16xf32>
        tpu.vector_store %arg18[%swap3A_1845], %swap3A_1848 {strides = array<i32>} : memref<19968xf32, #tpu.memory_space<vmem>>, vector<16xf32>,
        %mul3A_1849 = arith.constant 26 : i32
        %mul3A_1850 = arith.muli %scan3A_672, %mul3A_1849 : i32
        %add3A_1851 = arith.constant 21 : i32
        %add3A_1852 = arith.addi %mul3A_1850, %add3A_1851 : i32
        %get3A_1853 = arith.index_cast %add3A_1852 : i32 to index
        %get3A_1854 = arith.constant 0 : index
        %get3A_1855 = tpu.vector_load %arg14[%get3A_1853, %get3A_1854] {strides = array<i32>} : memref<416x32xf32, #tpu.memory_space<vmem>>, vector<1x16xf32>,
        %get3A_1856 = vector.shape_cast %get3A_1855 : vector<1x16xf32> to vector<16xf32>
        %get3A_1857 = arith.constant 34 : i32
        %get3A_1858 = arith.index_cast %get3A_1857 : i32 to index
        %get3A_1859 = arith.constant 0 : index
        %get3A_1860 = tpu.vector_load %arg20[%get3A_1858, %get3A_1859] {strides = array<i32>} : memref<39x32xf32, #tpu.memory_space<vmem>>, vector<1x16xf32>,
        %get3A_1861 = vector.shape_cast %get3A_1860 : vector<1x16xf32> to vector<16xf32>
        %add3A_1862 = arith.addf %get3A_1856, %get3A_1861 : vector<16xf32>
        %mul3A_1863 = arith.constant 39 : i32
        %mul3A_1864 = arith.muli %scan3A_672, %mul3A_1863 : i32
        %add3A_1865 = arith.constant 13 : i32
        %add3A_1866 = arith.addi %mul3A_1864, %add3A_1865 : i32
        %add3A_1867 = arith.constant 21 : i32
        %add3A_1868 = arith.addi %add3A_1866, %add3A_1867 : i32
        %mul3A_1869 = arith.constant 32 : i32
        %mul3A_1870 = arith.muli %add3A_1868, %mul3A_1869 : i32
        %add3A_1871 = arith.constant 0 : i32
        %add3A_1872 = arith.addi %mul3A_1870, %add3A_1871 : i32
        %swap3A_1873 = arith.index_cast %add3A_1872 : i32 to index
        %swap3A_1874 = tpu.vector_load %arg18[%swap3A_1873] {strides = array<i32>} : memref<19968xf32, #tpu.memory_space<vmem>>, vector<16xf32>,
        %swap3A_1875 = vector.shape_cast %swap3A_1874 : vector<16xf32> to vector<16xf32>
        %swap3A_1876 = vector.shape_cast %add3A_1862 : vector<16xf32> to vector<16xf32>
        tpu.vector_store %arg18[%swap3A_1873], %swap3A_1876 {strides = array<i32>} : memref<19968xf32, #tpu.memory_space<vmem>>, vector<16xf32>,
        %mul3A_1877 = arith.constant 26 : i32
        %mul3A_1878 = arith.muli %scan3A_672, %mul3A_1877 : i32
        %add3A_1879 = arith.constant 21 : i32
        %add3A_1880 = arith.addi %mul3A_1878, %add3A_1879 : i32
        %get3A_1881 = arith.index_cast %add3A_1880 : i32 to index
        %get3A_1882 = arith.constant 16 : index
        %get3A_1883 = tpu.vector_load %arg14[%get3A_1881, %get3A_1882] {strides = array<i32>} : memref<416x32xf32, #tpu.memory_space<vmem>>, vector<1x16xf32>,
        %get3A_1884 = vector.shape_cast %get3A_1883 : vector<1x16xf32> to vector<16xf32>
        %get3A_1885 = arith.constant 34 : i32
        %get3A_1886 = arith.index_cast %get3A_1885 : i32 to index
        %get3A_1887 = arith.constant 16 : index
        %get3A_1888 = tpu.vector_load %arg20[%get3A_1886, %get3A_1887] {strides = array<i32>} : memref<39x32xf32, #tpu.memory_space<vmem>>, vector<1x16xf32>,
        %get3A_1889 = vector.shape_cast %get3A_1888 : vector<1x16xf32> to vector<16xf32>
        %add3A_1890 = arith.addf %get3A_1884, %get3A_1889 : vector<16xf32>
        %mul3A_1891 = arith.constant 39 : i32
        %mul3A_1892 = arith.muli %scan3A_672, %mul3A_1891 : i32
        %add3A_1893 = arith.constant 13 : i32
        %add3A_1894 = arith.addi %mul3A_1892, %add3A_1893 : i32
        %add3A_1895 = arith.constant 21 : i32
        %add3A_1896 = arith.addi %add3A_1894, %add3A_1895 : i32
        %mul3A_1897 = arith.constant 32 : i32
        %mul3A_1898 = arith.muli %add3A_1896, %mul3A_1897 : i32
        %add3A_1899 = arith.constant 16 : i32
        %add3A_1900 = arith.addi %mul3A_1898, %add3A_1899 : i32
        %swap3A_1901 = arith.index_cast %add3A_1900 : i32 to index
        %swap3A_1902 = tpu.vector_load %arg18[%swap3A_1901] {strides = array<i32>} : memref<19968xf32, #tpu.memory_space<vmem>>, vector<16xf32>,
        %swap3A_1903 = vector.shape_cast %swap3A_1902 : vector<16xf32> to vector<16xf32>
        %swap3A_1904 = vector.shape_cast %add3A_1890 : vector<16xf32> to vector<16xf32>
        tpu.vector_store %arg18[%swap3A_1901], %swap3A_1904 {strides = array<i32>} : memref<19968xf32, #tpu.memory_space<vmem>>, vector<16xf32>,
        %mul3A_1905 = arith.constant 26 : i32
        %mul3A_1906 = arith.muli %scan3A_672, %mul3A_1905 : i32
        %add3A_1907 = arith.constant 22 : i32
        %add3A_1908 = arith.addi %mul3A_1906, %add3A_1907 : i32
        %get3A_1909 = arith.index_cast %add3A_1908 : i32 to index
        %get3A_1910 = arith.constant 0 : index
        %get3A_1911 = tpu.vector_load %arg14[%get3A_1909, %get3A_1910] {strides = array<i32>} : memref<416x32xf32, #tpu.memory_space<vmem>>, vector<1x16xf32>,
        %get3A_1912 = vector.shape_cast %get3A_1911 : vector<1x16xf32> to vector<16xf32>
        %get3A_1913 = arith.constant 35 : i32
        %get3A_1914 = arith.index_cast %get3A_1913 : i32 to index
        %get3A_1915 = arith.constant 0 : index
        %get3A_1916 = tpu.vector_load %arg20[%get3A_1914, %get3A_1915] {strides = array<i32>} : memref<39x32xf32, #tpu.memory_space<vmem>>, vector<1x16xf32>,
        %get3A_1917 = vector.shape_cast %get3A_1916 : vector<1x16xf32> to vector<16xf32>
        %add3A_1918 = arith.addf %get3A_1912, %get3A_1917 : vector<16xf32>
        %mul3A_1919 = arith.constant 39 : i32
        %mul3A_1920 = arith.muli %scan3A_672, %mul3A_1919 : i32
        %add3A_1921 = arith.constant 13 : i32
        %add3A_1922 = arith.addi %mul3A_1920, %add3A_1921 : i32
        %add3A_1923 = arith.constant 22 : i32
        %add3A_1924 = arith.addi %add3A_1922, %add3A_1923 : i32
        %mul3A_1925 = arith.constant 32 : i32
        %mul3A_1926 = arith.muli %add3A_1924, %mul3A_1925 : i32
        %add3A_1927 = arith.constant 0 : i32
        %add3A_1928 = arith.addi %mul3A_1926, %add3A_1927 : i32
        %swap3A_1929 = arith.index_cast %add3A_1928 : i32 to index
        %swap3A_1930 = tpu.vector_load %arg18[%swap3A_1929] {strides = array<i32>} : memref<19968xf32, #tpu.memory_space<vmem>>, vector<16xf32>,
        %swap3A_1931 = vector.shape_cast %swap3A_1930 : vector<16xf32> to vector<16xf32>
        %swap3A_1932 = vector.shape_cast %add3A_1918 : vector<16xf32> to vector<16xf32>
        tpu.vector_store %arg18[%swap3A_1929], %swap3A_1932 {strides = array<i32>} : memref<19968xf32, #tpu.memory_space<vmem>>, vector<16xf32>,
        %mul3A_1933 = arith.constant 26 : i32
        %mul3A_1934 = arith.muli %scan3A_672, %mul3A_1933 : i32
        %add3A_1935 = arith.constant 22 : i32
        %add3A_1936 = arith.addi %mul3A_1934, %add3A_1935 : i32
        %get3A_1937 = arith.index_cast %add3A_1936 : i32 to index
        %get3A_1938 = arith.constant 16 : index
        %get3A_1939 = tpu.vector_load %arg14[%get3A_1937, %get3A_1938] {strides = array<i32>} : memref<416x32xf32, #tpu.memory_space<vmem>>, vector<1x16xf32>,
        %get3A_1940 = vector.shape_cast %get3A_1939 : vector<1x16xf32> to vector<16xf32>
        %get3A_1941 = arith.constant 35 : i32
        %get3A_1942 = arith.index_cast %get3A_1941 : i32 to index
        %get3A_1943 = arith.constant 16 : index
        %get3A_1944 = tpu.vector_load %arg20[%get3A_1942, %get3A_1943] {strides = array<i32>} : memref<39x32xf32, #tpu.memory_space<vmem>>, vector<1x16xf32>,
        %get3A_1945 = vector.shape_cast %get3A_1944 : vector<1x16xf32> to vector<16xf32>
        %add3A_1946 = arith.addf %get3A_1940, %get3A_1945 : vector<16xf32>
        %mul3A_1947 = arith.constant 39 : i32
        %mul3A_1948 = arith.muli %scan3A_672, %mul3A_1947 : i32
        %add3A_1949 = arith.constant 13 : i32
        %add3A_1950 = arith.addi %mul3A_1948, %add3A_1949 : i32
        %add3A_1951 = arith.constant 22 : i32
        %add3A_1952 = arith.addi %add3A_1950, %add3A_1951 : i32
        %mul3A_1953 = arith.constant 32 : i32
        %mul3A_1954 = arith.muli %add3A_1952, %mul3A_1953 : i32
        %add3A_1955 = arith.constant 16 : i32
        %add3A_1956 = arith.addi %mul3A_1954, %add3A_1955 : i32
        %swap3A_1957 = arith.index_cast %add3A_1956 : i32 to index
        %swap3A_1958 = tpu.vector_load %arg18[%swap3A_1957] {strides = array<i32>} : memref<19968xf32, #tpu.memory_space<vmem>>, vector<16xf32>,
        %swap3A_1959 = vector.shape_cast %swap3A_1958 : vector<16xf32> to vector<16xf32>
        %swap3A_1960 = vector.shape_cast %add3A_1946 : vector<16xf32> to vector<16xf32>
        tpu.vector_store %arg18[%swap3A_1957], %swap3A_1960 {strides = array<i32>} : memref<19968xf32, #tpu.memory_space<vmem>>, vector<16xf32>,
        %mul3A_1961 = arith.constant 26 : i32
        %mul3A_1962 = arith.muli %scan3A_672, %mul3A_1961 : i32
        %add3A_1963 = arith.constant 23 : i32
        %add3A_1964 = arith.addi %mul3A_1962, %add3A_1963 : i32
        %get3A_1965 = arith.index_cast %add3A_1964 : i32 to index
        %get3A_1966 = arith.constant 0 : index
        %get3A_1967 = tpu.vector_load %arg14[%get3A_1965, %get3A_1966] {strides = array<i32>} : memref<416x32xf32, #tpu.memory_space<vmem>>, vector<1x16xf32>,
        %get3A_1968 = vector.shape_cast %get3A_1967 : vector<1x16xf32> to vector<16xf32>
        %get3A_1969 = arith.constant 36 : i32
        %get3A_1970 = arith.index_cast %get3A_1969 : i32 to index
        %get3A_1971 = arith.constant 0 : index
        %get3A_1972 = tpu.vector_load %arg20[%get3A_1970, %get3A_1971] {strides = array<i32>} : memref<39x32xf32, #tpu.memory_space<vmem>>, vector<1x16xf32>,
        %get3A_1973 = vector.shape_cast %get3A_1972 : vector<1x16xf32> to vector<16xf32>
        %add3A_1974 = arith.addf %get3A_1968, %get3A_1973 : vector<16xf32>
        %mul3A_1975 = arith.constant 39 : i32
        %mul3A_1976 = arith.muli %scan3A_672, %mul3A_1975 : i32
        %add3A_1977 = arith.constant 13 : i32
        %add3A_1978 = arith.addi %mul3A_1976, %add3A_1977 : i32
        %add3A_1979 = arith.constant 23 : i32
        %add3A_1980 = arith.addi %add3A_1978, %add3A_1979 : i32
        %mul3A_1981 = arith.constant 32 : i32
        %mul3A_1982 = arith.muli %add3A_1980, %mul3A_1981 : i32
        %add3A_1983 = arith.constant 0 : i32
        %add3A_1984 = arith.addi %mul3A_1982, %add3A_1983 : i32
        %swap3A_1985 = arith.index_cast %add3A_1984 : i32 to index
        %swap3A_1986 = tpu.vector_load %arg18[%swap3A_1985] {strides = array<i32>} : memref<19968xf32, #tpu.memory_space<vmem>>, vector<16xf32>,
        %swap3A_1987 = vector.shape_cast %swap3A_1986 : vector<16xf32> to vector<16xf32>
        %swap3A_1988 = vector.shape_cast %add3A_1974 : vector<16xf32> to vector<16xf32>
        tpu.vector_store %arg18[%swap3A_1985], %swap3A_1988 {strides = array<i32>} : memref<19968xf32, #tpu.memory_space<vmem>>, vector<16xf32>,
        %mul3A_1989 = arith.constant 26 : i32
        %mul3A_1990 = arith.muli %scan3A_672, %mul3A_1989 : i32
        %add3A_1991 = arith.constant 23 : i32
        %add3A_1992 = arith.addi %mul3A_1990, %add3A_1991 : i32
        %get3A_1993 = arith.index_cast %add3A_1992 : i32 to index
        %get3A_1994 = arith.constant 16 : index
        %get3A_1995 = tpu.vector_load %arg14[%get3A_1993, %get3A_1994] {strides = array<i32>} : memref<416x32xf32, #tpu.memory_space<vmem>>, vector<1x16xf32>,
        %get3A_1996 = vector.shape_cast %get3A_1995 : vector<1x16xf32> to vector<16xf32>
        %get3A_1997 = arith.constant 36 : i32
        %get3A_1998 = arith.index_cast %get3A_1997 : i32 to index
        %get3A_1999 = arith.constant 16 : index
        %get3A_2000 = tpu.vector_load %arg20[%get3A_1998, %get3A_1999] {strides = array<i32>} : memref<39x32xf32, #tpu.memory_space<vmem>>, vector<1x16xf32>,
        %get3A_2001 = vector.shape_cast %get3A_2000 : vector<1x16xf32> to vector<16xf32>
        %add3A_2002 = arith.addf %get3A_1996, %get3A_2001 : vector<16xf32>
        %mul3A_2003 = arith.constant 39 : i32
        %mul3A_2004 = arith.muli %scan3A_672, %mul3A_2003 : i32
        %add3A_2005 = arith.constant 13 : i32
        %add3A_2006 = arith.addi %mul3A_2004, %add3A_2005 : i32
        %add3A_2007 = arith.constant 23 : i32
        %add3A_2008 = arith.addi %add3A_2006, %add3A_2007 : i32
        %mul3A_2009 = arith.constant 32 : i32
        %mul3A_2010 = arith.muli %add3A_2008, %mul3A_2009 : i32
        %add3A_2011 = arith.constant 16 : i32
        %add3A_2012 = arith.addi %mul3A_2010, %add3A_2011 : i32
        %swap3A_2013 = arith.index_cast %add3A_2012 : i32 to index
        %swap3A_2014 = tpu.vector_load %arg18[%swap3A_2013] {strides = array<i32>} : memref<19968xf32, #tpu.memory_space<vmem>>, vector<16xf32>,
        %swap3A_2015 = vector.shape_cast %swap3A_2014 : vector<16xf32> to vector<16xf32>
        %swap3A_2016 = vector.shape_cast %add3A_2002 : vector<16xf32> to vector<16xf32>
        tpu.vector_store %arg18[%swap3A_2013], %swap3A_2016 {strides = array<i32>} : memref<19968xf32, #tpu.memory_space<vmem>>, vector<16xf32>,
        %mul3A_2017 = arith.constant 26 : i32
        %mul3A_2018 = arith.muli %scan3A_672, %mul3A_2017 : i32
        %add3A_2019 = arith.constant 24 : i32
        %add3A_2020 = arith.addi %mul3A_2018, %add3A_2019 : i32
        %get3A_2021 = arith.index_cast %add3A_2020 : i32 to index
        %get3A_2022 = arith.constant 0 : index
        %get3A_2023 = tpu.vector_load %arg14[%get3A_2021, %get3A_2022] {strides = array<i32>} : memref<416x32xf32, #tpu.memory_space<vmem>>, vector<1x16xf32>,
        %get3A_2024 = vector.shape_cast %get3A_2023 : vector<1x16xf32> to vector<16xf32>
        %get3A_2025 = arith.constant 37 : i32
        %get3A_2026 = arith.index_cast %get3A_2025 : i32 to index
        %get3A_2027 = arith.constant 0 : index
        %get3A_2028 = tpu.vector_load %arg20[%get3A_2026, %get3A_2027] {strides = array<i32>} : memref<39x32xf32, #tpu.memory_space<vmem>>, vector<1x16xf32>,
        %get3A_2029 = vector.shape_cast %get3A_2028 : vector<1x16xf32> to vector<16xf32>
        %add3A_2030 = arith.addf %get3A_2024, %get3A_2029 : vector<16xf32>
        %mul3A_2031 = arith.constant 39 : i32
        %mul3A_2032 = arith.muli %scan3A_672, %mul3A_2031 : i32
        %add3A_2033 = arith.constant 13 : i32
        %add3A_2034 = arith.addi %mul3A_2032, %add3A_2033 : i32
        %add3A_2035 = arith.constant 24 : i32
        %add3A_2036 = arith.addi %add3A_2034, %add3A_2035 : i32
        %mul3A_2037 = arith.constant 32 : i32
        %mul3A_2038 = arith.muli %add3A_2036, %mul3A_2037 : i32
        %add3A_2039 = arith.constant 0 : i32
        %add3A_2040 = arith.addi %mul3A_2038, %add3A_2039 : i32
        %swap3A_2041 = arith.index_cast %add3A_2040 : i32 to index
        %swap3A_2042 = tpu.vector_load %arg18[%swap3A_2041] {strides = array<i32>} : memref<19968xf32, #tpu.memory_space<vmem>>, vector<16xf32>,
        %swap3A_2043 = vector.shape_cast %swap3A_2042 : vector<16xf32> to vector<16xf32>
        %swap3A_2044 = vector.shape_cast %add3A_2030 : vector<16xf32> to vector<16xf32>
        tpu.vector_store %arg18[%swap3A_2041], %swap3A_2044 {strides = array<i32>} : memref<19968xf32, #tpu.memory_space<vmem>>, vector<16xf32>,
        %mul3A_2045 = arith.constant 26 : i32
        %mul3A_2046 = arith.muli %scan3A_672, %mul3A_2045 : i32
        %add3A_2047 = arith.constant 24 : i32
        %add3A_2048 = arith.addi %mul3A_2046, %add3A_2047 : i32
        %get3A_2049 = arith.index_cast %add3A_2048 : i32 to index
        %get3A_2050 = arith.constant 16 : index
        %get3A_2051 = tpu.vector_load %arg14[%get3A_2049, %get3A_2050] {strides = array<i32>} : memref<416x32xf32, #tpu.memory_space<vmem>>, vector<1x16xf32>,
        %get3A_2052 = vector.shape_cast %get3A_2051 : vector<1x16xf32> to vector<16xf32>
        %get3A_2053 = arith.constant 37 : i32
        %get3A_2054 = arith.index_cast %get3A_2053 : i32 to index
        %get3A_2055 = arith.constant 16 : index
        %get3A_2056 = tpu.vector_load %arg20[%get3A_2054, %get3A_2055] {strides = array<i32>} : memref<39x32xf32, #tpu.memory_space<vmem>>, vector<1x16xf32>,
        %get3A_2057 = vector.shape_cast %get3A_2056 : vector<1x16xf32> to vector<16xf32>
        %add3A_2058 = arith.addf %get3A_2052, %get3A_2057 : vector<16xf32>
        %mul3A_2059 = arith.constant 39 : i32
        %mul3A_2060 = arith.muli %scan3A_672, %mul3A_2059 : i32
        %add3A_2061 = arith.constant 13 : i32
        %add3A_2062 = arith.addi %mul3A_2060, %add3A_2061 : i32
        %add3A_2063 = arith.constant 24 : i32
        %add3A_2064 = arith.addi %add3A_2062, %add3A_2063 : i32
        %mul3A_2065 = arith.constant 32 : i32
        %mul3A_2066 = arith.muli %add3A_2064, %mul3A_2065 : i32
        %add3A_2067 = arith.constant 16 : i32
        %add3A_2068 = arith.addi %mul3A_2066, %add3A_2067 : i32
        %swap3A_2069 = arith.index_cast %add3A_2068 : i32 to index
        %swap3A_2070 = tpu.vector_load %arg18[%swap3A_2069] {strides = array<i32>} : memref<19968xf32, #tpu.memory_space<vmem>>, vector<16xf32>,
        %swap3A_2071 = vector.shape_cast %swap3A_2070 : vector<16xf32> to vector<16xf32>
        %swap3A_2072 = vector.shape_cast %add3A_2058 : vector<16xf32> to vector<16xf32>
        tpu.vector_store %arg18[%swap3A_2069], %swap3A_2072 {strides = array<i32>} : memref<19968xf32, #tpu.memory_space<vmem>>, vector<16xf32>,
        %mul3A_2073 = arith.constant 26 : i32
        %mul3A_2074 = arith.muli %scan3A_672, %mul3A_2073 : i32
        %add3A_2075 = arith.constant 25 : i32
        %add3A_2076 = arith.addi %mul3A_2074, %add3A_2075 : i32
        %get3A_2077 = arith.index_cast %add3A_2076 : i32 to index
        %get3A_2078 = arith.constant 0 : index
        %get3A_2079 = tpu.vector_load %arg14[%get3A_2077, %get3A_2078] {strides = array<i32>} : memref<416x32xf32, #tpu.memory_space<vmem>>, vector<1x16xf32>,
        %get3A_2080 = vector.shape_cast %get3A_2079 : vector<1x16xf32> to vector<16xf32>
        %get3A_2081 = arith.constant 38 : i32
        %get3A_2082 = arith.index_cast %get3A_2081 : i32 to index
        %get3A_2083 = arith.constant 0 : index
        %get3A_2084 = tpu.vector_load %arg20[%get3A_2082, %get3A_2083] {strides = array<i32>} : memref<39x32xf32, #tpu.memory_space<vmem>>, vector<1x16xf32>,
        %get3A_2085 = vector.shape_cast %get3A_2084 : vector<1x16xf32> to vector<16xf32>
        %add3A_2086 = arith.addf %get3A_2080, %get3A_2085 : vector<16xf32>
        %mul3A_2087 = arith.constant 39 : i32
        %mul3A_2088 = arith.muli %scan3A_672, %mul3A_2087 : i32
        %add3A_2089 = arith.constant 13 : i32
        %add3A_2090 = arith.addi %mul3A_2088, %add3A_2089 : i32
        %add3A_2091 = arith.constant 25 : i32
        %add3A_2092 = arith.addi %add3A_2090, %add3A_2091 : i32
        %mul3A_2093 = arith.constant 32 : i32
        %mul3A_2094 = arith.muli %add3A_2092, %mul3A_2093 : i32
        %add3A_2095 = arith.constant 0 : i32
        %add3A_2096 = arith.addi %mul3A_2094, %add3A_2095 : i32
        %swap3A_2097 = arith.index_cast %add3A_2096 : i32 to index
        %swap3A_2098 = tpu.vector_load %arg18[%swap3A_2097] {strides = array<i32>} : memref<19968xf32, #tpu.memory_space<vmem>>, vector<16xf32>,
        %swap3A_2099 = vector.shape_cast %swap3A_2098 : vector<16xf32> to vector<16xf32>
        %swap3A_2100 = vector.shape_cast %add3A_2086 : vector<16xf32> to vector<16xf32>
        tpu.vector_store %arg18[%swap3A_2097], %swap3A_2100 {strides = array<i32>} : memref<19968xf32, #tpu.memory_space<vmem>>, vector<16xf32>,
        %mul3A_2101 = arith.constant 26 : i32
        %mul3A_2102 = arith.muli %scan3A_672, %mul3A_2101 : i32
        %add3A_2103 = arith.constant 25 : i32
        %add3A_2104 = arith.addi %mul3A_2102, %add3A_2103 : i32
        %get3A_2105 = arith.index_cast %add3A_2104 : i32 to index
        %get3A_2106 = arith.constant 16 : index
        %get3A_2107 = tpu.vector_load %arg14[%get3A_2105, %get3A_2106] {strides = array<i32>} : memref<416x32xf32, #tpu.memory_space<vmem>>, vector<1x16xf32>,
        %get3A_2108 = vector.shape_cast %get3A_2107 : vector<1x16xf32> to vector<16xf32>
        %get3A_2109 = arith.constant 38 : i32
        %get3A_2110 = arith.index_cast %get3A_2109 : i32 to index
        %get3A_2111 = arith.constant 16 : index
        %get3A_2112 = tpu.vector_load %arg20[%get3A_2110, %get3A_2111] {strides = array<i32>} : memref<39x32xf32, #tpu.memory_space<vmem>>, vector<1x16xf32>,
        %get3A_2113 = vector.shape_cast %get3A_2112 : vector<1x16xf32> to vector<16xf32>
        %add3A_2114 = arith.addf %get3A_2108, %get3A_2113 : vector<16xf32>
        %mul3A_2115 = arith.constant 39 : i32
        %mul3A_2116 = arith.muli %scan3A_672, %mul3A_2115 : i32
        %add3A_2117 = arith.constant 13 : i32
        %add3A_2118 = arith.addi %mul3A_2116, %add3A_2117 : i32
        %add3A_2119 = arith.constant 25 : i32
        %add3A_2120 = arith.addi %add3A_2118, %add3A_2119 : i32
        %mul3A_2121 = arith.constant 32 : i32
        %mul3A_2122 = arith.muli %add3A_2120, %mul3A_2121 : i32
        %add3A_2123 = arith.constant 16 : i32
        %add3A_2124 = arith.addi %mul3A_2122, %add3A_2123 : i32
        %swap3A_2125 = arith.index_cast %add3A_2124 : i32 to index
        %swap3A_2126 = tpu.vector_load %arg18[%swap3A_2125] {strides = array<i32>} : memref<19968xf32, #tpu.memory_space<vmem>>, vector<16xf32>,
        %swap3A_2127 = vector.shape_cast %swap3A_2126 : vector<16xf32> to vector<16xf32>
        %swap3A_2128 = vector.shape_cast %add3A_2114 : vector<16xf32> to vector<16xf32>
        tpu.vector_store %arg18[%swap3A_2125], %swap3A_2128 {strides = array<i32>} : memref<19968xf32, #tpu.memory_space<vmem>>, vector<16xf32>,
        %mul3A_2129 = arith.constant 16 : i32
        %mul3A_2130 = arith.muli %scan3A_672, %mul3A_2129 : i32
        %get3A_2131 = arith.index_cast %mul3A_2130 : i32 to index
        %get3A_2132 = tpu.vector_load %arg16[%get3A_2131] {strides = array<i32>} : memref<256xf32, #tpu.memory_space<vmem>>, vector<16xf32>,
        %get3A_2133 = vector.shape_cast %get3A_2132 : vector<16xf32> to vector<16xf32>
        %slice3A = vector.extract_strided_slice %get3A_2133 {offsets = [0], sizes = [1], strides = [1]} : vector<16xf32> to vector<1xf32>
        %squeeze3A = vector.extract %slice3A[0] : f32 from vector<1xf32>
        %broadcast_in_dim3A = vector.broadcast %squeeze3A : f32 to vector<16xf32>
        %get3A_2134 = arith.constant 0 : i32
        %get3A_2135 = arith.index_cast %get3A_2134 : i32 to index
        %get3A_2136 = arith.constant 0 : index
        %get3A_2137 = tpu.vector_load %arg19[%get3A_2135, %get3A_2136] {strides = array<i32>} : memref<13x32xf32, #tpu.memory_space<vmem>>, vector<1x16xf32>,
        %get3A_2138 = vector.shape_cast %get3A_2137 : vector<1x16xf32> to vector<16xf32>
        %mul3A_2139 = arith.mulf %get3A_2138, %broadcast_in_dim3A : vector<16xf32>
        %get3A_2140 = arith.constant 0 : i32
        %get3A_2141 = arith.index_cast %get3A_2140 : i32 to index
        %get3A_2142 = arith.constant 0 : index
        %get3A_2143 = tpu.vector_load %arg20[%get3A_2141, %get3A_2142] {strides = array<i32>} : memref<39x32xf32, #tpu.memory_space<vmem>>, vector<1x16xf32>,
        %get3A_2144 = vector.shape_cast %get3A_2143 : vector<1x16xf32> to vector<16xf32>
        %add3A_2145 = arith.addf %mul3A_2139, %get3A_2144 : vector<16xf32>
        %mul3A_2146 = arith.constant 39 : i32
        %mul3A_2147 = arith.muli %scan3A_672, %mul3A_2146 : i32
        %add3A_2148 = arith.constant 0 : i32
        %add3A_2149 = arith.addi %mul3A_2147, %add3A_2148 : i32
        %mul3A_2150 = arith.constant 32 : i32
        %mul3A_2151 = arith.muli %add3A_2149, %mul3A_2150 : i32
        %add3A_2152 = arith.constant 0 : i32
        %add3A_2153 = arith.addi %mul3A_2151, %add3A_2152 : i32
        %swap3A_2154 = arith.index_cast %add3A_2153 : i32 to index
        %swap3A_2155 = tpu.vector_load %arg18[%swap3A_2154] {strides = array<i32>} : memref<19968xf32, #tpu.memory_space<vmem>>, vector<16xf32>,
        %swap3A_2156 = vector.shape_cast %swap3A_2155 : vector<16xf32> to vector<16xf32>
        %swap3A_2157 = vector.shape_cast %add3A_2145 : vector<16xf32> to vector<16xf32>
        tpu.vector_store %arg18[%swap3A_2154], %swap3A_2157 {strides = array<i32>} : memref<19968xf32, #tpu.memory_space<vmem>>, vector<16xf32>,
        %get3A_2158 = arith.constant 0 : i32
        %get3A_2159 = arith.index_cast %get3A_2158 : i32 to index
        %get3A_2160 = arith.constant 16 : index
        %get3A_2161 = tpu.vector_load %arg19[%get3A_2159, %get3A_2160] {strides = array<i32>} : memref<13x32xf32, #tpu.memory_space<vmem>>, vector<1x16xf32>,
        %get3A_2162 = vector.shape_cast %get3A_2161 : vector<1x16xf32> to vector<16xf32>
        %mul3A_2163 = arith.mulf %get3A_2162, %broadcast_in_dim3A : vector<16xf32>
        %get3A_2164 = arith.constant 0 : i32
        %get3A_2165 = arith.index_cast %get3A_2164 : i32 to index
        %get3A_2166 = arith.constant 16 : index
        %get3A_2167 = tpu.vector_load %arg20[%get3A_2165, %get3A_2166] {strides = array<i32>} : memref<39x32xf32, #tpu.memory_space<vmem>>, vector<1x16xf32>,
        %get3A_2168 = vector.shape_cast %get3A_2167 : vector<1x16xf32> to vector<16xf32>
        %add3A_2169 = arith.addf %mul3A_2163, %get3A_2168 : vector<16xf32>
        %mul3A_2170 = arith.constant 39 : i32
        %mul3A_2171 = arith.muli %scan3A_672, %mul3A_2170 : i32
        %add3A_2172 = arith.constant 0 : i32
        %add3A_2173 = arith.addi %mul3A_2171, %add3A_2172 : i32
        %mul3A_2174 = arith.constant 32 : i32
        %mul3A_2175 = arith.muli %add3A_2173, %mul3A_2174 : i32
        %add3A_2176 = arith.constant 16 : i32
        %add3A_2177 = arith.addi %mul3A_2175, %add3A_2176 : i32
        %swap3A_2178 = arith.index_cast %add3A_2177 : i32 to index
        %swap3A_2179 = tpu.vector_load %arg18[%swap3A_2178] {strides = array<i32>} : memref<19968xf32, #tpu.memory_space<vmem>>, vector<16xf32>,
        %swap3A_2180 = vector.shape_cast %swap3A_2179 : vector<16xf32> to vector<16xf32>
        %swap3A_2181 = vector.shape_cast %add3A_2169 : vector<16xf32> to vector<16xf32>
        tpu.vector_store %arg18[%swap3A_2178], %swap3A_2181 {strides = array<i32>} : memref<19968xf32, #tpu.memory_space<vmem>>, vector<16xf32>,
        %slice3A_2182 = vector.extract_strided_slice %get3A_2133 {offsets = [1], sizes = [1], strides = [1]} : vector<16xf32> to vector<1xf32>
        %squeeze3A_2183 = vector.extract %slice3A_2182[0] : f32 from vector<1xf32>
        %broadcast_in_dim3A_2184 = vector.broadcast %squeeze3A_2183 : f32 to vector<16xf32>
        %get3A_2185 = arith.constant 1 : i32
        %get3A_2186 = arith.index_cast %get3A_2185 : i32 to index
        %get3A_2187 = arith.constant 0 : index
        %get3A_2188 = tpu.vector_load %arg19[%get3A_2186, %get3A_2187] {strides = array<i32>} : memref<13x32xf32, #tpu.memory_space<vmem>>, vector<1x16xf32>,
        %get3A_2189 = vector.shape_cast %get3A_2188 : vector<1x16xf32> to vector<16xf32>
        %mul3A_2190 = arith.mulf %get3A_2189, %broadcast_in_dim3A_2184 : vector<16xf32>
        %get3A_2191 = arith.constant 1 : i32
        %get3A_2192 = arith.index_cast %get3A_2191 : i32 to index
        %get3A_2193 = arith.constant 0 : index
        %get3A_2194 = tpu.vector_load %arg20[%get3A_2192, %get3A_2193] {strides = array<i32>} : memref<39x32xf32, #tpu.memory_space<vmem>>, vector<1x16xf32>,
        %get3A_2195 = vector.shape_cast %get3A_2194 : vector<1x16xf32> to vector<16xf32>
        %add3A_2196 = arith.addf %mul3A_2190, %get3A_2195 : vector<16xf32>
        %mul3A_2197 = arith.constant 39 : i32
        %mul3A_2198 = arith.muli %scan3A_672, %mul3A_2197 : i32
        %add3A_2199 = arith.constant 1 : i32
        %add3A_2200 = arith.addi %mul3A_2198, %add3A_2199 : i32
        %mul3A_2201 = arith.constant 32 : i32
        %mul3A_2202 = arith.muli %add3A_2200, %mul3A_2201 : i32
        %add3A_2203 = arith.constant 0 : i32
        %add3A_2204 = arith.addi %mul3A_2202, %add3A_2203 : i32
        %swap3A_2205 = arith.index_cast %add3A_2204 : i32 to index
        %swap3A_2206 = tpu.vector_load %arg18[%swap3A_2205] {strides = array<i32>} : memref<19968xf32, #tpu.memory_space<vmem>>, vector<16xf32>,
        %swap3A_2207 = vector.shape_cast %swap3A_2206 : vector<16xf32> to vector<16xf32>
        %swap3A_2208 = vector.shape_cast %add3A_2196 : vector<16xf32> to vector<16xf32>
        tpu.vector_store %arg18[%swap3A_2205], %swap3A_2208 {strides = array<i32>} : memref<19968xf32, #tpu.memory_space<vmem>>, vector<16xf32>,
        %get3A_2209 = arith.constant 1 : i32
        %get3A_2210 = arith.index_cast %get3A_2209 : i32 to index
        %get3A_2211 = arith.constant 16 : index
        %get3A_2212 = tpu.vector_load %arg19[%get3A_2210, %get3A_2211] {strides = array<i32>} : memref<13x32xf32, #tpu.memory_space<vmem>>, vector<1x16xf32>,
        %get3A_2213 = vector.shape_cast %get3A_2212 : vector<1x16xf32> to vector<16xf32>
        %mul3A_2214 = arith.mulf %get3A_2213, %broadcast_in_dim3A_2184 : vector<16xf32>
        %get3A_2215 = arith.constant 1 : i32
        %get3A_2216 = arith.index_cast %get3A_2215 : i32 to index
        %get3A_2217 = arith.constant 16 : index
        %get3A_2218 = tpu.vector_load %arg20[%get3A_2216, %get3A_2217] {strides = array<i32>} : memref<39x32xf32, #tpu.memory_space<vmem>>, vector<1x16xf32>,
        %get3A_2219 = vector.shape_cast %get3A_2218 : vector<1x16xf32> to vector<16xf32>
        %add3A_2220 = arith.addf %mul3A_2214, %get3A_2219 : vector<16xf32>
        %mul3A_2221 = arith.constant 39 : i32
        %mul3A_2222 = arith.muli %scan3A_672, %mul3A_2221 : i32
        %add3A_2223 = arith.constant 1 : i32
        %add3A_2224 = arith.addi %mul3A_2222, %add3A_2223 : i32
        %mul3A_2225 = arith.constant 32 : i32
        %mul3A_2226 = arith.muli %add3A_2224, %mul3A_2225 : i32
        %add3A_2227 = arith.constant 16 : i32
        %add3A_2228 = arith.addi %mul3A_2226, %add3A_2227 : i32
        %swap3A_2229 = arith.index_cast %add3A_2228 : i32 to index
        %swap3A_2230 = tpu.vector_load %arg18[%swap3A_2229] {strides = array<i32>} : memref<19968xf32, #tpu.memory_space<vmem>>, vector<16xf32>,
        %swap3A_2231 = vector.shape_cast %swap3A_2230 : vector<16xf32> to vector<16xf32>
        %swap3A_2232 = vector.shape_cast %add3A_2220 : vector<16xf32> to vector<16xf32>
        tpu.vector_store %arg18[%swap3A_2229], %swap3A_2232 {strides = array<i32>} : memref<19968xf32, #tpu.memory_space<vmem>>, vector<16xf32>,
        %slice3A_2233 = vector.extract_strided_slice %get3A_2133 {offsets = [2], sizes = [1], strides = [1]} : vector<16xf32> to vector<1xf32>
        %squeeze3A_2234 = vector.extract %slice3A_2233[0] : f32 from vector<1xf32>
        %broadcast_in_dim3A_2235 = vector.broadcast %squeeze3A_2234 : f32 to vector<16xf32>
        %get3A_2236 = arith.constant 2 : i32
        %get3A_2237 = arith.index_cast %get3A_2236 : i32 to index
        %get3A_2238 = arith.constant 0 : index
        %get3A_2239 = tpu.vector_load %arg19[%get3A_2237, %get3A_2238] {strides = array<i32>} : memref<13x32xf32, #tpu.memory_space<vmem>>, vector<1x16xf32>,
        %get3A_2240 = vector.shape_cast %get3A_2239 : vector<1x16xf32> to vector<16xf32>
        %mul3A_2241 = arith.mulf %get3A_2240, %broadcast_in_dim3A_2235 : vector<16xf32>
        %get3A_2242 = arith.constant 2 : i32
        %get3A_2243 = arith.index_cast %get3A_2242 : i32 to index
        %get3A_2244 = arith.constant 0 : index
        %get3A_2245 = tpu.vector_load %arg20[%get3A_2243, %get3A_2244] {strides = array<i32>} : memref<39x32xf32, #tpu.memory_space<vmem>>, vector<1x16xf32>,
        %get3A_2246 = vector.shape_cast %get3A_2245 : vector<1x16xf32> to vector<16xf32>
        %add3A_2247 = arith.addf %mul3A_2241, %get3A_2246 : vector<16xf32>
        %mul3A_2248 = arith.constant 39 : i32
        %mul3A_2249 = arith.muli %scan3A_672, %mul3A_2248 : i32
        %add3A_2250 = arith.constant 2 : i32
        %add3A_2251 = arith.addi %mul3A_2249, %add3A_2250 : i32
        %mul3A_2252 = arith.constant 32 : i32
        %mul3A_2253 = arith.muli %add3A_2251, %mul3A_2252 : i32
        %add3A_2254 = arith.constant 0 : i32
        %add3A_2255 = arith.addi %mul3A_2253, %add3A_2254 : i32
        %swap3A_2256 = arith.index_cast %add3A_2255 : i32 to index
        %swap3A_2257 = tpu.vector_load %arg18[%swap3A_2256] {strides = array<i32>} : memref<19968xf32, #tpu.memory_space<vmem>>, vector<16xf32>,
        %swap3A_2258 = vector.shape_cast %swap3A_2257 : vector<16xf32> to vector<16xf32>
        %swap3A_2259 = vector.shape_cast %add3A_2247 : vector<16xf32> to vector<16xf32>
        tpu.vector_store %arg18[%swap3A_2256], %swap3A_2259 {strides = array<i32>} : memref<19968xf32, #tpu.memory_space<vmem>>, vector<16xf32>,
        %get3A_2260 = arith.constant 2 : i32
        %get3A_2261 = arith.index_cast %get3A_2260 : i32 to index
        %get3A_2262 = arith.constant 16 : index
        %get3A_2263 = tpu.vector_load %arg19[%get3A_2261, %get3A_2262] {strides = array<i32>} : memref<13x32xf32, #tpu.memory_space<vmem>>, vector<1x16xf32>,
        %get3A_2264 = vector.shape_cast %get3A_2263 : vector<1x16xf32> to vector<16xf32>
        %mul3A_2265 = arith.mulf %get3A_2264, %broadcast_in_dim3A_2235 : vector<16xf32>
        %get3A_2266 = arith.constant 2 : i32
        %get3A_2267 = arith.index_cast %get3A_2266 : i32 to index
        %get3A_2268 = arith.constant 16 : index
        %get3A_2269 = tpu.vector_load %arg20[%get3A_2267, %get3A_2268] {strides = array<i32>} : memref<39x32xf32, #tpu.memory_space<vmem>>, vector<1x16xf32>,
        %get3A_2270 = vector.shape_cast %get3A_2269 : vector<1x16xf32> to vector<16xf32>
        %add3A_2271 = arith.addf %mul3A_2265, %get3A_2270 : vector<16xf32>
        %mul3A_2272 = arith.constant 39 : i32
        %mul3A_2273 = arith.muli %scan3A_672, %mul3A_2272 : i32
        %add3A_2274 = arith.constant 2 : i32
        %add3A_2275 = arith.addi %mul3A_2273, %add3A_2274 : i32
        %mul3A_2276 = arith.constant 32 : i32
        %mul3A_2277 = arith.muli %add3A_2275, %mul3A_2276 : i32
        %add3A_2278 = arith.constant 16 : i32
        %add3A_2279 = arith.addi %mul3A_2277, %add3A_2278 : i32
        %swap3A_2280 = arith.index_cast %add3A_2279 : i32 to index
        %swap3A_2281 = tpu.vector_load %arg18[%swap3A_2280] {strides = array<i32>} : memref<19968xf32, #tpu.memory_space<vmem>>, vector<16xf32>,
        %swap3A_2282 = vector.shape_cast %swap3A_2281 : vector<16xf32> to vector<16xf32>
        %swap3A_2283 = vector.shape_cast %add3A_2271 : vector<16xf32> to vector<16xf32>
        tpu.vector_store %arg18[%swap3A_2280], %swap3A_2283 {strides = array<i32>} : memref<19968xf32, #tpu.memory_space<vmem>>, vector<16xf32>,
        %slice3A_2284 = vector.extract_strided_slice %get3A_2133 {offsets = [3], sizes = [1], strides = [1]} : vector<16xf32> to vector<1xf32>
        %squeeze3A_2285 = vector.extract %slice3A_2284[0] : f32 from vector<1xf32>
        %broadcast_in_dim3A_2286 = vector.broadcast %squeeze3A_2285 : f32 to vector<16xf32>
        %get3A_2287 = arith.constant 3 : i32
        %get3A_2288 = arith.index_cast %get3A_2287 : i32 to index
        %get3A_2289 = arith.constant 0 : index
        %get3A_2290 = tpu.vector_load %arg19[%get3A_2288, %get3A_2289] {strides = array<i32>} : memref<13x32xf32, #tpu.memory_space<vmem>>, vector<1x16xf32>,
        %get3A_2291 = vector.shape_cast %get3A_2290 : vector<1x16xf32> to vector<16xf32>
        %mul3A_2292 = arith.mulf %get3A_2291, %broadcast_in_dim3A_2286 : vector<16xf32>
        %get3A_2293 = arith.constant 3 : i32
        %get3A_2294 = arith.index_cast %get3A_2293 : i32 to index
        %get3A_2295 = arith.constant 0 : index
        %get3A_2296 = tpu.vector_load %arg20[%get3A_2294, %get3A_2295] {strides = array<i32>} : memref<39x32xf32, #tpu.memory_space<vmem>>, vector<1x16xf32>,
        %get3A_2297 = vector.shape_cast %get3A_2296 : vector<1x16xf32> to vector<16xf32>
        %add3A_2298 = arith.addf %mul3A_2292, %get3A_2297 : vector<16xf32>
        %mul3A_2299 = arith.constant 39 : i32
        %mul3A_2300 = arith.muli %scan3A_672, %mul3A_2299 : i32
        %add3A_2301 = arith.constant 3 : i32
        %add3A_2302 = arith.addi %mul3A_2300, %add3A_2301 : i32
        %mul3A_2303 = arith.constant 32 : i32
        %mul3A_2304 = arith.muli %add3A_2302, %mul3A_2303 : i32
        %add3A_2305 = arith.constant 0 : i32
        %add3A_2306 = arith.addi %mul3A_2304, %add3A_2305 : i32
        %swap3A_2307 = arith.index_cast %add3A_2306 : i32 to index
        %swap3A_2308 = tpu.vector_load %arg18[%swap3A_2307] {strides = array<i32>} : memref<19968xf32, #tpu.memory_space<vmem>>, vector<16xf32>,
        %swap3A_2309 = vector.shape_cast %swap3A_2308 : vector<16xf32> to vector<16xf32>
        %swap3A_2310 = vector.shape_cast %add3A_2298 : vector<16xf32> to vector<16xf32>
        tpu.vector_store %arg18[%swap3A_2307], %swap3A_2310 {strides = array<i32>} : memref<19968xf32, #tpu.memory_space<vmem>>, vector<16xf32>,
        %get3A_2311 = arith.constant 3 : i32
        %get3A_2312 = arith.index_cast %get3A_2311 : i32 to index
        %get3A_2313 = arith.constant 16 : index
        %get3A_2314 = tpu.vector_load %arg19[%get3A_2312, %get3A_2313] {strides = array<i32>} : memref<13x32xf32, #tpu.memory_space<vmem>>, vector<1x16xf32>,
        %get3A_2315 = vector.shape_cast %get3A_2314 : vector<1x16xf32> to vector<16xf32>
        %mul3A_2316 = arith.mulf %get3A_2315, %broadcast_in_dim3A_2286 : vector<16xf32>
        %get3A_2317 = arith.constant 3 : i32
        %get3A_2318 = arith.index_cast %get3A_2317 : i32 to index
        %get3A_2319 = arith.constant 16 : index
        %get3A_2320 = tpu.vector_load %arg20[%get3A_2318, %get3A_2319] {strides = array<i32>} : memref<39x32xf32, #tpu.memory_space<vmem>>, vector<1x16xf32>,
        %get3A_2321 = vector.shape_cast %get3A_2320 : vector<1x16xf32> to vector<16xf32>
        %add3A_2322 = arith.addf %mul3A_2316, %get3A_2321 : vector<16xf32>
        %mul3A_2323 = arith.constant 39 : i32
        %mul3A_2324 = arith.muli %scan3A_672, %mul3A_2323 : i32
        %add3A_2325 = arith.constant 3 : i32
        %add3A_2326 = arith.addi %mul3A_2324, %add3A_2325 : i32
        %mul3A_2327 = arith.constant 32 : i32
        %mul3A_2328 = arith.muli %add3A_2326, %mul3A_2327 : i32
        %add3A_2329 = arith.constant 16 : i32
        %add3A_2330 = arith.addi %mul3A_2328, %add3A_2329 : i32
        %swap3A_2331 = arith.index_cast %add3A_2330 : i32 to index
        %swap3A_2332 = tpu.vector_load %arg18[%swap3A_2331] {strides = array<i32>} : memref<19968xf32, #tpu.memory_space<vmem>>, vector<16xf32>,
        %swap3A_2333 = vector.shape_cast %swap3A_2332 : vector<16xf32> to vector<16xf32>
        %swap3A_2334 = vector.shape_cast %add3A_2322 : vector<16xf32> to vector<16xf32>
        tpu.vector_store %arg18[%swap3A_2331], %swap3A_2334 {strides = array<i32>} : memref<19968xf32, #tpu.memory_space<vmem>>, vector<16xf32>,
        %slice3A_2335 = vector.extract_strided_slice %get3A_2133 {offsets = [4], sizes = [1], strides = [1]} : vector<16xf32> to vector<1xf32>
        %squeeze3A_2336 = vector.extract %slice3A_2335[0] : f32 from vector<1xf32>
        %broadcast_in_dim3A_2337 = vector.broadcast %squeeze3A_2336 : f32 to vector<16xf32>
        %get3A_2338 = arith.constant 4 : i32
        %get3A_2339 = arith.index_cast %get3A_2338 : i32 to index
        %get3A_2340 = arith.constant 0 : index
        %get3A_2341 = tpu.vector_load %arg19[%get3A_2339, %get3A_2340] {strides = array<i32>} : memref<13x32xf32, #tpu.memory_space<vmem>>, vector<1x16xf32>,
        %get3A_2342 = vector.shape_cast %get3A_2341 : vector<1x16xf32> to vector<16xf32>
        %mul3A_2343 = arith.mulf %get3A_2342, %broadcast_in_dim3A_2337 : vector<16xf32>
        %get3A_2344 = arith.constant 4 : i32
        %get3A_2345 = arith.index_cast %get3A_2344 : i32 to index
        %get3A_2346 = arith.constant 0 : index
        %get3A_2347 = tpu.vector_load %arg20[%get3A_2345, %get3A_2346] {strides = array<i32>} : memref<39x32xf32, #tpu.memory_space<vmem>>, vector<1x16xf32>,
        %get3A_2348 = vector.shape_cast %get3A_2347 : vector<1x16xf32> to vector<16xf32>
        %add3A_2349 = arith.addf %mul3A_2343, %get3A_2348 : vector<16xf32>
        %mul3A_2350 = arith.constant 39 : i32
        %mul3A_2351 = arith.muli %scan3A_672, %mul3A_2350 : i32
        %add3A_2352 = arith.constant 4 : i32
        %add3A_2353 = arith.addi %mul3A_2351, %add3A_2352 : i32
        %mul3A_2354 = arith.constant 32 : i32
        %mul3A_2355 = arith.muli %add3A_2353, %mul3A_2354 : i32
        %add3A_2356 = arith.constant 0 : i32
        %add3A_2357 = arith.addi %mul3A_2355, %add3A_2356 : i32
        %swap3A_2358 = arith.index_cast %add3A_2357 : i32 to index
        %swap3A_2359 = tpu.vector_load %arg18[%swap3A_2358] {strides = array<i32>} : memref<19968xf32, #tpu.memory_space<vmem>>, vector<16xf32>,
        %swap3A_2360 = vector.shape_cast %swap3A_2359 : vector<16xf32> to vector<16xf32>
        %swap3A_2361 = vector.shape_cast %add3A_2349 : vector<16xf32> to vector<16xf32>
        tpu.vector_store %arg18[%swap3A_2358], %swap3A_2361 {strides = array<i32>} : memref<19968xf32, #tpu.memory_space<vmem>>, vector<16xf32>,
        %get3A_2362 = arith.constant 4 : i32
        %get3A_2363 = arith.index_cast %get3A_2362 : i32 to index
        %get3A_2364 = arith.constant 16 : index
        %get3A_2365 = tpu.vector_load %arg19[%get3A_2363, %get3A_2364] {strides = array<i32>} : memref<13x32xf32, #tpu.memory_space<vmem>>, vector<1x16xf32>,
        %get3A_2366 = vector.shape_cast %get3A_2365 : vector<1x16xf32> to vector<16xf32>
        %mul3A_2367 = arith.mulf %get3A_2366, %broadcast_in_dim3A_2337 : vector<16xf32>
        %get3A_2368 = arith.constant 4 : i32
        %get3A_2369 = arith.index_cast %get3A_2368 : i32 to index
        %get3A_2370 = arith.constant 16 : index
        %get3A_2371 = tpu.vector_load %arg20[%get3A_2369, %get3A_2370] {strides = array<i32>} : memref<39x32xf32, #tpu.memory_space<vmem>>, vector<1x16xf32>,
        %get3A_2372 = vector.shape_cast %get3A_2371 : vector<1x16xf32> to vector<16xf32>
        %add3A_2373 = arith.addf %mul3A_2367, %get3A_2372 : vector<16xf32>
        %mul3A_2374 = arith.constant 39 : i32
        %mul3A_2375 = arith.muli %scan3A_672, %mul3A_2374 : i32
        %add3A_2376 = arith.constant 4 : i32
        %add3A_2377 = arith.addi %mul3A_2375, %add3A_2376 : i32
        %mul3A_2378 = arith.constant 32 : i32
        %mul3A_2379 = arith.muli %add3A_2377, %mul3A_2378 : i32
        %add3A_2380 = arith.constant 16 : i32
        %add3A_2381 = arith.addi %mul3A_2379, %add3A_2380 : i32
        %swap3A_2382 = arith.index_cast %add3A_2381 : i32 to index
        %swap3A_2383 = tpu.vector_load %arg18[%swap3A_2382] {strides = array<i32>} : memref<19968xf32, #tpu.memory_space<vmem>>, vector<16xf32>,
        %swap3A_2384 = vector.shape_cast %swap3A_2383 : vector<16xf32> to vector<16xf32>
        %swap3A_2385 = vector.shape_cast %add3A_2373 : vector<16xf32> to vector<16xf32>
        tpu.vector_store %arg18[%swap3A_2382], %swap3A_2385 {strides = array<i32>} : memref<19968xf32, #tpu.memory_space<vmem>>, vector<16xf32>,
        %slice3A_2386 = vector.extract_strided_slice %get3A_2133 {offsets = [5], sizes = [1], strides = [1]} : vector<16xf32> to vector<1xf32>
        %squeeze3A_2387 = vector.extract %slice3A_2386[0] : f32 from vector<1xf32>
        %broadcast_in_dim3A_2388 = vector.broadcast %squeeze3A_2387 : f32 to vector<16xf32>
        %get3A_2389 = arith.constant 5 : i32
        %get3A_2390 = arith.index_cast %get3A_2389 : i32 to index
        %get3A_2391 = arith.constant 0 : index
        %get3A_2392 = tpu.vector_load %arg19[%get3A_2390, %get3A_2391] {strides = array<i32>} : memref<13x32xf32, #tpu.memory_space<vmem>>, vector<1x16xf32>,
        %get3A_2393 = vector.shape_cast %get3A_2392 : vector<1x16xf32> to vector<16xf32>
        %mul3A_2394 = arith.mulf %get3A_2393, %broadcast_in_dim3A_2388 : vector<16xf32>
        %get3A_2395 = arith.constant 5 : i32
        %get3A_2396 = arith.index_cast %get3A_2395 : i32 to index
        %get3A_2397 = arith.constant 0 : index
        %get3A_2398 = tpu.vector_load %arg20[%get3A_2396, %get3A_2397] {strides = array<i32>} : memref<39x32xf32, #tpu.memory_space<vmem>>, vector<1x16xf32>,
        %get3A_2399 = vector.shape_cast %get3A_2398 : vector<1x16xf32> to vector<16xf32>
        %add3A_2400 = arith.addf %mul3A_2394, %get3A_2399 : vector<16xf32>
        %mul3A_2401 = arith.constant 39 : i32
        %mul3A_2402 = arith.muli %scan3A_672, %mul3A_2401 : i32
        %add3A_2403 = arith.constant 5 : i32
        %add3A_2404 = arith.addi %mul3A_2402, %add3A_2403 : i32
        %mul3A_2405 = arith.constant 32 : i32
        %mul3A_2406 = arith.muli %add3A_2404, %mul3A_2405 : i32
        %add3A_2407 = arith.constant 0 : i32
        %add3A_2408 = arith.addi %mul3A_2406, %add3A_2407 : i32
        %swap3A_2409 = arith.index_cast %add3A_2408 : i32 to index
        %swap3A_2410 = tpu.vector_load %arg18[%swap3A_2409] {strides = array<i32>} : memref<19968xf32, #tpu.memory_space<vmem>>, vector<16xf32>,
        %swap3A_2411 = vector.shape_cast %swap3A_2410 : vector<16xf32> to vector<16xf32>
        %swap3A_2412 = vector.shape_cast %add3A_2400 : vector<16xf32> to vector<16xf32>
        tpu.vector_store %arg18[%swap3A_2409], %swap3A_2412 {strides = array<i32>} : memref<19968xf32, #tpu.memory_space<vmem>>, vector<16xf32>,
        %get3A_2413 = arith.constant 5 : i32
        %get3A_2414 = arith.index_cast %get3A_2413 : i32 to index
        %get3A_2415 = arith.constant 16 : index
        %get3A_2416 = tpu.vector_load %arg19[%get3A_2414, %get3A_2415] {strides = array<i32>} : memref<13x32xf32, #tpu.memory_space<vmem>>, vector<1x16xf32>,
        %get3A_2417 = vector.shape_cast %get3A_2416 : vector<1x16xf32> to vector<16xf32>
        %mul3A_2418 = arith.mulf %get3A_2417, %broadcast_in_dim3A_2388 : vector<16xf32>
        %get3A_2419 = arith.constant 5 : i32
        %get3A_2420 = arith.index_cast %get3A_2419 : i32 to index
        %get3A_2421 = arith.constant 16 : index
        %get3A_2422 = tpu.vector_load %arg20[%get3A_2420, %get3A_2421] {strides = array<i32>} : memref<39x32xf32, #tpu.memory_space<vmem>>, vector<1x16xf32>,
        %get3A_2423 = vector.shape_cast %get3A_2422 : vector<1x16xf32> to vector<16xf32>
        %add3A_2424 = arith.addf %mul3A_2418, %get3A_2423 : vector<16xf32>
        %mul3A_2425 = arith.constant 39 : i32
        %mul3A_2426 = arith.muli %scan3A_672, %mul3A_2425 : i32
        %add3A_2427 = arith.constant 5 : i32
        %add3A_2428 = arith.addi %mul3A_2426, %add3A_2427 : i32
        %mul3A_2429 = arith.constant 32 : i32
        %mul3A_2430 = arith.muli %add3A_2428, %mul3A_2429 : i32
        %add3A_2431 = arith.constant 16 : i32
        %add3A_2432 = arith.addi %mul3A_2430, %add3A_2431 : i32
        %swap3A_2433 = arith.index_cast %add3A_2432 : i32 to index
        %swap3A_2434 = tpu.vector_load %arg18[%swap3A_2433] {strides = array<i32>} : memref<19968xf32, #tpu.memory_space<vmem>>, vector<16xf32>,
        %swap3A_2435 = vector.shape_cast %swap3A_2434 : vector<16xf32> to vector<16xf32>
        %swap3A_2436 = vector.shape_cast %add3A_2424 : vector<16xf32> to vector<16xf32>
        tpu.vector_store %arg18[%swap3A_2433], %swap3A_2436 {strides = array<i32>} : memref<19968xf32, #tpu.memory_space<vmem>>, vector<16xf32>,
        %slice3A_2437 = vector.extract_strided_slice %get3A_2133 {offsets = [6], sizes = [1], strides = [1]} : vector<16xf32> to vector<1xf32>
        %squeeze3A_2438 = vector.extract %slice3A_2437[0] : f32 from vector<1xf32>
        %broadcast_in_dim3A_2439 = vector.broadcast %squeeze3A_2438 : f32 to vector<16xf32>
        %get3A_2440 = arith.constant 6 : i32
        %get3A_2441 = arith.index_cast %get3A_2440 : i32 to index
        %get3A_2442 = arith.constant 0 : index
        %get3A_2443 = tpu.vector_load %arg19[%get3A_2441, %get3A_2442] {strides = array<i32>} : memref<13x32xf32, #tpu.memory_space<vmem>>, vector<1x16xf32>,
        %get3A_2444 = vector.shape_cast %get3A_2443 : vector<1x16xf32> to vector<16xf32>
        %mul3A_2445 = arith.mulf %get3A_2444, %broadcast_in_dim3A_2439 : vector<16xf32>
        %get3A_2446 = arith.constant 6 : i32
        %get3A_2447 = arith.index_cast %get3A_2446 : i32 to index
        %get3A_2448 = arith.constant 0 : index
        %get3A_2449 = tpu.vector_load %arg20[%get3A_2447, %get3A_2448] {strides = array<i32>} : memref<39x32xf32, #tpu.memory_space<vmem>>, vector<1x16xf32>,
        %get3A_2450 = vector.shape_cast %get3A_2449 : vector<1x16xf32> to vector<16xf32>
        %add3A_2451 = arith.addf %mul3A_2445, %get3A_2450 : vector<16xf32>
        %mul3A_2452 = arith.constant 39 : i32
        %mul3A_2453 = arith.muli %scan3A_672, %mul3A_2452 : i32
        %add3A_2454 = arith.constant 6 : i32
        %add3A_2455 = arith.addi %mul3A_2453, %add3A_2454 : i32
        %mul3A_2456 = arith.constant 32 : i32
        %mul3A_2457 = arith.muli %add3A_2455, %mul3A_2456 : i32
        %add3A_2458 = arith.constant 0 : i32
        %add3A_2459 = arith.addi %mul3A_2457, %add3A_2458 : i32
        %swap3A_2460 = arith.index_cast %add3A_2459 : i32 to index
        %swap3A_2461 = tpu.vector_load %arg18[%swap3A_2460] {strides = array<i32>} : memref<19968xf32, #tpu.memory_space<vmem>>, vector<16xf32>,
        %swap3A_2462 = vector.shape_cast %swap3A_2461 : vector<16xf32> to vector<16xf32>
        %swap3A_2463 = vector.shape_cast %add3A_2451 : vector<16xf32> to vector<16xf32>
        tpu.vector_store %arg18[%swap3A_2460], %swap3A_2463 {strides = array<i32>} : memref<19968xf32, #tpu.memory_space<vmem>>, vector<16xf32>,
        %get3A_2464 = arith.constant 6 : i32
        %get3A_2465 = arith.index_cast %get3A_2464 : i32 to index
        %get3A_2466 = arith.constant 16 : index
        %get3A_2467 = tpu.vector_load %arg19[%get3A_2465, %get3A_2466] {strides = array<i32>} : memref<13x32xf32, #tpu.memory_space<vmem>>, vector<1x16xf32>,
        %get3A_2468 = vector.shape_cast %get3A_2467 : vector<1x16xf32> to vector<16xf32>
        %mul3A_2469 = arith.mulf %get3A_2468, %broadcast_in_dim3A_2439 : vector<16xf32>
        %get3A_2470 = arith.constant 6 : i32
        %get3A_2471 = arith.index_cast %get3A_2470 : i32 to index
        %get3A_2472 = arith.constant 16 : index
        %get3A_2473 = tpu.vector_load %arg20[%get3A_2471, %get3A_2472] {strides = array<i32>} : memref<39x32xf32, #tpu.memory_space<vmem>>, vector<1x16xf32>,
        %get3A_2474 = vector.shape_cast %get3A_2473 : vector<1x16xf32> to vector<16xf32>
        %add3A_2475 = arith.addf %mul3A_2469, %get3A_2474 : vector<16xf32>
        %mul3A_2476 = arith.constant 39 : i32
        %mul3A_2477 = arith.muli %scan3A_672, %mul3A_2476 : i32
        %add3A_2478 = arith.constant 6 : i32
        %add3A_2479 = arith.addi %mul3A_2477, %add3A_2478 : i32
        %mul3A_2480 = arith.constant 32 : i32
        %mul3A_2481 = arith.muli %add3A_2479, %mul3A_2480 : i32
        %add3A_2482 = arith.constant 16 : i32
        %add3A_2483 = arith.addi %mul3A_2481, %add3A_2482 : i32
        %swap3A_2484 = arith.index_cast %add3A_2483 : i32 to index
        %swap3A_2485 = tpu.vector_load %arg18[%swap3A_2484] {strides = array<i32>} : memref<19968xf32, #tpu.memory_space<vmem>>, vector<16xf32>,
        %swap3A_2486 = vector.shape_cast %swap3A_2485 : vector<16xf32> to vector<16xf32>
        %swap3A_2487 = vector.shape_cast %add3A_2475 : vector<16xf32> to vector<16xf32>
        tpu.vector_store %arg18[%swap3A_2484], %swap3A_2487 {strides = array<i32>} : memref<19968xf32, #tpu.memory_space<vmem>>, vector<16xf32>,
        %slice3A_2488 = vector.extract_strided_slice %get3A_2133 {offsets = [7], sizes = [1], strides = [1]} : vector<16xf32> to vector<1xf32>
        %squeeze3A_2489 = vector.extract %slice3A_2488[0] : f32 from vector<1xf32>
        %broadcast_in_dim3A_2490 = vector.broadcast %squeeze3A_2489 : f32 to vector<16xf32>
        %get3A_2491 = arith.constant 7 : i32
        %get3A_2492 = arith.index_cast %get3A_2491 : i32 to index
        %get3A_2493 = arith.constant 0 : index
        %get3A_2494 = tpu.vector_load %arg19[%get3A_2492, %get3A_2493] {strides = array<i32>} : memref<13x32xf32, #tpu.memory_space<vmem>>, vector<1x16xf32>,
        %get3A_2495 = vector.shape_cast %get3A_2494 : vector<1x16xf32> to vector<16xf32>
        %mul3A_2496 = arith.mulf %get3A_2495, %broadcast_in_dim3A_2490 : vector<16xf32>
        %get3A_2497 = arith.constant 7 : i32
        %get3A_2498 = arith.index_cast %get3A_2497 : i32 to index
        %get3A_2499 = arith.constant 0 : index
        %get3A_2500 = tpu.vector_load %arg20[%get3A_2498, %get3A_2499] {strides = array<i32>} : memref<39x32xf32, #tpu.memory_space<vmem>>, vector<1x16xf32>,
        %get3A_2501 = vector.shape_cast %get3A_2500 : vector<1x16xf32> to vector<16xf32>
        %add3A_2502 = arith.addf %mul3A_2496, %get3A_2501 : vector<16xf32>
        %mul3A_2503 = arith.constant 39 : i32
        %mul3A_2504 = arith.muli %scan3A_672, %mul3A_2503 : i32
        %add3A_2505 = arith.constant 7 : i32
        %add3A_2506 = arith.addi %mul3A_2504, %add3A_2505 : i32
        %mul3A_2507 = arith.constant 32 : i32
        %mul3A_2508 = arith.muli %add3A_2506, %mul3A_2507 : i32
        %add3A_2509 = arith.constant 0 : i32
        %add3A_2510 = arith.addi %mul3A_2508, %add3A_2509 : i32
        %swap3A_2511 = arith.index_cast %add3A_2510 : i32 to index
        %swap3A_2512 = tpu.vector_load %arg18[%swap3A_2511] {strides = array<i32>} : memref<19968xf32, #tpu.memory_space<vmem>>, vector<16xf32>,
        %swap3A_2513 = vector.shape_cast %swap3A_2512 : vector<16xf32> to vector<16xf32>
        %swap3A_2514 = vector.shape_cast %add3A_2502 : vector<16xf32> to vector<16xf32>
        tpu.vector_store %arg18[%swap3A_2511], %swap3A_2514 {strides = array<i32>} : memref<19968xf32, #tpu.memory_space<vmem>>, vector<16xf32>,
        %get3A_2515 = arith.constant 7 : i32
        %get3A_2516 = arith.index_cast %get3A_2515 : i32 to index
        %get3A_2517 = arith.constant 16 : index
        %get3A_2518 = tpu.vector_load %arg19[%get3A_2516, %get3A_2517] {strides = array<i32>} : memref<13x32xf32, #tpu.memory_space<vmem>>, vector<1x16xf32>,
        %get3A_2519 = vector.shape_cast %get3A_2518 : vector<1x16xf32> to vector<16xf32>
        %mul3A_2520 = arith.mulf %get3A_2519, %broadcast_in_dim3A_2490 : vector<16xf32>
        %get3A_2521 = arith.constant 7 : i32
        %get3A_2522 = arith.index_cast %get3A_2521 : i32 to index
        %get3A_2523 = arith.constant 16 : index
        %get3A_2524 = tpu.vector_load %arg20[%get3A_2522, %get3A_2523] {strides = array<i32>} : memref<39x32xf32, #tpu.memory_space<vmem>>, vector<1x16xf32>,
        %get3A_2525 = vector.shape_cast %get3A_2524 : vector<1x16xf32> to vector<16xf32>
        %add3A_2526 = arith.addf %mul3A_2520, %get3A_2525 : vector<16xf32>
        %mul3A_2527 = arith.constant 39 : i32
        %mul3A_2528 = arith.muli %scan3A_672, %mul3A_2527 : i32
        %add3A_2529 = arith.constant 7 : i32
        %add3A_2530 = arith.addi %mul3A_2528, %add3A_2529 : i32
        %mul3A_2531 = arith.constant 32 : i32
        %mul3A_2532 = arith.muli %add3A_2530, %mul3A_2531 : i32
        %add3A_2533 = arith.constant 16 : i32
        %add3A_2534 = arith.addi %mul3A_2532, %add3A_2533 : i32
        %swap3A_2535 = arith.index_cast %add3A_2534 : i32 to index
        %swap3A_2536 = tpu.vector_load %arg18[%swap3A_2535] {strides = array<i32>} : memref<19968xf32, #tpu.memory_space<vmem>>, vector<16xf32>,
        %swap3A_2537 = vector.shape_cast %swap3A_2536 : vector<16xf32> to vector<16xf32>
        %swap3A_2538 = vector.shape_cast %add3A_2526 : vector<16xf32> to vector<16xf32>
        tpu.vector_store %arg18[%swap3A_2535], %swap3A_2538 {strides = array<i32>} : memref<19968xf32, #tpu.memory_space<vmem>>, vector<16xf32>,
        %slice3A_2539 = vector.extract_strided_slice %get3A_2133 {offsets = [8], sizes = [1], strides = [1]} : vector<16xf32> to vector<1xf32>
        %squeeze3A_2540 = vector.extract %slice3A_2539[0] : f32 from vector<1xf32>
        %broadcast_in_dim3A_2541 = vector.broadcast %squeeze3A_2540 : f32 to vector<16xf32>
        %get3A_2542 = arith.constant 8 : i32
        %get3A_2543 = arith.index_cast %get3A_2542 : i32 to index
        %get3A_2544 = arith.constant 0 : index
        %get3A_2545 = tpu.vector_load %arg19[%get3A_2543, %get3A_2544] {strides = array<i32>} : memref<13x32xf32, #tpu.memory_space<vmem>>, vector<1x16xf32>,
        %get3A_2546 = vector.shape_cast %get3A_2545 : vector<1x16xf32> to vector<16xf32>
        %mul3A_2547 = arith.mulf %get3A_2546, %broadcast_in_dim3A_2541 : vector<16xf32>
        %get3A_2548 = arith.constant 8 : i32
        %get3A_2549 = arith.index_cast %get3A_2548 : i32 to index
        %get3A_2550 = arith.constant 0 : index
        %get3A_2551 = tpu.vector_load %arg20[%get3A_2549, %get3A_2550] {strides = array<i32>} : memref<39x32xf32, #tpu.memory_space<vmem>>, vector<1x16xf32>,
        %get3A_2552 = vector.shape_cast %get3A_2551 : vector<1x16xf32> to vector<16xf32>
        %add3A_2553 = arith.addf %mul3A_2547, %get3A_2552 : vector<16xf32>
        %mul3A_2554 = arith.constant 39 : i32
        %mul3A_2555 = arith.muli %scan3A_672, %mul3A_2554 : i32
        %add3A_2556 = arith.constant 8 : i32
        %add3A_2557 = arith.addi %mul3A_2555, %add3A_2556 : i32
        %mul3A_2558 = arith.constant 32 : i32
        %mul3A_2559 = arith.muli %add3A_2557, %mul3A_2558 : i32
        %add3A_2560 = arith.constant 0 : i32
        %add3A_2561 = arith.addi %mul3A_2559, %add3A_2560 : i32
        %swap3A_2562 = arith.index_cast %add3A_2561 : i32 to index
        %swap3A_2563 = tpu.vector_load %arg18[%swap3A_2562] {strides = array<i32>} : memref<19968xf32, #tpu.memory_space<vmem>>, vector<16xf32>,
        %swap3A_2564 = vector.shape_cast %swap3A_2563 : vector<16xf32> to vector<16xf32>
        %swap3A_2565 = vector.shape_cast %add3A_2553 : vector<16xf32> to vector<16xf32>
        tpu.vector_store %arg18[%swap3A_2562], %swap3A_2565 {strides = array<i32>} : memref<19968xf32, #tpu.memory_space<vmem>>, vector<16xf32>,
        %get3A_2566 = arith.constant 8 : i32
        %get3A_2567 = arith.index_cast %get3A_2566 : i32 to index
        %get3A_2568 = arith.constant 16 : index
        %get3A_2569 = tpu.vector_load %arg19[%get3A_2567, %get3A_2568] {strides = array<i32>} : memref<13x32xf32, #tpu.memory_space<vmem>>, vector<1x16xf32>,
        %get3A_2570 = vector.shape_cast %get3A_2569 : vector<1x16xf32> to vector<16xf32>
        %mul3A_2571 = arith.mulf %get3A_2570, %broadcast_in_dim3A_2541 : vector<16xf32>
        %get3A_2572 = arith.constant 8 : i32
        %get3A_2573 = arith.index_cast %get3A_2572 : i32 to index
        %get3A_2574 = arith.constant 16 : index
        %get3A_2575 = tpu.vector_load %arg20[%get3A_2573, %get3A_2574] {strides = array<i32>} : memref<39x32xf32, #tpu.memory_space<vmem>>, vector<1x16xf32>,
        %get3A_2576 = vector.shape_cast %get3A_2575 : vector<1x16xf32> to vector<16xf32>
        %add3A_2577 = arith.addf %mul3A_2571, %get3A_2576 : vector<16xf32>
        %mul3A_2578 = arith.constant 39 : i32
        %mul3A_2579 = arith.muli %scan3A_672, %mul3A_2578 : i32
        %add3A_2580 = arith.constant 8 : i32
        %add3A_2581 = arith.addi %mul3A_2579, %add3A_2580 : i32
        %mul3A_2582 = arith.constant 32 : i32
        %mul3A_2583 = arith.muli %add3A_2581, %mul3A_2582 : i32
        %add3A_2584 = arith.constant 16 : i32
        %add3A_2585 = arith.addi %mul3A_2583, %add3A_2584 : i32
        %swap3A_2586 = arith.index_cast %add3A_2585 : i32 to index
        %swap3A_2587 = tpu.vector_load %arg18[%swap3A_2586] {strides = array<i32>} : memref<19968xf32, #tpu.memory_space<vmem>>, vector<16xf32>,
        %swap3A_2588 = vector.shape_cast %swap3A_2587 : vector<16xf32> to vector<16xf32>
        %swap3A_2589 = vector.shape_cast %add3A_2577 : vector<16xf32> to vector<16xf32>
        tpu.vector_store %arg18[%swap3A_2586], %swap3A_2589 {strides = array<i32>} : memref<19968xf32, #tpu.memory_space<vmem>>, vector<16xf32>,
        %slice3A_2590 = vector.extract_strided_slice %get3A_2133 {offsets = [9], sizes = [1], strides = [1]} : vector<16xf32> to vector<1xf32>
        %squeeze3A_2591 = vector.extract %slice3A_2590[0] : f32 from vector<1xf32>
        %broadcast_in_dim3A_2592 = vector.broadcast %squeeze3A_2591 : f32 to vector<16xf32>
        %get3A_2593 = arith.constant 9 : i32
        %get3A_2594 = arith.index_cast %get3A_2593 : i32 to index
        %get3A_2595 = arith.constant 0 : index
        %get3A_2596 = tpu.vector_load %arg19[%get3A_2594, %get3A_2595] {strides = array<i32>} : memref<13x32xf32, #tpu.memory_space<vmem>>, vector<1x16xf32>,
        %get3A_2597 = vector.shape_cast %get3A_2596 : vector<1x16xf32> to vector<16xf32>
        %mul3A_2598 = arith.mulf %get3A_2597, %broadcast_in_dim3A_2592 : vector<16xf32>
        %get3A_2599 = arith.constant 9 : i32
        %get3A_2600 = arith.index_cast %get3A_2599 : i32 to index
        %get3A_2601 = arith.constant 0 : index
        %get3A_2602 = tpu.vector_load %arg20[%get3A_2600, %get3A_2601] {strides = array<i32>} : memref<39x32xf32, #tpu.memory_space<vmem>>, vector<1x16xf32>,
        %get3A_2603 = vector.shape_cast %get3A_2602 : vector<1x16xf32> to vector<16xf32>
        %add3A_2604 = arith.addf %mul3A_2598, %get3A_2603 : vector<16xf32>
        %mul3A_2605 = arith.constant 39 : i32
        %mul3A_2606 = arith.muli %scan3A_672, %mul3A_2605 : i32
        %add3A_2607 = arith.constant 9 : i32
        %add3A_2608 = arith.addi %mul3A_2606, %add3A_2607 : i32
        %mul3A_2609 = arith.constant 32 : i32
        %mul3A_2610 = arith.muli %add3A_2608, %mul3A_2609 : i32
        %add3A_2611 = arith.constant 0 : i32
        %add3A_2612 = arith.addi %mul3A_2610, %add3A_2611 : i32
        %swap3A_2613 = arith.index_cast %add3A_2612 : i32 to index
        %swap3A_2614 = tpu.vector_load %arg18[%swap3A_2613] {strides = array<i32>} : memref<19968xf32, #tpu.memory_space<vmem>>, vector<16xf32>,
        %swap3A_2615 = vector.shape_cast %swap3A_2614 : vector<16xf32> to vector<16xf32>
        %swap3A_2616 = vector.shape_cast %add3A_2604 : vector<16xf32> to vector<16xf32>
        tpu.vector_store %arg18[%swap3A_2613], %swap3A_2616 {strides = array<i32>} : memref<19968xf32, #tpu.memory_space<vmem>>, vector<16xf32>,
        %get3A_2617 = arith.constant 9 : i32
        %get3A_2618 = arith.index_cast %get3A_2617 : i32 to index
        %get3A_2619 = arith.constant 16 : index
        %get3A_2620 = tpu.vector_load %arg19[%get3A_2618, %get3A_2619] {strides = array<i32>} : memref<13x32xf32, #tpu.memory_space<vmem>>, vector<1x16xf32>,
        %get3A_2621 = vector.shape_cast %get3A_2620 : vector<1x16xf32> to vector<16xf32>
        %mul3A_2622 = arith.mulf %get3A_2621, %broadcast_in_dim3A_2592 : vector<16xf32>
        %get3A_2623 = arith.constant 9 : i32
        %get3A_2624 = arith.index_cast %get3A_2623 : i32 to index
        %get3A_2625 = arith.constant 16 : index
        %get3A_2626 = tpu.vector_load %arg20[%get3A_2624, %get3A_2625] {strides = array<i32>} : memref<39x32xf32, #tpu.memory_space<vmem>>, vector<1x16xf32>,
        %get3A_2627 = vector.shape_cast %get3A_2626 : vector<1x16xf32> to vector<16xf32>
        %add3A_2628 = arith.addf %mul3A_2622, %get3A_2627 : vector<16xf32>
        %mul3A_2629 = arith.constant 39 : i32
        %mul3A_2630 = arith.muli %scan3A_672, %mul3A_2629 : i32
        %add3A_2631 = arith.constant 9 : i32
        %add3A_2632 = arith.addi %mul3A_2630, %add3A_2631 : i32
        %mul3A_2633 = arith.constant 32 : i32
        %mul3A_2634 = arith.muli %add3A_2632, %mul3A_2633 : i32
        %add3A_2635 = arith.constant 16 : i32
        %add3A_2636 = arith.addi %mul3A_2634, %add3A_2635 : i32
        %swap3A_2637 = arith.index_cast %add3A_2636 : i32 to index
        %swap3A_2638 = tpu.vector_load %arg18[%swap3A_2637] {strides = array<i32>} : memref<19968xf32, #tpu.memory_space<vmem>>, vector<16xf32>,
        %swap3A_2639 = vector.shape_cast %swap3A_2638 : vector<16xf32> to vector<16xf32>
        %swap3A_2640 = vector.shape_cast %add3A_2628 : vector<16xf32> to vector<16xf32>
        tpu.vector_store %arg18[%swap3A_2637], %swap3A_2640 {strides = array<i32>} : memref<19968xf32, #tpu.memory_space<vmem>>, vector<16xf32>,
        %slice3A_2641 = vector.extract_strided_slice %get3A_2133 {offsets = [10], sizes = [1], strides = [1]} : vector<16xf32> to vector<1xf32>
        %squeeze3A_2642 = vector.extract %slice3A_2641[0] : f32 from vector<1xf32>
        %broadcast_in_dim3A_2643 = vector.broadcast %squeeze3A_2642 : f32 to vector<16xf32>
        %get3A_2644 = arith.constant 10 : i32
        %get3A_2645 = arith.index_cast %get3A_2644 : i32 to index
        %get3A_2646 = arith.constant 0 : index
        %get3A_2647 = tpu.vector_load %arg19[%get3A_2645, %get3A_2646] {strides = array<i32>} : memref<13x32xf32, #tpu.memory_space<vmem>>, vector<1x16xf32>,
        %get3A_2648 = vector.shape_cast %get3A_2647 : vector<1x16xf32> to vector<16xf32>
        %mul3A_2649 = arith.mulf %get3A_2648, %broadcast_in_dim3A_2643 : vector<16xf32>
        %get3A_2650 = arith.constant 10 : i32
        %get3A_2651 = arith.index_cast %get3A_2650 : i32 to index
        %get3A_2652 = arith.constant 0 : index
        %get3A_2653 = tpu.vector_load %arg20[%get3A_2651, %get3A_2652] {strides = array<i32>} : memref<39x32xf32, #tpu.memory_space<vmem>>, vector<1x16xf32>,
        %get3A_2654 = vector.shape_cast %get3A_2653 : vector<1x16xf32> to vector<16xf32>
        %add3A_2655 = arith.addf %mul3A_2649, %get3A_2654 : vector<16xf32>
        %mul3A_2656 = arith.constant 39 : i32
        %mul3A_2657 = arith.muli %scan3A_672, %mul3A_2656 : i32
        %add3A_2658 = arith.constant 10 : i32
        %add3A_2659 = arith.addi %mul3A_2657, %add3A_2658 : i32
        %mul3A_2660 = arith.constant 32 : i32
        %mul3A_2661 = arith.muli %add3A_2659, %mul3A_2660 : i32
        %add3A_2662 = arith.constant 0 : i32
        %add3A_2663 = arith.addi %mul3A_2661, %add3A_2662 : i32
        %swap3A_2664 = arith.index_cast %add3A_2663 : i32 to index
        %swap3A_2665 = tpu.vector_load %arg18[%swap3A_2664] {strides = array<i32>} : memref<19968xf32, #tpu.memory_space<vmem>>, vector<16xf32>,
        %swap3A_2666 = vector.shape_cast %swap3A_2665 : vector<16xf32> to vector<16xf32>
        %swap3A_2667 = vector.shape_cast %add3A_2655 : vector<16xf32> to vector<16xf32>
        tpu.vector_store %arg18[%swap3A_2664], %swap3A_2667 {strides = array<i32>} : memref<19968xf32, #tpu.memory_space<vmem>>, vector<16xf32>,
        %get3A_2668 = arith.constant 10 : i32
        %get3A_2669 = arith.index_cast %get3A_2668 : i32 to index
        %get3A_2670 = arith.constant 16 : index
        %get3A_2671 = tpu.vector_load %arg19[%get3A_2669, %get3A_2670] {strides = array<i32>} : memref<13x32xf32, #tpu.memory_space<vmem>>, vector<1x16xf32>,
        %get3A_2672 = vector.shape_cast %get3A_2671 : vector<1x16xf32> to vector<16xf32>
        %mul3A_2673 = arith.mulf %get3A_2672, %broadcast_in_dim3A_2643 : vector<16xf32>
        %get3A_2674 = arith.constant 10 : i32
        %get3A_2675 = arith.index_cast %get3A_2674 : i32 to index
        %get3A_2676 = arith.constant 16 : index
        %get3A_2677 = tpu.vector_load %arg20[%get3A_2675, %get3A_2676] {strides = array<i32>} : memref<39x32xf32, #tpu.memory_space<vmem>>, vector<1x16xf32>,
        %get3A_2678 = vector.shape_cast %get3A_2677 : vector<1x16xf32> to vector<16xf32>
        %add3A_2679 = arith.addf %mul3A_2673, %get3A_2678 : vector<16xf32>
        %mul3A_2680 = arith.constant 39 : i32
        %mul3A_2681 = arith.muli %scan3A_672, %mul3A_2680 : i32
        %add3A_2682 = arith.constant 10 : i32
        %add3A_2683 = arith.addi %mul3A_2681, %add3A_2682 : i32
        %mul3A_2684 = arith.constant 32 : i32
        %mul3A_2685 = arith.muli %add3A_2683, %mul3A_2684 : i32
        %add3A_2686 = arith.constant 16 : i32
        %add3A_2687 = arith.addi %mul3A_2685, %add3A_2686 : i32
        %swap3A_2688 = arith.index_cast %add3A_2687 : i32 to index
        %swap3A_2689 = tpu.vector_load %arg18[%swap3A_2688] {strides = array<i32>} : memref<19968xf32, #tpu.memory_space<vmem>>, vector<16xf32>,
        %swap3A_2690 = vector.shape_cast %swap3A_2689 : vector<16xf32> to vector<16xf32>
        %swap3A_2691 = vector.shape_cast %add3A_2679 : vector<16xf32> to vector<16xf32>
        tpu.vector_store %arg18[%swap3A_2688], %swap3A_2691 {strides = array<i32>} : memref<19968xf32, #tpu.memory_space<vmem>>, vector<16xf32>,
        %slice3A_2692 = vector.extract_strided_slice %get3A_2133 {offsets = [11], sizes = [1], strides = [1]} : vector<16xf32> to vector<1xf32>
        %squeeze3A_2693 = vector.extract %slice3A_2692[0] : f32 from vector<1xf32>
        %broadcast_in_dim3A_2694 = vector.broadcast %squeeze3A_2693 : f32 to vector<16xf32>
        %get3A_2695 = arith.constant 11 : i32
        %get3A_2696 = arith.index_cast %get3A_2695 : i32 to index
        %get3A_2697 = arith.constant 0 : index
        %get3A_2698 = tpu.vector_load %arg19[%get3A_2696, %get3A_2697] {strides = array<i32>} : memref<13x32xf32, #tpu.memory_space<vmem>>, vector<1x16xf32>,
        %get3A_2699 = vector.shape_cast %get3A_2698 : vector<1x16xf32> to vector<16xf32>
        %mul3A_2700 = arith.mulf %get3A_2699, %broadcast_in_dim3A_2694 : vector<16xf32>
        %get3A_2701 = arith.constant 11 : i32
        %get3A_2702 = arith.index_cast %get3A_2701 : i32 to index
        %get3A_2703 = arith.constant 0 : index
        %get3A_2704 = tpu.vector_load %arg20[%get3A_2702, %get3A_2703] {strides = array<i32>} : memref<39x32xf32, #tpu.memory_space<vmem>>, vector<1x16xf32>,
        %get3A_2705 = vector.shape_cast %get3A_2704 : vector<1x16xf32> to vector<16xf32>
        %add3A_2706 = arith.addf %mul3A_2700, %get3A_2705 : vector<16xf32>
        %mul3A_2707 = arith.constant 39 : i32
        %mul3A_2708 = arith.muli %scan3A_672, %mul3A_2707 : i32
        %add3A_2709 = arith.constant 11 : i32
        %add3A_2710 = arith.addi %mul3A_2708, %add3A_2709 : i32
        %mul3A_2711 = arith.constant 32 : i32
        %mul3A_2712 = arith.muli %add3A_2710, %mul3A_2711 : i32
        %add3A_2713 = arith.constant 0 : i32
        %add3A_2714 = arith.addi %mul3A_2712, %add3A_2713 : i32
        %swap3A_2715 = arith.index_cast %add3A_2714 : i32 to index
        %swap3A_2716 = tpu.vector_load %arg18[%swap3A_2715] {strides = array<i32>} : memref<19968xf32, #tpu.memory_space<vmem>>, vector<16xf32>,
        %swap3A_2717 = vector.shape_cast %swap3A_2716 : vector<16xf32> to vector<16xf32>
        %swap3A_2718 = vector.shape_cast %add3A_2706 : vector<16xf32> to vector<16xf32>
        tpu.vector_store %arg18[%swap3A_2715], %swap3A_2718 {strides = array<i32>} : memref<19968xf32, #tpu.memory_space<vmem>>, vector<16xf32>,
        %get3A_2719 = arith.constant 11 : i32
        %get3A_2720 = arith.index_cast %get3A_2719 : i32 to index
        %get3A_2721 = arith.constant 16 : index
        %get3A_2722 = tpu.vector_load %arg19[%get3A_2720, %get3A_2721] {strides = array<i32>} : memref<13x32xf32, #tpu.memory_space<vmem>>, vector<1x16xf32>,
        %get3A_2723 = vector.shape_cast %get3A_2722 : vector<1x16xf32> to vector<16xf32>
        %mul3A_2724 = arith.mulf %get3A_2723, %broadcast_in_dim3A_2694 : vector<16xf32>
        %get3A_2725 = arith.constant 11 : i32
        %get3A_2726 = arith.index_cast %get3A_2725 : i32 to index
        %get3A_2727 = arith.constant 16 : index
        %get3A_2728 = tpu.vector_load %arg20[%get3A_2726, %get3A_2727] {strides = array<i32>} : memref<39x32xf32, #tpu.memory_space<vmem>>, vector<1x16xf32>,
        %get3A_2729 = vector.shape_cast %get3A_2728 : vector<1x16xf32> to vector<16xf32>
        %add3A_2730 = arith.addf %mul3A_2724, %get3A_2729 : vector<16xf32>
        %mul3A_2731 = arith.constant 39 : i32
        %mul3A_2732 = arith.muli %scan3A_672, %mul3A_2731 : i32
        %add3A_2733 = arith.constant 11 : i32
        %add3A_2734 = arith.addi %mul3A_2732, %add3A_2733 : i32
        %mul3A_2735 = arith.constant 32 : i32
        %mul3A_2736 = arith.muli %add3A_2734, %mul3A_2735 : i32
        %add3A_2737 = arith.constant 16 : i32
        %add3A_2738 = arith.addi %mul3A_2736, %add3A_2737 : i32
        %swap3A_2739 = arith.index_cast %add3A_2738 : i32 to index
        %swap3A_2740 = tpu.vector_load %arg18[%swap3A_2739] {strides = array<i32>} : memref<19968xf32, #tpu.memory_space<vmem>>, vector<16xf32>,
        %swap3A_2741 = vector.shape_cast %swap3A_2740 : vector<16xf32> to vector<16xf32>
        %swap3A_2742 = vector.shape_cast %add3A_2730 : vector<16xf32> to vector<16xf32>
        tpu.vector_store %arg18[%swap3A_2739], %swap3A_2742 {strides = array<i32>} : memref<19968xf32, #tpu.memory_space<vmem>>, vector<16xf32>,
        %slice3A_2743 = vector.extract_strided_slice %get3A_2133 {offsets = [12], sizes = [1], strides = [1]} : vector<16xf32> to vector<1xf32>
        %squeeze3A_2744 = vector.extract %slice3A_2743[0] : f32 from vector<1xf32>
        %broadcast_in_dim3A_2745 = vector.broadcast %squeeze3A_2744 : f32 to vector<16xf32>
        %get3A_2746 = arith.constant 12 : i32
        %get3A_2747 = arith.index_cast %get3A_2746 : i32 to index
        %get3A_2748 = arith.constant 0 : index
        %get3A_2749 = tpu.vector_load %arg19[%get3A_2747, %get3A_2748] {strides = array<i32>} : memref<13x32xf32, #tpu.memory_space<vmem>>, vector<1x16xf32>,
        %get3A_2750 = vector.shape_cast %get3A_2749 : vector<1x16xf32> to vector<16xf32>
        %mul3A_2751 = arith.mulf %get3A_2750, %broadcast_in_dim3A_2745 : vector<16xf32>
        %get3A_2752 = arith.constant 12 : i32
        %get3A_2753 = arith.index_cast %get3A_2752 : i32 to index
        %get3A_2754 = arith.constant 0 : index
        %get3A_2755 = tpu.vector_load %arg20[%get3A_2753, %get3A_2754] {strides = array<i32>} : memref<39x32xf32, #tpu.memory_space<vmem>>, vector<1x16xf32>,
        %get3A_2756 = vector.shape_cast %get3A_2755 : vector<1x16xf32> to vector<16xf32>
        %add3A_2757 = arith.addf %mul3A_2751, %get3A_2756 : vector<16xf32>
        %mul3A_2758 = arith.constant 39 : i32
        %mul3A_2759 = arith.muli %scan3A_672, %mul3A_2758 : i32
        %add3A_2760 = arith.constant 12 : i32
        %add3A_2761 = arith.addi %mul3A_2759, %add3A_2760 : i32
        %mul3A_2762 = arith.constant 32 : i32
        %mul3A_2763 = arith.muli %add3A_2761, %mul3A_2762 : i32
        %add3A_2764 = arith.constant 0 : i32
        %add3A_2765 = arith.addi %mul3A_2763, %add3A_2764 : i32
        %swap3A_2766 = arith.index_cast %add3A_2765 : i32 to index
        %swap3A_2767 = tpu.vector_load %arg18[%swap3A_2766] {strides = array<i32>} : memref<19968xf32, #tpu.memory_space<vmem>>, vector<16xf32>,
        %swap3A_2768 = vector.shape_cast %swap3A_2767 : vector<16xf32> to vector<16xf32>
        %swap3A_2769 = vector.shape_cast %add3A_2757 : vector<16xf32> to vector<16xf32>
        tpu.vector_store %arg18[%swap3A_2766], %swap3A_2769 {strides = array<i32>} : memref<19968xf32, #tpu.memory_space<vmem>>, vector<16xf32>,
        %get3A_2770 = arith.constant 12 : i32
        %get3A_2771 = arith.index_cast %get3A_2770 : i32 to index
        %get3A_2772 = arith.constant 16 : index
        %get3A_2773 = tpu.vector_load %arg19[%get3A_2771, %get3A_2772] {strides = array<i32>} : memref<13x32xf32, #tpu.memory_space<vmem>>, vector<1x16xf32>,
        %get3A_2774 = vector.shape_cast %get3A_2773 : vector<1x16xf32> to vector<16xf32>
        %mul3A_2775 = arith.mulf %get3A_2774, %broadcast_in_dim3A_2745 : vector<16xf32>
        %get3A_2776 = arith.constant 12 : i32
        %get3A_2777 = arith.index_cast %get3A_2776 : i32 to index
        %get3A_2778 = arith.constant 16 : index
        %get3A_2779 = tpu.vector_load %arg20[%get3A_2777, %get3A_2778] {strides = array<i32>} : memref<39x32xf32, #tpu.memory_space<vmem>>, vector<1x16xf32>,
        %get3A_2780 = vector.shape_cast %get3A_2779 : vector<1x16xf32> to vector<16xf32>
        %add3A_2781 = arith.addf %mul3A_2775, %get3A_2780 : vector<16xf32>
        %mul3A_2782 = arith.constant 39 : i32
        %mul3A_2783 = arith.muli %scan3A_672, %mul3A_2782 : i32
        %add3A_2784 = arith.constant 12 : i32
        %add3A_2785 = arith.addi %mul3A_2783, %add3A_2784 : i32
        %mul3A_2786 = arith.constant 32 : i32
        %mul3A_2787 = arith.muli %add3A_2785, %mul3A_2786 : i32
        %add3A_2788 = arith.constant 16 : i32
        %add3A_2789 = arith.addi %mul3A_2787, %add3A_2788 : i32
        %swap3A_2790 = arith.index_cast %add3A_2789 : i32 to index
        %swap3A_2791 = tpu.vector_load %arg18[%swap3A_2790] {strides = array<i32>} : memref<19968xf32, #tpu.memory_space<vmem>>, vector<16xf32>,
        %swap3A_2792 = vector.shape_cast %swap3A_2791 : vector<16xf32> to vector<16xf32>
        %swap3A_2793 = vector.shape_cast %add3A_2781 : vector<16xf32> to vector<16xf32>
        tpu.vector_store %arg18[%swap3A_2790], %swap3A_2793 {strides = array<i32>} : memref<19968xf32, #tpu.memory_space<vmem>>, vector<16xf32>,
      }
      %scan3A_665 = arith.constant 16 : i32
      %mul3A_666 = arith.constant 39 : i32
      %mul3A_667 = arith.muli %multiple_of3A_650, %mul3A_666 : i32
      %mul3A_668 = arith.constant 32 : i32
      %mul3A_669 = arith.muli %mul3A_667, %mul3A_668 : i32
      %dma_start3A_670 = tpu.memref_slice %arg8[%mul3A_669] : memref<20447232xf32, #tpu.memory_space<hbm>> -> memref<19968xf32, #tpu.memory_space<hbm>>
      %dma_start3A_671 = tpu.memref_slice %arg8[%mul3A_669] : memref<20447232xf32, #tpu.memory_space<hbm>> -> memref<19968xf32, #tpu.memory_space<hbm>>
      tpu.enqueue_dma source(%arg18 : memref<19968xf32, #tpu.memory_space<vmem>>) target(%dma_start3A_671 : memref<19968xf32, #tpu.memory_space<hbm>>) target_semaphore(%arg25 : memref<!tpu.dma_semaphore, #tpu.memory_space<semaphore_mem>>)
    }
    %scan3A_299 = arith.constant 16 : i32
    %dma_wait3A = arith.constant 0 : i32
    %dma_wait3A_300 = tpu.memref_slice %arg8[%dma_wait3A] : memref<20447232xf32, #tpu.memory_space<hbm>> -> memref<19968xf32, #tpu.memory_space<hbm>>
    %dma_wait3A_301 = arith.constant 0 : i32
    %dma_wait3A_302 = tpu.memref_slice %arg8[%dma_wait3A_301] : memref<20447232xf32, #tpu.memory_space<hbm>> -> memref<19968xf32, #tpu.memory_space<hbm>>
    tpu.wait_dma2 semaphore(%arg24 : memref<!tpu.dma_semaphore, #tpu.memory_space<semaphore_mem>>) src(%arg17 : memref<19968xf32, #tpu.memory_space<vmem>>) dst(%dma_wait3A_302 : memref<19968xf32, #tpu.memory_space<hbm>>)
    %dma_wait3A_303 = arith.constant 0 : i32
    %dma_wait3A_304 = tpu.memref_slice %arg8[%dma_wait3A_303] : memref<20447232xf32, #tpu.memory_space<hbm>> -> memref<19968xf32, #tpu.memory_space<hbm>>
    %dma_wait3A_305 = arith.constant 0 : i32
    %dma_wait3A_306 = tpu.memref_slice %arg8[%dma_wait3A_305] : memref<20447232xf32, #tpu.memory_space<hbm>> -> memref<19968xf32, #tpu.memory_space<hbm>>
    tpu.wait_dma2 semaphore(%arg25 : memref<!tpu.dma_semaphore, #tpu.memory_space<semaphore_mem>>) src(%arg18 : memref<19968xf32, #tpu.memory_space<vmem>>) dst(%dma_wait3A_306 : memref<19968xf32, #tpu.memory_space<hbm>>)
    return
  }
}

</mosaic_0001>

<sc_bundles>
// kernel: _tokenizer.3.cloned.1.call-start
scs
__scs_entry_jumppad:
0x0: {  	(pc) =	sbr.rel $0x88, $3  }
0x1: {  	(tag) =	ssettag $0x0;
	lr =	simm.s32 $0x1  }
0x2: {  	[smem:$0x3F9B] =	sst lr;
	_ =	strace $0xD0000000  }
0x3: {  	_ = 	snop  }
0x4: {  	_ = 	snop  }
0x5: {  	_ = 	snop  }
0x6: {  	_ = 	snop  }
0x7: {  	_ = 	snop  }
__scs_overlays_trampoline_lowered:
0x8: {  	[smem:$0x3FAA] =	sst s0  }
0x9: {  	[smem:$0x3FAB] =	sst s1  }
0xa: {  	[smem:$0x3FAC] =	sst s2  }
0xb: {  	[smem:$0x3FAD] =	sst s3  }
0xc: {  	[smem:$0x3FAE] =	sst s4  }
0xd: {  	[smem:$0x3FAF] =	sst s5  }
0xe: {  	[smem:$0x3FB0] =	sst s6  }
0xf: {  	[smem:$0x3FB1] =	sst s7  }
0x10: {  	[smem:$0x3FB2] =	sst s8  }
0x11: {  	[smem:$0x3FB3] =	sst s9;
	s0 =	simm.s32 @!p0 $0x0  }
0x12: {  	s1 =	sld [smem:$0x3F99];
	s0 =	simm.s32 @p0 $0x1  }
0x13: {  	[smem:$0x3FB4] =	sst s0;
	s0 =	simm.s32 @!p1 $0x0  }
0x14: {  	s2 =	sld [smem:$0x3F98];
	s0 =	simm.s32 @p1 $0x1  }
0x15: {  	[smem:$0x3FB5] =	sst s0;
	s0 =	simm.s32 @!p2 $0x0  }
0x16: {  	s3 =	sld [smem:$0x3FDB];
	s0 =	simm.s32 @p2 $0x1  }
0x17: {  	s4 =	simm.s32 $0x1BF5;
	[smem:$0x3FB7] =	sst s0  }
0x18: {  	s0 =	sld [smem:$0x3F9A];
	_ =	swait.ge [sflag:s4], $0x0  }
0x19: {  	s7 =	sld [smem:$0x3F9B]  }
0x1a: {  	s8 =	sadd.s32 $0xFFFFE003, lr  }
0x1b: {  	s9 =	sadd.s32 $0xFFFFFEF7, lr;
	s5 =	simm.s32 $0xFFFFFFFF;
	p2 =	slt.u32 s8, $0xFFFFF086  }
0x1c: {  	p1 =	slt.u32 s9, $0xF7A;
	s5 =	simm.s32 @!p2 $0x0  }
0x1d: {  	s5 =	simm.s32 @p1 $0x1;
	p0 =	seq.s32 s7, s2  }
0x1e: {  	s7 =	smul.u32 @!p0 $0xF7A, s2;
	p2 =	seq.s32 @!p0 s5, $0x0  }
0x1f: {  	s9 =	smul.u32 $0xF7A, s1;
	s8 =	simm.s32 @!p0 $0x1BF5;
	p2 =	por !p2, p0  }
0x20: {  	[sflag:s8] =	ssyncset.s32 @!p0 $0xFFFFF086;
	s6 =	sadd.s32 @!p0 s3, s7;
	s7 =	simm.s32 @!p0 $0x108  }
0x21: {  	s3 =	sadd.s32 s3, s9;
	s6 =	sadd.s32 @!p0 $0x88, s6;
	s7 =	simm.s32 @p2 $0x1082  }
0x22: {  	[simem:s7], [sflag:s8] =	dma.local @!p0 [hbm:s6], $0xF7A  }
0x23: {  	s9 =	sor.u32 $0xD0000000, s2;
	s6 =	simm.s32 $0x108;
	_ =	swait.ge @!p0 [sflag:s8], $0x0  }
0x24: {  	s3 =	sadd.s32 $0x88, s3;
	s6 =	simm.s32 @!p1 $0x1082;
	[sflag:s4] =	ssyncset.s32 $0xFFFFF086  }
0x25: {  	[simem:s6], [sflag:s4] =	dma.local [hbm:s3], $0xF7A  }
0x26: {  	[smem:$0x3F9B] =	sst s1;
	(tag) =	ssettag s2;
	_ =	strace s9  }
0x27: {  	s1 =	sld [smem:$0x3FAB]  }
0x28: {  	s2 =	sld [smem:$0x3FAC]  }
0x29: {  	s4 =	sld [smem:$0x3FAE]  }
0x2a: {  	p0 =	seq.s32 s5, $0x0;
	s5 =	sld [smem:$0x3FAF]  }
0x2b: {  	s6 =	sld [smem:$0x3FB0]  }
0x2c: {  	s7 =	sld [smem:$0x3FB1]  }
0x2d: {  	s3 =	simm.s32 $0x108;
	s8 =	sld [smem:$0x3FB2]  }
0x2e: {  	s3 =	simm.s32 @!p0 $0x1082;
	s9 =	sld [smem:$0x3FB3]  }
0x2f: {  	lr =	sadd.s32 s0, s3;
	s0 =	sld [smem:$0x3FAA]  }
0x30: {  	s3 =	sld [smem:$0x3FAD]  }
0x31: {  	[smem:$0x3FB6] =	sst s10  }
0x32: {  	s10 =	sld [smem:$0x3FB4];
	_ =	sdelay $0x3  }
0x33: {  	p0 =	seq.s32 s10, $0x1;
	s10 =	sld [smem:$0x3FB6];
	_ =	sdelay $0x3  }
0x34: {  	[smem:$0x3FB6] =	sst s10  }
0x35: {  	s10 =	sld [smem:$0x3FB5];
	_ =	sdelay $0x3  }
0x36: {  	p1 =	seq.s32 s10, $0x1;
	s10 =	sld [smem:$0x3FB6];
	_ =	sdelay $0x3  }
0x37: {  	[smem:$0x3FB6] =	sst s10  }
0x38: {  	s10 =	sld [smem:$0x3FB7]  }
0x39: {  	_ = 	snop;
	(pc) =	sbr.ind lr, $3  }
0x3a: {  	_ = 	snop  }
0x3b: {  	_ = 	snop  }
0x3c: {  	p2 =	seq.s32 s10, $0x1;
	s10 =	sld [smem:$0x3FB6]  }
0x3d: {  	_ =	shalt  }
0x3e: {  	_ =	shalt  }
0x3f: {  	_ =	shalt  }
0x40: {  	_ =	shalt  }
0x41: {  	_ =	shalt  }
0x42: {  	_ =	shalt  }
0x43: {  	_ =	shalt  }
0x44: {  	_ =	shalt  }
0x45: {  	_ =	shalt  }
0x46: {  	_ =	shalt  }
0x47: {  	_ =	shalt  }
0x48: {  	_ =	shalt  }
0x49: {  	_ =	shalt  }
0x4a: {  	_ =	shalt  }
0x4b: {  	_ =	shalt  }
0x4c: {  	_ =	shalt  }
0x4d: {  	_ =	shalt  }
0x4e: {  	_ =	shalt  }
0x4f: {  	_ =	shalt  }
0x50: {  	_ =	shalt  }
0x51: {  	_ =	shalt  }
0x52: {  	_ =	shalt  }
0x53: {  	_ =	shalt  }
0x54: {  	_ =	shalt  }
0x55: {  	_ =	shalt  }
0x56: {  	_ =	shalt  }
0x57: {  	_ =	shalt  }
0x58: {  	_ =	shalt  }
0x59: {  	_ =	shalt  }
0x5a: {  	_ =	shalt  }
0x5b: {  	_ =	shalt  }
0x5c: {  	_ =	shalt  }
0x5d: {  	_ =	shalt  }
0x5e: {  	_ =	shalt  }
0x5f: {  	_ =	shalt  }
0x60: {  	_ =	shalt  }
0x61: {  	_ =	shalt  }
0x62: {  	_ =	shalt  }
0x63: {  	_ =	shalt  }
0x64: {  	_ =	shalt  }
0x65: {  	_ =	shalt  }
0x66: {  	_ =	shalt  }
0x67: {  	_ =	shalt  }
0x68: {  	_ =	shalt  }
0x69: {  	_ =	shalt  }
0x6a: {  	_ =	shalt  }
0x6b: {  	_ =	shalt  }
0x6c: {  	_ =	shalt  }
0x6d: {  	_ =	shalt  }
0x6e: {  	_ =	shalt  }
0x6f: {  	_ =	shalt  }
0x70: {  	_ =	shalt  }
0x71: {  	_ =	shalt  }
0x72: {  	_ =	shalt  }
0x73: {  	_ =	shalt  }
0x74: {  	_ =	shalt  }
0x75: {  	_ =	shalt  }
0x76: {  	_ =	shalt  }
0x77: {  	_ =	shalt  }
0x78: {  	_ =	shalt  }
0x79: {  	_ =	shalt  }
0x7a: {  	_ =	shalt  }
0x7b: {  	_ =	shalt  }
0x7c: {  	_ =	shalt  }
0x7d: {  	_ =	shalt  }
0x7e: {  	_ =	shalt  }
0x7f: {  	_ =	shalt  }
0x80: {  	_ =	shalt  }
0x81: {  	_ =	shalt  }
0x82: {  	_ =	shalt  }
0x83: {  	_ =	shalt  }
0x84: {  	_ =	shalt  }
0x85: {  	_ =	shalt  }
0x86: {  	_ =	shalt  }
0x87: {  	_ =	shalt  }
.Lfunc_end0:
.L_simem_size_0:
called_computation.1_lowered:
.L_overlay_start_0:
0x88: {  	s2 =	sld [smem:$0x3FD9]  }
0x89: {  	s3 =	sld [smem:$0x3FFE];
	_ =	sdelay $0x1  }
0x8a: {  	s1 =	srdreg.scid  }
0x8b: {  	s0 =	sand.u32 $0x1, s1  }
0x8c: {  	s17 =	sshll.u32 s0, $0xA;
	s2 =	sadd.s32 s3, s2  }
0x8d: {  	s2 =	sadd.s32 s2, s17  }
0x8e: {  	[smem:$0x3FC2] =	sst s2  }
0x8f: {  	_ = 	snop  }
0x90: {  	s2 =	sld [smem:$0x3FC8]  }
0x91: {  	s18 =	sld [smem:$0x3FC7]  }
0x92: {  	s4 =	sld [smem:$0x3FC4]  }
0x93: {  	s5 =	sld [smem:$0x3FD0];
	(tm) =	ssettm $0x1  }
0x94: {  	s6 =	sld [smem:$0x3FFB];
	_ =	sdelay $0x3  }
0x95: {  	_ =	strace s6  }
0x96: {  	s6 =	sld [smem:$0x3FFC];
	_ =	sdelay $0x3  }
0x97: {  	_ =	strace s6  }
0x98: {  	s6 =	sld [smem:$0x3FFD];
	_ =	sdelay $0x3  }
0x99: {  	_ =	strace s6  }
0x9a: {  	_ =	strace $0x8FFFFFFF  }
0x9b: {  	s19 =	sld [smem:$0x3FDB];
	_ =	sdelay $0x1  }
0x9c: {  	s7 =	simm.s32 $_scs_section_size  }
0x9d: {  	s8 =	simm.s32 $_size__tile_overlayer_lowered;
	s9 =	simm.s32 $_tile_overlayer_lowered  }
0x9e: {  	s22 =	simm.s32 $0x1BFF;
	s21 =	sshll.u32 s9, $0x1;
	s6 =	sadd.s32 s7, s19  }
0x9f: {  	s10 =	simm.s32 $0x0;
	s20 =	sshll.u32 s8, $0x1;
	s8 =	sadd.s32 s21, s6  }
0xa0: {  	[timem:s10], [sflag:s22] =	dma.local [hbm:s8], s20  }
0xa1: {  	_ =	swait.ge [sflag:s22], s20  }
0xa2: {  	s7 =	ssub.s32 $0x0, s20;
	[sflag:s22] =	ssyncset.done $0x0  }
0xa3: {  	[sflag:s22] =	ssyncadd.s32 s7;
	_ =	sdelay $0x1  }
0xa4: {  	s23 =	simm.s32 $0x1B8B  }
0xa5: {  	_ =	swait.ge [sflag:s23], $0x1  }
0xa6: {  	[sflag:s23] =	ssyncset.done $0x0  }
0xa7: {  	s25 =	simm.s32 $0x1B8E;
	s24 =	sld [smem:$0x3FFE];
	[sflag:s23] =	ssyncadd.s32 $0xFFFFFFFF  }
0xa8: {  	s26 =	simm.s32 $execute0_lowered;
	[smem:$0x3FD2] =	sst s25  }
0xa9: {  	s8 =	sshll.u32 s26, $0x1;
	_ =	strace $0x80000046;
	[dreg:$0x1] =	wrdreg $0xFFFFFFFF  }
0xaa: {  	s28 =	simm.s32 $_size_execute0_lowered;
	s6 =	sadd.s32 s6, s8;
	[dreg:$0x0] =	wrdreg $0x0  }
0xab: {  	s8 =	sshll.u32 s28, $0x1;
	[dreg:$0x2] =	wrdreg s6  }
0xac: {  	[dreg:$0x3] =	wrdreg s8  }
0xad: {  	[dreg:$0x4] =	wrdreg $0xC0  }
0xae: {  	_ =	task [dreg:s10], $0x5FFFF  }
0xaf: {  	[dreg:$0x1] =	wrdreg $0xFFFFFFFF  }
0xb0: {  	[dreg:$0x0] =	wrdreg $0x60  }
0xb1: {  	[dreg:$0x2] =	wrdreg s24  }
0xb2: {  	[dreg:$0x3] =	wrdreg s2  }
0xb3: {  	[dreg:$0x4] =	wrdreg s18  }
0xb4: {  	[dreg:$0x5] =	wrdreg s4  }
0xb5: {  	[dreg:$0x6] =	wrdreg s5  }
0xb6: {  	[dreg:$0x7] =	wrdreg $0x9  }
0xb7: {  	_ =	task.clear_ibuf [dreg:s10], $0x8FFFF;
	_ =	strace $0x90000046  }
0xb8: {  	s29 =	simm.s32 $0x9;
	_ =	strace $0x80000048  }
0xb9: {  	_ =	swait.ge [sflag:s29], $0x1  }
0xba: {  	[sflag:s29] =	ssyncadd.s32 $0xFFFFFFFF  }
0xbb: {  	_ =	strace $0x90000048  }
0xbc: {  	_ =	sfence  }
0xbd: {  	s30 =	sld [smem:$0x0];
	_ =	sdelay $0x2  }
0xbe: {  	s31 =	sshll.u32 s1, $0xD;
	s1 =	sshrl.u32 s1, $0x2  }
0xbf: {  	s3 =	sand.u32 $0x4000, s31;
	s1 =	sadd.s32 s1, s30  }
0xc0: {  	s0 =	sor.u32 s3, s0;
	s1 =	sshll.u32 s1, $0x11  }
0xc1: {  	s0 =	sor.u32 s1, s0  }
0xc2: {  	s0 =	sadd.s32 $0x8F2B, s0  }
0xc3: {  	[sflag:s0] =	ssyncadd.remote.s32 $0x1  }
0xc4: {  	_ =	sfence.sel $0xFFFF  }
0xc5: {  	[dreg:$0x0] =	wrdreg $0xFFFFFFFF;
	(pc) =	sbr.abs _section_cstart, $3  }
0xc6: {  	[dreg:$0x1] =	wrdreg $0xFFFFFFFF  }
0xc7: {  	_ =	task.clear_ibuf [dreg:s10], $0x2FFFF;
	_ =	strace $0x9FFFFFFF  }
0xc8: {  	(tm) =	ssettm $0x7FFFFFFF  }
0xc9: {  	_ =	shalt  }
tec
execute0_lowered:
.L_overlay_start_1:
0x0: {  	(tag) =	ssettag $0x1  }
0x1: {  	s0 =	rddreg [dreg:$0x0]  }
0x2: {  	s1 =	rddreg [dreg:$0x1]  }
0x3: {  	s2 =	rddreg [dreg:$0x2]  }
0x4: {  	s5 =	rddreg [dreg:$0x4];
	s3 =	srdreg.scid  }
0x5: {  	s4 =	stileid.u32;
	s6 =	simm.s32 $0x0;
	s17 =	simm.s32 $0x5  }
0x6: {  	s20 =	simm.s32 $0x6E80;
	s21 =	simm.s32 $0x1A0;
	s22 =	simm.s32 $0x340  }
0x7: {  	s28 =	simm.s32 $0x1;
	s29 =	simm.s32 $0x7080;
	s30 =	simm.s32 $0x2  }
0x8: {  	s31 =	simm.s32 $0x4;
	s3 =	sand.u32 $0x1, s3;
	s4 =	sshll.u32 s4, $0xA  }
0x9: {  	[smem:$0x7FF] =	sst s6;
	s8 =	sadd.s32 $0x27AD000, s0;
	s9 =	sadd.s32 $0xE00, s0  }
0xa: {  	s0 =	sadd.s32 $0xC00, s0;
	s7 =	sshll.u32 s3, $0x9;
	_ =	strace $0x80000047  }
0xb: {  	[dreg:$0x6] =	wrdreg s9;
	s23 =	ssub.s32 $0x2, s3;
	s7 =	sor.u32 s7, s4  }
0xc: {  	[dreg:$0x7] =	wrdreg s0;
	s3 =	sshrl.u32 s23, $0x1;
	s4 =	smul.u32 $0x1A, s7  }
0xd: {  	s24 =	sshll.u32 s7, $0x1;
	s0 =	ssub.s32 s23, s3;
	s13 =	sor.u32 $0x20, s7  }
0xe: {  	s15 =	sor.u32 $0x10, s7;
	s23 =	simm.s32 $0x680;
	s26 =	sadd.s32 s2, s24  }
0xf: {  	s3 =	simm.s32 $0x3;
	s0 =	smax.u32 s0, $0x1;
	[dreg:$0x9] =	wrdreg s26  }
0x10: {  	s24 =	simm.s32 $0x6F80;
	s4 =	sshrl.u32 s4, $0x3;
	[dreg:$0xa] =	wrdreg s0  }
0x11: {  	s26 =	simm.s32 $0x3A80;
	s0 =	simm.s32 $0xBE80;
	s25 =	sadd.s32 s1, s4  }
0x12: {  	s4 =	simm.s32 $0x0;
	[dreg:$0x8] =	wrdreg s25;
	s25 =	simm.s32 $0x4E0  }
.LBB2_1:
0x13: {  	s9 =	rddreg [dreg:$0x6];
	s10 =	simm.s32 $0x10C80  }
0x14: {  	[tilespmem:s10], [sflag:$0x5] =	stream.linear.gather [hbm4b:s9+s6], $0x1A0, $0x38;
	[tilespmem:$0x113D0] =	vst v63  }
0x15: {  	_ =	swait.ge [sflag:s17], $0x1A0  }
0x16: {  	[sflag:s17] =	ssyncset.done $0x0  }
0x17: {  	s12 =	simm.s32 $0x10E20;
	s11 =	rddreg [dreg:$0x7];
	[sflag:s17] =	ssyncadd.s32 $0xFFFFFE60  }
0x18: {  	[tilespmem:s12], [sflag:$0x5] =	stream.linear.gather [hbm4b:s11+s6], $0x4E0, $0x38;
	[tilespmem:$0x113D0] =	vst v63  }
0x19: {  	_ =	swait.ge [sflag:s17], $0x4E0  }
0x1a: {  	[sflag:s17] =	ssyncset.done $0x0  }
0x1b: {  	[sflag:s17] =	ssyncadd.s32 $0xFFFFFB20  }
0x1c: {  	s16 =	simm.s32 $0x11300;
	s14 =	rddreg [dreg:$0x3]  }
0x1d: {  	[tilespmem:s16], [sflag:$0x5] =	stream.linear.gather [hbm4b:s14+s6], $0xD0, $0x38;
	[tilespmem:$0x113D0] =	vst v63  }
0x1e: {  	_ =	swait.ge [sflag:s17], $0xD0  }
0x1f: {  	[sflag:s17] =	ssyncset.done $0x0  }
0x20: {  	s18 =	rddreg [dreg:$0x8];
	[sflag:s17] =	ssyncadd.s32 $0xFFFFFF30  }
0x21: {  	[tilespmem:s6], [sflag:$0x5] =	stream.linear.gather [hbm4b:s18+s6], $0x1A0, $0x38;
	[tilespmem:$0x113D0] =	vst v63  }
0x22: {  	_ =	swait.ge [sflag:s17], $0x1A0  }
0x23: {  	[sflag:s17] =	ssyncset.done $0x0  }
0x24: {  	s19 =	rddreg [dreg:$0x9];
	[sflag:s17] =	ssyncadd.s32 $0xFFFFFE60  }
0x25: {  	[tilespmem:s20], [sflag:$0x5] =	stream.linear.gather [hbm4b:s19+s6], $0x100, $0x38;
	[tilespmem:$0x113D0] =	vst v63  }
0x26: {  	_ =	swait.ge [sflag:s17], $0x100  }
0x27: {  	[sflag:s17] =	ssyncset.done $0x0  }
0x28: {  	[sflag:s17] =	ssyncadd.s32 $0xFFFFFF00  }
0x29: {  	v0 =	vld [tilespmem:$0x0]  }
0x2a: {  	v1 =	vld [tilespmem:$0x11300]  }
0x2b: {  	v2 =	vld [tilespmem:$0x10]  }
0x2c: {  	v3 =	vld [tilespmem:$0x11310]  }
0x2d: {  	v4 =	vld [tilespmem:$0x20]  }
0x2e: {  	v5 =	vld [tilespmem:$0x11320]  }
0x2f: {  	v6 =	vld [tilespmem:$0x30]  }
0x30: {  	v7 =	vld [tilespmem:$0x11330]  }
0x31: {  	v8 =	vld [tilespmem:$0x40]  }
0x32: {  	v9 =	vld [tilespmem:$0x11340]  }
0x33: {  	v10 =	vld [tilespmem:$0x50]  }
0x34: {  	v11 =	vld [tilespmem:$0x11350]  }
0x35: {  	v12 =	vld [tilespmem:$0x60]  }
0x36: {  	v13 =	vld [tilespmem:$0x11360]  }
0x37: {  	v14 =	vld [tilespmem:$0x70]  }
0x38: {  	v15 =	vld [tilespmem:$0x11370]  }
0x39: {  	v16 =	vld [tilespmem:$0x80]  }
0x3a: {  	v17 =	vld [tilespmem:$0x11380]  }
0x3b: {  	v18 =	vld [tilespmem:$0x90]  }
0x3c: {  	v19 =	vld [tilespmem:$0x11390]  }
0x3d: {  	v20 =	vld [tilespmem:$0xA0]  }
0x3e: {  	v21 =	vld [tilespmem:$0x113A0]  }
0x3f: {  	v22 =	vld [tilespmem:$0xB0]  }
0x40: {  	v23 =	vld [tilespmem:$0x113B0]  }
0x41: {  	v24 =	vld [tilespmem:$0xC0]  }
0x42: {  	v25 =	vld [tilespmem:$0x113C0]  }
0x43: {  	v26 =	vld [tilespmem:$0xD0]  }
0x44: {  	v27 =	vld [tilespmem:$0x11300]  }
0x45: {  	v28 =	vld [tilespmem:$0xE0]  }
0x46: {  	v29 =	vld [tilespmem:$0x11310]  }
0x47: {  	v30 =	vld [tilespmem:$0xF0]  }
0x48: {  	v51 =	vld [tilespmem:$0x11320];
	v0 =	vadd.s32 v0, v1  }
0x49: {  	v53 =	vld [tilespmem:$0x100];
	v52 =	vadd.s32 v2, v3;
	[tilespmem:$0x340] =	vst v0  }
0x4a: {  	v55 =	vld [tilespmem:$0x11330];
	v54 =	vadd.s32 v4, v5;
	[tilespmem:$0x350] =	vst v52  }
0x4b: {  	v57 =	vld [tilespmem:$0x110];
	v56 =	vadd.s32 v6, v7;
	[tilespmem:$0x360] =	vst v54  }
0x4c: {  	v59 =	vld [tilespmem:$0x11340];
	v58 =	vadd.s32 v8, v9;
	[tilespmem:$0x370] =	vst v56  }
0x4d: {  	v61 =	vld [tilespmem:$0x120];
	v60 =	vadd.s32 v10, v11;
	[tilespmem:$0x380] =	vst v58  }
0x4e: {  	v63 =	vld [tilespmem:$0x11350];
	v62 =	vadd.s32 v12, v13;
	[tilespmem:$0x390] =	vst v60  }
0x4f: {  	v32 =	vld [tilespmem:$0x130];
	v31 =	vadd.s32 v14, v15;
	[tilespmem:$0x3A0] =	vst v62  }
0x50: {  	v34 =	vld [tilespmem:$0x11360];
	v33 =	vadd.s32 v16, v17;
	[tilespmem:$0x3B0] =	vst v31  }
0x51: {  	v36 =	vld [tilespmem:$0x140];
	v35 =	vadd.s32 v18, v19;
	[tilespmem:$0x3C0] =	vst v33  }
0x52: {  	v38 =	vld [tilespmem:$0x11370];
	v37 =	vadd.s32 v20, v21;
	[tilespmem:$0x3D0] =	vst v35  }
0x53: {  	v40 =	vld [tilespmem:$0x150];
	v39 =	vadd.s32 v22, v23;
	[tilespmem:$0x3E0] =	vst v37  }
0x54: {  	v42 =	vld [tilespmem:$0x11380];
	v41 =	vadd.s32 v24, v25;
	[tilespmem:$0x3F0] =	vst v39  }
0x55: {  	v44 =	vld [tilespmem:$0x160];
	v43 =	vadd.s32 v26, v27;
	[tilespmem:$0x400] =	vst v41  }
0x56: {  	v46 =	vld [tilespmem:$0x11390];
	v45 =	vadd.s32 v28, v29;
	[tilespmem:$0x410] =	vst v43  }
0x57: {  	v48 =	vld [tilespmem:$0x170];
	v47 =	vadd.s32 v30, v51;
	[tilespmem:$0x420] =	vst v45  }
0x58: {  	v50 =	vld [tilespmem:$0x113A0];
	v49 =	vadd.s32 v53, v55;
	[tilespmem:$0x430] =	vst v47  }
0x59: {  	v51 =	vadd.s32 v57, v59;
	[tilespmem:$0x440] =	vst v49;
	v52 =	vld [tilespmem:$0x180]  }
0x5a: {  	v53 =	vadd.s32 v61, v63;
	[tilespmem:$0x450] =	vst v51;
	v54 =	vld [tilespmem:$0x113B0]  }
0x5b: {  	v55 =	vadd.s32 v32, v34;
	[tilespmem:$0x460] =	vst v53;
	v56 =	vld [tilespmem:$0x190]  }
0x5c: {  	v57 =	vadd.s32 v36, v38;
	[tilespmem:$0x470] =	vst v55;
	v58 =	vld [tilespmem:$0x113C0]  }
0x5d: {  	v59 =	vadd.s32 v40, v42;
	[tilespmem:$0x480] =	vst v57  }
0x5e: {  	v61 =	vadd.s32 v48, v50;
	[tilespmem:$0x490] =	vst v59  }
0x5f: {  	v60 =	vadd.s32 v44, v46;
	[tilespmem:$0x4B0] =	vst v61  }
0x60: {  	[tilespmem:$0x4A0] =	vst v60;
	v62 =	vadd.s32 v52, v54  }
0x61: {  	v63 =	vadd.s32 v56, v58;
	[tilespmem:$0x4C0] =	vst v62  }
0x62: {  	s16 =	simm.s32 $0x0;
	[tilespmem:$0x4D0] =	vst v63  }
0x63: {  	[tilespmem:s23], [sflag:$0x1] =	stream.indirect.gather [hbm4b:s8+s21], $0x20, s22, s21, $0xb8;
	[tilespmem:$0x113D0] =	vst v63  }
.LBB2_2:
0x64: {  	s19 =	sshll.u32 s16, $0x5  }
0x65: {  	s18 =	sor.u32 s15, s19  }
0x66: {  	s9 =	smul.u32 $0x1A, s18;
	_ =	sdelay $0x1  }
0x67: {  	s9 =	sshrl.u32 s9, $0x3  }
0x68: {  	s9 =	sadd.s32 s1, s9  }
0x69: {  	[tilespmem:s21], [sflag:$0x5] =	stream.linear.gather [hbm4b:s9+s6], $0x1A0, $0x38;
	[tilespmem:$0x113D0] =	vst v63  }
0x6a: {  	_ =	swait.ge [sflag:s17], $0x1A0  }
0x6b: {  	s14 =	sshll.u32 s18, $0x1;
	[sflag:s17] =	ssyncset.done $0x0  }
0x6c: {  	s9 =	sadd.s32 s2, s14;
	[sflag:s17] =	ssyncadd.s32 $0xFFFFFE60  }
0x6d: {  	[tilespmem:s24], [sflag:$0x5] =	stream.linear.gather [hbm4b:s9+s6], $0x100, $0x38;
	[tilespmem:$0x113D0] =	vst v63  }
0x6e: {  	_ =	swait.ge [sflag:s17], $0x100  }
0x6f: {  	[sflag:s17] =	ssyncset.done $0x0  }
0x70: {  	[sflag:s17] =	ssyncadd.s32 $0xFFFFFF00  }
0x71: {  	v0 =	vld [tilespmem:$0x1A0]  }
0x72: {  	v1 =	vld [tilespmem:$0x11300]  }
0x73: {  	v2 =	vld [tilespmem:$0x1B0]  }
0x74: {  	v3 =	vld [tilespmem:$0x11310]  }
0x75: {  	v4 =	vld [tilespmem:$0x1C0]  }
0x76: {  	v5 =	vld [tilespmem:$0x11320]  }
0x77: {  	v6 =	vld [tilespmem:$0x1D0]  }
0x78: {  	v7 =	vld [tilespmem:$0x11330]  }
0x79: {  	v8 =	vld [tilespmem:$0x1E0]  }
0x7a: {  	v9 =	vld [tilespmem:$0x11340]  }
0x7b: {  	v10 =	vld [tilespmem:$0x1F0]  }
0x7c: {  	v11 =	vld [tilespmem:$0x11350]  }
0x7d: {  	v12 =	vld [tilespmem:$0x200]  }
0x7e: {  	v13 =	vld [tilespmem:$0x11360]  }
0x7f: {  	v14 =	vld [tilespmem:$0x210]  }
0x80: {  	v15 =	vld [tilespmem:$0x11370]  }
0x81: {  	v16 =	vld [tilespmem:$0x220]  }
0x82: {  	v17 =	vld [tilespmem:$0x11380]  }
0x83: {  	v18 =	vld [tilespmem:$0x230]  }
0x84: {  	v19 =	vld [tilespmem:$0x11390]  }
0x85: {  	v20 =	vld [tilespmem:$0x240]  }
0x86: {  	v21 =	vld [tilespmem:$0x113A0]  }
0x87: {  	v22 =	vld [tilespmem:$0x250]  }
0x88: {  	v23 =	vld [tilespmem:$0x113B0]  }
0x89: {  	v24 =	vld [tilespmem:$0x260]  }
0x8a: {  	v25 =	vld [tilespmem:$0x113C0]  }
0x8b: {  	v26 =	vld [tilespmem:$0x270]  }
0x8c: {  	v27 =	vld [tilespmem:$0x11300]  }
0x8d: {  	v28 =	vld [tilespmem:$0x280]  }
0x8e: {  	v29 =	vld [tilespmem:$0x11310]  }
0x8f: {  	v30 =	vld [tilespmem:$0x290]  }
0x90: {  	v51 =	vld [tilespmem:$0x11320];
	v0 =	vadd.s32 v0, v1  }
0x91: {  	v53 =	vld [tilespmem:$0x2A0];
	v52 =	vadd.s32 v2, v3;
	[tilespmem:$0x4E0] =	vst v0  }
0x92: {  	v55 =	vld [tilespmem:$0x11330];
	v54 =	vadd.s32 v4, v5;
	[tilespmem:$0x4F0] =	vst v52  }
0x93: {  	v57 =	vld [tilespmem:$0x2B0];
	v56 =	vadd.s32 v6, v7;
	[tilespmem:$0x500] =	vst v54  }
0x94: {  	v59 =	vld [tilespmem:$0x11340];
	v58 =	vadd.s32 v8, v9;
	[tilespmem:$0x510] =	vst v56  }
0x95: {  	v61 =	vld [tilespmem:$0x2C0];
	v60 =	vadd.s32 v10, v11;
	[tilespmem:$0x520] =	vst v58  }
0x96: {  	v63 =	vld [tilespmem:$0x11350];
	v62 =	vadd.s32 v12, v13;
	[tilespmem:$0x530] =	vst v60  }
0x97: {  	v32 =	vld [tilespmem:$0x2D0];
	v31 =	vadd.s32 v14, v15;
	[tilespmem:$0x540] =	vst v62  }
0x98: {  	v34 =	vld [tilespmem:$0x11360];
	v33 =	vadd.s32 v16, v17;
	[tilespmem:$0x550] =	vst v31  }
0x99: {  	v36 =	vld [tilespmem:$0x2E0];
	v35 =	vadd.s32 v18, v19;
	[tilespmem:$0x560] =	vst v33  }
0x9a: {  	v38 =	vld [tilespmem:$0x11370];
	v37 =	vadd.s32 v20, v21;
	[tilespmem:$0x570] =	vst v35  }
0x9b: {  	v40 =	vld [tilespmem:$0x2F0];
	v39 =	vadd.s32 v22, v23;
	[tilespmem:$0x580] =	vst v37  }
0x9c: {  	v42 =	vld [tilespmem:$0x11380];
	v41 =	vadd.s32 v24, v25;
	[tilespmem:$0x590] =	vst v39  }
0x9d: {  	v44 =	vld [tilespmem:$0x300];
	v43 =	vadd.s32 v26, v27;
	[tilespmem:$0x5A0] =	vst v41  }
0x9e: {  	v46 =	vld [tilespmem:$0x11390];
	v45 =	vadd.s32 v28, v29;
	[tilespmem:$0x5B0] =	vst v43  }
0x9f: {  	v48 =	vld [tilespmem:$0x310];
	v47 =	vadd.s32 v30, v51;
	[tilespmem:$0x5C0] =	vst v45  }
0xa0: {  	v50 =	vld [tilespmem:$0x113A0];
	v49 =	vadd.s32 v53, v55;
	[tilespmem:$0x5D0] =	vst v47  }
0xa1: {  	v51 =	vadd.s32 v57, v59;
	[tilespmem:$0x5E0] =	vst v49;
	v52 =	vld [tilespmem:$0x320]  }
0xa2: {  	v53 =	vadd.s32 v61, v63;
	[tilespmem:$0x5F0] =	vst v51;
	v54 =	vld [tilespmem:$0x113B0]  }
0xa3: {  	v55 =	vadd.s32 v32, v34;
	[tilespmem:$0x600] =	vst v53;
	v56 =	vld [tilespmem:$0x330]  }
0xa4: {  	v57 =	vadd.s32 v36, v38;
	[tilespmem:$0x610] =	vst v55;
	v58 =	vld [tilespmem:$0x113C0]  }
0xa5: {  	v59 =	vadd.s32 v40, v42;
	[tilespmem:$0x620] =	vst v57  }
0xa6: {  	v61 =	vadd.s32 v48, v50;
	[tilespmem:$0x630] =	vst v59  }
0xa7: {  	v60 =	vadd.s32 v44, v46;
	[tilespmem:$0x650] =	vst v61  }
0xa8: {  	[tilespmem:$0x640] =	vst v60;
	v62 =	vadd.s32 v52, v54  }
0xa9: {  	v63 =	vadd.s32 v56, v58;
	[tilespmem:$0x660] =	vst v62  }
0xaa: {  	[tilespmem:$0x670] =	vst v63  }
0xab: {  	[tilespmem:s26], [sflag:$0x2] =	stream.indirect.gather [hbm4b:s8+s21], $0x20, s25, s21, $0xb8;
	[tilespmem:$0x113D0] =	vst v63  }
0xac: {  	_ =	swait.ge [sflag:s28], $0x3400  }
0xad: {  	p0 =	seq.s32 s16, $0x0;
	[sflag:s28] =	ssyncset.done $0x0  }
0xae: {  	s10 =	simm.s32 @!p0 $0x3;
	[sflag:s28] =	ssyncadd.s32 $0xFFFFCC00  }
0xaf: {  	_ =	swait.ge @!p0 [sflag:s10], $0x4E00  }
0xb0: {  	s11 =	simm.s32 $0x72F0;
	s12 =	simm.s32 $0x820;
	[sflag:s10] =	ssyncset.done @!p0 $0x0  }
0xb1: {  	s9 =	sadd.s32 s7, s19;
	[sflag:s10] =	ssyncadd.s32 @!p0 $0xFFFFB200;
	s10 =	simm.s32 $0x0  }
.LBB2_3:
0xb2: {  	v0 =	vld [tilespmem:s12+$0xFFFFFE60]  }
0xb3: {  	v1 =	vld [tilespmem:$0x10FC0];
	_ =	sdelay $0x4  }
0xb4: {  	v0 =	vadd.f32 v1, v0;
	_ =	sdelay $0x1  }
0xb5: {  	[tilespmem:s11+$0xFFFFFF30] =	vst v0  }
0xb6: {  	v0 =	vld [tilespmem:s12+$0xFFFFFE70]  }
0xb7: {  	v36 =	vld [tilespmem:$0x10FD0];
	_ =	sdelay $0x4  }
0xb8: {  	v0 =	vadd.f32 v36, v0;
	_ =	sdelay $0x1  }
0xb9: {  	[tilespmem:s11+$0xFFFFFF40] =	vst v0  }
0xba: {  	v0 =	vld [tilespmem:s12+$0xFFFFFE80]  }
0xbb: {  	v37 =	vld [tilespmem:$0x10FE0];
	_ =	sdelay $0x4  }
0xbc: {  	v0 =	vadd.f32 v37, v0;
	_ =	sdelay $0x1  }
0xbd: {  	[tilespmem:s11+$0xFFFFFF50] =	vst v0  }
0xbe: {  	v0 =	vld [tilespmem:s12+$0xFFFFFE90]  }
0xbf: {  	v38 =	vld [tilespmem:$0x10FF0];
	_ =	sdelay $0x4  }
0xc0: {  	v0 =	vadd.f32 v38, v0;
	_ =	sdelay $0x1  }
0xc1: {  	[tilespmem:s11+$0xFFFFFF60] =	vst v0  }
0xc2: {  	v0 =	vld [tilespmem:s12+$0xFFFFFEA0]  }
0xc3: {  	v39 =	vld [tilespmem:$0x11000];
	_ =	sdelay $0x4  }
0xc4: {  	v0 =	vadd.f32 v39, v0;
	_ =	sdelay $0x1  }
0xc5: {  	[tilespmem:s11+$0xFFFFFF70] =	vst v0  }
0xc6: {  	v0 =	vld [tilespmem:s12+$0xFFFFFEB0]  }
0xc7: {  	v40 =	vld [tilespmem:$0x11010];
	_ =	sdelay $0x4  }
0xc8: {  	v0 =	vadd.f32 v40, v0;
	_ =	sdelay $0x1  }
0xc9: {  	[tilespmem:s11+$0xFFFFFF80] =	vst v0  }
0xca: {  	v0 =	vld [tilespmem:s12+$0xFFFFFEC0]  }
0xcb: {  	v41 =	vld [tilespmem:$0x11020];
	_ =	sdelay $0x4  }
0xcc: {  	v0 =	vadd.f32 v41, v0;
	_ =	sdelay $0x1  }
0xcd: {  	[tilespmem:s11+$0xFFFFFF90] =	vst v0  }
0xce: {  	v0 =	vld [tilespmem:s12+$0xFFFFFED0]  }
0xcf: {  	v42 =	vld [tilespmem:$0x11030];
	_ =	sdelay $0x4  }
0xd0: {  	v0 =	vadd.f32 v42, v0;
	_ =	sdelay $0x1  }
0xd1: {  	[tilespmem:s11+$0xFFFFFFA0] =	vst v0  }
0xd2: {  	v0 =	vld [tilespmem:s12+$0xFFFFFEE0]  }
0xd3: {  	v43 =	vld [tilespmem:$0x11040];
	_ =	sdelay $0x4  }
0xd4: {  	v0 =	vadd.f32 v43, v0;
	_ =	sdelay $0x1  }
0xd5: {  	[tilespmem:s11+$0xFFFFFFB0] =	vst v0  }
0xd6: {  	v0 =	vld [tilespmem:s12+$0xFFFFFEF0]  }
0xd7: {  	v44 =	vld [tilespmem:$0x11050];
	_ =	sdelay $0x4  }
0xd8: {  	v0 =	vadd.f32 v44, v0;
	_ =	sdelay $0x1  }
0xd9: {  	[tilespmem:s11+$0xFFFFFFC0] =	vst v0  }
0xda: {  	v0 =	vld [tilespmem:s12+$0xFFFFFF00]  }
0xdb: {  	v45 =	vld [tilespmem:$0x11060];
	_ =	sdelay $0x4  }
0xdc: {  	v0 =	vadd.f32 v45, v0;
	_ =	sdelay $0x1  }
0xdd: {  	[tilespmem:s11+$0xFFFFFFD0] =	vst v0  }
0xde: {  	v0 =	vld [tilespmem:s12+$0xFFFFFF10]  }
0xdf: {  	v46 =	vld [tilespmem:$0x11070];
	_ =	sdelay $0x4  }
0xe0: {  	v0 =	vadd.f32 v46, v0;
	_ =	sdelay $0x1  }
0xe1: {  	[tilespmem:s11+$0xFFFFFFE0] =	vst v0  }
0xe2: {  	v0 =	vld [tilespmem:s12+$0xFFFFFF20]  }
0xe3: {  	v47 =	vld [tilespmem:$0x11080];
	_ =	sdelay $0x4  }
0xe4: {  	v0 =	vadd.f32 v47, v0;
	_ =	sdelay $0x1  }
0xe5: {  	[tilespmem:s11+$0xFFFFFFF0] =	vst v0  }
0xe6: {  	v0 =	vld [tilespmem:s12+$0xFFFFFF30]  }
0xe7: {  	v48 =	vld [tilespmem:$0x11090];
	_ =	sdelay $0x4  }
0xe8: {  	v0 =	vadd.f32 v48, v0;
	_ =	sdelay $0x1  }
0xe9: {  	[tilespmem:s11+$0x0] =	vst v0  }
0xea: {  	v0 =	vld [tilespmem:s12+$0xFFFFFF40]  }
0xeb: {  	v49 =	vld [tilespmem:$0x110A0];
	_ =	sdelay $0x4  }
0xec: {  	v0 =	vadd.f32 v49, v0;
	_ =	sdelay $0x1  }
0xed: {  	[tilespmem:s11+$0x10] =	vst v0  }
0xee: {  	v0 =	vld [tilespmem:s12+$0xFFFFFF50]  }
0xef: {  	v50 =	vld [tilespmem:$0x110B0];
	_ =	sdelay $0x4  }
0xf0: {  	v0 =	vadd.f32 v50, v0;
	_ =	sdelay $0x1  }
0xf1: {  	[tilespmem:s11+$0x20] =	vst v0  }
0xf2: {  	v0 =	vld [tilespmem:s12+$0xFFFFFF60]  }
0xf3: {  	v51 =	vld [tilespmem:$0x110C0];
	_ =	sdelay $0x4  }
0xf4: {  	v0 =	vadd.f32 v51, v0;
	_ =	sdelay $0x1  }
0xf5: {  	[tilespmem:s11+$0x30] =	vst v0  }
0xf6: {  	v0 =	vld [tilespmem:s12+$0xFFFFFF70]  }
0xf7: {  	v52 =	vld [tilespmem:$0x110D0];
	_ =	sdelay $0x4  }
0xf8: {  	v0 =	vadd.f32 v52, v0;
	_ =	sdelay $0x1  }
0xf9: {  	[tilespmem:s11+$0x40] =	vst v0  }
0xfa: {  	v0 =	vld [tilespmem:s12+$0xFFFFFF80]  }
0xfb: {  	v53 =	vld [tilespmem:$0x110E0];
	_ =	sdelay $0x4  }
0xfc: {  	v0 =	vadd.f32 v53, v0;
	_ =	sdelay $0x1  }
0xfd: {  	[tilespmem:s11+$0x50] =	vst v0  }
0xfe: {  	v0 =	vld [tilespmem:s12+$0xFFFFFF90]  }
0xff: {  	v54 =	vld [tilespmem:$0x110F0];
	_ =	sdelay $0x4  }
0x100: {  	v0 =	vadd.f32 v54, v0;
	_ =	sdelay $0x1  }
0x101: {  	[tilespmem:s11+$0x60] =	vst v0  }
0x102: {  	v0 =	vld [tilespmem:s12+$0xFFFFFFA0]  }
0x103: {  	v55 =	vld [tilespmem:$0x11100];
	_ =	sdelay $0x4  }
0x104: {  	v0 =	vadd.f32 v55, v0;
	_ =	sdelay $0x1  }
0x105: {  	[tilespmem:s11+$0x70] =	vst v0  }
0x106: {  	v0 =	vld [tilespmem:s12+$0xFFFFFFB0]  }
0x107: {  	v56 =	vld [tilespmem:$0x11110];
	_ =	sdelay $0x4  }
0x108: {  	v0 =	vadd.f32 v56, v0;
	_ =	sdelay $0x1  }
0x109: {  	[tilespmem:s11+$0x80] =	vst v0  }
0x10a: {  	v0 =	vld [tilespmem:s12+$0xFFFFFFC0]  }
0x10b: {  	v57 =	vld [tilespmem:$0x11120];
	_ =	sdelay $0x4  }
0x10c: {  	v0 =	vadd.f32 v57, v0;
	_ =	sdelay $0x1  }
0x10d: {  	[tilespmem:s11+$0x90] =	vst v0  }
0x10e: {  	v0 =	vld [tilespmem:s12+$0xFFFFFFD0]  }
0x10f: {  	v58 =	vld [tilespmem:$0x11130];
	_ =	sdelay $0x4  }
0x110: {  	v0 =	vadd.f32 v58, v0;
	_ =	sdelay $0x1  }
0x111: {  	[tilespmem:s11+$0xA0] =	vst v0  }
0x112: {  	v0 =	vld [tilespmem:s12+$0xFFFFFFE0]  }
0x113: {  	v59 =	vld [tilespmem:$0x11140];
	_ =	sdelay $0x4  }
0x114: {  	v0 =	vadd.f32 v59, v0;
	_ =	sdelay $0x1  }
0x115: {  	[tilespmem:s11+$0xB0] =	vst v0  }
0x116: {  	v0 =	vld [tilespmem:s12+$0xFFFFFFF0]  }
0x117: {  	v60 =	vld [tilespmem:$0x11150];
	_ =	sdelay $0x4  }
0x118: {  	v0 =	vadd.f32 v60, v0;
	_ =	sdelay $0x1  }
0x119: {  	[tilespmem:s11+$0xC0] =	vst v0  }
0x11a: {  	v0 =	vld [tilespmem:s12+$0x0]  }
0x11b: {  	v61 =	vld [tilespmem:$0x11160];
	_ =	sdelay $0x4  }
0x11c: {  	v0 =	vadd.f32 v61, v0;
	_ =	sdelay $0x1  }
0x11d: {  	[tilespmem:s11+$0xD0] =	vst v0  }
0x11e: {  	v0 =	vld [tilespmem:s12+$0x10]  }
0x11f: {  	v62 =	vld [tilespmem:$0x11170];
	_ =	sdelay $0x4  }
0x120: {  	v0 =	vadd.f32 v62, v0;
	_ =	sdelay $0x1  }
0x121: {  	[tilespmem:s11+$0xE0] =	vst v0  }
0x122: {  	v0 =	vld [tilespmem:s12+$0x20]  }
0x123: {  	v63 =	vld [tilespmem:$0x11180];
	_ =	sdelay $0x4  }
0x124: {  	v0 =	vadd.f32 v63, v0;
	_ =	sdelay $0x1  }
0x125: {  	[tilespmem:s11+$0xF0] =	vst v0  }
0x126: {  	v0 =	vld [tilespmem:s12+$0x30]  }
0x127: {  	v4 =	vld [tilespmem:$0x11190];
	_ =	sdelay $0x4  }
0x128: {  	v0 =	vadd.f32 v4, v0;
	_ =	sdelay $0x1  }
0x129: {  	[tilespmem:s11+$0x100] =	vst v0  }
0x12a: {  	v0 =	vld [tilespmem:s12+$0x40]  }
0x12b: {  	v5 =	vld [tilespmem:$0x111A0];
	_ =	sdelay $0x4  }
0x12c: {  	v0 =	vadd.f32 v5, v0;
	_ =	sdelay $0x1  }
0x12d: {  	[tilespmem:s11+$0x110] =	vst v0  }
0x12e: {  	v0 =	vld [tilespmem:s12+$0x50]  }
0x12f: {  	v6 =	vld [tilespmem:$0x111B0];
	_ =	sdelay $0x4  }
0x130: {  	v0 =	vadd.f32 v6, v0;
	_ =	sdelay $0x1  }
0x131: {  	[tilespmem:s11+$0x120] =	vst v0  }
0x132: {  	v0 =	vld [tilespmem:s12+$0x60]  }
0x133: {  	v7 =	vld [tilespmem:$0x111C0];
	_ =	sdelay $0x4  }
0x134: {  	v0 =	vadd.f32 v7, v0;
	_ =	sdelay $0x1  }
0x135: {  	[tilespmem:s11+$0x130] =	vst v0  }
0x136: {  	v0 =	vld [tilespmem:s12+$0x70]  }
0x137: {  	v8 =	vld [tilespmem:$0x111D0];
	_ =	sdelay $0x4  }
0x138: {  	v0 =	vadd.f32 v8, v0;
	_ =	sdelay $0x1  }
0x139: {  	[tilespmem:s11+$0x140] =	vst v0  }
0x13a: {  	v0 =	vld [tilespmem:s12+$0x80]  }
0x13b: {  	v9 =	vld [tilespmem:$0x111E0];
	_ =	sdelay $0x4  }
0x13c: {  	v0 =	vadd.f32 v9, v0;
	_ =	sdelay $0x1  }
0x13d: {  	[tilespmem:s11+$0x150] =	vst v0  }
0x13e: {  	v0 =	vld [tilespmem:s12+$0x90]  }
0x13f: {  	v10 =	vld [tilespmem:$0x111F0];
	_ =	sdelay $0x4  }
0x140: {  	v0 =	vadd.f32 v10, v0;
	_ =	sdelay $0x1  }
0x141: {  	[tilespmem:s11+$0x160] =	vst v0  }
0x142: {  	v0 =	vld [tilespmem:s12+$0xA0]  }
0x143: {  	v11 =	vld [tilespmem:$0x11200];
	_ =	sdelay $0x4  }
0x144: {  	v0 =	vadd.f32 v11, v0;
	_ =	sdelay $0x1  }
0x145: {  	[tilespmem:s11+$0x170] =	vst v0  }
0x146: {  	v0 =	vld [tilespmem:s12+$0xB0]  }
0x147: {  	v12 =	vld [tilespmem:$0x11210];
	_ =	sdelay $0x4  }
0x148: {  	v0 =	vadd.f32 v12, v0;
	_ =	sdelay $0x1  }
0x149: {  	[tilespmem:s11+$0x180] =	vst v0  }
0x14a: {  	v0 =	vld [tilespmem:s12+$0xC0]  }
0x14b: {  	v13 =	vld [tilespmem:$0x11220];
	_ =	sdelay $0x4  }
0x14c: {  	v0 =	vadd.f32 v13, v0;
	_ =	sdelay $0x1  }
0x14d: {  	[tilespmem:s11+$0x190] =	vst v0  }
0x14e: {  	v0 =	vld [tilespmem:s12+$0xD0]  }
0x14f: {  	v14 =	vld [tilespmem:$0x11230];
	_ =	sdelay $0x4  }
0x150: {  	v0 =	vadd.f32 v14, v0;
	_ =	sdelay $0x1  }
0x151: {  	[tilespmem:s11+$0x1A0] =	vst v0  }
0x152: {  	v0 =	vld [tilespmem:s12+$0xE0]  }
0x153: {  	v15 =	vld [tilespmem:$0x11240];
	_ =	sdelay $0x4  }
0x154: {  	v0 =	vadd.f32 v15, v0;
	_ =	sdelay $0x1  }
0x155: {  	[tilespmem:s11+$0x1B0] =	vst v0  }
0x156: {  	v0 =	vld [tilespmem:s12+$0xF0]  }
0x157: {  	v16 =	vld [tilespmem:$0x11250];
	_ =	sdelay $0x4  }
0x158: {  	v0 =	vadd.f32 v16, v0;
	_ =	sdelay $0x1  }
0x159: {  	[tilespmem:s11+$0x1C0] =	vst v0  }
0x15a: {  	v0 =	vld [tilespmem:s12+$0x100]  }
0x15b: {  	v17 =	vld [tilespmem:$0x11260];
	_ =	sdelay $0x4  }
0x15c: {  	v0 =	vadd.f32 v17, v0;
	_ =	sdelay $0x1  }
0x15d: {  	[tilespmem:s11+$0x1D0] =	vst v0  }
0x15e: {  	v0 =	vld [tilespmem:s12+$0x110]  }
0x15f: {  	v18 =	vld [tilespmem:$0x11270];
	_ =	sdelay $0x4  }
0x160: {  	v0 =	vadd.f32 v18, v0;
	_ =	sdelay $0x1  }
0x161: {  	[tilespmem:s11+$0x1E0] =	vst v0  }
0x162: {  	v0 =	vld [tilespmem:s12+$0x120]  }
0x163: {  	v19 =	vld [tilespmem:$0x11280];
	_ =	sdelay $0x4  }
0x164: {  	v0 =	vadd.f32 v19, v0;
	_ =	sdelay $0x1  }
0x165: {  	[tilespmem:s11+$0x1F0] =	vst v0  }
0x166: {  	v0 =	vld [tilespmem:s12+$0x130]  }
0x167: {  	v20 =	vld [tilespmem:$0x11290];
	_ =	sdelay $0x4  }
0x168: {  	v0 =	vadd.f32 v20, v0;
	_ =	sdelay $0x1  }
0x169: {  	[tilespmem:s11+$0x200] =	vst v0  }
0x16a: {  	v0 =	vld [tilespmem:s12+$0x140]  }
0x16b: {  	v21 =	vld [tilespmem:$0x112A0];
	_ =	sdelay $0x4  }
0x16c: {  	v0 =	vadd.f32 v21, v0;
	_ =	sdelay $0x1  }
0x16d: {  	[tilespmem:s11+$0x210] =	vst v0  }
0x16e: {  	v0 =	vld [tilespmem:s12+$0x150]  }
0x16f: {  	v22 =	vld [tilespmem:$0x112B0];
	_ =	sdelay $0x4  }
0x170: {  	v0 =	vadd.f32 v22, v0;
	_ =	sdelay $0x1  }
0x171: {  	[tilespmem:s11+$0x220] =	vst v0  }
0x172: {  	v0 =	vld [tilespmem:s12+$0x160]  }
0x173: {  	v23 =	vld [tilespmem:$0x112C0];
	_ =	sdelay $0x4  }
0x174: {  	v0 =	vadd.f32 v23, v0;
	_ =	sdelay $0x1  }
0x175: {  	[tilespmem:s11+$0x230] =	vst v0  }
0x176: {  	v0 =	vld [tilespmem:s12+$0x170]  }
0x177: {  	v24 =	vld [tilespmem:$0x112D0];
	_ =	sdelay $0x4  }
0x178: {  	v0 =	vadd.f32 v24, v0;
	_ =	sdelay $0x1  }
0x179: {  	[tilespmem:s11+$0x240] =	vst v0  }
0x17a: {  	v0 =	vld [tilespmem:s12+$0x180]  }
0x17b: {  	v25 =	vld [tilespmem:$0x112E0];
	_ =	sdelay $0x4  }
0x17c: {  	v0 =	vadd.f32 v25, v0;
	_ =	sdelay $0x1  }
0x17d: {  	[tilespmem:s11+$0x250] =	vst v0  }
0x17e: {  	v0 =	vld [tilespmem:s12+$0x190]  }
0x17f: {  	v26 =	vld [tilespmem:$0x112F0];
	_ =	sdelay $0x4  }
0x180: {  	v0 =	vadd.f32 v26, v0;
	_ =	sdelay $0x1  }
0x181: {  	s14 =	sshra.s32 s10, $0x2;
	[tilespmem:s11+$0x260] =	vst v0  }
0x182: {  	v0 =	vld [tilespmem:s14+$0x6E80];
	_ =	sdelay $0x1  }
0x183: {  	v27 =	vld [tilespmem:$0x10C80];
	_ =	sdelay $0x1  }
0x184: {  	v2 =	vld [tilespmem:$0x10E20]  }
0x185: {  	v3 =	vbroadcast v0, $0x0;
	_ =	sdelay $0x1  }
0x186: {  	v1 =	vmul.f32 v3, v27;
	_ =	sdelay $0x1  }
0x187: {  	v1 =	vadd.f32 v2, v1;
	_ =	sdelay $0x1  }
0x188: {  	[tilespmem:s11+$0xFFFFFD90] =	vst v1  }
0x189: {  	v1 =	vld [tilespmem:$0x10C90];
	_ =	sdelay $0x1  }
0x18a: {  	v28 =	vld [tilespmem:$0x10E30];
	_ =	sdelay $0x2  }
0x18b: {  	v1 =	vmul.f32 v1, v3;
	_ =	sdelay $0x1  }
0x18c: {  	v1 =	vadd.f32 v28, v1;
	_ =	sdelay $0x1  }
0x18d: {  	[tilespmem:s11+$0xFFFFFDA0] =	vst v1  }
0x18e: {  	v1 =	vld [tilespmem:$0x10CA0];
	_ =	sdelay $0x1  }
0x18f: {  	v29 =	vld [tilespmem:$0x10E40]  }
0x190: {  	v30 =	vbroadcast v0, $0x1;
	_ =	sdelay $0x1  }
0x191: {  	v1 =	vmul.f32 v1, v30;
	_ =	sdelay $0x1  }
0x192: {  	v1 =	vadd.f32 v29, v1;
	_ =	sdelay $0x1  }
0x193: {  	[tilespmem:s11+$0xFFFFFDB0] =	vst v1  }
0x194: {  	v1 =	vld [tilespmem:$0x10CB0];
	_ =	sdelay $0x1  }
0x195: {  	v31 =	vld [tilespmem:$0x10E50];
	_ =	sdelay $0x2  }
0x196: {  	v1 =	vmul.f32 v1, v30;
	_ =	sdelay $0x1  }
0x197: {  	v1 =	vadd.f32 v31, v1;
	_ =	sdelay $0x1  }
0x198: {  	[tilespmem:s11+$0xFFFFFDC0] =	vst v1  }
0x199: {  	v1 =	vld [tilespmem:$0x10CC0];
	_ =	sdelay $0x1  }
0x19a: {  	v32 =	vld [tilespmem:$0x10E60]  }
0x19b: {  	v33 =	vbroadcast v0, $0x2;
	_ =	sdelay $0x1  }
0x19c: {  	v1 =	vmul.f32 v1, v33;
	_ =	sdelay $0x1  }
0x19d: {  	v1 =	vadd.f32 v32, v1;
	_ =	sdelay $0x1  }
0x19e: {  	[tilespmem:s11+$0xFFFFFDD0] =	vst v1  }
0x19f: {  	v1 =	vld [tilespmem:$0x10CD0];
	_ =	sdelay $0x1  }
0x1a0: {  	v34 =	vld [tilespmem:$0x10E70];
	_ =	sdelay $0x2  }
0x1a1: {  	v1 =	vmul.f32 v1, v33;
	_ =	sdelay $0x1  }
0x1a2: {  	v1 =	vadd.f32 v34, v1;
	_ =	sdelay $0x1  }
0x1a3: {  	[tilespmem:s11+$0xFFFFFDE0] =	vst v1  }
0x1a4: {  	v1 =	vld [tilespmem:$0x10CE0];
	_ =	sdelay $0x1  }
0x1a5: {  	v35 =	vld [tilespmem:$0x10E80]  }
0x1a6: {  	v36 =	vbroadcast v0, $0x3;
	_ =	sdelay $0x1  }
0x1a7: {  	v1 =	vmul.f32 v1, v36;
	_ =	sdelay $0x1  }
0x1a8: {  	v1 =	vadd.f32 v35, v1;
	_ =	sdelay $0x1  }
0x1a9: {  	[tilespmem:s11+$0xFFFFFDF0] =	vst v1  }
0x1aa: {  	v1 =	vld [tilespmem:$0x10CF0];
	_ =	sdelay $0x1  }
0x1ab: {  	v37 =	vld [tilespmem:$0x10E90];
	_ =	sdelay $0x2  }
0x1ac: {  	v1 =	vmul.f32 v1, v36;
	_ =	sdelay $0x1  }
0x1ad: {  	v1 =	vadd.f32 v37, v1;
	_ =	sdelay $0x1  }
0x1ae: {  	[tilespmem:s11+$0xFFFFFE00] =	vst v1  }
0x1af: {  	v1 =	vld [tilespmem:$0x10D00];
	_ =	sdelay $0x1  }
0x1b0: {  	v38 =	vld [tilespmem:$0x10EA0]  }
0x1b1: {  	v39 =	vbroadcast v0, $0x4;
	_ =	sdelay $0x1  }
0x1b2: {  	v1 =	vmul.f32 v1, v39;
	_ =	sdelay $0x1  }
0x1b3: {  	v1 =	vadd.f32 v38, v1;
	_ =	sdelay $0x1  }
0x1b4: {  	[tilespmem:s11+$0xFFFFFE10] =	vst v1  }
0x1b5: {  	v1 =	vld [tilespmem:$0x10D10];
	_ =	sdelay $0x1  }
0x1b6: {  	v40 =	vld [tilespmem:$0x10EB0];
	_ =	sdelay $0x2  }
0x1b7: {  	v1 =	vmul.f32 v1, v39;
	_ =	sdelay $0x1  }
0x1b8: {  	v1 =	vadd.f32 v40, v1;
	_ =	sdelay $0x1  }
0x1b9: {  	[tilespmem:s11+$0xFFFFFE20] =	vst v1  }
0x1ba: {  	v1 =	vld [tilespmem:$0x10D20];
	_ =	sdelay $0x1  }
0x1bb: {  	v41 =	vld [tilespmem:$0x10EC0]  }
0x1bc: {  	v42 =	vbroadcast v0, $0x5;
	_ =	sdelay $0x1  }
0x1bd: {  	v1 =	vmul.f32 v1, v42;
	_ =	sdelay $0x1  }
0x1be: {  	v1 =	vadd.f32 v41, v1;
	_ =	sdelay $0x1  }
0x1bf: {  	[tilespmem:s11+$0xFFFFFE30] =	vst v1  }
0x1c0: {  	v1 =	vld [tilespmem:$0x10D30];
	_ =	sdelay $0x1  }
0x1c1: {  	v43 =	vld [tilespmem:$0x10ED0];
	_ =	sdelay $0x2  }
0x1c2: {  	v1 =	vmul.f32 v1, v42;
	_ =	sdelay $0x1  }
0x1c3: {  	v1 =	vadd.f32 v43, v1;
	_ =	sdelay $0x1  }
0x1c4: {  	[tilespmem:s11+$0xFFFFFE40] =	vst v1  }
0x1c5: {  	v1 =	vld [tilespmem:$0x10D40];
	_ =	sdelay $0x1  }
0x1c6: {  	v44 =	vld [tilespmem:$0x10EE0]  }
0x1c7: {  	v45 =	vbroadcast v0, $0x6;
	_ =	sdelay $0x1  }
0x1c8: {  	v1 =	vmul.f32 v1, v45;
	_ =	sdelay $0x1  }
0x1c9: {  	v1 =	vadd.f32 v44, v1;
	_ =	sdelay $0x1  }
0x1ca: {  	[tilespmem:s11+$0xFFFFFE50] =	vst v1  }
0x1cb: {  	v1 =	vld [tilespmem:$0x10D50];
	_ =	sdelay $0x1  }
0x1cc: {  	v46 =	vld [tilespmem:$0x10EF0];
	_ =	sdelay $0x2  }
0x1cd: {  	v1 =	vmul.f32 v1, v45;
	_ =	sdelay $0x1  }
0x1ce: {  	v1 =	vadd.f32 v46, v1;
	_ =	sdelay $0x1  }
0x1cf: {  	[tilespmem:s11+$0xFFFFFE60] =	vst v1  }
0x1d0: {  	v1 =	vld [tilespmem:$0x10D60];
	_ =	sdelay $0x1  }
0x1d1: {  	v47 =	vld [tilespmem:$0x10F00]  }
0x1d2: {  	v48 =	vbroadcast v0, $0x7;
	_ =	sdelay $0x1  }
0x1d3: {  	v1 =	vmul.f32 v1, v48;
	_ =	sdelay $0x1  }
0x1d4: {  	v1 =	vadd.f32 v47, v1;
	_ =	sdelay $0x1  }
0x1d5: {  	[tilespmem:s11+$0xFFFFFE70] =	vst v1  }
0x1d6: {  	v1 =	vld [tilespmem:$0x10D70];
	_ =	sdelay $0x1  }
0x1d7: {  	v49 =	vld [tilespmem:$0x10F10];
	_ =	sdelay $0x2  }
0x1d8: {  	v1 =	vmul.f32 v1, v48;
	_ =	sdelay $0x1  }
0x1d9: {  	v1 =	vadd.f32 v49, v1;
	_ =	sdelay $0x1  }
0x1da: {  	[tilespmem:s11+$0xFFFFFE80] =	vst v1  }
0x1db: {  	v1 =	vld [tilespmem:$0x10D80];
	_ =	sdelay $0x1  }
0x1dc: {  	v50 =	vld [tilespmem:$0x10F20]  }
0x1dd: {  	v51 =	vbroadcast v0, $0x8;
	_ =	sdelay $0x1  }
0x1de: {  	v1 =	vmul.f32 v1, v51;
	_ =	sdelay $0x1  }
0x1df: {  	v1 =	vadd.f32 v50, v1;
	_ =	sdelay $0x1  }
0x1e0: {  	[tilespmem:s11+$0xFFFFFE90] =	vst v1  }
0x1e1: {  	v1 =	vld [tilespmem:$0x10D90];
	_ =	sdelay $0x1  }
0x1e2: {  	v52 =	vld [tilespmem:$0x10F30];
	_ =	sdelay $0x2  }
0x1e3: {  	v1 =	vmul.f32 v1, v51;
	_ =	sdelay $0x1  }
0x1e4: {  	v1 =	vadd.f32 v52, v1;
	_ =	sdelay $0x1  }
0x1e5: {  	[tilespmem:s11+$0xFFFFFEA0] =	vst v1  }
0x1e6: {  	v1 =	vld [tilespmem:$0x10DA0];
	_ =	sdelay $0x1  }
0x1e7: {  	v53 =	vld [tilespmem:$0x10F40]  }
0x1e8: {  	v54 =	vbroadcast v0, $0x9;
	_ =	sdelay $0x1  }
0x1e9: {  	v1 =	vmul.f32 v1, v54;
	_ =	sdelay $0x1  }
0x1ea: {  	v1 =	vadd.f32 v53, v1;
	_ =	sdelay $0x1  }
0x1eb: {  	[tilespmem:s11+$0xFFFFFEB0] =	vst v1  }
0x1ec: {  	v1 =	vld [tilespmem:$0x10DB0];
	_ =	sdelay $0x1  }
0x1ed: {  	v55 =	vld [tilespmem:$0x10F50];
	_ =	sdelay $0x2  }
0x1ee: {  	v1 =	vmul.f32 v1, v54;
	_ =	sdelay $0x1  }
0x1ef: {  	v1 =	vadd.f32 v55, v1;
	_ =	sdelay $0x1  }
0x1f0: {  	[tilespmem:s11+$0xFFFFFEC0] =	vst v1  }
0x1f1: {  	v1 =	vld [tilespmem:$0x10DC0];
	_ =	sdelay $0x1  }
0x1f2: {  	v56 =	vld [tilespmem:$0x10F60]  }
0x1f3: {  	v57 =	vbroadcast v0, $0xA;
	_ =	sdelay $0x1  }
0x1f4: {  	v1 =	vmul.f32 v1, v57;
	_ =	sdelay $0x1  }
0x1f5: {  	v1 =	vadd.f32 v56, v1;
	_ =	sdelay $0x1  }
0x1f6: {  	[tilespmem:s11+$0xFFFFFED0] =	vst v1  }
0x1f7: {  	v1 =	vld [tilespmem:$0x10DD0];
	_ =	sdelay $0x1  }
0x1f8: {  	v58 =	vld [tilespmem:$0x10F70];
	_ =	sdelay $0x2  }
0x1f9: {  	v1 =	vmul.f32 v1, v57;
	_ =	sdelay $0x1  }
0x1fa: {  	v1 =	vadd.f32 v58, v1;
	_ =	sdelay $0x1  }
0x1fb: {  	[tilespmem:s11+$0xFFFFFEE0] =	vst v1  }
0x1fc: {  	v1 =	vld [tilespmem:$0x10DE0];
	_ =	sdelay $0x1  }
0x1fd: {  	v59 =	vld [tilespmem:$0x10F80]  }
0x1fe: {  	v60 =	vbroadcast v0, $0xB;
	_ =	sdelay $0x1  }
0x1ff: {  	v1 =	vmul.f32 v1, v60;
	_ =	sdelay $0x1  }
0x200: {  	v1 =	vadd.f32 v59, v1;
	_ =	sdelay $0x1  }
0x201: {  	[tilespmem:s11+$0xFFFFFEF0] =	vst v1  }
0x202: {  	v1 =	vld [tilespmem:$0x10DF0];
	_ =	sdelay $0x1  }
0x203: {  	v61 =	vld [tilespmem:$0x10F90];
	_ =	sdelay $0x2  }
0x204: {  	v1 =	vmul.f32 v1, v60;
	_ =	sdelay $0x1  }
0x205: {  	v1 =	vadd.f32 v61, v1;
	_ =	sdelay $0x1  }
0x206: {  	[tilespmem:s11+$0xFFFFFF00] =	vst v1  }
0x207: {  	v1 =	vld [tilespmem:$0x10E00];
	_ =	sdelay $0x1  }
0x208: {  	v62 =	vld [tilespmem:$0x10FA0]  }
0x209: {  	v0 =	vbroadcast v0, $0xC;
	_ =	sdelay $0x1  }
0x20a: {  	v1 =	vmul.f32 v1, v0;
	_ =	sdelay $0x1  }
0x20b: {  	v1 =	vadd.f32 v62, v1;
	_ =	sdelay $0x1  }
0x20c: {  	[tilespmem:s11+$0xFFFFFF10] =	vst v1  }
0x20d: {  	v1 =	vld [tilespmem:$0x10E10];
	_ =	sdelay $0x1  }
0x20e: {  	v63 =	vld [tilespmem:$0x10FB0];
	_ =	sdelay $0x1  }
0x20f: {  	p1 =	sne.s32 s10, $0x3C0  }
.Ltmp0:
0x210: {  	v0 =	vmul.f32 v1, v0;
	(pc) =	sbr.rel @p1 .LBB2_3-.Ltmp0, $3  }
0x211: {  	_ = 	snop  }
0x212: {  	v0 =	vadd.f32 v63, v0;
	_ =	sdelay $0x1  }
0x213: {  	s10 =	sadd.s32 $0x40, s10;
	s12 =	sadd.s32 $0x340, s12;
	[tilespmem:s11+$0xFFFFFF20] =	vst v0;
	s11 =	sadd.s32 $0x4E0, s11  }
0x214: {  	p1 =	sne.s32 s16, $0xF  }
.Ltmp1:
0x215: {  	_ = 	snop;
	(pc) =	sbr.rel @p1 .LBB2_6-.Ltmp1, $3  }
0x216: {  	s9 =	smul.u32 $0x9C, s9;
	_ =	sdelay $0x1  }
0x217: {  	s9 =	sadd.s32 s5, s9  }
0x218: {  	[hbm4b:s9+s6] =	stream.linear.scatter [tilespmem:s29], [sflag:$0x3], $0x4E00, $0x38;
	[tilespmem:$0x113D0] =	vst v63  }
.Ltmp2:
0x219: {  	(pc) =	sbr.rel .LBB2_7-.Ltmp2, $4  }
0x21a: {  	_ = 	snop  }
0x21b: {  	_ =	swait.ge [sflag:s30], $0x3400  }
0x21c: {  	[sflag:s30] =	ssyncset.done $0x0  }
0x21d: {  	[sflag:s30] =	ssyncadd.s32 $0xFFFFCC00  }
.LBB2_6:
0x21e: {  	s9 =	sadd.s32 s19, s13  }
0x21f: {  	s10 =	smul.u32 $0x1A, s9;
	_ =	sdelay $0x1  }
0x220: {  	s10 =	sshrl.u32 s10, $0x3  }
0x221: {  	s10 =	sadd.s32 s1, s10  }
0x222: {  	[tilespmem:s6], [sflag:$0x5] =	stream.linear.gather [hbm4b:s10+s6], $0x1A0, $0x38;
	[tilespmem:$0x113D0] =	vst v63  }
0x223: {  	_ =	swait.ge [sflag:s17], $0x1A0  }
0x224: {  	s9 =	sshll.u32 s9, $0x1;
	[sflag:s17] =	ssyncset.done $0x0  }
0x225: {  	s9 =	sadd.s32 s2, s9;
	[sflag:s17] =	ssyncadd.s32 $0xFFFFFE60  }
0x226: {  	[tilespmem:s20], [sflag:$0x5] =	stream.linear.gather [hbm4b:s9+s6], $0x100, $0x38;
	[tilespmem:$0x113D0] =	vst v63  }
0x227: {  	_ =	swait.ge [sflag:s17], $0x100  }
0x228: {  	[sflag:s17] =	ssyncset.done $0x0  }
0x229: {  	[sflag:s17] =	ssyncadd.s32 $0xFFFFFF00  }
0x22a: {  	v0 =	vld [tilespmem:$0x0]  }
0x22b: {  	v1 =	vld [tilespmem:$0x11300]  }
0x22c: {  	v2 =	vld [tilespmem:$0x10]  }
0x22d: {  	v3 =	vld [tilespmem:$0x11310]  }
0x22e: {  	v4 =	vld [tilespmem:$0x20]  }
0x22f: {  	v5 =	vld [tilespmem:$0x11320]  }
0x230: {  	v6 =	vld [tilespmem:$0x30]  }
0x231: {  	v7 =	vld [tilespmem:$0x11330]  }
0x232: {  	v8 =	vld [tilespmem:$0x40]  }
0x233: {  	v9 =	vld [tilespmem:$0x11340]  }
0x234: {  	v10 =	vld [tilespmem:$0x50]  }
0x235: {  	v11 =	vld [tilespmem:$0x11350]  }
0x236: {  	v12 =	vld [tilespmem:$0x60]  }
0x237: {  	v13 =	vld [tilespmem:$0x11360]  }
0x238: {  	v14 =	vld [tilespmem:$0x70]  }
0x239: {  	v15 =	vld [tilespmem:$0x11370]  }
0x23a: {  	v16 =	vld [tilespmem:$0x80]  }
0x23b: {  	v17 =	vld [tilespmem:$0x11380]  }
0x23c: {  	v18 =	vld [tilespmem:$0x90]  }
0x23d: {  	v19 =	vld [tilespmem:$0x11390]  }
0x23e: {  	v20 =	vld [tilespmem:$0xA0]  }
0x23f: {  	v21 =	vld [tilespmem:$0x113A0]  }
0x240: {  	v22 =	vld [tilespmem:$0xB0]  }
0x241: {  	v23 =	vld [tilespmem:$0x113B0]  }
0x242: {  	v24 =	vld [tilespmem:$0xC0]  }
0x243: {  	v25 =	vld [tilespmem:$0x113C0]  }
0x244: {  	v26 =	vld [tilespmem:$0xD0]  }
0x245: {  	v27 =	vld [tilespmem:$0x11300]  }
0x246: {  	v28 =	vld [tilespmem:$0xE0]  }
0x247: {  	v29 =	vld [tilespmem:$0x11310]  }
0x248: {  	v30 =	vld [tilespmem:$0xF0]  }
0x249: {  	v51 =	vld [tilespmem:$0x11320];
	v0 =	vadd.s32 v0, v1  }
0x24a: {  	v53 =	vld [tilespmem:$0x100];
	v52 =	vadd.s32 v2, v3;
	[tilespmem:$0x340] =	vst v0  }
0x24b: {  	v55 =	vld [tilespmem:$0x11330];
	v54 =	vadd.s32 v4, v5;
	[tilespmem:$0x350] =	vst v52  }
0x24c: {  	v57 =	vld [tilespmem:$0x110];
	v56 =	vadd.s32 v6, v7;
	[tilespmem:$0x360] =	vst v54  }
0x24d: {  	v59 =	vld [tilespmem:$0x11340];
	v58 =	vadd.s32 v8, v9;
	[tilespmem:$0x370] =	vst v56  }
0x24e: {  	v61 =	vld [tilespmem:$0x120];
	v60 =	vadd.s32 v10, v11;
	[tilespmem:$0x380] =	vst v58  }
0x24f: {  	v63 =	vld [tilespmem:$0x11350];
	v62 =	vadd.s32 v12, v13;
	[tilespmem:$0x390] =	vst v60  }
0x250: {  	v32 =	vld [tilespmem:$0x130];
	v31 =	vadd.s32 v14, v15;
	[tilespmem:$0x3A0] =	vst v62  }
0x251: {  	v34 =	vld [tilespmem:$0x11360];
	v33 =	vadd.s32 v16, v17;
	[tilespmem:$0x3B0] =	vst v31  }
0x252: {  	v36 =	vld [tilespmem:$0x140];
	v35 =	vadd.s32 v18, v19;
	[tilespmem:$0x3C0] =	vst v33  }
0x253: {  	v38 =	vld [tilespmem:$0x11370];
	v37 =	vadd.s32 v20, v21;
	[tilespmem:$0x3D0] =	vst v35  }
0x254: {  	v40 =	vld [tilespmem:$0x150];
	v39 =	vadd.s32 v22, v23;
	[tilespmem:$0x3E0] =	vst v37  }
0x255: {  	v42 =	vld [tilespmem:$0x11380];
	v41 =	vadd.s32 v24, v25;
	[tilespmem:$0x3F0] =	vst v39  }
0x256: {  	v44 =	vld [tilespmem:$0x160];
	v43 =	vadd.s32 v26, v27;
	[tilespmem:$0x400] =	vst v41  }
0x257: {  	v46 =	vld [tilespmem:$0x11390];
	v45 =	vadd.s32 v28, v29;
	[tilespmem:$0x410] =	vst v43  }
0x258: {  	v48 =	vld [tilespmem:$0x170];
	v47 =	vadd.s32 v30, v51;
	[tilespmem:$0x420] =	vst v45  }
0x259: {  	v50 =	vld [tilespmem:$0x113A0];
	v49 =	vadd.s32 v53, v55;
	[tilespmem:$0x430] =	vst v47  }
0x25a: {  	v51 =	vadd.s32 v57, v59;
	[tilespmem:$0x440] =	vst v49;
	v52 =	vld [tilespmem:$0x180]  }
0x25b: {  	v53 =	vadd.s32 v61, v63;
	[tilespmem:$0x450] =	vst v51;
	v54 =	vld [tilespmem:$0x113B0]  }
0x25c: {  	v55 =	vadd.s32 v32, v34;
	[tilespmem:$0x460] =	vst v53;
	v56 =	vld [tilespmem:$0x190]  }
0x25d: {  	v57 =	vadd.s32 v36, v38;
	[tilespmem:$0x470] =	vst v55;
	v58 =	vld [tilespmem:$0x113C0]  }
0x25e: {  	v59 =	vadd.s32 v40, v42;
	[tilespmem:$0x480] =	vst v57  }
0x25f: {  	v61 =	vadd.s32 v48, v50;
	[tilespmem:$0x490] =	vst v59  }
0x260: {  	v60 =	vadd.s32 v44, v46;
	[tilespmem:$0x4B0] =	vst v61  }
0x261: {  	[tilespmem:$0x4A0] =	vst v60;
	v62 =	vadd.s32 v52, v54  }
0x262: {  	v63 =	vadd.s32 v56, v58;
	[tilespmem:$0x4C0] =	vst v62  }
.Ltmp3:
0x263: {  	[tilespmem:$0x4D0] =	vst v63;
	(pc) =	sbr.rel @p0 .LBB2_8-.Ltmp3, $4  }
0x264: {  	[tilespmem:s23], [sflag:$0x1] =	stream.indirect.gather [hbm4b:s8+s21], $0x20, s22, s21, $0xb8;
	[tilespmem:$0x113D0] =	vst v63  }
0x265: {  	_ =	swait.ge [sflag:s30], $0x3400  }
0x266: {  	[sflag:s30] =	ssyncset.done $0x0  }
0x267: {  	[sflag:s30] =	ssyncadd.s32 $0xFFFFCC00  }
.LBB2_7:
0x268: {  	_ =	swait.ge [sflag:s31], $0x4E00  }
0x269: {  	[sflag:s31] =	ssyncset.done $0x0  }
0x26a: {  	[sflag:s31] =	ssyncadd.s32 $0xFFFFB200  }
.LBB2_8:
0x26b: {  	s9 =	simm.s32 $0x0;
	s10 =	simm.s32 $0xC0F0;
	s11 =	simm.s32 $0x3C20  }
.LBB2_9:
0x26c: {  	v0 =	vld [tilespmem:s11+$0xFFFFFE60]  }
0x26d: {  	v1 =	vld [tilespmem:$0x10FC0];
	_ =	sdelay $0x4  }
0x26e: {  	v0 =	vadd.f32 v1, v0;
	_ =	sdelay $0x1  }
0x26f: {  	[tilespmem:s10+$0xFFFFFF30] =	vst v0  }
0x270: {  	v0 =	vld [tilespmem:s11+$0xFFFFFE70]  }
0x271: {  	v36 =	vld [tilespmem:$0x10FD0];
	_ =	sdelay $0x4  }
0x272: {  	v0 =	vadd.f32 v36, v0;
	_ =	sdelay $0x1  }
0x273: {  	[tilespmem:s10+$0xFFFFFF40] =	vst v0  }
0x274: {  	v0 =	vld [tilespmem:s11+$0xFFFFFE80]  }
0x275: {  	v37 =	vld [tilespmem:$0x10FE0];
	_ =	sdelay $0x4  }
0x276: {  	v0 =	vadd.f32 v37, v0;
	_ =	sdelay $0x1  }
0x277: {  	[tilespmem:s10+$0xFFFFFF50] =	vst v0  }
0x278: {  	v0 =	vld [tilespmem:s11+$0xFFFFFE90]  }
0x279: {  	v38 =	vld [tilespmem:$0x10FF0];
	_ =	sdelay $0x4  }
0x27a: {  	v0 =	vadd.f32 v38, v0;
	_ =	sdelay $0x1  }
0x27b: {  	[tilespmem:s10+$0xFFFFFF60] =	vst v0  }
0x27c: {  	v0 =	vld [tilespmem:s11+$0xFFFFFEA0]  }
0x27d: {  	v39 =	vld [tilespmem:$0x11000];
	_ =	sdelay $0x4  }
0x27e: {  	v0 =	vadd.f32 v39, v0;
	_ =	sdelay $0x1  }
0x27f: {  	[tilespmem:s10+$0xFFFFFF70] =	vst v0  }
0x280: {  	v0 =	vld [tilespmem:s11+$0xFFFFFEB0]  }
0x281: {  	v40 =	vld [tilespmem:$0x11010];
	_ =	sdelay $0x4  }
0x282: {  	v0 =	vadd.f32 v40, v0;
	_ =	sdelay $0x1  }
0x283: {  	[tilespmem:s10+$0xFFFFFF80] =	vst v0  }
0x284: {  	v0 =	vld [tilespmem:s11+$0xFFFFFEC0]  }
0x285: {  	v41 =	vld [tilespmem:$0x11020];
	_ =	sdelay $0x4  }
0x286: {  	v0 =	vadd.f32 v41, v0;
	_ =	sdelay $0x1  }
0x287: {  	[tilespmem:s10+$0xFFFFFF90] =	vst v0  }
0x288: {  	v0 =	vld [tilespmem:s11+$0xFFFFFED0]  }
0x289: {  	v42 =	vld [tilespmem:$0x11030];
	_ =	sdelay $0x4  }
0x28a: {  	v0 =	vadd.f32 v42, v0;
	_ =	sdelay $0x1  }
0x28b: {  	[tilespmem:s10+$0xFFFFFFA0] =	vst v0  }
0x28c: {  	v0 =	vld [tilespmem:s11+$0xFFFFFEE0]  }
0x28d: {  	v43 =	vld [tilespmem:$0x11040];
	_ =	sdelay $0x4  }
0x28e: {  	v0 =	vadd.f32 v43, v0;
	_ =	sdelay $0x1  }
0x28f: {  	[tilespmem:s10+$0xFFFFFFB0] =	vst v0  }
0x290: {  	v0 =	vld [tilespmem:s11+$0xFFFFFEF0]  }
0x291: {  	v44 =	vld [tilespmem:$0x11050];
	_ =	sdelay $0x4  }
0x292: {  	v0 =	vadd.f32 v44, v0;
	_ =	sdelay $0x1  }
0x293: {  	[tilespmem:s10+$0xFFFFFFC0] =	vst v0  }
0x294: {  	v0 =	vld [tilespmem:s11+$0xFFFFFF00]  }
0x295: {  	v45 =	vld [tilespmem:$0x11060];
	_ =	sdelay $0x4  }
0x296: {  	v0 =	vadd.f32 v45, v0;
	_ =	sdelay $0x1  }
0x297: {  	[tilespmem:s10+$0xFFFFFFD0] =	vst v0  }
0x298: {  	v0 =	vld [tilespmem:s11+$0xFFFFFF10]  }
0x299: {  	v46 =	vld [tilespmem:$0x11070];
	_ =	sdelay $0x4  }
0x29a: {  	v0 =	vadd.f32 v46, v0;
	_ =	sdelay $0x1  }
0x29b: {  	[tilespmem:s10+$0xFFFFFFE0] =	vst v0  }
0x29c: {  	v0 =	vld [tilespmem:s11+$0xFFFFFF20]  }
0x29d: {  	v47 =	vld [tilespmem:$0x11080];
	_ =	sdelay $0x4  }
0x29e: {  	v0 =	vadd.f32 v47, v0;
	_ =	sdelay $0x1  }
0x29f: {  	[tilespmem:s10+$0xFFFFFFF0] =	vst v0  }
0x2a0: {  	v0 =	vld [tilespmem:s11+$0xFFFFFF30]  }
0x2a1: {  	v48 =	vld [tilespmem:$0x11090];
	_ =	sdelay $0x4  }
0x2a2: {  	v0 =	vadd.f32 v48, v0;
	_ =	sdelay $0x1  }
0x2a3: {  	[tilespmem:s10+$0x0] =	vst v0  }
0x2a4: {  	v0 =	vld [tilespmem:s11+$0xFFFFFF40]  }
0x2a5: {  	v49 =	vld [tilespmem:$0x110A0];
	_ =	sdelay $0x4  }
0x2a6: {  	v0 =	vadd.f32 v49, v0;
	_ =	sdelay $0x1  }
0x2a7: {  	[tilespmem:s10+$0x10] =	vst v0  }
0x2a8: {  	v0 =	vld [tilespmem:s11+$0xFFFFFF50]  }
0x2a9: {  	v50 =	vld [tilespmem:$0x110B0];
	_ =	sdelay $0x4  }
0x2aa: {  	v0 =	vadd.f32 v50, v0;
	_ =	sdelay $0x1  }
0x2ab: {  	[tilespmem:s10+$0x20] =	vst v0  }
0x2ac: {  	v0 =	vld [tilespmem:s11+$0xFFFFFF60]  }
0x2ad: {  	v51 =	vld [tilespmem:$0x110C0];
	_ =	sdelay $0x4  }
0x2ae: {  	v0 =	vadd.f32 v51, v0;
	_ =	sdelay $0x1  }
0x2af: {  	[tilespmem:s10+$0x30] =	vst v0  }
0x2b0: {  	v0 =	vld [tilespmem:s11+$0xFFFFFF70]  }
0x2b1: {  	v52 =	vld [tilespmem:$0x110D0];
	_ =	sdelay $0x4  }
0x2b2: {  	v0 =	vadd.f32 v52, v0;
	_ =	sdelay $0x1  }
0x2b3: {  	[tilespmem:s10+$0x40] =	vst v0  }
0x2b4: {  	v0 =	vld [tilespmem:s11+$0xFFFFFF80]  }
0x2b5: {  	v53 =	vld [tilespmem:$0x110E0];
	_ =	sdelay $0x4  }
0x2b6: {  	v0 =	vadd.f32 v53, v0;
	_ =	sdelay $0x1  }
0x2b7: {  	[tilespmem:s10+$0x50] =	vst v0  }
0x2b8: {  	v0 =	vld [tilespmem:s11+$0xFFFFFF90]  }
0x2b9: {  	v54 =	vld [tilespmem:$0x110F0];
	_ =	sdelay $0x4  }
0x2ba: {  	v0 =	vadd.f32 v54, v0;
	_ =	sdelay $0x1  }
0x2bb: {  	[tilespmem:s10+$0x60] =	vst v0  }
0x2bc: {  	v0 =	vld [tilespmem:s11+$0xFFFFFFA0]  }
0x2bd: {  	v55 =	vld [tilespmem:$0x11100];
	_ =	sdelay $0x4  }
0x2be: {  	v0 =	vadd.f32 v55, v0;
	_ =	sdelay $0x1  }
0x2bf: {  	[tilespmem:s10+$0x70] =	vst v0  }
0x2c0: {  	v0 =	vld [tilespmem:s11+$0xFFFFFFB0]  }
0x2c1: {  	v56 =	vld [tilespmem:$0x11110];
	_ =	sdelay $0x4  }
0x2c2: {  	v0 =	vadd.f32 v56, v0;
	_ =	sdelay $0x1  }
0x2c3: {  	[tilespmem:s10+$0x80] =	vst v0  }
0x2c4: {  	v0 =	vld [tilespmem:s11+$0xFFFFFFC0]  }
0x2c5: {  	v57 =	vld [tilespmem:$0x11120];
	_ =	sdelay $0x4  }
0x2c6: {  	v0 =	vadd.f32 v57, v0;
	_ =	sdelay $0x1  }
0x2c7: {  	[tilespmem:s10+$0x90] =	vst v0  }
0x2c8: {  	v0 =	vld [tilespmem:s11+$0xFFFFFFD0]  }
0x2c9: {  	v58 =	vld [tilespmem:$0x11130];
	_ =	sdelay $0x4  }
0x2ca: {  	v0 =	vadd.f32 v58, v0;
	_ =	sdelay $0x1  }
0x2cb: {  	[tilespmem:s10+$0xA0] =	vst v0  }
0x2cc: {  	v0 =	vld [tilespmem:s11+$0xFFFFFFE0]  }
0x2cd: {  	v59 =	vld [tilespmem:$0x11140];
	_ =	sdelay $0x4  }
0x2ce: {  	v0 =	vadd.f32 v59, v0;
	_ =	sdelay $0x1  }
0x2cf: {  	[tilespmem:s10+$0xB0] =	vst v0  }
0x2d0: {  	v0 =	vld [tilespmem:s11+$0xFFFFFFF0]  }
0x2d1: {  	v60 =	vld [tilespmem:$0x11150];
	_ =	sdelay $0x4  }
0x2d2: {  	v0 =	vadd.f32 v60, v0;
	_ =	sdelay $0x1  }
0x2d3: {  	[tilespmem:s10+$0xC0] =	vst v0  }
0x2d4: {  	v0 =	vld [tilespmem:s11+$0x0]  }
0x2d5: {  	v61 =	vld [tilespmem:$0x11160];
	_ =	sdelay $0x4  }
0x2d6: {  	v0 =	vadd.f32 v61, v0;
	_ =	sdelay $0x1  }
0x2d7: {  	[tilespmem:s10+$0xD0] =	vst v0  }
0x2d8: {  	v0 =	vld [tilespmem:s11+$0x10]  }
0x2d9: {  	v62 =	vld [tilespmem:$0x11170];
	_ =	sdelay $0x4  }
0x2da: {  	v0 =	vadd.f32 v62, v0;
	_ =	sdelay $0x1  }
0x2db: {  	[tilespmem:s10+$0xE0] =	vst v0  }
0x2dc: {  	v0 =	vld [tilespmem:s11+$0x20]  }
0x2dd: {  	v63 =	vld [tilespmem:$0x11180];
	_ =	sdelay $0x4  }
0x2de: {  	v0 =	vadd.f32 v63, v0;
	_ =	sdelay $0x1  }
0x2df: {  	[tilespmem:s10+$0xF0] =	vst v0  }
0x2e0: {  	v0 =	vld [tilespmem:s11+$0x30]  }
0x2e1: {  	v4 =	vld [tilespmem:$0x11190];
	_ =	sdelay $0x4  }
0x2e2: {  	v0 =	vadd.f32 v4, v0;
	_ =	sdelay $0x1  }
0x2e3: {  	[tilespmem:s10+$0x100] =	vst v0  }
0x2e4: {  	v0 =	vld [tilespmem:s11+$0x40]  }
0x2e5: {  	v5 =	vld [tilespmem:$0x111A0];
	_ =	sdelay $0x4  }
0x2e6: {  	v0 =	vadd.f32 v5, v0;
	_ =	sdelay $0x1  }
0x2e7: {  	[tilespmem:s10+$0x110] =	vst v0  }
0x2e8: {  	v0 =	vld [tilespmem:s11+$0x50]  }
0x2e9: {  	v6 =	vld [tilespmem:$0x111B0];
	_ =	sdelay $0x4  }
0x2ea: {  	v0 =	vadd.f32 v6, v0;
	_ =	sdelay $0x1  }
0x2eb: {  	[tilespmem:s10+$0x120] =	vst v0  }
0x2ec: {  	v0 =	vld [tilespmem:s11+$0x60]  }
0x2ed: {  	v7 =	vld [tilespmem:$0x111C0];
	_ =	sdelay $0x4  }
0x2ee: {  	v0 =	vadd.f32 v7, v0;
	_ =	sdelay $0x1  }
0x2ef: {  	[tilespmem:s10+$0x130] =	vst v0  }
0x2f0: {  	v0 =	vld [tilespmem:s11+$0x70]  }
0x2f1: {  	v8 =	vld [tilespmem:$0x111D0];
	_ =	sdelay $0x4  }
0x2f2: {  	v0 =	vadd.f32 v8, v0;
	_ =	sdelay $0x1  }
0x2f3: {  	[tilespmem:s10+$0x140] =	vst v0  }
0x2f4: {  	v0 =	vld [tilespmem:s11+$0x80]  }
0x2f5: {  	v9 =	vld [tilespmem:$0x111E0];
	_ =	sdelay $0x4  }
0x2f6: {  	v0 =	vadd.f32 v9, v0;
	_ =	sdelay $0x1  }
0x2f7: {  	[tilespmem:s10+$0x150] =	vst v0  }
0x2f8: {  	v0 =	vld [tilespmem:s11+$0x90]  }
0x2f9: {  	v10 =	vld [tilespmem:$0x111F0];
	_ =	sdelay $0x4  }
0x2fa: {  	v0 =	vadd.f32 v10, v0;
	_ =	sdelay $0x1  }
0x2fb: {  	[tilespmem:s10+$0x160] =	vst v0  }
0x2fc: {  	v0 =	vld [tilespmem:s11+$0xA0]  }
0x2fd: {  	v11 =	vld [tilespmem:$0x11200];
	_ =	sdelay $0x4  }
0x2fe: {  	v0 =	vadd.f32 v11, v0;
	_ =	sdelay $0x1  }
0x2ff: {  	[tilespmem:s10+$0x170] =	vst v0  }
0x300: {  	v0 =	vld [tilespmem:s11+$0xB0]  }
0x301: {  	v12 =	vld [tilespmem:$0x11210];
	_ =	sdelay $0x4  }
0x302: {  	v0 =	vadd.f32 v12, v0;
	_ =	sdelay $0x1  }
0x303: {  	[tilespmem:s10+$0x180] =	vst v0  }
0x304: {  	v0 =	vld [tilespmem:s11+$0xC0]  }
0x305: {  	v13 =	vld [tilespmem:$0x11220];
	_ =	sdelay $0x4  }
0x306: {  	v0 =	vadd.f32 v13, v0;
	_ =	sdelay $0x1  }
0x307: {  	[tilespmem:s10+$0x190] =	vst v0  }
0x308: {  	v0 =	vld [tilespmem:s11+$0xD0]  }
0x309: {  	v14 =	vld [tilespmem:$0x11230];
	_ =	sdelay $0x4  }
0x30a: {  	v0 =	vadd.f32 v14, v0;
	_ =	sdelay $0x1  }
0x30b: {  	[tilespmem:s10+$0x1A0] =	vst v0  }
0x30c: {  	v0 =	vld [tilespmem:s11+$0xE0]  }
0x30d: {  	v15 =	vld [tilespmem:$0x11240];
	_ =	sdelay $0x4  }
0x30e: {  	v0 =	vadd.f32 v15, v0;
	_ =	sdelay $0x1  }
0x30f: {  	[tilespmem:s10+$0x1B0] =	vst v0  }
0x310: {  	v0 =	vld [tilespmem:s11+$0xF0]  }
0x311: {  	v16 =	vld [tilespmem:$0x11250];
	_ =	sdelay $0x4  }
0x312: {  	v0 =	vadd.f32 v16, v0;
	_ =	sdelay $0x1  }
0x313: {  	[tilespmem:s10+$0x1C0] =	vst v0  }
0x314: {  	v0 =	vld [tilespmem:s11+$0x100]  }
0x315: {  	v17 =	vld [tilespmem:$0x11260];
	_ =	sdelay $0x4  }
0x316: {  	v0 =	vadd.f32 v17, v0;
	_ =	sdelay $0x1  }
0x317: {  	[tilespmem:s10+$0x1D0] =	vst v0  }
0x318: {  	v0 =	vld [tilespmem:s11+$0x110]  }
0x319: {  	v18 =	vld [tilespmem:$0x11270];
	_ =	sdelay $0x4  }
0x31a: {  	v0 =	vadd.f32 v18, v0;
	_ =	sdelay $0x1  }
0x31b: {  	[tilespmem:s10+$0x1E0] =	vst v0  }
0x31c: {  	v0 =	vld [tilespmem:s11+$0x120]  }
0x31d: {  	v19 =	vld [tilespmem:$0x11280];
	_ =	sdelay $0x4  }
0x31e: {  	v0 =	vadd.f32 v19, v0;
	_ =	sdelay $0x1  }
0x31f: {  	[tilespmem:s10+$0x1F0] =	vst v0  }
0x320: {  	v0 =	vld [tilespmem:s11+$0x130]  }
0x321: {  	v20 =	vld [tilespmem:$0x11290];
	_ =	sdelay $0x4  }
0x322: {  	v0 =	vadd.f32 v20, v0;
	_ =	sdelay $0x1  }
0x323: {  	[tilespmem:s10+$0x200] =	vst v0  }
0x324: {  	v0 =	vld [tilespmem:s11+$0x140]  }
0x325: {  	v21 =	vld [tilespmem:$0x112A0];
	_ =	sdelay $0x4  }
0x326: {  	v0 =	vadd.f32 v21, v0;
	_ =	sdelay $0x1  }
0x327: {  	[tilespmem:s10+$0x210] =	vst v0  }
0x328: {  	v0 =	vld [tilespmem:s11+$0x150]  }
0x329: {  	v22 =	vld [tilespmem:$0x112B0];
	_ =	sdelay $0x4  }
0x32a: {  	v0 =	vadd.f32 v22, v0;
	_ =	sdelay $0x1  }
0x32b: {  	[tilespmem:s10+$0x220] =	vst v0  }
0x32c: {  	v0 =	vld [tilespmem:s11+$0x160]  }
0x32d: {  	v23 =	vld [tilespmem:$0x112C0];
	_ =	sdelay $0x4  }
0x32e: {  	v0 =	vadd.f32 v23, v0;
	_ =	sdelay $0x1  }
0x32f: {  	[tilespmem:s10+$0x230] =	vst v0  }
0x330: {  	v0 =	vld [tilespmem:s11+$0x170]  }
0x331: {  	v24 =	vld [tilespmem:$0x112D0];
	_ =	sdelay $0x4  }
0x332: {  	v0 =	vadd.f32 v24, v0;
	_ =	sdelay $0x1  }
0x333: {  	[tilespmem:s10+$0x240] =	vst v0  }
0x334: {  	v0 =	vld [tilespmem:s11+$0x180]  }
0x335: {  	v25 =	vld [tilespmem:$0x112E0];
	_ =	sdelay $0x4  }
0x336: {  	v0 =	vadd.f32 v25, v0;
	_ =	sdelay $0x1  }
0x337: {  	[tilespmem:s10+$0x250] =	vst v0  }
0x338: {  	v0 =	vld [tilespmem:s11+$0x190]  }
0x339: {  	v26 =	vld [tilespmem:$0x112F0];
	_ =	sdelay $0x4  }
0x33a: {  	v0 =	vadd.f32 v26, v0;
	_ =	sdelay $0x1  }
0x33b: {  	s12 =	sshra.s32 s9, $0x2;
	[tilespmem:s10+$0x260] =	vst v0  }
0x33c: {  	v0 =	vld [tilespmem:s12+$0x6F80];
	_ =	sdelay $0x1  }
0x33d: {  	v27 =	vld [tilespmem:$0x10C80];
	_ =	sdelay $0x1  }
0x33e: {  	v2 =	vld [tilespmem:$0x10E20]  }
0x33f: {  	v3 =	vbroadcast v0, $0x0;
	_ =	sdelay $0x1  }
0x340: {  	v1 =	vmul.f32 v3, v27;
	_ =	sdelay $0x1  }
0x341: {  	v1 =	vadd.f32 v2, v1;
	_ =	sdelay $0x1  }
0x342: {  	[tilespmem:s10+$0xFFFFFD90] =	vst v1  }
0x343: {  	v1 =	vld [tilespmem:$0x10C90];
	_ =	sdelay $0x1  }
0x344: {  	v28 =	vld [tilespmem:$0x10E30];
	_ =	sdelay $0x2  }
0x345: {  	v1 =	vmul.f32 v1, v3;
	_ =	sdelay $0x1  }
0x346: {  	v1 =	vadd.f32 v28, v1;
	_ =	sdelay $0x1  }
0x347: {  	[tilespmem:s10+$0xFFFFFDA0] =	vst v1  }
0x348: {  	v1 =	vld [tilespmem:$0x10CA0];
	_ =	sdelay $0x1  }
0x349: {  	v29 =	vld [tilespmem:$0x10E40]  }
0x34a: {  	v30 =	vbroadcast v0, $0x1;
	_ =	sdelay $0x1  }
0x34b: {  	v1 =	vmul.f32 v1, v30;
	_ =	sdelay $0x1  }
0x34c: {  	v1 =	vadd.f32 v29, v1;
	_ =	sdelay $0x1  }
0x34d: {  	[tilespmem:s10+$0xFFFFFDB0] =	vst v1  }
0x34e: {  	v1 =	vld [tilespmem:$0x10CB0];
	_ =	sdelay $0x1  }
0x34f: {  	v31 =	vld [tilespmem:$0x10E50];
	_ =	sdelay $0x2  }
0x350: {  	v1 =	vmul.f32 v1, v30;
	_ =	sdelay $0x1  }
0x351: {  	v1 =	vadd.f32 v31, v1;
	_ =	sdelay $0x1  }
0x352: {  	[tilespmem:s10+$0xFFFFFDC0] =	vst v1  }
0x353: {  	v1 =	vld [tilespmem:$0x10CC0];
	_ =	sdelay $0x1  }
0x354: {  	v32 =	vld [tilespmem:$0x10E60]  }
0x355: {  	v33 =	vbroadcast v0, $0x2;
	_ =	sdelay $0x1  }
0x356: {  	v1 =	vmul.f32 v1, v33;
	_ =	sdelay $0x1  }
0x357: {  	v1 =	vadd.f32 v32, v1;
	_ =	sdelay $0x1  }
0x358: {  	[tilespmem:s10+$0xFFFFFDD0] =	vst v1  }
0x359: {  	v1 =	vld [tilespmem:$0x10CD0];
	_ =	sdelay $0x1  }
0x35a: {  	v34 =	vld [tilespmem:$0x10E70];
	_ =	sdelay $0x2  }
0x35b: {  	v1 =	vmul.f32 v1, v33;
	_ =	sdelay $0x1  }
0x35c: {  	v1 =	vadd.f32 v34, v1;
	_ =	sdelay $0x1  }
0x35d: {  	[tilespmem:s10+$0xFFFFFDE0] =	vst v1  }
0x35e: {  	v1 =	vld [tilespmem:$0x10CE0];
	_ =	sdelay $0x1  }
0x35f: {  	v35 =	vld [tilespmem:$0x10E80]  }
0x360: {  	v36 =	vbroadcast v0, $0x3;
	_ =	sdelay $0x1  }
0x361: {  	v1 =	vmul.f32 v1, v36;
	_ =	sdelay $0x1  }
0x362: {  	v1 =	vadd.f32 v35, v1;
	_ =	sdelay $0x1  }
0x363: {  	[tilespmem:s10+$0xFFFFFDF0] =	vst v1  }
0x364: {  	v1 =	vld [tilespmem:$0x10CF0];
	_ =	sdelay $0x1  }
0x365: {  	v37 =	vld [tilespmem:$0x10E90];
	_ =	sdelay $0x2  }
0x366: {  	v1 =	vmul.f32 v1, v36;
	_ =	sdelay $0x1  }
0x367: {  	v1 =	vadd.f32 v37, v1;
	_ =	sdelay $0x1  }
0x368: {  	[tilespmem:s10+$0xFFFFFE00] =	vst v1  }
0x369: {  	v1 =	vld [tilespmem:$0x10D00];
	_ =	sdelay $0x1  }
0x36a: {  	v38 =	vld [tilespmem:$0x10EA0]  }
0x36b: {  	v39 =	vbroadcast v0, $0x4;
	_ =	sdelay $0x1  }
0x36c: {  	v1 =	vmul.f32 v1, v39;
	_ =	sdelay $0x1  }
0x36d: {  	v1 =	vadd.f32 v38, v1;
	_ =	sdelay $0x1  }
0x36e: {  	[tilespmem:s10+$0xFFFFFE10] =	vst v1  }
0x36f: {  	v1 =	vld [tilespmem:$0x10D10];
	_ =	sdelay $0x1  }
0x370: {  	v40 =	vld [tilespmem:$0x10EB0];
	_ =	sdelay $0x2  }
0x371: {  	v1 =	vmul.f32 v1, v39;
	_ =	sdelay $0x1  }
0x372: {  	v1 =	vadd.f32 v40, v1;
	_ =	sdelay $0x1  }
0x373: {  	[tilespmem:s10+$0xFFFFFE20] =	vst v1  }
0x374: {  	v1 =	vld [tilespmem:$0x10D20];
	_ =	sdelay $0x1  }
0x375: {  	v41 =	vld [tilespmem:$0x10EC0]  }
0x376: {  	v42 =	vbroadcast v0, $0x5;
	_ =	sdelay $0x1  }
0x377: {  	v1 =	vmul.f32 v1, v42;
	_ =	sdelay $0x1  }
0x378: {  	v1 =	vadd.f32 v41, v1;
	_ =	sdelay $0x1  }
0x379: {  	[tilespmem:s10+$0xFFFFFE30] =	vst v1  }
0x37a: {  	v1 =	vld [tilespmem:$0x10D30];
	_ =	sdelay $0x1  }
0x37b: {  	v43 =	vld [tilespmem:$0x10ED0];
	_ =	sdelay $0x2  }
0x37c: {  	v1 =	vmul.f32 v1, v42;
	_ =	sdelay $0x1  }
0x37d: {  	v1 =	vadd.f32 v43, v1;
	_ =	sdelay $0x1  }
0x37e: {  	[tilespmem:s10+$0xFFFFFE40] =	vst v1  }
0x37f: {  	v1 =	vld [tilespmem:$0x10D40];
	_ =	sdelay $0x1  }
0x380: {  	v44 =	vld [tilespmem:$0x10EE0]  }
0x381: {  	v45 =	vbroadcast v0, $0x6;
	_ =	sdelay $0x1  }
0x382: {  	v1 =	vmul.f32 v1, v45;
	_ =	sdelay $0x1  }
0x383: {  	v1 =	vadd.f32 v44, v1;
	_ =	sdelay $0x1  }
0x384: {  	[tilespmem:s10+$0xFFFFFE50] =	vst v1  }
0x385: {  	v1 =	vld [tilespmem:$0x10D50];
	_ =	sdelay $0x1  }
0x386: {  	v46 =	vld [tilespmem:$0x10EF0];
	_ =	sdelay $0x2  }
0x387: {  	v1 =	vmul.f32 v1, v45;
	_ =	sdelay $0x1  }
0x388: {  	v1 =	vadd.f32 v46, v1;
	_ =	sdelay $0x1  }
0x389: {  	[tilespmem:s10+$0xFFFFFE60] =	vst v1  }
0x38a: {  	v1 =	vld [tilespmem:$0x10D60];
	_ =	sdelay $0x1  }
0x38b: {  	v47 =	vld [tilespmem:$0x10F00]  }
0x38c: {  	v48 =	vbroadcast v0, $0x7;
	_ =	sdelay $0x1  }
0x38d: {  	v1 =	vmul.f32 v1, v48;
	_ =	sdelay $0x1  }
0x38e: {  	v1 =	vadd.f32 v47, v1;
	_ =	sdelay $0x1  }
0x38f: {  	[tilespmem:s10+$0xFFFFFE70] =	vst v1  }
0x390: {  	v1 =	vld [tilespmem:$0x10D70];
	_ =	sdelay $0x1  }
0x391: {  	v49 =	vld [tilespmem:$0x10F10];
	_ =	sdelay $0x2  }
0x392: {  	v1 =	vmul.f32 v1, v48;
	_ =	sdelay $0x1  }
0x393: {  	v1 =	vadd.f32 v49, v1;
	_ =	sdelay $0x1  }
0x394: {  	[tilespmem:s10+$0xFFFFFE80] =	vst v1  }
0x395: {  	v1 =	vld [tilespmem:$0x10D80];
	_ =	sdelay $0x1  }
0x396: {  	v50 =	vld [tilespmem:$0x10F20]  }
0x397: {  	v51 =	vbroadcast v0, $0x8;
	_ =	sdelay $0x1  }
0x398: {  	v1 =	vmul.f32 v1, v51;
	_ =	sdelay $0x1  }
0x399: {  	v1 =	vadd.f32 v50, v1;
	_ =	sdelay $0x1  }
0x39a: {  	[tilespmem:s10+$0xFFFFFE90] =	vst v1  }
0x39b: {  	v1 =	vld [tilespmem:$0x10D90];
	_ =	sdelay $0x1  }
0x39c: {  	v52 =	vld [tilespmem:$0x10F30];
	_ =	sdelay $0x2  }
0x39d: {  	v1 =	vmul.f32 v1, v51;
	_ =	sdelay $0x1  }
0x39e: {  	v1 =	vadd.f32 v52, v1;
	_ =	sdelay $0x1  }
0x39f: {  	[tilespmem:s10+$0xFFFFFEA0] =	vst v1  }
0x3a0: {  	v1 =	vld [tilespmem:$0x10DA0];
	_ =	sdelay $0x1  }
0x3a1: {  	v53 =	vld [tilespmem:$0x10F40]  }
0x3a2: {  	v54 =	vbroadcast v0, $0x9;
	_ =	sdelay $0x1  }
0x3a3: {  	v1 =	vmul.f32 v1, v54;
	_ =	sdelay $0x1  }
0x3a4: {  	v1 =	vadd.f32 v53, v1;
	_ =	sdelay $0x1  }
0x3a5: {  	[tilespmem:s10+$0xFFFFFEB0] =	vst v1  }
0x3a6: {  	v1 =	vld [tilespmem:$0x10DB0];
	_ =	sdelay $0x1  }
0x3a7: {  	v55 =	vld [tilespmem:$0x10F50];
	_ =	sdelay $0x2  }
0x3a8: {  	v1 =	vmul.f32 v1, v54;
	_ =	sdelay $0x1  }
0x3a9: {  	v1 =	vadd.f32 v55, v1;
	_ =	sdelay $0x1  }
0x3aa: {  	[tilespmem:s10+$0xFFFFFEC0] =	vst v1  }
0x3ab: {  	v1 =	vld [tilespmem:$0x10DC0];
	_ =	sdelay $0x1  }
0x3ac: {  	v56 =	vld [tilespmem:$0x10F60]  }
0x3ad: {  	v57 =	vbroadcast v0, $0xA;
	_ =	sdelay $0x1  }
0x3ae: {  	v1 =	vmul.f32 v1, v57;
	_ =	sdelay $0x1  }
0x3af: {  	v1 =	vadd.f32 v56, v1;
	_ =	sdelay $0x1  }
0x3b0: {  	[tilespmem:s10+$0xFFFFFED0] =	vst v1  }
0x3b1: {  	v1 =	vld [tilespmem:$0x10DD0];
	_ =	sdelay $0x1  }
0x3b2: {  	v58 =	vld [tilespmem:$0x10F70];
	_ =	sdelay $0x2  }
0x3b3: {  	v1 =	vmul.f32 v1, v57;
	_ =	sdelay $0x1  }
0x3b4: {  	v1 =	vadd.f32 v58, v1;
	_ =	sdelay $0x1  }
0x3b5: {  	[tilespmem:s10+$0xFFFFFEE0] =	vst v1  }
0x3b6: {  	v1 =	vld [tilespmem:$0x10DE0];
	_ =	sdelay $0x1  }
0x3b7: {  	v59 =	vld [tilespmem:$0x10F80]  }
0x3b8: {  	v60 =	vbroadcast v0, $0xB;
	_ =	sdelay $0x1  }
0x3b9: {  	v1 =	vmul.f32 v1, v60;
	_ =	sdelay $0x1  }
0x3ba: {  	v1 =	vadd.f32 v59, v1;
	_ =	sdelay $0x1  }
0x3bb: {  	[tilespmem:s10+$0xFFFFFEF0] =	vst v1  }
0x3bc: {  	v1 =	vld [tilespmem:$0x10DF0];
	_ =	sdelay $0x1  }
0x3bd: {  	v61 =	vld [tilespmem:$0x10F90];
	_ =	sdelay $0x2  }
0x3be: {  	v1 =	vmul.f32 v1, v60;
	_ =	sdelay $0x1  }
0x3bf: {  	v1 =	vadd.f32 v61, v1;
	_ =	sdelay $0x1  }
0x3c0: {  	[tilespmem:s10+$0xFFFFFF00] =	vst v1  }
0x3c1: {  	v1 =	vld [tilespmem:$0x10E00];
	_ =	sdelay $0x1  }
0x3c2: {  	v62 =	vld [tilespmem:$0x10FA0]  }
0x3c3: {  	v0 =	vbroadcast v0, $0xC;
	_ =	sdelay $0x1  }
0x3c4: {  	v1 =	vmul.f32 v1, v0;
	_ =	sdelay $0x1  }
0x3c5: {  	v1 =	vadd.f32 v62, v1;
	_ =	sdelay $0x1  }
0x3c6: {  	[tilespmem:s10+$0xFFFFFF10] =	vst v1  }
0x3c7: {  	v1 =	vld [tilespmem:$0x10E10];
	_ =	sdelay $0x1  }
0x3c8: {  	v63 =	vld [tilespmem:$0x10FB0];
	_ =	sdelay $0x1  }
0x3c9: {  	p0 =	sne.s32 s9, $0x3C0  }
.Ltmp4:
0x3ca: {  	v0 =	vmul.f32 v1, v0;
	(pc) =	sbr.rel @p0 .LBB2_9-.Ltmp4, $3  }
0x3cb: {  	_ = 	snop  }
0x3cc: {  	v0 =	vadd.f32 v63, v0;
	_ =	sdelay $0x1  }
0x3cd: {  	s9 =	sadd.s32 $0x40, s9;
	s11 =	sadd.s32 $0x340, s11;
	[tilespmem:s10+$0xFFFFFF20] =	vst v0;
	s10 =	sadd.s32 $0x4E0, s10  }
0x3ce: {  	s16 =	sadd.s32 $0x1, s16  }
0x3cf: {  	p0 =	sne.s32 s16, $0x10  }
.Ltmp5:
0x3d0: {  	_ = 	snop;
	(pc) =	sbr.rel @p0 .LBB2_2-.Ltmp5, $3  }
0x3d1: {  	s9 =	smul.u32 $0x9C, s18;
	_ =	sdelay $0x1  }
0x3d2: {  	s9 =	sadd.s32 s5, s9  }
0x3d3: {  	[hbm4b:s9+s6] =	stream.linear.scatter [tilespmem:s0], [sflag:$0x4], $0x4E00, $0x38;
	[tilespmem:$0x113D0] =	vst v63  }
0x3d4: {  	_ =	swait.ge [sflag:s3], $0x4E00  }
0x3d5: {  	[sflag:s3] =	ssyncset.done $0x0  }
0x3d6: {  	[sflag:s3] =	ssyncadd.s32 $0xFFFFB200  }
0x3d7: {  	_ =	swait.ge [sflag:s31], $0x4E00  }
0x3d8: {  	s4 =	sadd.s32 $0x1, s4;
	s9 =	rddreg [dreg:$0xa]  }
0x3d9: {  	p0 =	sne.s32 s4, s9  }
.Ltmp6:
0x3da: {  	_ = 	snop;
	(pc) =	sbr.rel @p0 .LBB2_1-.Ltmp6, $3  }
0x3db: {  	_ =	sdelay $0x1  }
0x3dc: {  	[sflag:s31] =	ssyncset.done $0x0  }
0x3dd: {  	[sflag:s31] =	ssyncadd.s32 $0xFFFFB200  }
0x3de: {  	_ =	sfence.sel $0x180000  }
0x3df: {  	[bflag:$0x0] =	sbarrier.arrive $0xFFFF  }
0x3e0: {  	_ =	strace $0x90000047  }
0x3e1: {  	s0 =	stileid.u32;
	[bflag:$0x2] =	sbarrier.arrive $0xFFFF  }
0x3e2: {  	p0 =	sne.s32 s0, $0x0;
	s0 =	rddreg [dreg:$0x5]  }
0x3e3: {  	s0 =	sadd.s32 @!p0 $0x100000, s0  }
0x3e4: {  	[sflag:s0] =	ssyncadd.tile.s32 @!p0 $0x1;
	_ =	shalt  }
.Lfunc_end2:
_tile_overlayer_lowered:
.L_overlay_start_2:
0x3e5: {  	(tag) =	ssettag $0x2  }
0x3e6: {  	s0 =	rddreg [dreg:$0x0];
	s2 =	stileid.u32  }
0x3e7: {  	s1 =	rddreg [dreg:$0x1];
	p0 =	sne.s32 s2, $0x0  }
0x3e8: {  	s3 =	rddreg [dreg:$0x2];
	[bflag:$0x3] =	sbarrier.arrive $0xFFFF;
	s2 =	simm.s32 @!p0 $0x1C05  }
0x3e9: {  	[timem:s3], [sflag:s2] =	dma.local @!p0 [hbm:s0], s1  }
0x3ea: {  	s0 =	simm.s32 @!p0 $0x5  }
0x3eb: {  	_ =	swait.ge @!p0 [sflag:s0], s1  }
0x3ec: {  	s1 =	ssub.s32 @!p0 $0x0, s1;
	[sflag:s0] =	ssyncset.done @!p0 $0x0  }
0x3ed: {  	[sflag:s0] =	ssyncadd.s32 @!p0 s1  }
0x3ee: {  	[bflag:$0x3] =	sbarrier.arrive $0xFFFF  }
0x3ef: {  	_ =	shalt  }

// kernel: sparse-core-data-format-call.cloned.1.call-start
scs
called_computation_lowered:
.L_overlay_start_0:
0x0: {  	s2 =	sld [smem:$0x3FD9]  }
0x1: {  	s3 =	sld [smem:$0x3FFE];
	_ =	sdelay $0x1  }
0x2: {  	s1 =	srdreg.scid  }
0x3: {  	s0 =	sand.u32 $0x1, s1  }
0x4: {  	s18 =	sshll.u32 s0, $0xA;
	s2 =	sadd.s32 s3, s2  }
0x5: {  	s2 =	sadd.s32 s2, s18  }
0x6: {  	[smem:$0x3FC2] =	sst s2  }
0x7: {  	_ = 	snop  }
0x8: {  	s2 =	sld [smem:$0x3FD0];
	(tm) =	ssettm $0x1  }
0x9: {  	s19 =	sld [smem:$0x3FFB];
	_ =	sdelay $0x3  }
0xa: {  	_ =	strace s19  }
0xb: {  	s3 =	sld [smem:$0x3FFC];
	_ =	sdelay $0x3  }
0xc: {  	_ =	strace s3  }
0xd: {  	s3 =	sld [smem:$0x3FFD];
	_ =	sdelay $0x3  }
0xe: {  	_ =	strace s3  }
0xf: {  	_ =	strace $0x8FFFFFFF  }
0x10: {  	s20 =	sld [smem:$0x3FDB];
	_ =	sdelay $0x1  }
0x11: {  	s4 =	simm.s32 $_scs_section_size  }
0x12: {  	s5 =	simm.s32 $_size__tile_overlayer_lowered;
	s6 =	simm.s32 $_tile_overlayer_lowered  }
0x13: {  	s23 =	simm.s32 $0x1BFF;
	s22 =	sshll.u32 s6, $0x1;
	s3 =	sadd.s32 s4, s20  }
0x14: {  	s7 =	simm.s32 $0x0;
	s21 =	sshll.u32 s5, $0x1;
	s5 =	sadd.s32 s22, s3  }
0x15: {  	[timem:s7], [sflag:s23] =	dma.local [hbm:s5], s21  }
0x16: {  	_ =	swait.ge [sflag:s23], s21  }
0x17: {  	s4 =	ssub.s32 $0x0, s21;
	[sflag:s23] =	ssyncset.done $0x0  }
0x18: {  	[sflag:s23] =	ssyncadd.s32 s4;
	_ =	sdelay $0x1  }
0x19: {  	s24 =	simm.s32 $0x1B8B  }
0x1a: {  	_ =	swait.ge [sflag:s24], $0x1  }
0x1b: {  	[sflag:s24] =	ssyncset.done $0x0  }
0x1c: {  	s26 =	simm.s32 $0x1B8E;
	s25 =	sld [smem:$0x3FFE];
	[sflag:s24] =	ssyncadd.s32 $0xFFFFFFFF  }
0x1d: {  	s27 =	simm.s32 $execute0_lowered;
	[smem:$0x3FD2] =	sst s26  }
0x1e: {  	s5 =	sshll.u32 s27, $0x1;
	_ =	strace $0x80000049;
	[dreg:$0x1] =	wrdreg $0xFFFFFFFF  }
0x1f: {  	s28 =	simm.s32 $_size_execute0_lowered;
	s3 =	sadd.s32 s3, s5;
	[dreg:$0x0] =	wrdreg $0x0  }
0x20: {  	s5 =	sshll.u32 s28, $0x1;
	[dreg:$0x2] =	wrdreg s3  }
0x21: {  	[dreg:$0x3] =	wrdreg s5  }
0x22: {  	[dreg:$0x4] =	wrdreg $0xC0  }
0x23: {  	_ =	task [dreg:s7], $0x5FFFF  }
0x24: {  	[dreg:$0x1] =	wrdreg $0xFFFFFFFF  }
0x25: {  	[dreg:$0x0] =	wrdreg $0x60  }
0x26: {  	[dreg:$0x2] =	wrdreg s25  }
0x27: {  	[dreg:$0x3] =	wrdreg s2  }
0x28: {  	[dreg:$0x4] =	wrdreg $0x9  }
0x29: {  	_ =	task.clear_ibuf [dreg:s7], $0x5FFFF;
	_ =	strace $0x90000049  }
0x2a: {  	s29 =	simm.s32 $0x9;
	_ =	strace $0x8000004B  }
0x2b: {  	_ =	swait.ge [sflag:s29], $0x1  }
0x2c: {  	[sflag:s29] =	ssyncadd.s32 $0xFFFFFFFF  }
0x2d: {  	_ =	strace $0x9000004B  }
0x2e: {  	_ =	sfence  }
0x2f: {  	s30 =	sld [smem:$0x0];
	_ =	sdelay $0x2  }
0x30: {  	s31 =	sshll.u32 s1, $0xD;
	s1 =	sshrl.u32 s1, $0x2  }
0x31: {  	s3 =	sand.u32 $0x4000, s31;
	s1 =	sadd.s32 s1, s30  }
0x32: {  	s0 =	sor.u32 s3, s0;
	s1 =	sshll.u32 s1, $0x11  }
0x33: {  	s0 =	sor.u32 s1, s0  }
0x34: {  	s0 =	sadd.s32 $0x8F2B, s0  }
0x35: {  	[sflag:s0] =	ssyncadd.remote.s32 $0x1  }
0x36: {  	_ =	sfence.sel $0xFFFF  }
0x37: {  	[dreg:$0x0] =	wrdreg $0xFFFFFFFF;
	(pc) =	sbr.abs _section_cstart, $3  }
0x38: {  	[dreg:$0x1] =	wrdreg $0xFFFFFFFF  }
0x39: {  	_ =	task.clear_ibuf [dreg:s7], $0x2FFFF;
	_ =	strace $0x9FFFFFFF  }
0x3a: {  	(tm) =	ssettm $0x7FFFFFFF  }
0x3b: {  	_ =	shalt  }
tec
execute0_lowered:
.L_overlay_start_1:
0x0: {  	(tag) =	ssettag $0x1  }
0x1: {  	s0 =	srdreg.scid  }
0x2: {  	s1 =	sshll.u32 s0, $0x4  }
0x3: {  	s0 =	stileid.u32;
	s1 =	sand.u32 $0x10, s1  }
0x4: {  	s1 =	sor.u32 s0, s1  }
0x5: {  	s6 =	rddreg [dreg:$0x0];
	s4 =	simm.s32 $0x1;
	s2 =	sshll.u32 s1, $0x7  }
0x6: {  	s7 =	simm.s32 $0x2;
	s12 =	simm.s32 $0x0;
	s1 =	ssub.s32 $0x4000, s2  }
0x7: {  	s8 =	simm.s32 $0x20000;
	s13 =	simm.s32 $0x0;
	s3 =	sand.u32 $0xF80, s1  }
0x8: {  	s9 =	simm.s32 $0x0;
	s5 =	sshrl.u32 s1, $0xC;
	p0 =	sne.s32 s3, $0x0  }
.Ltmp0:
0x9: {  	s1 =	rddreg [dreg:$0x2];
	s4 =	simm.s32 @!p0 $0x0;
	(pc) =	sbr.rel .LBB1_1-.Ltmp0, $4  }
0xa: {  	s11 =	simm.s32 $0x0;
	s3 =	rddreg [dreg:$0x1];
	s5 =	sadd.s32 s4, s5  }
0xb: {  	_ =	strace $0x8000004A;
	s4 =	simm.s32 $0x1;
	s5 =	smul.u32 $0x27, s5  }
0xc: {  	s6 =	sadd.s32 $0xC00, s6;
	s10 =	smov.u32 s2;
	[sflag:s4] =	ssyncpa.u1 $0x0  }
0xd: {  	p0 =	por $0x0, $0x0;
	[sflag:s7] =	ssyncpa.u1 $0x0;
	s7 =	sadd.s32 $0x1, s5  }
.LBB1_4:
0xe: {  	s16 =	sshll.u32 s13, $0x3;
	s17 =	sand.u32 $0x78, s13  }
0xf: {  	s30 =	sand.u32 $0xF800, s13;
	s12 =	sshll.u32 s12, $0x10;
	s16 =	sand.u32 $0x3C00, s16  }
0x10: {  	s31 =	sand.u32 $0x7, s13;
	s16 =	sor.u32 s17, s16;
	s17 =	sadd.s32 s3, s30  }
0x11: {  	s13 =	sshll.u32 s31, $0x12;
	s16 =	sshrl.u32 s16, $0x3;
	s12 =	sadd.s32 s12, s17  }
0x12: {  	[tilespmem:s15+$0x0 ss:$0x81] =	vst.msk $0xffff, v0;
	s13 =	sor.u32 $0x400, s13;
	s12 =	sadd.s32 s16, s12  }
0x13: {  	[hbm4b:s12+s13] =	stream.strided.scatter [tilespmem:s14], [sflag:$0x2], $0x1000, s8, s13, $0x20;
	[tilespmem:$0x4040] =	vst v63  }
.LBB1_5:
0x14: {  	s14 =	sadd.s32 $0x1, s9  }
0x15: {  	s12 =	sadd.s32 $0x1000, s10;
	s16 =	smov.u32 s10;
	p2 =	sgt.s32 s14, $0x26  }
0x16: {  	s16 =	smov.u32 @p2 s12  }
0x17: {  	s14 =	simm.s32 @p2 $0x0;
	p2 =	sgt.s32 s16, $0x3FFF  }
0x18: {  	s16 =	smov.u32 @p2 s2;
	p2 =	sne.s32 s11, s7  }
.Ltmp1:
0x19: {  	p1 =	slt.u32 s11, $0x2;
	(pc) =	sbr.rel @!p2 .LBB1_6-.Ltmp1, $4  }
0x1a: {  	s15 =	simm.s32 @!p1 $0x2  }
0x1b: {  	s13 =	smov.u32 s10;
	p0 =	por !p0, !p0;
	_ =	swait.ge @!p1 [sflag:s15], $0x1000  }
0x1c: {  	s12 =	smov.u32 s9;
	[sflag:s15] =	ssyncset.done @!p1 $0x0;
	s9 =	smov.u32 s14  }
0x1d: {  	s11 =	sadd.s32 $0x1, s11;
	[sflag:s15] =	ssyncadd.s32 @!p1 $0xFFFFF000;
	s10 =	smov.u32 s16  }
.LBB1_1:
0x1e: {  	p1 =	sge.u32 s11, s5  }
0x1f: {  	s14 =	sand.u32 @!p1 $0x1FFFFFF, s9  }
0x20: {  	s15 =	smulhi.u32 @!p1 $0x6666667, s14;
	_ =	sdelay $0x1  }
0x21: {  	s15 =	smul.u32 @!p1 $0x28, s15  }
0x22: {  	s16 =	sxor.u32 @!p1 $0xFFFFFFFF, s11;
	s17 =	smul.u32 @!p1 $0x280, s10  }
0x23: {  	s31 =	sadd.s32 $0xFFFFFFFF, s11;
	s16 =	sshll.u32 @!p1 s16, $0xC;
	s14 =	ssub.s32 @!p1 s14, s15  }
0x24: {  	s15 =	sand.u32 @!p1 $0x1000, s16;
	s16 =	sadd.s32 @!p1 s6, s17;
	s14 =	sshll.u32 @!p1 s14, $0x4  }
0x25: {  	s17 =	simm.s32 @!p1 $0x1400;
	s14 =	sadd.s32 @!p1 s14, s16;
	s16 =	simm.s32 @!p1 $0x20  }
0x26: {  	[tilespmem:s15], [sflag:$0x1] =	stream.strided.gather @!p1 [hbm4b:s14+s16], $0x1000, s17, s16, $0x38;
	[tilespmem:$0x4040] =	vst v63  }
0x27: {  	p1 =	sge.u32 s31, s5  }
.Ltmp2:
0x28: {  	_ = 	snop;
	(pc) =	sbr.rel @p1 .LBB1_5-.Ltmp2, $1  }
0x29: {  	_ =	sdelay $0x3  }
0x2a: {  	s14 =	simm.s32 $0x1  }
0x2b: {  	_ =	swait.ge [sflag:s4], $0x1000;
	s14 =	simm.s32 @!p0 $0x0  }
0x2c: {  	[sflag:s4] =	ssyncset.done $0x0;
	s15 =	sshll.u32 s14, $0xC  }
0x2d: {  	[sflag:s4] =	ssyncadd.s32 $0xFFFFF000;
	s18 =	sor.u32 $0x10, s15  }
0x2e: {  	s14 =	smul.u32 $0x4080, s14;
	v1 =	vld [tilespmem:s18+$0x0]  }
0x2f: {  	s30 =	sand.u32 $0x1, s11;
	v0 =	vld [tilespmem:s18+$0xFFFFFFF0]  }
0x30: {  	s15 =	smul.u32 $0x4080, s30;
	s14 =	sshrl.u32 s14, $0x2  }
0x31: {  	s16 =	sor.u32 $0x2000, s14  }
0x32: {  	s31 =	sshrl.u32 s15, $0x2;
	s15 =	sadd.s32 $0x0, s16  }
0x33: {  	s17 =	simm.s32 $0x4;
	s18 =	sadd.s32 $0x20, s18;
	s14 =	sor.u32 $0x2000, s31;
	[tilespmem:s15+$0x810 ss:$0x81] =	vst.msk $0xffff, v1  }
.LBB1_3:
0x34: {  	v1 =	vld [tilespmem:s18+$0x0];
	p1 =	sne.s32 s17, $0x1FC;
	[tilespmem:s15+$0x0 ss:$0x81] =	vst.msk $0xffff, v0;
	s15 =	smov.u32 s17;
	s17 =	sadd.s32 $0x4, s17  }
.Ltmp3:
0x35: {  	v0 =	vld [tilespmem:s18+$0xFFFFFFF0];
	(pc) =	sbr.rel @p1 .LBB1_3-.Ltmp3, $4  }
0x36: {  	_ = 	snop  }
0x37: {  	s15 =	sshra.s32 s15, $0x2  }
0x38: {  	s15 =	sadd.s32 s15, s16  }
0x39: {  	s18 =	sadd.s32 $0x20, s18;
	[tilespmem:s15+$0x810 ss:$0x81] =	vst.msk $0xffff, v1  }
.Ltmp4:
0x3a: {  	_ = 	snop;
	(pc) =	sbr.rel .LBB1_4-.Ltmp4, $1  }
0x3b: {  	_ =	sdelay $0x3  }
.LBB1_6:
0x3c: {  	_ =	sfence.sel $0x180000  }
0x3d: {  	s2 =	simm.s32 $0x1;
	[bflag:$0x0] =	sbarrier.arrive $0xFFFF  }
0x3e: {  	s31 =	simm.s32 $0x2;
	[sflag:s2] =	ssyncpa.u1 $0x1  }
0x3f: {  	[sflag:s31] =	ssyncpa.u1 $0x1  }
0x40: {  	p0 =	sne.s32 s0, $0x0;
	_ =	strace $0x9000004A  }
0x41: {  	s0 =	sadd.s32 @!p0 $0x100000, s1;
	[bflag:$0x2] =	sbarrier.arrive $0xFFFF  }
0x42: {  	[sflag:s0] =	ssyncadd.tile.s32 @!p0 $0x1;
	_ =	shalt  }
.Lfunc_end1:
_tile_overlayer_lowered:
.L_overlay_start_2:
0x43: {  	(tag) =	ssettag $0x2  }
0x44: {  	s0 =	rddreg [dreg:$0x0];
	s2 =	stileid.u32  }
0x45: {  	s1 =	rddreg [dreg:$0x1];
	p0 =	sne.s32 s2, $0x0  }
0x46: {  	s3 =	rddreg [dreg:$0x2];
	[bflag:$0x3] =	sbarrier.arrive $0xFFFF;
	s2 =	simm.s32 @!p0 $0x1C01  }
0x47: {  	[timem:s3], [sflag:s2] =	dma.local @!p0 [hbm:s0], s1  }
0x48: {  	s0 =	simm.s32 @!p0 $0x1  }
0x49: {  	_ =	swait.ge @!p0 [sflag:s0], s1  }
0x4a: {  	s1 =	ssub.s32 @!p0 $0x0, s1;
	[sflag:s0] =	ssyncset.done @!p0 $0x0  }
0x4b: {  	[sflag:s0] =	ssyncadd.s32 @!p0 s1  }
0x4c: {  	[bflag:$0x3] =	sbarrier.arrive $0xFFFF  }
0x4d: {  	_ =	shalt  }

</sc_bundles>
